<compile_context>
chip_gen: v7x
topology: tpu7x:2x2x1
jax: 0.10.2.dev20260603
libtpu: 0.0.44.dev20260713+nightly
codegen_flags: <defaults>
</compile_context>

<pallas_src>
import jax
import jax.numpy as jnp
from jax import lax
from jax.experimental import pallas as pl
from jax.experimental.pallas import tpu as pltpu
from jax.experimental.pallas import tpu_sc as plsc

_B = 16
_BSC = 1
_N = 2048
_NW = 32
_QS = _N // _NW
_NC = _N // 16



def _lane_bcast(v, u):
    idx = jnp.full((16,), u, jnp.int32)
    return v.at[idx].get(mode="promise_in_bounds")


def _hmin(v, lane):
    for sh in (8, 4, 2, 1):
        idx = jnp.bitwise_xor(lane, jnp.int32(sh))
        v = jnp.minimum(v, v.at[idx].get(mode="promise_in_bounds"))
    return v


def _round_bf16(x):
    i = lax.bitcast_convert_type(x, jnp.int32)
    lsb = jnp.bitwise_and(lax.shift_right_logical(i, 16), jnp.int32(1))
    r = i + jnp.int32(0x7FFF) + lsb
    r = jnp.bitwise_and(r, jnp.int32(-65536))
    return lax.bitcast_convert_type(r, jnp.float32)


def _vsqrt(x):
    xh = x * 0.5
    i = lax.bitcast_convert_type(x, jnp.int32)
    i = jnp.int32(0x5F3759DF) - lax.shift_right_logical(i, 1)
    y = lax.bitcast_convert_type(i, jnp.float32)
    for _ in range(3):
        y = y * (1.5 - xh * y * y)
    return x * y


def _gat(v, idx):
    return v.at[idx].get(mode="promise_in_bounds")


def _coords(raw_v, p0, lane):
    w0 = p0 * 3
    v0 = raw_v[pl.ds(w0, 16)]
    v1 = raw_v[pl.ds(w0 + 16, 16)]
    v2 = raw_v[pl.ds(w0 + 32, 16)]
    out = []
    for c in range(3):
        flat = lane * 3 + c
        lidx = jnp.bitwise_and(flat, jnp.int32(15))
        src = lax.shift_right_logical(flat, 4)
        g = jnp.where(src == 0, _gat(v0, lidx),
                      jnp.where(src == 1, _gat(v1, lidx), _gat(v2, lidx)))
        out.append(g)
    return out[0], out[1], out[2]


def _prep(raw_v, pre_v, lane):
    def body(c, _):
        sl = pl.ds(c * 16, 16)
        x, y, z = _coords(raw_v, c * 16, lane)
        pre_v[0, sl] = _round_bf16(x) * -2.0
        pre_v[1, sl] = _round_bf16(y) * -2.0
        pre_v[2, sl] = _round_bf16(z) * -2.0
        pre_v[3, sl] = (x * x + y * y) + z * z
        return 0
    lax.fori_loop(0, _NC, body, 0)


def _pass(pre_v, qry_v, base, acc):
    lane = lax.iota(jnp.int32, 16)

    def qblock(qb, acc):
        qxv, qyv, qzv = _coords(qry_v, base + qb * 16, lane)
        nqv = (qxv * qxv + qyv * qyv) + qzv * qzv
        qxb = _round_bf16(qxv)
        qyb = _round_bf16(qyv)
        qzb = _round_bf16(qzv)

        packed = jnp.zeros((16,), jnp.float32)
        for u0 in range(0, 16, 2):
            qs = []
            for u in (u0, u0 + 1):
                qs.append((_lane_bcast(qxb, u), _lane_bcast(qyb, u),
                           _lane_bcast(qzb, u), _lane_bcast(nqv, u)))

            def cbody(c, ms):
                csl = pl.ds(c * 16, 16)
                rx = pre_v[0, csl]
                ry = pre_v[1, csl]
                rz = pre_v[2, csl]
                nr = pre_v[3, csl]
                out = []
                for (qx, qy, qz, nq), m in zip(qs, ms):
                    s = (rx * qx + ry * qy) + rz * qz
                    d2 = (nq + nr) + s
                    out.append(jnp.minimum(m, d2))
                return tuple(out)

            init = (jnp.full((16,), 1e30, jnp.float32),
                    jnp.full((16,), 1e30, jnp.float32))
            ms = lax.fori_loop(0, _NC, cbody, init)
            for i, u in enumerate((u0, u0 + 1)):
                packed = jnp.where(lane == u, _hmin(ms[i], lane), packed)
        return acc + _vsqrt(jnp.maximum(packed, 1e-12))

    return lax.fori_loop(0, _QS // 16, qblock, acc)


def _sc_chamfer(ab_hbm, out_hbm, a_v, b_v, pa_v, pb_v, acc_v):
    wid = lax.axis_index("s") * 2 + lax.axis_index("c")
    base = wid * _QS
    lane = lax.iota(jnp.int32, 16)

    def batch_body(k, acc):
        pltpu.sync_copy(ab_hbm.at[k], a_v)
        pltpu.sync_copy(ab_hbm.at[_BSC + k], b_v)
        _prep(a_v, pa_v, lane)
        _prep(b_v, pb_v, lane)
        acc = _pass(pa_v, b_v, base, acc)
        acc = _pass(pb_v, a_v, base, acc)
        return acc

    acc = lax.fori_loop(0, _BSC, batch_body, jnp.zeros((16,), jnp.float32))
    acc_v[...] = acc * jnp.float32(1.0 / _N)
    pltpu.sync_copy(acc_v, out_hbm.at[wid])


def _sc_part(ab):
    mesh = plsc.VectorSubcoreMesh(core_axis_name="c", subcore_axis_name="s")
    return pl.kernel(
        _sc_chamfer,
        out_type=jax.ShapeDtypeStruct((_NW, 16), jnp.float32),
        mesh=mesh,
        scratch_types=[
            pltpu.VMEM((_N * 3,), jnp.float32),
            pltpu.VMEM((_N * 3,), jnp.float32),
            pltpu.VMEM((4, _N), jnp.float32),
            pltpu.VMEM((4, _N), jnp.float32),
            pltpu.VMEM((16,), jnp.float32),
        ],
    )(ab)



def _tc_body(ab_ref, out_ref):
    a = ab_ref[0, 0]
    b = ab_ref[1, 0]
    ab2 = lax.dot_general(a * -2.0, b, (((1,), (1,)), ((), ())),
                          preferred_element_type=jnp.float32)
    na = jnp.sum(a * a, axis=1)
    nb = jnp.sum(b * b, axis=1)
    d2 = (na[:, None] + ab2) + nb[None, :]
    m_b = jnp.min(d2, axis=0)
    m_a = jnp.min(d2, axis=1)
    loss = (jnp.mean(jnp.sqrt(jnp.maximum(m_b, 1e-12)))
            + jnp.mean(jnp.sqrt(jnp.maximum(m_a, 1e-12))))
    blk = jnp.full((1, 128), loss, jnp.float32)

    @pl.when(pl.program_id(0) == 0)
    def _():
        out_ref[...] = blk

    @pl.when(pl.program_id(0) != 0)
    def _():
        out_ref[...] = out_ref[...] + blk


def _tc_part(stacked):
    losses = pl.pallas_call(
        _tc_body,
        grid=(_B - _BSC,),
        in_specs=[
            pl.BlockSpec((2, 1, _N, 3), lambda i: (0, i + _BSC, 0, 0)),
        ],
        out_specs=pl.BlockSpec((1, 128), lambda i: (0, 0)),
        out_shape=jax.ShapeDtypeStruct((1, 128), jnp.float32),
    )(stacked)
    return losses[0, 0]



@jax.jit
def kernel(input, target):
    stacked = jnp.stack([input, target])
    sc_in = jnp.reshape(stacked[:, :_BSC], (2 * _BSC, _N * 3))
    sc_out = _sc_part(sc_in)
    tc_loss = _tc_part(stacked)
    return jnp.reshape(jnp.sum(sc_out) + tc_loss, (1,))

# --- scband reference (transcript-rebuilt; emitter-appended) ---
"""Pipeline reference for scband-my-chamfer-distance-11493332484300 (READ-ONLY COPY).

The authoritative reference and input builder live on the scoring server;
editing this copy changes nothing except your own understanding.
"""

import jax, jax.numpy as jnp
import numpy as np


def setup_inputs(seed: int = 0) -> dict:
    key = jax.random.key(seed)
    k1, k2 = jax.random.split(key)
    inp = jax.random.normal(k1, (16, 2048, 3), dtype=jnp.float32)
    tgt = jax.random.normal(k2, (16, 2048, 3), dtype=jnp.float32)
    return {"input": inp, "target": tgt}


def _pairwise_dist(a, b):
    # a: [N, D], b: [M, D] -> Euclidean distances [N, M]
    d2 = (jnp.sum(a * a, axis=1)[:, None]
          + jnp.sum(b * b, axis=1)[None, :]
          - 2.0 * (a @ b.T))
    # clamp tiny negatives from fp error; eps keeps sqrt grad finite
    return jnp.sqrt(jnp.maximum(d2, 1e-12))


def reference(input, target):
    # Faithful to my_chamfer_distance: for each batch element i,
    # KDTree(a).query(b) gives, for every point in b, the Euclidean
    # distance to its nearest neighbor in a (1-NN), and vice versa.
    # per-batch loss = mean(nn_dist b->a) + mean(nn_dist a->b);
    # total loss = sum over batch (batch_size inside the helper is 1).
    def per_batch(a, b):
        d = _pairwise_dist(a, b)          # rows index a, cols index b
        dist1 = jnp.min(d, axis=0)        # tree on a, query b
        dist2 = jnp.min(d, axis=1)        # tree on b, query a
        return jnp.mean(dist1) + jnp.mean(dist2)

    losses = jax.vmap(per_batch)(input, target)
    loss = jnp.sum(losses)
    return jnp.reshape(loss, (1,))  # original returns a shape-[1] tensor

if __name__ == "__main__":
    import jax
    _d = setup_inputs()
    print(jax.jit(kernel)(*tuple(_d.values())))

</pallas_src>

<mosaic_0001>
#map = affine_map<(d0, d1) -> (0, 0)>
module attributes {stable_mosaic.version = 14 : i64} {
  func.func @_sc_chamfer(%arg0: i32, %arg1: i32, %arg2: memref<2x6144xf32, #tpu.memory_space<hbm>>, %arg3: memref<32x16xf32, #tpu.memory_space<hbm>>, %arg4: memref<6144xf32, #tpu.memory_space<vmem>>, %arg5: memref<6144xf32, #tpu.memory_space<vmem>>, %arg6: memref<4x2048xf32, #tpu.memory_space<vmem>>, %arg7: memref<4x2048xf32, #tpu.memory_space<vmem>>, %arg8: memref<16xf32, #tpu.memory_space<vmem>>) attributes {dimension_semantics = [#tpu.dimension_semantics<core_parallel>, #tpu.dimension_semantics<subcore_parallel>], iteration_bounds = array<i64: 2, 16>, scalar_prefetch = 0 : i64, scratch_operands = 5 : i64, tpu.core_type = #tpu.core_type<sc_vector_subcore>, window_params = [{transform_indices = #map}, {transform_indices = #map}]} {
    %mul3A = arith.constant 2 : i32
    %mul3A_0 = arith.muli %arg1, %mul3A : i32
    %add3A = arith.addi %mul3A_0, %arg0 : i32
    %mul3A_1 = arith.constant 64 : i32
    %mul3A_2 = arith.muli %add3A, %mul3A_1 : i32
    %iota3A = tpu.iota {dimensions = array<i32: 0>} : vector<16xi32>
    %broadcast_in_dim3A = arith.constant 0.000000e+00 : f32
    %broadcast_in_dim3A_3 = vector.broadcast %broadcast_in_dim3A : f32 to vector<16xf32>
    %scan3A = arith.constant 0 : i32
    "tpu.region"() ({
      %run_scoped3A = tpu.sem_alloc : memref<!tpu.dma_semaphore, #tpu.memory_space<semaphore_mem>>
      %dma_start3A = arith.constant 0 : i32
      %dma_start3A_41 = tpu.memref_slice %arg2[%scan3A, %dma_start3A] : memref<2x6144xf32, #tpu.memory_space<hbm>> -> memref<1x6144xf32, #tpu.memory_space<hbm>>
      %dma_start3A_42 = tpu.memref_squeeze %dma_start3A_41 : memref<1x6144xf32, #tpu.memory_space<hbm>> -> memref<6144xf32, #tpu.memory_space<hbm>>
      %dma_start3A_43 = arith.constant 0 : i32
      %dma_start3A_44 = tpu.memref_slice %arg2[%scan3A, %dma_start3A_43] : memref<2x6144xf32, #tpu.memory_space<hbm>> -> memref<1x6144xf32, #tpu.memory_space<hbm>>
      %dma_start3A_45 = tpu.memref_squeeze %dma_start3A_44 : memref<1x6144xf32, #tpu.memory_space<hbm>> -> memref<6144xf32, #tpu.memory_space<hbm>>
      tpu.enqueue_dma source(%dma_start3A_45 : memref<6144xf32, #tpu.memory_space<hbm>>) target(%arg4 : memref<6144xf32, #tpu.memory_space<vmem>>) target_semaphore(%run_scoped3A : memref<!tpu.dma_semaphore, #tpu.memory_space<semaphore_mem>>)
      %dma_wait3A = arith.constant 0 : i32
      %dma_wait3A_46 = tpu.memref_slice %arg2[%scan3A, %dma_wait3A] : memref<2x6144xf32, #tpu.memory_space<hbm>> -> memref<1x6144xf32, #tpu.memory_space<hbm>>
      %dma_wait3A_47 = tpu.memref_squeeze %dma_wait3A_46 : memref<1x6144xf32, #tpu.memory_space<hbm>> -> memref<6144xf32, #tpu.memory_space<hbm>>
      %dma_wait3A_48 = arith.constant 0 : i32
      %dma_wait3A_49 = tpu.memref_slice %arg2[%scan3A, %dma_wait3A_48] : memref<2x6144xf32, #tpu.memory_space<hbm>> -> memref<1x6144xf32, #tpu.memory_space<hbm>>
      %dma_wait3A_50 = tpu.memref_squeeze %dma_wait3A_49 : memref<1x6144xf32, #tpu.memory_space<hbm>> -> memref<6144xf32, #tpu.memory_space<hbm>>
      tpu.wait_dma2 semaphore(%run_scoped3A : memref<!tpu.dma_semaphore, #tpu.memory_space<semaphore_mem>>) src(%dma_wait3A_50 : memref<6144xf32, #tpu.memory_space<hbm>>) dst(%arg4 : memref<6144xf32, #tpu.memory_space<vmem>>)
      tpu.yield
    }) : () -> ()
    %add3A_4 = arith.constant 1 : i32
    %add3A_5 = arith.addi %add3A_4, %scan3A : i32
    "tpu.region"() ({
      %run_scoped3A = tpu.sem_alloc : memref<!tpu.dma_semaphore, #tpu.memory_space<semaphore_mem>>
      %dma_start3A = arith.constant 0 : i32
      %dma_start3A_41 = tpu.memref_slice %arg2[%add3A_5, %dma_start3A] : memref<2x6144xf32, #tpu.memory_space<hbm>> -> memref<1x6144xf32, #tpu.memory_space<hbm>>
      %dma_start3A_42 = tpu.memref_squeeze %dma_start3A_41 : memref<1x6144xf32, #tpu.memory_space<hbm>> -> memref<6144xf32, #tpu.memory_space<hbm>>
      %dma_start3A_43 = arith.constant 0 : i32
      %dma_start3A_44 = tpu.memref_slice %arg2[%add3A_5, %dma_start3A_43] : memref<2x6144xf32, #tpu.memory_space<hbm>> -> memref<1x6144xf32, #tpu.memory_space<hbm>>
      %dma_start3A_45 = tpu.memref_squeeze %dma_start3A_44 : memref<1x6144xf32, #tpu.memory_space<hbm>> -> memref<6144xf32, #tpu.memory_space<hbm>>
      tpu.enqueue_dma source(%dma_start3A_45 : memref<6144xf32, #tpu.memory_space<hbm>>) target(%arg5 : memref<6144xf32, #tpu.memory_space<vmem>>) target_semaphore(%run_scoped3A : memref<!tpu.dma_semaphore, #tpu.memory_space<semaphore_mem>>)
      %dma_wait3A = arith.constant 0 : i32
      %dma_wait3A_46 = tpu.memref_slice %arg2[%add3A_5, %dma_wait3A] : memref<2x6144xf32, #tpu.memory_space<hbm>> -> memref<1x6144xf32, #tpu.memory_space<hbm>>
      %dma_wait3A_47 = tpu.memref_squeeze %dma_wait3A_46 : memref<1x6144xf32, #tpu.memory_space<hbm>> -> memref<6144xf32, #tpu.memory_space<hbm>>
      %dma_wait3A_48 = arith.constant 0 : i32
      %dma_wait3A_49 = tpu.memref_slice %arg2[%add3A_5, %dma_wait3A_48] : memref<2x6144xf32, #tpu.memory_space<hbm>> -> memref<1x6144xf32, #tpu.memory_space<hbm>>
      %dma_wait3A_50 = tpu.memref_squeeze %dma_wait3A_49 : memref<1x6144xf32, #tpu.memory_space<hbm>> -> memref<6144xf32, #tpu.memory_space<hbm>>
      tpu.wait_dma2 semaphore(%run_scoped3A : memref<!tpu.dma_semaphore, #tpu.memory_space<semaphore_mem>>) src(%dma_wait3A_50 : memref<6144xf32, #tpu.memory_space<hbm>>) dst(%arg5 : memref<6144xf32, #tpu.memory_space<vmem>>)
      tpu.yield
    }) : () -> ()
    %scan3A_6 = arith.constant 0 : i32
    %scan3A_7 = arith.constant 0 : i32
    %scan3A_8 = arith.constant 128 : i32
    %scan3A_9 = arith.addi %scan3A_7, %scan3A_8 : i32
    %scan3A_10 = arith.constant 1 : i32
    %scan3A_11 = scf.for %scan3A_41 = %scan3A_7 to %scan3A_9 step %scan3A_10 iter_args(%scan3A_42 = %scan3A_6) -> (i32)  : i32 {
      %mul3A_43 = arith.constant 16 : i32
      %mul3A_44 = arith.muli %scan3A_41, %mul3A_43 : i32
      %mul3A_45 = arith.constant 16 : i32
      %mul3A_46 = arith.muli %scan3A_41, %mul3A_45 : i32
      %mul3A_47 = arith.constant 3 : i32
      %mul3A_48 = arith.muli %mul3A_46, %mul3A_47 : i32
      %get3A = arith.index_cast %mul3A_48 : i32 to index
      %get3A_49 = tpu.vector_load %arg4[%get3A] {strides = array<i32>} : memref<6144xf32, #tpu.memory_space<vmem>>, vector<16xf32>,
      %get3A_50 = vector.shape_cast %get3A_49 : vector<16xf32> to vector<16xf32>
      %add3A_51 = arith.constant 16 : i32
      %add3A_52 = arith.addi %mul3A_48, %add3A_51 : i32
      %get3A_53 = arith.index_cast %add3A_52 : i32 to index
      %get3A_54 = tpu.vector_load %arg4[%get3A_53] {strides = array<i32>} : memref<6144xf32, #tpu.memory_space<vmem>>, vector<16xf32>,
      %get3A_55 = vector.shape_cast %get3A_54 : vector<16xf32> to vector<16xf32>
      %add3A_56 = arith.constant 32 : i32
      %add3A_57 = arith.addi %mul3A_48, %add3A_56 : i32
      %get3A_58 = arith.index_cast %add3A_57 : i32 to index
      %get3A_59 = tpu.vector_load %arg4[%get3A_58] {strides = array<i32>} : memref<6144xf32, #tpu.memory_space<vmem>>, vector<16xf32>,
      %get3A_60 = vector.shape_cast %get3A_59 : vector<16xf32> to vector<16xf32>
      %mul3A_61 = arith.constant 3 : i32
      %mul3A_62 = vector.broadcast %mul3A_61 : i32 to vector<16xi32>
      %mul3A_63 = arith.muli %iota3A, %mul3A_62 : vector<16xi32>
      %add3A_64 = arith.constant 0 : i32
      %add3A_65 = vector.broadcast %add3A_64 : i32 to vector<16xi32>
      %add3A_66 = arith.addi %mul3A_63, %add3A_65 : vector<16xi32>
      %and3A = arith.constant 15 : i32
      %and3A_67 = vector.broadcast %and3A : i32 to vector<16xi32>
      %and3A_68 = arith.andi %add3A_66, %and3A_67 : vector<16xi32>
      %shift_right_logical3A = arith.constant 4 : i32
      %shift_right_logical3A_69 = vector.broadcast %shift_right_logical3A : i32 to vector<16xi32>
      %shift_right_logical3A_70 = arith.shrui %add3A_66, %shift_right_logical3A_69 : vector<16xi32>
      %eq3A = arith.constant 0 : i32
      %eq3A_71 = vector.broadcast %eq3A : i32 to vector<16xi32>
      %eq3A_72 = arith.cmpi eq, %shift_right_logical3A_70, %eq3A_71 : vector<16xi32>
      %lt3A = arith.constant 0 : i32
      %lt3A_73 = vector.broadcast %lt3A : i32 to vector<16xi32>
      %lt3A_74 = arith.cmpi slt, %and3A_68, %lt3A_73 : vector<16xi32>
      %add3A_75 = arith.constant 16 : i32
      %add3A_76 = vector.broadcast %add3A_75 : i32 to vector<16xi32>
      %add3A_77 = arith.addi %and3A_68, %add3A_76 : vector<16xi32>
      %select_n3A = arith.select %lt3A_74, %add3A_77, %and3A_68 : vector<16xi1>, vector<16xi32>
      %broadcast_in_dim3A_78 = vector.shape_cast %select_n3A : vector<16xi32> to vector<16x1xi32>
      %gather3A = vector.shape_cast %broadcast_in_dim3A_78 : vector<16x1xi32> to vector<16xi32>
      %gather3A_79 = tpu.dynamic_gather %get3A_50[%gather3A] in [0] : vector<16xf32>, vector<16xi32> -> vector<16xf32>
      %eq3A_80 = arith.constant 1 : i32
      %eq3A_81 = vector.broadcast %eq3A_80 : i32 to vector<16xi32>
      %eq3A_82 = arith.cmpi eq, %shift_right_logical3A_70, %eq3A_81 : vector<16xi32>
      %lt3A_83 = arith.constant 0 : i32
      %lt3A_84 = vector.broadcast %lt3A_83 : i32 to vector<16xi32>
      %lt3A_85 = arith.cmpi slt, %and3A_68, %lt3A_84 : vector<16xi32>
      %add3A_86 = arith.constant 16 : i32
      %add3A_87 = vector.broadcast %add3A_86 : i32 to vector<16xi32>
      %add3A_88 = arith.addi %and3A_68, %add3A_87 : vector<16xi32>
      %select_n3A_89 = arith.select %lt3A_85, %add3A_88, %and3A_68 : vector<16xi1>, vector<16xi32>
      %broadcast_in_dim3A_90 = vector.shape_cast %select_n3A_89 : vector<16xi32> to vector<16x1xi32>
      %gather3A_91 = vector.shape_cast %broadcast_in_dim3A_90 : vector<16x1xi32> to vector<16xi32>
      %gather3A_92 = tpu.dynamic_gather %get3A_55[%gather3A_91] in [0] : vector<16xf32>, vector<16xi32> -> vector<16xf32>
      %lt3A_93 = arith.constant 0 : i32
      %lt3A_94 = vector.broadcast %lt3A_93 : i32 to vector<16xi32>
      %lt3A_95 = arith.cmpi slt, %and3A_68, %lt3A_94 : vector<16xi32>
      %add3A_96 = arith.constant 16 : i32
      %add3A_97 = vector.broadcast %add3A_96 : i32 to vector<16xi32>
      %add3A_98 = arith.addi %and3A_68, %add3A_97 : vector<16xi32>
      %select_n3A_99 = arith.select %lt3A_95, %add3A_98, %and3A_68 : vector<16xi1>, vector<16xi32>
      %broadcast_in_dim3A_100 = vector.shape_cast %select_n3A_99 : vector<16xi32> to vector<16x1xi32>
      %gather3A_101 = vector.shape_cast %broadcast_in_dim3A_100 : vector<16x1xi32> to vector<16xi32>
      %gather3A_102 = tpu.dynamic_gather %get3A_60[%gather3A_101] in [0] : vector<16xf32>, vector<16xi32> -> vector<16xf32>
      %select_n3A_103 = arith.select %eq3A_82, %gather3A_92, %gather3A_102 : vector<16xi1>, vector<16xf32>
      %select_n3A_104 = arith.select %eq3A_72, %gather3A_79, %select_n3A_103 : vector<16xi1>, vector<16xf32>
      %mul3A_105 = arith.constant 3 : i32
      %mul3A_106 = vector.broadcast %mul3A_105 : i32 to vector<16xi32>
      %mul3A_107 = arith.muli %iota3A, %mul3A_106 : vector<16xi32>
      %add3A_108 = arith.constant 1 : i32
      %add3A_109 = vector.broadcast %add3A_108 : i32 to vector<16xi32>
      %add3A_110 = arith.addi %mul3A_107, %add3A_109 : vector<16xi32>
      %and3A_111 = arith.constant 15 : i32
      %and3A_112 = vector.broadcast %and3A_111 : i32 to vector<16xi32>
      %and3A_113 = arith.andi %add3A_110, %and3A_112 : vector<16xi32>
      %shift_right_logical3A_114 = arith.constant 4 : i32
      %shift_right_logical3A_115 = vector.broadcast %shift_right_logical3A_114 : i32 to vector<16xi32>
      %shift_right_logical3A_116 = arith.shrui %add3A_110, %shift_right_logical3A_115 : vector<16xi32>
      %eq3A_117 = arith.constant 0 : i32
      %eq3A_118 = vector.broadcast %eq3A_117 : i32 to vector<16xi32>
      %eq3A_119 = arith.cmpi eq, %shift_right_logical3A_116, %eq3A_118 : vector<16xi32>
      %lt3A_120 = arith.constant 0 : i32
      %lt3A_121 = vector.broadcast %lt3A_120 : i32 to vector<16xi32>
      %lt3A_122 = arith.cmpi slt, %and3A_113, %lt3A_121 : vector<16xi32>
      %add3A_123 = arith.constant 16 : i32
      %add3A_124 = vector.broadcast %add3A_123 : i32 to vector<16xi32>
      %add3A_125 = arith.addi %and3A_113, %add3A_124 : vector<16xi32>
      %select_n3A_126 = arith.select %lt3A_122, %add3A_125, %and3A_113 : vector<16xi1>, vector<16xi32>
      %broadcast_in_dim3A_127 = vector.shape_cast %select_n3A_126 : vector<16xi32> to vector<16x1xi32>
      %gather3A_128 = vector.shape_cast %broadcast_in_dim3A_127 : vector<16x1xi32> to vector<16xi32>
      %gather3A_129 = tpu.dynamic_gather %get3A_50[%gather3A_128] in [0] : vector<16xf32>, vector<16xi32> -> vector<16xf32>
      %eq3A_130 = arith.constant 1 : i32
      %eq3A_131 = vector.broadcast %eq3A_130 : i32 to vector<16xi32>
      %eq3A_132 = arith.cmpi eq, %shift_right_logical3A_116, %eq3A_131 : vector<16xi32>
      %lt3A_133 = arith.constant 0 : i32
      %lt3A_134 = vector.broadcast %lt3A_133 : i32 to vector<16xi32>
      %lt3A_135 = arith.cmpi slt, %and3A_113, %lt3A_134 : vector<16xi32>
      %add3A_136 = arith.constant 16 : i32
      %add3A_137 = vector.broadcast %add3A_136 : i32 to vector<16xi32>
      %add3A_138 = arith.addi %and3A_113, %add3A_137 : vector<16xi32>
      %select_n3A_139 = arith.select %lt3A_135, %add3A_138, %and3A_113 : vector<16xi1>, vector<16xi32>
      %broadcast_in_dim3A_140 = vector.shape_cast %select_n3A_139 : vector<16xi32> to vector<16x1xi32>
      %gather3A_141 = vector.shape_cast %broadcast_in_dim3A_140 : vector<16x1xi32> to vector<16xi32>
      %gather3A_142 = tpu.dynamic_gather %get3A_55[%gather3A_141] in [0] : vector<16xf32>, vector<16xi32> -> vector<16xf32>
      %lt3A_143 = arith.constant 0 : i32
      %lt3A_144 = vector.broadcast %lt3A_143 : i32 to vector<16xi32>
      %lt3A_145 = arith.cmpi slt, %and3A_113, %lt3A_144 : vector<16xi32>
      %add3A_146 = arith.constant 16 : i32
      %add3A_147 = vector.broadcast %add3A_146 : i32 to vector<16xi32>
      %add3A_148 = arith.addi %and3A_113, %add3A_147 : vector<16xi32>
      %select_n3A_149 = arith.select %lt3A_145, %add3A_148, %and3A_113 : vector<16xi1>, vector<16xi32>
      %broadcast_in_dim3A_150 = vector.shape_cast %select_n3A_149 : vector<16xi32> to vector<16x1xi32>
      %gather3A_151 = vector.shape_cast %broadcast_in_dim3A_150 : vector<16x1xi32> to vector<16xi32>
      %gather3A_152 = tpu.dynamic_gather %get3A_60[%gather3A_151] in [0] : vector<16xf32>, vector<16xi32> -> vector<16xf32>
      %select_n3A_153 = arith.select %eq3A_132, %gather3A_142, %gather3A_152 : vector<16xi1>, vector<16xf32>
      %select_n3A_154 = arith.select %eq3A_119, %gather3A_129, %select_n3A_153 : vector<16xi1>, vector<16xf32>
      %mul3A_155 = arith.constant 3 : i32
      %mul3A_156 = vector.broadcast %mul3A_155 : i32 to vector<16xi32>
      %mul3A_157 = arith.muli %iota3A, %mul3A_156 : vector<16xi32>
      %add3A_158 = arith.constant 2 : i32
      %add3A_159 = vector.broadcast %add3A_158 : i32 to vector<16xi32>
      %add3A_160 = arith.addi %mul3A_157, %add3A_159 : vector<16xi32>
      %and3A_161 = arith.constant 15 : i32
      %and3A_162 = vector.broadcast %and3A_161 : i32 to vector<16xi32>
      %and3A_163 = arith.andi %add3A_160, %and3A_162 : vector<16xi32>
      %shift_right_logical3A_164 = arith.constant 4 : i32
      %shift_right_logical3A_165 = vector.broadcast %shift_right_logical3A_164 : i32 to vector<16xi32>
      %shift_right_logical3A_166 = arith.shrui %add3A_160, %shift_right_logical3A_165 : vector<16xi32>
      %eq3A_167 = arith.constant 0 : i32
      %eq3A_168 = vector.broadcast %eq3A_167 : i32 to vector<16xi32>
      %eq3A_169 = arith.cmpi eq, %shift_right_logical3A_166, %eq3A_168 : vector<16xi32>
      %lt3A_170 = arith.constant 0 : i32
      %lt3A_171 = vector.broadcast %lt3A_170 : i32 to vector<16xi32>
      %lt3A_172 = arith.cmpi slt, %and3A_163, %lt3A_171 : vector<16xi32>
      %add3A_173 = arith.constant 16 : i32
      %add3A_174 = vector.broadcast %add3A_173 : i32 to vector<16xi32>
      %add3A_175 = arith.addi %and3A_163, %add3A_174 : vector<16xi32>
      %select_n3A_176 = arith.select %lt3A_172, %add3A_175, %and3A_163 : vector<16xi1>, vector<16xi32>
      %broadcast_in_dim3A_177 = vector.shape_cast %select_n3A_176 : vector<16xi32> to vector<16x1xi32>
      %gather3A_178 = vector.shape_cast %broadcast_in_dim3A_177 : vector<16x1xi32> to vector<16xi32>
      %gather3A_179 = tpu.dynamic_gather %get3A_50[%gather3A_178] in [0] : vector<16xf32>, vector<16xi32> -> vector<16xf32>
      %eq3A_180 = arith.constant 1 : i32
      %eq3A_181 = vector.broadcast %eq3A_180 : i32 to vector<16xi32>
      %eq3A_182 = arith.cmpi eq, %shift_right_logical3A_166, %eq3A_181 : vector<16xi32>
      %lt3A_183 = arith.constant 0 : i32
      %lt3A_184 = vector.broadcast %lt3A_183 : i32 to vector<16xi32>
      %lt3A_185 = arith.cmpi slt, %and3A_163, %lt3A_184 : vector<16xi32>
      %add3A_186 = arith.constant 16 : i32
      %add3A_187 = vector.broadcast %add3A_186 : i32 to vector<16xi32>
      %add3A_188 = arith.addi %and3A_163, %add3A_187 : vector<16xi32>
      %select_n3A_189 = arith.select %lt3A_185, %add3A_188, %and3A_163 : vector<16xi1>, vector<16xi32>
      %broadcast_in_dim3A_190 = vector.shape_cast %select_n3A_189 : vector<16xi32> to vector<16x1xi32>
      %gather3A_191 = vector.shape_cast %broadcast_in_dim3A_190 : vector<16x1xi32> to vector<16xi32>
      %gather3A_192 = tpu.dynamic_gather %get3A_55[%gather3A_191] in [0] : vector<16xf32>, vector<16xi32> -> vector<16xf32>
      %lt3A_193 = arith.constant 0 : i32
      %lt3A_194 = vector.broadcast %lt3A_193 : i32 to vector<16xi32>
      %lt3A_195 = arith.cmpi slt, %and3A_163, %lt3A_194 : vector<16xi32>
      %add3A_196 = arith.constant 16 : i32
      %add3A_197 = vector.broadcast %add3A_196 : i32 to vector<16xi32>
      %add3A_198 = arith.addi %and3A_163, %add3A_197 : vector<16xi32>
      %select_n3A_199 = arith.select %lt3A_195, %add3A_198, %and3A_163 : vector<16xi1>, vector<16xi32>
      %broadcast_in_dim3A_200 = vector.shape_cast %select_n3A_199 : vector<16xi32> to vector<16x1xi32>
      %gather3A_201 = vector.shape_cast %broadcast_in_dim3A_200 : vector<16x1xi32> to vector<16xi32>
      %gather3A_202 = tpu.dynamic_gather %get3A_60[%gather3A_201] in [0] : vector<16xf32>, vector<16xi32> -> vector<16xf32>
      %select_n3A_203 = arith.select %eq3A_182, %gather3A_192, %gather3A_202 : vector<16xi1>, vector<16xf32>
      %select_n3A_204 = arith.select %eq3A_169, %gather3A_179, %select_n3A_203 : vector<16xi1>, vector<16xf32>
      %bitcast_convert_type3A = tpu.bitcast %select_n3A_104 : vector<16xf32> -> vector<16xi32>
      %shift_right_logical3A_205 = arith.constant 16 : i32
      %shift_right_logical3A_206 = vector.broadcast %shift_right_logical3A_205 : i32 to vector<16xi32>
      %shift_right_logical3A_207 = arith.shrui %bitcast_convert_type3A, %shift_right_logical3A_206 : vector<16xi32>
      %and3A_208 = arith.constant 1 : i32
      %and3A_209 = vector.broadcast %and3A_208 : i32 to vector<16xi32>
      %and3A_210 = arith.andi %shift_right_logical3A_207, %and3A_209 : vector<16xi32>
      %add3A_211 = arith.constant 32767 : i32
      %add3A_212 = vector.broadcast %add3A_211 : i32 to vector<16xi32>
      %add3A_213 = arith.addi %bitcast_convert_type3A, %add3A_212 : vector<16xi32>
      %add3A_214 = arith.addi %add3A_213, %and3A_210 : vector<16xi32>
      %and3A_215 = arith.constant -65536 : i32
      %and3A_216 = vector.broadcast %and3A_215 : i32 to vector<16xi32>
      %and3A_217 = arith.andi %add3A_214, %and3A_216 : vector<16xi32>
      %bitcast_convert_type3A_218 = tpu.bitcast %and3A_217 : vector<16xi32> -> vector<16xf32>
      %mul3A_219 = arith.constant -2.000000e+00 : f32
      %mul3A_220 = vector.broadcast %mul3A_219 : f32 to vector<16xf32>
      %mul3A_221 = arith.mulf %bitcast_convert_type3A_218, %mul3A_220 : vector<16xf32>
      %swap3A_222 = arith.constant 0 : i32
      %swap3A_223 = arith.index_cast %swap3A_222 : i32 to index
      %swap3A_224 = arith.index_cast %mul3A_44 : i32 to index
      %swap3A_225 = tpu.vector_load %arg6[%swap3A_223, %swap3A_224] {strides = array<i32>} : memref<4x2048xf32, #tpu.memory_space<vmem>>, vector<1x16xf32>,
      %swap3A_226 = vector.shape_cast %swap3A_225 : vector<1x16xf32> to vector<16xf32>
      %swap3A_227 = vector.shape_cast %mul3A_221 : vector<16xf32> to vector<1x16xf32>
      tpu.vector_store %arg6[%swap3A_223, %swap3A_224], %swap3A_227 {strides = array<i32>} : memref<4x2048xf32, #tpu.memory_space<vmem>>, vector<1x16xf32>,
      %bitcast_convert_type3A_228 = tpu.bitcast %select_n3A_154 : vector<16xf32> -> vector<16xi32>
      %shift_right_logical3A_229 = arith.constant 16 : i32
      %shift_right_logical3A_230 = vector.broadcast %shift_right_logical3A_229 : i32 to vector<16xi32>
      %shift_right_logical3A_231 = arith.shrui %bitcast_convert_type3A_228, %shift_right_logical3A_230 : vector<16xi32>
      %and3A_232 = arith.constant 1 : i32
      %and3A_233 = vector.broadcast %and3A_232 : i32 to vector<16xi32>
      %and3A_234 = arith.andi %shift_right_logical3A_231, %and3A_233 : vector<16xi32>
      %add3A_235 = arith.constant 32767 : i32
      %add3A_236 = vector.broadcast %add3A_235 : i32 to vector<16xi32>
      %add3A_237 = arith.addi %bitcast_convert_type3A_228, %add3A_236 : vector<16xi32>
      %add3A_238 = arith.addi %add3A_237, %and3A_234 : vector<16xi32>
      %and3A_239 = arith.constant -65536 : i32
      %and3A_240 = vector.broadcast %and3A_239 : i32 to vector<16xi32>
      %and3A_241 = arith.andi %add3A_238, %and3A_240 : vector<16xi32>
      %bitcast_convert_type3A_242 = tpu.bitcast %and3A_241 : vector<16xi32> -> vector<16xf32>
      %mul3A_243 = arith.constant -2.000000e+00 : f32
      %mul3A_244 = vector.broadcast %mul3A_243 : f32 to vector<16xf32>
      %mul3A_245 = arith.mulf %bitcast_convert_type3A_242, %mul3A_244 : vector<16xf32>
      %swap3A_246 = arith.constant 1 : i32
      %swap3A_247 = arith.index_cast %swap3A_246 : i32 to index
      %swap3A_248 = arith.index_cast %mul3A_44 : i32 to index
      %swap3A_249 = tpu.vector_load %arg6[%swap3A_247, %swap3A_248] {strides = array<i32>} : memref<4x2048xf32, #tpu.memory_space<vmem>>, vector<1x16xf32>,
      %swap3A_250 = vector.shape_cast %swap3A_249 : vector<1x16xf32> to vector<16xf32>
      %swap3A_251 = vector.shape_cast %mul3A_245 : vector<16xf32> to vector<1x16xf32>
      tpu.vector_store %arg6[%swap3A_247, %swap3A_248], %swap3A_251 {strides = array<i32>} : memref<4x2048xf32, #tpu.memory_space<vmem>>, vector<1x16xf32>,
      %bitcast_convert_type3A_252 = tpu.bitcast %select_n3A_204 : vector<16xf32> -> vector<16xi32>
      %shift_right_logical3A_253 = arith.constant 16 : i32
      %shift_right_logical3A_254 = vector.broadcast %shift_right_logical3A_253 : i32 to vector<16xi32>
      %shift_right_logical3A_255 = arith.shrui %bitcast_convert_type3A_252, %shift_right_logical3A_254 : vector<16xi32>
      %and3A_256 = arith.constant 1 : i32
      %and3A_257 = vector.broadcast %and3A_256 : i32 to vector<16xi32>
      %and3A_258 = arith.andi %shift_right_logical3A_255, %and3A_257 : vector<16xi32>
      %add3A_259 = arith.constant 32767 : i32
      %add3A_260 = vector.broadcast %add3A_259 : i32 to vector<16xi32>
      %add3A_261 = arith.addi %bitcast_convert_type3A_252, %add3A_260 : vector<16xi32>
      %add3A_262 = arith.addi %add3A_261, %and3A_258 : vector<16xi32>
      %and3A_263 = arith.constant -65536 : i32
      %and3A_264 = vector.broadcast %and3A_263 : i32 to vector<16xi32>
      %and3A_265 = arith.andi %add3A_262, %and3A_264 : vector<16xi32>
      %bitcast_convert_type3A_266 = tpu.bitcast %and3A_265 : vector<16xi32> -> vector<16xf32>
      %mul3A_267 = arith.constant -2.000000e+00 : f32
      %mul3A_268 = vector.broadcast %mul3A_267 : f32 to vector<16xf32>
      %mul3A_269 = arith.mulf %bitcast_convert_type3A_266, %mul3A_268 : vector<16xf32>
      %swap3A_270 = arith.constant 2 : i32
      %swap3A_271 = arith.index_cast %swap3A_270 : i32 to index
      %swap3A_272 = arith.index_cast %mul3A_44 : i32 to index
      %swap3A_273 = tpu.vector_load %arg6[%swap3A_271, %swap3A_272] {strides = array<i32>} : memref<4x2048xf32, #tpu.memory_space<vmem>>, vector<1x16xf32>,
      %swap3A_274 = vector.shape_cast %swap3A_273 : vector<1x16xf32> to vector<16xf32>
      %swap3A_275 = vector.shape_cast %mul3A_269 : vector<16xf32> to vector<1x16xf32>
      tpu.vector_store %arg6[%swap3A_271, %swap3A_272], %swap3A_275 {strides = array<i32>} : memref<4x2048xf32, #tpu.memory_space<vmem>>, vector<1x16xf32>,
      %mul3A_276 = arith.mulf %select_n3A_104, %select_n3A_104 : vector<16xf32>
      %mul3A_277 = arith.mulf %select_n3A_154, %select_n3A_154 : vector<16xf32>
      %add3A_278 = arith.addf %mul3A_276, %mul3A_277 : vector<16xf32>
      %mul3A_279 = arith.mulf %select_n3A_204, %select_n3A_204 : vector<16xf32>
      %add3A_280 = arith.addf %add3A_278, %mul3A_279 : vector<16xf32>
      %swap3A_281 = arith.constant 3 : i32
      %swap3A_282 = arith.index_cast %swap3A_281 : i32 to index
      %swap3A_283 = arith.index_cast %mul3A_44 : i32 to index
      %swap3A_284 = tpu.vector_load %arg6[%swap3A_282, %swap3A_283] {strides = array<i32>} : memref<4x2048xf32, #tpu.memory_space<vmem>>, vector<1x16xf32>,
      %swap3A_285 = vector.shape_cast %swap3A_284 : vector<1x16xf32> to vector<16xf32>
      %swap3A_286 = vector.shape_cast %add3A_280 : vector<16xf32> to vector<1x16xf32>
      tpu.vector_store %arg6[%swap3A_282, %swap3A_283], %swap3A_286 {strides = array<i32>} : memref<4x2048xf32, #tpu.memory_space<vmem>>, vector<1x16xf32>,
      %scan3A_287 = arith.constant 0 : i32
      scf.yield %scan3A_287 : i32
    }
    %scan3A_12 = arith.constant 128 : i32
    %scan3A_13 = arith.constant 0 : i32
    %scan3A_14 = arith.constant 0 : i32
    %scan3A_15 = arith.constant 128 : i32
    %scan3A_16 = arith.addi %scan3A_14, %scan3A_15 : i32
    %scan3A_17 = arith.constant 1 : i32
    %scan3A_18 = scf.for %scan3A_41 = %scan3A_14 to %scan3A_16 step %scan3A_17 iter_args(%scan3A_42 = %scan3A_13) -> (i32)  : i32 {
      %mul3A_43 = arith.constant 16 : i32
      %mul3A_44 = arith.muli %scan3A_41, %mul3A_43 : i32
      %mul3A_45 = arith.constant 16 : i32
      %mul3A_46 = arith.muli %scan3A_41, %mul3A_45 : i32
      %mul3A_47 = arith.constant 3 : i32
      %mul3A_48 = arith.muli %mul3A_46, %mul3A_47 : i32
      %get3A = arith.index_cast %mul3A_48 : i32 to index
      %get3A_49 = tpu.vector_load %arg5[%get3A] {strides = array<i32>} : memref<6144xf32, #tpu.memory_space<vmem>>, vector<16xf32>,
      %get3A_50 = vector.shape_cast %get3A_49 : vector<16xf32> to vector<16xf32>
      %add3A_51 = arith.constant 16 : i32
      %add3A_52 = arith.addi %mul3A_48, %add3A_51 : i32
      %get3A_53 = arith.index_cast %add3A_52 : i32 to index
      %get3A_54 = tpu.vector_load %arg5[%get3A_53] {strides = array<i32>} : memref<6144xf32, #tpu.memory_space<vmem>>, vector<16xf32>,
      %get3A_55 = vector.shape_cast %get3A_54 : vector<16xf32> to vector<16xf32>
      %add3A_56 = arith.constant 32 : i32
      %add3A_57 = arith.addi %mul3A_48, %add3A_56 : i32
      %get3A_58 = arith.index_cast %add3A_57 : i32 to index
      %get3A_59 = tpu.vector_load %arg5[%get3A_58] {strides = array<i32>} : memref<6144xf32, #tpu.memory_space<vmem>>, vector<16xf32>,
      %get3A_60 = vector.shape_cast %get3A_59 : vector<16xf32> to vector<16xf32>
      %mul3A_61 = arith.constant 3 : i32
      %mul3A_62 = vector.broadcast %mul3A_61 : i32 to vector<16xi32>
      %mul3A_63 = arith.muli %iota3A, %mul3A_62 : vector<16xi32>
      %add3A_64 = arith.constant 0 : i32
      %add3A_65 = vector.broadcast %add3A_64 : i32 to vector<16xi32>
      %add3A_66 = arith.addi %mul3A_63, %add3A_65 : vector<16xi32>
      %and3A = arith.constant 15 : i32
      %and3A_67 = vector.broadcast %and3A : i32 to vector<16xi32>
      %and3A_68 = arith.andi %add3A_66, %and3A_67 : vector<16xi32>
      %shift_right_logical3A = arith.constant 4 : i32
      %shift_right_logical3A_69 = vector.broadcast %shift_right_logical3A : i32 to vector<16xi32>
      %shift_right_logical3A_70 = arith.shrui %add3A_66, %shift_right_logical3A_69 : vector<16xi32>
      %eq3A = arith.constant 0 : i32
      %eq3A_71 = vector.broadcast %eq3A : i32 to vector<16xi32>
      %eq3A_72 = arith.cmpi eq, %shift_right_logical3A_70, %eq3A_71 : vector<16xi32>
      %lt3A = arith.constant 0 : i32
      %lt3A_73 = vector.broadcast %lt3A : i32 to vector<16xi32>
      %lt3A_74 = arith.cmpi slt, %and3A_68, %lt3A_73 : vector<16xi32>
      %add3A_75 = arith.constant 16 : i32
      %add3A_76 = vector.broadcast %add3A_75 : i32 to vector<16xi32>
      %add3A_77 = arith.addi %and3A_68, %add3A_76 : vector<16xi32>
      %select_n3A = arith.select %lt3A_74, %add3A_77, %and3A_68 : vector<16xi1>, vector<16xi32>
      %broadcast_in_dim3A_78 = vector.shape_cast %select_n3A : vector<16xi32> to vector<16x1xi32>
      %gather3A = vector.shape_cast %broadcast_in_dim3A_78 : vector<16x1xi32> to vector<16xi32>
      %gather3A_79 = tpu.dynamic_gather %get3A_50[%gather3A] in [0] : vector<16xf32>, vector<16xi32> -> vector<16xf32>
      %eq3A_80 = arith.constant 1 : i32
      %eq3A_81 = vector.broadcast %eq3A_80 : i32 to vector<16xi32>
      %eq3A_82 = arith.cmpi eq, %shift_right_logical3A_70, %eq3A_81 : vector<16xi32>
      %lt3A_83 = arith.constant 0 : i32
      %lt3A_84 = vector.broadcast %lt3A_83 : i32 to vector<16xi32>
      %lt3A_85 = arith.cmpi slt, %and3A_68, %lt3A_84 : vector<16xi32>
      %add3A_86 = arith.constant 16 : i32
      %add3A_87 = vector.broadcast %add3A_86 : i32 to vector<16xi32>
      %add3A_88 = arith.addi %and3A_68, %add3A_87 : vector<16xi32>
      %select_n3A_89 = arith.select %lt3A_85, %add3A_88, %and3A_68 : vector<16xi1>, vector<16xi32>
      %broadcast_in_dim3A_90 = vector.shape_cast %select_n3A_89 : vector<16xi32> to vector<16x1xi32>
      %gather3A_91 = vector.shape_cast %broadcast_in_dim3A_90 : vector<16x1xi32> to vector<16xi32>
      %gather3A_92 = tpu.dynamic_gather %get3A_55[%gather3A_91] in [0] : vector<16xf32>, vector<16xi32> -> vector<16xf32>
      %lt3A_93 = arith.constant 0 : i32
      %lt3A_94 = vector.broadcast %lt3A_93 : i32 to vector<16xi32>
      %lt3A_95 = arith.cmpi slt, %and3A_68, %lt3A_94 : vector<16xi32>
      %add3A_96 = arith.constant 16 : i32
      %add3A_97 = vector.broadcast %add3A_96 : i32 to vector<16xi32>
      %add3A_98 = arith.addi %and3A_68, %add3A_97 : vector<16xi32>
      %select_n3A_99 = arith.select %lt3A_95, %add3A_98, %and3A_68 : vector<16xi1>, vector<16xi32>
      %broadcast_in_dim3A_100 = vector.shape_cast %select_n3A_99 : vector<16xi32> to vector<16x1xi32>
      %gather3A_101 = vector.shape_cast %broadcast_in_dim3A_100 : vector<16x1xi32> to vector<16xi32>
      %gather3A_102 = tpu.dynamic_gather %get3A_60[%gather3A_101] in [0] : vector<16xf32>, vector<16xi32> -> vector<16xf32>
      %select_n3A_103 = arith.select %eq3A_82, %gather3A_92, %gather3A_102 : vector<16xi1>, vector<16xf32>
      %select_n3A_104 = arith.select %eq3A_72, %gather3A_79, %select_n3A_103 : vector<16xi1>, vector<16xf32>
      %mul3A_105 = arith.constant 3 : i32
      %mul3A_106 = vector.broadcast %mul3A_105 : i32 to vector<16xi32>
      %mul3A_107 = arith.muli %iota3A, %mul3A_106 : vector<16xi32>
      %add3A_108 = arith.constant 1 : i32
      %add3A_109 = vector.broadcast %add3A_108 : i32 to vector<16xi32>
      %add3A_110 = arith.addi %mul3A_107, %add3A_109 : vector<16xi32>
      %and3A_111 = arith.constant 15 : i32
      %and3A_112 = vector.broadcast %and3A_111 : i32 to vector<16xi32>
      %and3A_113 = arith.andi %add3A_110, %and3A_112 : vector<16xi32>
      %shift_right_logical3A_114 = arith.constant 4 : i32
      %shift_right_logical3A_115 = vector.broadcast %shift_right_logical3A_114 : i32 to vector<16xi32>
      %shift_right_logical3A_116 = arith.shrui %add3A_110, %shift_right_logical3A_115 : vector<16xi32>
      %eq3A_117 = arith.constant 0 : i32
      %eq3A_118 = vector.broadcast %eq3A_117 : i32 to vector<16xi32>
      %eq3A_119 = arith.cmpi eq, %shift_right_logical3A_116, %eq3A_118 : vector<16xi32>
      %lt3A_120 = arith.constant 0 : i32
      %lt3A_121 = vector.broadcast %lt3A_120 : i32 to vector<16xi32>
      %lt3A_122 = arith.cmpi slt, %and3A_113, %lt3A_121 : vector<16xi32>
      %add3A_123 = arith.constant 16 : i32
      %add3A_124 = vector.broadcast %add3A_123 : i32 to vector<16xi32>
      %add3A_125 = arith.addi %and3A_113, %add3A_124 : vector<16xi32>
      %select_n3A_126 = arith.select %lt3A_122, %add3A_125, %and3A_113 : vector<16xi1>, vector<16xi32>
      %broadcast_in_dim3A_127 = vector.shape_cast %select_n3A_126 : vector<16xi32> to vector<16x1xi32>
      %gather3A_128 = vector.shape_cast %broadcast_in_dim3A_127 : vector<16x1xi32> to vector<16xi32>
      %gather3A_129 = tpu.dynamic_gather %get3A_50[%gather3A_128] in [0] : vector<16xf32>, vector<16xi32> -> vector<16xf32>
      %eq3A_130 = arith.constant 1 : i32
      %eq3A_131 = vector.broadcast %eq3A_130 : i32 to vector<16xi32>
      %eq3A_132 = arith.cmpi eq, %shift_right_logical3A_116, %eq3A_131 : vector<16xi32>
      %lt3A_133 = arith.constant 0 : i32
      %lt3A_134 = vector.broadcast %lt3A_133 : i32 to vector<16xi32>
      %lt3A_135 = arith.cmpi slt, %and3A_113, %lt3A_134 : vector<16xi32>
      %add3A_136 = arith.constant 16 : i32
      %add3A_137 = vector.broadcast %add3A_136 : i32 to vector<16xi32>
      %add3A_138 = arith.addi %and3A_113, %add3A_137 : vector<16xi32>
      %select_n3A_139 = arith.select %lt3A_135, %add3A_138, %and3A_113 : vector<16xi1>, vector<16xi32>
      %broadcast_in_dim3A_140 = vector.shape_cast %select_n3A_139 : vector<16xi32> to vector<16x1xi32>
      %gather3A_141 = vector.shape_cast %broadcast_in_dim3A_140 : vector<16x1xi32> to vector<16xi32>
      %gather3A_142 = tpu.dynamic_gather %get3A_55[%gather3A_141] in [0] : vector<16xf32>, vector<16xi32> -> vector<16xf32>
      %lt3A_143 = arith.constant 0 : i32
      %lt3A_144 = vector.broadcast %lt3A_143 : i32 to vector<16xi32>
      %lt3A_145 = arith.cmpi slt, %and3A_113, %lt3A_144 : vector<16xi32>
      %add3A_146 = arith.constant 16 : i32
      %add3A_147 = vector.broadcast %add3A_146 : i32 to vector<16xi32>
      %add3A_148 = arith.addi %and3A_113, %add3A_147 : vector<16xi32>
      %select_n3A_149 = arith.select %lt3A_145, %add3A_148, %and3A_113 : vector<16xi1>, vector<16xi32>
      %broadcast_in_dim3A_150 = vector.shape_cast %select_n3A_149 : vector<16xi32> to vector<16x1xi32>
      %gather3A_151 = vector.shape_cast %broadcast_in_dim3A_150 : vector<16x1xi32> to vector<16xi32>
      %gather3A_152 = tpu.dynamic_gather %get3A_60[%gather3A_151] in [0] : vector<16xf32>, vector<16xi32> -> vector<16xf32>
      %select_n3A_153 = arith.select %eq3A_132, %gather3A_142, %gather3A_152 : vector<16xi1>, vector<16xf32>
      %select_n3A_154 = arith.select %eq3A_119, %gather3A_129, %select_n3A_153 : vector<16xi1>, vector<16xf32>
      %mul3A_155 = arith.constant 3 : i32
      %mul3A_156 = vector.broadcast %mul3A_155 : i32 to vector<16xi32>
      %mul3A_157 = arith.muli %iota3A, %mul3A_156 : vector<16xi32>
      %add3A_158 = arith.constant 2 : i32
      %add3A_159 = vector.broadcast %add3A_158 : i32 to vector<16xi32>
      %add3A_160 = arith.addi %mul3A_157, %add3A_159 : vector<16xi32>
      %and3A_161 = arith.constant 15 : i32
      %and3A_162 = vector.broadcast %and3A_161 : i32 to vector<16xi32>
      %and3A_163 = arith.andi %add3A_160, %and3A_162 : vector<16xi32>
      %shift_right_logical3A_164 = arith.constant 4 : i32
      %shift_right_logical3A_165 = vector.broadcast %shift_right_logical3A_164 : i32 to vector<16xi32>
      %shift_right_logical3A_166 = arith.shrui %add3A_160, %shift_right_logical3A_165 : vector<16xi32>
      %eq3A_167 = arith.constant 0 : i32
      %eq3A_168 = vector.broadcast %eq3A_167 : i32 to vector<16xi32>
      %eq3A_169 = arith.cmpi eq, %shift_right_logical3A_166, %eq3A_168 : vector<16xi32>
      %lt3A_170 = arith.constant 0 : i32
      %lt3A_171 = vector.broadcast %lt3A_170 : i32 to vector<16xi32>
      %lt3A_172 = arith.cmpi slt, %and3A_163, %lt3A_171 : vector<16xi32>
      %add3A_173 = arith.constant 16 : i32
      %add3A_174 = vector.broadcast %add3A_173 : i32 to vector<16xi32>
      %add3A_175 = arith.addi %and3A_163, %add3A_174 : vector<16xi32>
      %select_n3A_176 = arith.select %lt3A_172, %add3A_175, %and3A_163 : vector<16xi1>, vector<16xi32>
      %broadcast_in_dim3A_177 = vector.shape_cast %select_n3A_176 : vector<16xi32> to vector<16x1xi32>
      %gather3A_178 = vector.shape_cast %broadcast_in_dim3A_177 : vector<16x1xi32> to vector<16xi32>
      %gather3A_179 = tpu.dynamic_gather %get3A_50[%gather3A_178] in [0] : vector<16xf32>, vector<16xi32> -> vector<16xf32>
      %eq3A_180 = arith.constant 1 : i32
      %eq3A_181 = vector.broadcast %eq3A_180 : i32 to vector<16xi32>
      %eq3A_182 = arith.cmpi eq, %shift_right_logical3A_166, %eq3A_181 : vector<16xi32>
      %lt3A_183 = arith.constant 0 : i32
      %lt3A_184 = vector.broadcast %lt3A_183 : i32 to vector<16xi32>
      %lt3A_185 = arith.cmpi slt, %and3A_163, %lt3A_184 : vector<16xi32>
      %add3A_186 = arith.constant 16 : i32
      %add3A_187 = vector.broadcast %add3A_186 : i32 to vector<16xi32>
      %add3A_188 = arith.addi %and3A_163, %add3A_187 : vector<16xi32>
      %select_n3A_189 = arith.select %lt3A_185, %add3A_188, %and3A_163 : vector<16xi1>, vector<16xi32>
      %broadcast_in_dim3A_190 = vector.shape_cast %select_n3A_189 : vector<16xi32> to vector<16x1xi32>
      %gather3A_191 = vector.shape_cast %broadcast_in_dim3A_190 : vector<16x1xi32> to vector<16xi32>
      %gather3A_192 = tpu.dynamic_gather %get3A_55[%gather3A_191] in [0] : vector<16xf32>, vector<16xi32> -> vector<16xf32>
      %lt3A_193 = arith.constant 0 : i32
      %lt3A_194 = vector.broadcast %lt3A_193 : i32 to vector<16xi32>
      %lt3A_195 = arith.cmpi slt, %and3A_163, %lt3A_194 : vector<16xi32>
      %add3A_196 = arith.constant 16 : i32
      %add3A_197 = vector.broadcast %add3A_196 : i32 to vector<16xi32>
      %add3A_198 = arith.addi %and3A_163, %add3A_197 : vector<16xi32>
      %select_n3A_199 = arith.select %lt3A_195, %add3A_198, %and3A_163 : vector<16xi1>, vector<16xi32>
      %broadcast_in_dim3A_200 = vector.shape_cast %select_n3A_199 : vector<16xi32> to vector<16x1xi32>
      %gather3A_201 = vector.shape_cast %broadcast_in_dim3A_200 : vector<16x1xi32> to vector<16xi32>
      %gather3A_202 = tpu.dynamic_gather %get3A_60[%gather3A_201] in [0] : vector<16xf32>, vector<16xi32> -> vector<16xf32>
      %select_n3A_203 = arith.select %eq3A_182, %gather3A_192, %gather3A_202 : vector<16xi1>, vector<16xf32>
      %select_n3A_204 = arith.select %eq3A_169, %gather3A_179, %select_n3A_203 : vector<16xi1>, vector<16xf32>
      %bitcast_convert_type3A = tpu.bitcast %select_n3A_104 : vector<16xf32> -> vector<16xi32>
      %shift_right_logical3A_205 = arith.constant 16 : i32
      %shift_right_logical3A_206 = vector.broadcast %shift_right_logical3A_205 : i32 to vector<16xi32>
      %shift_right_logical3A_207 = arith.shrui %bitcast_convert_type3A, %shift_right_logical3A_206 : vector<16xi32>
      %and3A_208 = arith.constant 1 : i32
      %and3A_209 = vector.broadcast %and3A_208 : i32 to vector<16xi32>
      %and3A_210 = arith.andi %shift_right_logical3A_207, %and3A_209 : vector<16xi32>
      %add3A_211 = arith.constant 32767 : i32
      %add3A_212 = vector.broadcast %add3A_211 : i32 to vector<16xi32>
      %add3A_213 = arith.addi %bitcast_convert_type3A, %add3A_212 : vector<16xi32>
      %add3A_214 = arith.addi %add3A_213, %and3A_210 : vector<16xi32>
      %and3A_215 = arith.constant -65536 : i32
      %and3A_216 = vector.broadcast %and3A_215 : i32 to vector<16xi32>
      %and3A_217 = arith.andi %add3A_214, %and3A_216 : vector<16xi32>
      %bitcast_convert_type3A_218 = tpu.bitcast %and3A_217 : vector<16xi32> -> vector<16xf32>
      %mul3A_219 = arith.constant -2.000000e+00 : f32
      %mul3A_220 = vector.broadcast %mul3A_219 : f32 to vector<16xf32>
      %mul3A_221 = arith.mulf %bitcast_convert_type3A_218, %mul3A_220 : vector<16xf32>
      %swap3A_222 = arith.constant 0 : i32
      %swap3A_223 = arith.index_cast %swap3A_222 : i32 to index
      %swap3A_224 = arith.index_cast %mul3A_44 : i32 to index
      %swap3A_225 = tpu.vector_load %arg7[%swap3A_223, %swap3A_224] {strides = array<i32>} : memref<4x2048xf32, #tpu.memory_space<vmem>>, vector<1x16xf32>,
      %swap3A_226 = vector.shape_cast %swap3A_225 : vector<1x16xf32> to vector<16xf32>
      %swap3A_227 = vector.shape_cast %mul3A_221 : vector<16xf32> to vector<1x16xf32>
      tpu.vector_store %arg7[%swap3A_223, %swap3A_224], %swap3A_227 {strides = array<i32>} : memref<4x2048xf32, #tpu.memory_space<vmem>>, vector<1x16xf32>,
      %bitcast_convert_type3A_228 = tpu.bitcast %select_n3A_154 : vector<16xf32> -> vector<16xi32>
      %shift_right_logical3A_229 = arith.constant 16 : i32
      %shift_right_logical3A_230 = vector.broadcast %shift_right_logical3A_229 : i32 to vector<16xi32>
      %shift_right_logical3A_231 = arith.shrui %bitcast_convert_type3A_228, %shift_right_logical3A_230 : vector<16xi32>
      %and3A_232 = arith.constant 1 : i32
      %and3A_233 = vector.broadcast %and3A_232 : i32 to vector<16xi32>
      %and3A_234 = arith.andi %shift_right_logical3A_231, %and3A_233 : vector<16xi32>
      %add3A_235 = arith.constant 32767 : i32
      %add3A_236 = vector.broadcast %add3A_235 : i32 to vector<16xi32>
      %add3A_237 = arith.addi %bitcast_convert_type3A_228, %add3A_236 : vector<16xi32>
      %add3A_238 = arith.addi %add3A_237, %and3A_234 : vector<16xi32>
      %and3A_239 = arith.constant -65536 : i32
      %and3A_240 = vector.broadcast %and3A_239 : i32 to vector<16xi32>
      %and3A_241 = arith.andi %add3A_238, %and3A_240 : vector<16xi32>
      %bitcast_convert_type3A_242 = tpu.bitcast %and3A_241 : vector<16xi32> -> vector<16xf32>
      %mul3A_243 = arith.constant -2.000000e+00 : f32
      %mul3A_244 = vector.broadcast %mul3A_243 : f32 to vector<16xf32>
      %mul3A_245 = arith.mulf %bitcast_convert_type3A_242, %mul3A_244 : vector<16xf32>
      %swap3A_246 = arith.constant 1 : i32
      %swap3A_247 = arith.index_cast %swap3A_246 : i32 to index
      %swap3A_248 = arith.index_cast %mul3A_44 : i32 to index
      %swap3A_249 = tpu.vector_load %arg7[%swap3A_247, %swap3A_248] {strides = array<i32>} : memref<4x2048xf32, #tpu.memory_space<vmem>>, vector<1x16xf32>,
      %swap3A_250 = vector.shape_cast %swap3A_249 : vector<1x16xf32> to vector<16xf32>
      %swap3A_251 = vector.shape_cast %mul3A_245 : vector<16xf32> to vector<1x16xf32>
      tpu.vector_store %arg7[%swap3A_247, %swap3A_248], %swap3A_251 {strides = array<i32>} : memref<4x2048xf32, #tpu.memory_space<vmem>>, vector<1x16xf32>,
      %bitcast_convert_type3A_252 = tpu.bitcast %select_n3A_204 : vector<16xf32> -> vector<16xi32>
      %shift_right_logical3A_253 = arith.constant 16 : i32
      %shift_right_logical3A_254 = vector.broadcast %shift_right_logical3A_253 : i32 to vector<16xi32>
      %shift_right_logical3A_255 = arith.shrui %bitcast_convert_type3A_252, %shift_right_logical3A_254 : vector<16xi32>
      %and3A_256 = arith.constant 1 : i32
      %and3A_257 = vector.broadcast %and3A_256 : i32 to vector<16xi32>
      %and3A_258 = arith.andi %shift_right_logical3A_255, %and3A_257 : vector<16xi32>
      %add3A_259 = arith.constant 32767 : i32
      %add3A_260 = vector.broadcast %add3A_259 : i32 to vector<16xi32>
      %add3A_261 = arith.addi %bitcast_convert_type3A_252, %add3A_260 : vector<16xi32>
      %add3A_262 = arith.addi %add3A_261, %and3A_258 : vector<16xi32>
      %and3A_263 = arith.constant -65536 : i32
      %and3A_264 = vector.broadcast %and3A_263 : i32 to vector<16xi32>
      %and3A_265 = arith.andi %add3A_262, %and3A_264 : vector<16xi32>
      %bitcast_convert_type3A_266 = tpu.bitcast %and3A_265 : vector<16xi32> -> vector<16xf32>
      %mul3A_267 = arith.constant -2.000000e+00 : f32
      %mul3A_268 = vector.broadcast %mul3A_267 : f32 to vector<16xf32>
      %mul3A_269 = arith.mulf %bitcast_convert_type3A_266, %mul3A_268 : vector<16xf32>
      %swap3A_270 = arith.constant 2 : i32
      %swap3A_271 = arith.index_cast %swap3A_270 : i32 to index
      %swap3A_272 = arith.index_cast %mul3A_44 : i32 to index
      %swap3A_273 = tpu.vector_load %arg7[%swap3A_271, %swap3A_272] {strides = array<i32>} : memref<4x2048xf32, #tpu.memory_space<vmem>>, vector<1x16xf32>,
      %swap3A_274 = vector.shape_cast %swap3A_273 : vector<1x16xf32> to vector<16xf32>
      %swap3A_275 = vector.shape_cast %mul3A_269 : vector<16xf32> to vector<1x16xf32>
      tpu.vector_store %arg7[%swap3A_271, %swap3A_272], %swap3A_275 {strides = array<i32>} : memref<4x2048xf32, #tpu.memory_space<vmem>>, vector<1x16xf32>,
      %mul3A_276 = arith.mulf %select_n3A_104, %select_n3A_104 : vector<16xf32>
      %mul3A_277 = arith.mulf %select_n3A_154, %select_n3A_154 : vector<16xf32>
      %add3A_278 = arith.addf %mul3A_276, %mul3A_277 : vector<16xf32>
      %mul3A_279 = arith.mulf %select_n3A_204, %select_n3A_204 : vector<16xf32>
      %add3A_280 = arith.addf %add3A_278, %mul3A_279 : vector<16xf32>
      %swap3A_281 = arith.constant 3 : i32
      %swap3A_282 = arith.index_cast %swap3A_281 : i32 to index
      %swap3A_283 = arith.index_cast %mul3A_44 : i32 to index
      %swap3A_284 = tpu.vector_load %arg7[%swap3A_282, %swap3A_283] {strides = array<i32>} : memref<4x2048xf32, #tpu.memory_space<vmem>>, vector<1x16xf32>,
      %swap3A_285 = vector.shape_cast %swap3A_284 : vector<1x16xf32> to vector<16xf32>
      %swap3A_286 = vector.shape_cast %add3A_280 : vector<16xf32> to vector<1x16xf32>
      tpu.vector_store %arg7[%swap3A_282, %swap3A_283], %swap3A_286 {strides = array<i32>} : memref<4x2048xf32, #tpu.memory_space<vmem>>, vector<1x16xf32>,
      %scan3A_287 = arith.constant 0 : i32
      scf.yield %scan3A_287 : i32
    }
    %scan3A_19 = arith.constant 128 : i32
    %iota3A_20 = tpu.iota {dimensions = array<i32: 0>} : vector<16xi32>
    %scan3A_21 = arith.constant 0 : i32
    %scan3A_22 = arith.constant 4 : i32
    %scan3A_23 = arith.addi %scan3A_21, %scan3A_22 : i32
    %scan3A_24 = arith.constant 1 : i32
    %scan3A_25 = scf.for %scan3A_41 = %scan3A_21 to %scan3A_23 step %scan3A_24 iter_args(%scan3A_42 = %broadcast_in_dim3A_3) -> (vector<16xf32>)  : i32 {
      %mul3A_43 = arith.constant 16 : i32
      %mul3A_44 = arith.muli %scan3A_41, %mul3A_43 : i32
      %add3A_45 = arith.addi %mul3A_2, %mul3A_44 : i32
      %mul3A_46 = arith.constant 3 : i32
      %mul3A_47 = arith.muli %add3A_45, %mul3A_46 : i32
      %get3A = arith.index_cast %mul3A_47 : i32 to index
      %get3A_48 = tpu.vector_load %arg5[%get3A] {strides = array<i32>} : memref<6144xf32, #tpu.memory_space<vmem>>, vector<16xf32>,
      %get3A_49 = vector.shape_cast %get3A_48 : vector<16xf32> to vector<16xf32>
      %add3A_50 = arith.constant 16 : i32
      %add3A_51 = arith.addi %mul3A_47, %add3A_50 : i32
      %get3A_52 = arith.index_cast %add3A_51 : i32 to index
      %get3A_53 = tpu.vector_load %arg5[%get3A_52] {strides = array<i32>} : memref<6144xf32, #tpu.memory_space<vmem>>, vector<16xf32>,
      %get3A_54 = vector.shape_cast %get3A_53 : vector<16xf32> to vector<16xf32>
      %add3A_55 = arith.constant 32 : i32
      %add3A_56 = arith.addi %mul3A_47, %add3A_55 : i32
      %get3A_57 = arith.index_cast %add3A_56 : i32 to index
      %get3A_58 = tpu.vector_load %arg5[%get3A_57] {strides = array<i32>} : memref<6144xf32, #tpu.memory_space<vmem>>, vector<16xf32>,
      %get3A_59 = vector.shape_cast %get3A_58 : vector<16xf32> to vector<16xf32>
      %mul3A_60 = arith.constant 3 : i32
      %mul3A_61 = vector.broadcast %mul3A_60 : i32 to vector<16xi32>
      %mul3A_62 = arith.muli %iota3A_20, %mul3A_61 : vector<16xi32>
      %add3A_63 = arith.constant 0 : i32
      %add3A_64 = vector.broadcast %add3A_63 : i32 to vector<16xi32>
      %add3A_65 = arith.addi %mul3A_62, %add3A_64 : vector<16xi32>
      %and3A = arith.constant 15 : i32
      %and3A_66 = vector.broadcast %and3A : i32 to vector<16xi32>
      %and3A_67 = arith.andi %add3A_65, %and3A_66 : vector<16xi32>
      %shift_right_logical3A = arith.constant 4 : i32
      %shift_right_logical3A_68 = vector.broadcast %shift_right_logical3A : i32 to vector<16xi32>
      %shift_right_logical3A_69 = arith.shrui %add3A_65, %shift_right_logical3A_68 : vector<16xi32>
      %eq3A = arith.constant 0 : i32
      %eq3A_70 = vector.broadcast %eq3A : i32 to vector<16xi32>
      %eq3A_71 = arith.cmpi eq, %shift_right_logical3A_69, %eq3A_70 : vector<16xi32>
      %lt3A = arith.constant 0 : i32
      %lt3A_72 = vector.broadcast %lt3A : i32 to vector<16xi32>
      %lt3A_73 = arith.cmpi slt, %and3A_67, %lt3A_72 : vector<16xi32>
      %add3A_74 = arith.constant 16 : i32
      %add3A_75 = vector.broadcast %add3A_74 : i32 to vector<16xi32>
      %add3A_76 = arith.addi %and3A_67, %add3A_75 : vector<16xi32>
      %select_n3A = arith.select %lt3A_73, %add3A_76, %and3A_67 : vector<16xi1>, vector<16xi32>
      %broadcast_in_dim3A_77 = vector.shape_cast %select_n3A : vector<16xi32> to vector<16x1xi32>
      %gather3A = vector.shape_cast %broadcast_in_dim3A_77 : vector<16x1xi32> to vector<16xi32>
      %gather3A_78 = tpu.dynamic_gather %get3A_49[%gather3A] in [0] : vector<16xf32>, vector<16xi32> -> vector<16xf32>
      %eq3A_79 = arith.constant 1 : i32
      %eq3A_80 = vector.broadcast %eq3A_79 : i32 to vector<16xi32>
      %eq3A_81 = arith.cmpi eq, %shift_right_logical3A_69, %eq3A_80 : vector<16xi32>
      %lt3A_82 = arith.constant 0 : i32
      %lt3A_83 = vector.broadcast %lt3A_82 : i32 to vector<16xi32>
      %lt3A_84 = arith.cmpi slt, %and3A_67, %lt3A_83 : vector<16xi32>
      %add3A_85 = arith.constant 16 : i32
      %add3A_86 = vector.broadcast %add3A_85 : i32 to vector<16xi32>
      %add3A_87 = arith.addi %and3A_67, %add3A_86 : vector<16xi32>
      %select_n3A_88 = arith.select %lt3A_84, %add3A_87, %and3A_67 : vector<16xi1>, vector<16xi32>
      %broadcast_in_dim3A_89 = vector.shape_cast %select_n3A_88 : vector<16xi32> to vector<16x1xi32>
      %gather3A_90 = vector.shape_cast %broadcast_in_dim3A_89 : vector<16x1xi32> to vector<16xi32>
      %gather3A_91 = tpu.dynamic_gather %get3A_54[%gather3A_90] in [0] : vector<16xf32>, vector<16xi32> -> vector<16xf32>
      %lt3A_92 = arith.constant 0 : i32
      %lt3A_93 = vector.broadcast %lt3A_92 : i32 to vector<16xi32>
      %lt3A_94 = arith.cmpi slt, %and3A_67, %lt3A_93 : vector<16xi32>
      %add3A_95 = arith.constant 16 : i32
      %add3A_96 = vector.broadcast %add3A_95 : i32 to vector<16xi32>
      %add3A_97 = arith.addi %and3A_67, %add3A_96 : vector<16xi32>
      %select_n3A_98 = arith.select %lt3A_94, %add3A_97, %and3A_67 : vector<16xi1>, vector<16xi32>
      %broadcast_in_dim3A_99 = vector.shape_cast %select_n3A_98 : vector<16xi32> to vector<16x1xi32>
      %gather3A_100 = vector.shape_cast %broadcast_in_dim3A_99 : vector<16x1xi32> to vector<16xi32>
      %gather3A_101 = tpu.dynamic_gather %get3A_59[%gather3A_100] in [0] : vector<16xf32>, vector<16xi32> -> vector<16xf32>
      %select_n3A_102 = arith.select %eq3A_81, %gather3A_91, %gather3A_101 : vector<16xi1>, vector<16xf32>
      %select_n3A_103 = arith.select %eq3A_71, %gather3A_78, %select_n3A_102 : vector<16xi1>, vector<16xf32>
      %mul3A_104 = arith.constant 3 : i32
      %mul3A_105 = vector.broadcast %mul3A_104 : i32 to vector<16xi32>
      %mul3A_106 = arith.muli %iota3A_20, %mul3A_105 : vector<16xi32>
      %add3A_107 = arith.constant 1 : i32
      %add3A_108 = vector.broadcast %add3A_107 : i32 to vector<16xi32>
      %add3A_109 = arith.addi %mul3A_106, %add3A_108 : vector<16xi32>
      %and3A_110 = arith.constant 15 : i32
      %and3A_111 = vector.broadcast %and3A_110 : i32 to vector<16xi32>
      %and3A_112 = arith.andi %add3A_109, %and3A_111 : vector<16xi32>
      %shift_right_logical3A_113 = arith.constant 4 : i32
      %shift_right_logical3A_114 = vector.broadcast %shift_right_logical3A_113 : i32 to vector<16xi32>
      %shift_right_logical3A_115 = arith.shrui %add3A_109, %shift_right_logical3A_114 : vector<16xi32>
      %eq3A_116 = arith.constant 0 : i32
      %eq3A_117 = vector.broadcast %eq3A_116 : i32 to vector<16xi32>
      %eq3A_118 = arith.cmpi eq, %shift_right_logical3A_115, %eq3A_117 : vector<16xi32>
      %lt3A_119 = arith.constant 0 : i32
      %lt3A_120 = vector.broadcast %lt3A_119 : i32 to vector<16xi32>
      %lt3A_121 = arith.cmpi slt, %and3A_112, %lt3A_120 : vector<16xi32>
      %add3A_122 = arith.constant 16 : i32
      %add3A_123 = vector.broadcast %add3A_122 : i32 to vector<16xi32>
      %add3A_124 = arith.addi %and3A_112, %add3A_123 : vector<16xi32>
      %select_n3A_125 = arith.select %lt3A_121, %add3A_124, %and3A_112 : vector<16xi1>, vector<16xi32>
      %broadcast_in_dim3A_126 = vector.shape_cast %select_n3A_125 : vector<16xi32> to vector<16x1xi32>
      %gather3A_127 = vector.shape_cast %broadcast_in_dim3A_126 : vector<16x1xi32> to vector<16xi32>
      %gather3A_128 = tpu.dynamic_gather %get3A_49[%gather3A_127] in [0] : vector<16xf32>, vector<16xi32> -> vector<16xf32>
      %eq3A_129 = arith.constant 1 : i32
      %eq3A_130 = vector.broadcast %eq3A_129 : i32 to vector<16xi32>
      %eq3A_131 = arith.cmpi eq, %shift_right_logical3A_115, %eq3A_130 : vector<16xi32>
      %lt3A_132 = arith.constant 0 : i32
      %lt3A_133 = vector.broadcast %lt3A_132 : i32 to vector<16xi32>
      %lt3A_134 = arith.cmpi slt, %and3A_112, %lt3A_133 : vector<16xi32>
      %add3A_135 = arith.constant 16 : i32
      %add3A_136 = vector.broadcast %add3A_135 : i32 to vector<16xi32>
      %add3A_137 = arith.addi %and3A_112, %add3A_136 : vector<16xi32>
      %select_n3A_138 = arith.select %lt3A_134, %add3A_137, %and3A_112 : vector<16xi1>, vector<16xi32>
      %broadcast_in_dim3A_139 = vector.shape_cast %select_n3A_138 : vector<16xi32> to vector<16x1xi32>
      %gather3A_140 = vector.shape_cast %broadcast_in_dim3A_139 : vector<16x1xi32> to vector<16xi32>
      %gather3A_141 = tpu.dynamic_gather %get3A_54[%gather3A_140] in [0] : vector<16xf32>, vector<16xi32> -> vector<16xf32>
      %lt3A_142 = arith.constant 0 : i32
      %lt3A_143 = vector.broadcast %lt3A_142 : i32 to vector<16xi32>
      %lt3A_144 = arith.cmpi slt, %and3A_112, %lt3A_143 : vector<16xi32>
      %add3A_145 = arith.constant 16 : i32
      %add3A_146 = vector.broadcast %add3A_145 : i32 to vector<16xi32>
      %add3A_147 = arith.addi %and3A_112, %add3A_146 : vector<16xi32>
      %select_n3A_148 = arith.select %lt3A_144, %add3A_147, %and3A_112 : vector<16xi1>, vector<16xi32>
      %broadcast_in_dim3A_149 = vector.shape_cast %select_n3A_148 : vector<16xi32> to vector<16x1xi32>
      %gather3A_150 = vector.shape_cast %broadcast_in_dim3A_149 : vector<16x1xi32> to vector<16xi32>
      %gather3A_151 = tpu.dynamic_gather %get3A_59[%gather3A_150] in [0] : vector<16xf32>, vector<16xi32> -> vector<16xf32>
      %select_n3A_152 = arith.select %eq3A_131, %gather3A_141, %gather3A_151 : vector<16xi1>, vector<16xf32>
      %select_n3A_153 = arith.select %eq3A_118, %gather3A_128, %select_n3A_152 : vector<16xi1>, vector<16xf32>
      %mul3A_154 = arith.constant 3 : i32
      %mul3A_155 = vector.broadcast %mul3A_154 : i32 to vector<16xi32>
      %mul3A_156 = arith.muli %iota3A_20, %mul3A_155 : vector<16xi32>
      %add3A_157 = arith.constant 2 : i32
      %add3A_158 = vector.broadcast %add3A_157 : i32 to vector<16xi32>
      %add3A_159 = arith.addi %mul3A_156, %add3A_158 : vector<16xi32>
      %and3A_160 = arith.constant 15 : i32
      %and3A_161 = vector.broadcast %and3A_160 : i32 to vector<16xi32>
      %and3A_162 = arith.andi %add3A_159, %and3A_161 : vector<16xi32>
      %shift_right_logical3A_163 = arith.constant 4 : i32
      %shift_right_logical3A_164 = vector.broadcast %shift_right_logical3A_163 : i32 to vector<16xi32>
      %shift_right_logical3A_165 = arith.shrui %add3A_159, %shift_right_logical3A_164 : vector<16xi32>
      %eq3A_166 = arith.constant 0 : i32
      %eq3A_167 = vector.broadcast %eq3A_166 : i32 to vector<16xi32>
      %eq3A_168 = arith.cmpi eq, %shift_right_logical3A_165, %eq3A_167 : vector<16xi32>
      %lt3A_169 = arith.constant 0 : i32
      %lt3A_170 = vector.broadcast %lt3A_169 : i32 to vector<16xi32>
      %lt3A_171 = arith.cmpi slt, %and3A_162, %lt3A_170 : vector<16xi32>
      %add3A_172 = arith.constant 16 : i32
      %add3A_173 = vector.broadcast %add3A_172 : i32 to vector<16xi32>
      %add3A_174 = arith.addi %and3A_162, %add3A_173 : vector<16xi32>
      %select_n3A_175 = arith.select %lt3A_171, %add3A_174, %and3A_162 : vector<16xi1>, vector<16xi32>
      %broadcast_in_dim3A_176 = vector.shape_cast %select_n3A_175 : vector<16xi32> to vector<16x1xi32>
      %gather3A_177 = vector.shape_cast %broadcast_in_dim3A_176 : vector<16x1xi32> to vector<16xi32>
      %gather3A_178 = tpu.dynamic_gather %get3A_49[%gather3A_177] in [0] : vector<16xf32>, vector<16xi32> -> vector<16xf32>
      %eq3A_179 = arith.constant 1 : i32
      %eq3A_180 = vector.broadcast %eq3A_179 : i32 to vector<16xi32>
      %eq3A_181 = arith.cmpi eq, %shift_right_logical3A_165, %eq3A_180 : vector<16xi32>
      %lt3A_182 = arith.constant 0 : i32
      %lt3A_183 = vector.broadcast %lt3A_182 : i32 to vector<16xi32>
      %lt3A_184 = arith.cmpi slt, %and3A_162, %lt3A_183 : vector<16xi32>
      %add3A_185 = arith.constant 16 : i32
      %add3A_186 = vector.broadcast %add3A_185 : i32 to vector<16xi32>
      %add3A_187 = arith.addi %and3A_162, %add3A_186 : vector<16xi32>
      %select_n3A_188 = arith.select %lt3A_184, %add3A_187, %and3A_162 : vector<16xi1>, vector<16xi32>
      %broadcast_in_dim3A_189 = vector.shape_cast %select_n3A_188 : vector<16xi32> to vector<16x1xi32>
      %gather3A_190 = vector.shape_cast %broadcast_in_dim3A_189 : vector<16x1xi32> to vector<16xi32>
      %gather3A_191 = tpu.dynamic_gather %get3A_54[%gather3A_190] in [0] : vector<16xf32>, vector<16xi32> -> vector<16xf32>
      %lt3A_192 = arith.constant 0 : i32
      %lt3A_193 = vector.broadcast %lt3A_192 : i32 to vector<16xi32>
      %lt3A_194 = arith.cmpi slt, %and3A_162, %lt3A_193 : vector<16xi32>
      %add3A_195 = arith.constant 16 : i32
      %add3A_196 = vector.broadcast %add3A_195 : i32 to vector<16xi32>
      %add3A_197 = arith.addi %and3A_162, %add3A_196 : vector<16xi32>
      %select_n3A_198 = arith.select %lt3A_194, %add3A_197, %and3A_162 : vector<16xi1>, vector<16xi32>
      %broadcast_in_dim3A_199 = vector.shape_cast %select_n3A_198 : vector<16xi32> to vector<16x1xi32>
      %gather3A_200 = vector.shape_cast %broadcast_in_dim3A_199 : vector<16x1xi32> to vector<16xi32>
      %gather3A_201 = tpu.dynamic_gather %get3A_59[%gather3A_200] in [0] : vector<16xf32>, vector<16xi32> -> vector<16xf32>
      %select_n3A_202 = arith.select %eq3A_181, %gather3A_191, %gather3A_201 : vector<16xi1>, vector<16xf32>
      %select_n3A_203 = arith.select %eq3A_168, %gather3A_178, %select_n3A_202 : vector<16xi1>, vector<16xf32>
      %mul3A_204 = arith.mulf %select_n3A_103, %select_n3A_103 : vector<16xf32>
      %mul3A_205 = arith.mulf %select_n3A_153, %select_n3A_153 : vector<16xf32>
      %add3A_206 = arith.addf %mul3A_204, %mul3A_205 : vector<16xf32>
      %mul3A_207 = arith.mulf %select_n3A_203, %select_n3A_203 : vector<16xf32>
      %add3A_208 = arith.addf %add3A_206, %mul3A_207 : vector<16xf32>
      %bitcast_convert_type3A = tpu.bitcast %select_n3A_103 : vector<16xf32> -> vector<16xi32>
      %shift_right_logical3A_209 = arith.constant 16 : i32
      %shift_right_logical3A_210 = vector.broadcast %shift_right_logical3A_209 : i32 to vector<16xi32>
      %shift_right_logical3A_211 = arith.shrui %bitcast_convert_type3A, %shift_right_logical3A_210 : vector<16xi32>
      %and3A_212 = arith.constant 1 : i32
      %and3A_213 = vector.broadcast %and3A_212 : i32 to vector<16xi32>
      %and3A_214 = arith.andi %shift_right_logical3A_211, %and3A_213 : vector<16xi32>
      %add3A_215 = arith.constant 32767 : i32
      %add3A_216 = vector.broadcast %add3A_215 : i32 to vector<16xi32>
      %add3A_217 = arith.addi %bitcast_convert_type3A, %add3A_216 : vector<16xi32>
      %add3A_218 = arith.addi %add3A_217, %and3A_214 : vector<16xi32>
      %and3A_219 = arith.constant -65536 : i32
      %and3A_220 = vector.broadcast %and3A_219 : i32 to vector<16xi32>
      %and3A_221 = arith.andi %add3A_218, %and3A_220 : vector<16xi32>
      %bitcast_convert_type3A_222 = tpu.bitcast %and3A_221 : vector<16xi32> -> vector<16xf32>
      %bitcast_convert_type3A_223 = tpu.bitcast %select_n3A_153 : vector<16xf32> -> vector<16xi32>
      %shift_right_logical3A_224 = arith.constant 16 : i32
      %shift_right_logical3A_225 = vector.broadcast %shift_right_logical3A_224 : i32 to vector<16xi32>
      %shift_right_logical3A_226 = arith.shrui %bitcast_convert_type3A_223, %shift_right_logical3A_225 : vector<16xi32>
      %and3A_227 = arith.constant 1 : i32
      %and3A_228 = vector.broadcast %and3A_227 : i32 to vector<16xi32>
      %and3A_229 = arith.andi %shift_right_logical3A_226, %and3A_228 : vector<16xi32>
      %add3A_230 = arith.constant 32767 : i32
      %add3A_231 = vector.broadcast %add3A_230 : i32 to vector<16xi32>
      %add3A_232 = arith.addi %bitcast_convert_type3A_223, %add3A_231 : vector<16xi32>
      %add3A_233 = arith.addi %add3A_232, %and3A_229 : vector<16xi32>
      %and3A_234 = arith.constant -65536 : i32
      %and3A_235 = vector.broadcast %and3A_234 : i32 to vector<16xi32>
      %and3A_236 = arith.andi %add3A_233, %and3A_235 : vector<16xi32>
      %bitcast_convert_type3A_237 = tpu.bitcast %and3A_236 : vector<16xi32> -> vector<16xf32>
      %bitcast_convert_type3A_238 = tpu.bitcast %select_n3A_203 : vector<16xf32> -> vector<16xi32>
      %shift_right_logical3A_239 = arith.constant 16 : i32
      %shift_right_logical3A_240 = vector.broadcast %shift_right_logical3A_239 : i32 to vector<16xi32>
      %shift_right_logical3A_241 = arith.shrui %bitcast_convert_type3A_238, %shift_right_logical3A_240 : vector<16xi32>
      %and3A_242 = arith.constant 1 : i32
      %and3A_243 = vector.broadcast %and3A_242 : i32 to vector<16xi32>
      %and3A_244 = arith.andi %shift_right_logical3A_241, %and3A_243 : vector<16xi32>
      %add3A_245 = arith.constant 32767 : i32
      %add3A_246 = vector.broadcast %add3A_245 : i32 to vector<16xi32>
      %add3A_247 = arith.addi %bitcast_convert_type3A_238, %add3A_246 : vector<16xi32>
      %add3A_248 = arith.addi %add3A_247, %and3A_244 : vector<16xi32>
      %and3A_249 = arith.constant -65536 : i32
      %and3A_250 = vector.broadcast %and3A_249 : i32 to vector<16xi32>
      %and3A_251 = arith.andi %add3A_248, %and3A_250 : vector<16xi32>
      %bitcast_convert_type3A_252 = tpu.bitcast %and3A_251 : vector<16xi32> -> vector<16xf32>
      %broadcast_in_dim3A_253 = arith.constant 0.000000e+00 : f32
      %broadcast_in_dim3A_254 = vector.broadcast %broadcast_in_dim3A_253 : f32 to vector<16xf32>
      %broadcast_in_dim3A_255 = arith.constant 0 : i32
      %broadcast_in_dim3A_256 = vector.broadcast %broadcast_in_dim3A_255 : i32 to vector<16xi32>
      %lt3A_257 = arith.constant 0 : i32
      %lt3A_258 = vector.broadcast %lt3A_257 : i32 to vector<16xi32>
      %lt3A_259 = arith.cmpi slt, %broadcast_in_dim3A_256, %lt3A_258 : vector<16xi32>
      %add3A_260 = arith.constant 16 : i32
      %add3A_261 = vector.broadcast %add3A_260 : i32 to vector<16xi32>
      %add3A_262 = arith.addi %broadcast_in_dim3A_256, %add3A_261 : vector<16xi32>
      %select_n3A_263 = arith.select %lt3A_259, %add3A_262, %broadcast_in_dim3A_256 : vector<16xi1>, vector<16xi32>
      %broadcast_in_dim3A_264 = vector.shape_cast %select_n3A_263 : vector<16xi32> to vector<16x1xi32>
      %gather3A_265 = vector.shape_cast %broadcast_in_dim3A_264 : vector<16x1xi32> to vector<16xi32>
      %gather3A_266 = tpu.dynamic_gather %bitcast_convert_type3A_222[%gather3A_265] in [0] : vector<16xf32>, vector<16xi32> -> vector<16xf32>
      %broadcast_in_dim3A_267 = arith.constant 0 : i32
      %broadcast_in_dim3A_268 = vector.broadcast %broadcast_in_dim3A_267 : i32 to vector<16xi32>
      %lt3A_269 = arith.constant 0 : i32
      %lt3A_270 = vector.broadcast %lt3A_269 : i32 to vector<16xi32>
      %lt3A_271 = arith.cmpi slt, %broadcast_in_dim3A_268, %lt3A_270 : vector<16xi32>
      %add3A_272 = arith.constant 16 : i32
      %add3A_273 = vector.broadcast %add3A_272 : i32 to vector<16xi32>
      %add3A_274 = arith.addi %broadcast_in_dim3A_268, %add3A_273 : vector<16xi32>
      %select_n3A_275 = arith.select %lt3A_271, %add3A_274, %broadcast_in_dim3A_268 : vector<16xi1>, vector<16xi32>
      %broadcast_in_dim3A_276 = vector.shape_cast %select_n3A_275 : vector<16xi32> to vector<16x1xi32>
      %gather3A_277 = vector.shape_cast %broadcast_in_dim3A_276 : vector<16x1xi32> to vector<16xi32>
      %gather3A_278 = tpu.dynamic_gather %bitcast_convert_type3A_237[%gather3A_277] in [0] : vector<16xf32>, vector<16xi32> -> vector<16xf32>
      %broadcast_in_dim3A_279 = arith.constant 0 : i32
      %broadcast_in_dim3A_280 = vector.broadcast %broadcast_in_dim3A_279 : i32 to vector<16xi32>
      %lt3A_281 = arith.constant 0 : i32
      %lt3A_282 = vector.broadcast %lt3A_281 : i32 to vector<16xi32>
      %lt3A_283 = arith.cmpi slt, %broadcast_in_dim3A_280, %lt3A_282 : vector<16xi32>
      %add3A_284 = arith.constant 16 : i32
      %add3A_285 = vector.broadcast %add3A_284 : i32 to vector<16xi32>
      %add3A_286 = arith.addi %broadcast_in_dim3A_280, %add3A_285 : vector<16xi32>
      %select_n3A_287 = arith.select %lt3A_283, %add3A_286, %broadcast_in_dim3A_280 : vector<16xi1>, vector<16xi32>
      %broadcast_in_dim3A_288 = vector.shape_cast %select_n3A_287 : vector<16xi32> to vector<16x1xi32>
      %gather3A_289 = vector.shape_cast %broadcast_in_dim3A_288 : vector<16x1xi32> to vector<16xi32>
      %gather3A_290 = tpu.dynamic_gather %bitcast_convert_type3A_252[%gather3A_289] in [0] : vector<16xf32>, vector<16xi32> -> vector<16xf32>
      %broadcast_in_dim3A_291 = arith.constant 0 : i32
      %broadcast_in_dim3A_292 = vector.broadcast %broadcast_in_dim3A_291 : i32 to vector<16xi32>
      %lt3A_293 = arith.constant 0 : i32
      %lt3A_294 = vector.broadcast %lt3A_293 : i32 to vector<16xi32>
      %lt3A_295 = arith.cmpi slt, %broadcast_in_dim3A_292, %lt3A_294 : vector<16xi32>
      %add3A_296 = arith.constant 16 : i32
      %add3A_297 = vector.broadcast %add3A_296 : i32 to vector<16xi32>
      %add3A_298 = arith.addi %broadcast_in_dim3A_292, %add3A_297 : vector<16xi32>
      %select_n3A_299 = arith.select %lt3A_295, %add3A_298, %broadcast_in_dim3A_292 : vector<16xi1>, vector<16xi32>
      %broadcast_in_dim3A_300 = vector.shape_cast %select_n3A_299 : vector<16xi32> to vector<16x1xi32>
      %gather3A_301 = vector.shape_cast %broadcast_in_dim3A_300 : vector<16x1xi32> to vector<16xi32>
      %gather3A_302 = tpu.dynamic_gather %add3A_208[%gather3A_301] in [0] : vector<16xf32>, vector<16xi32> -> vector<16xf32>
      %broadcast_in_dim3A_303 = arith.constant 1 : i32
      %broadcast_in_dim3A_304 = vector.broadcast %broadcast_in_dim3A_303 : i32 to vector<16xi32>
      %lt3A_305 = arith.constant 0 : i32
      %lt3A_306 = vector.broadcast %lt3A_305 : i32 to vector<16xi32>
      %lt3A_307 = arith.cmpi slt, %broadcast_in_dim3A_304, %lt3A_306 : vector<16xi32>
      %add3A_308 = arith.constant 16 : i32
      %add3A_309 = vector.broadcast %add3A_308 : i32 to vector<16xi32>
      %add3A_310 = arith.addi %broadcast_in_dim3A_304, %add3A_309 : vector<16xi32>
      %select_n3A_311 = arith.select %lt3A_307, %add3A_310, %broadcast_in_dim3A_304 : vector<16xi1>, vector<16xi32>
      %broadcast_in_dim3A_312 = vector.shape_cast %select_n3A_311 : vector<16xi32> to vector<16x1xi32>
      %gather3A_313 = vector.shape_cast %broadcast_in_dim3A_312 : vector<16x1xi32> to vector<16xi32>
      %gather3A_314 = tpu.dynamic_gather %bitcast_convert_type3A_222[%gather3A_313] in [0] : vector<16xf32>, vector<16xi32> -> vector<16xf32>
      %broadcast_in_dim3A_315 = arith.constant 1 : i32
      %broadcast_in_dim3A_316 = vector.broadcast %broadcast_in_dim3A_315 : i32 to vector<16xi32>
      %lt3A_317 = arith.constant 0 : i32
      %lt3A_318 = vector.broadcast %lt3A_317 : i32 to vector<16xi32>
      %lt3A_319 = arith.cmpi slt, %broadcast_in_dim3A_316, %lt3A_318 : vector<16xi32>
      %add3A_320 = arith.constant 16 : i32
      %add3A_321 = vector.broadcast %add3A_320 : i32 to vector<16xi32>
      %add3A_322 = arith.addi %broadcast_in_dim3A_316, %add3A_321 : vector<16xi32>
      %select_n3A_323 = arith.select %lt3A_319, %add3A_322, %broadcast_in_dim3A_316 : vector<16xi1>, vector<16xi32>
      %broadcast_in_dim3A_324 = vector.shape_cast %select_n3A_323 : vector<16xi32> to vector<16x1xi32>
      %gather3A_325 = vector.shape_cast %broadcast_in_dim3A_324 : vector<16x1xi32> to vector<16xi32>
      %gather3A_326 = tpu.dynamic_gather %bitcast_convert_type3A_237[%gather3A_325] in [0] : vector<16xf32>, vector<16xi32> -> vector<16xf32>
      %broadcast_in_dim3A_327 = arith.constant 1 : i32
      %broadcast_in_dim3A_328 = vector.broadcast %broadcast_in_dim3A_327 : i32 to vector<16xi32>
      %lt3A_329 = arith.constant 0 : i32
      %lt3A_330 = vector.broadcast %lt3A_329 : i32 to vector<16xi32>
      %lt3A_331 = arith.cmpi slt, %broadcast_in_dim3A_328, %lt3A_330 : vector<16xi32>
      %add3A_332 = arith.constant 16 : i32
      %add3A_333 = vector.broadcast %add3A_332 : i32 to vector<16xi32>
      %add3A_334 = arith.addi %broadcast_in_dim3A_328, %add3A_333 : vector<16xi32>
      %select_n3A_335 = arith.select %lt3A_331, %add3A_334, %broadcast_in_dim3A_328 : vector<16xi1>, vector<16xi32>
      %broadcast_in_dim3A_336 = vector.shape_cast %select_n3A_335 : vector<16xi32> to vector<16x1xi32>
      %gather3A_337 = vector.shape_cast %broadcast_in_dim3A_336 : vector<16x1xi32> to vector<16xi32>
      %gather3A_338 = tpu.dynamic_gather %bitcast_convert_type3A_252[%gather3A_337] in [0] : vector<16xf32>, vector<16xi32> -> vector<16xf32>
      %broadcast_in_dim3A_339 = arith.constant 1 : i32
      %broadcast_in_dim3A_340 = vector.broadcast %broadcast_in_dim3A_339 : i32 to vector<16xi32>
      %lt3A_341 = arith.constant 0 : i32
      %lt3A_342 = vector.broadcast %lt3A_341 : i32 to vector<16xi32>
      %lt3A_343 = arith.cmpi slt, %broadcast_in_dim3A_340, %lt3A_342 : vector<16xi32>
      %add3A_344 = arith.constant 16 : i32
      %add3A_345 = vector.broadcast %add3A_344 : i32 to vector<16xi32>
      %add3A_346 = arith.addi %broadcast_in_dim3A_340, %add3A_345 : vector<16xi32>
      %select_n3A_347 = arith.select %lt3A_343, %add3A_346, %broadcast_in_dim3A_340 : vector<16xi1>, vector<16xi32>
      %broadcast_in_dim3A_348 = vector.shape_cast %select_n3A_347 : vector<16xi32> to vector<16x1xi32>
      %gather3A_349 = vector.shape_cast %broadcast_in_dim3A_348 : vector<16x1xi32> to vector<16xi32>
      %gather3A_350 = tpu.dynamic_gather %add3A_208[%gather3A_349] in [0] : vector<16xf32>, vector<16xi32> -> vector<16xf32>
      %broadcast_in_dim3A_351 = arith.constant 1.000000e+30 : f32
      %broadcast_in_dim3A_352 = vector.broadcast %broadcast_in_dim3A_351 : f32 to vector<16xf32>
      %broadcast_in_dim3A_353 = arith.constant 1.000000e+30 : f32
      %broadcast_in_dim3A_354 = vector.broadcast %broadcast_in_dim3A_353 : f32 to vector<16xf32>
      %scan3A_355 = arith.constant 0 : i32
      %scan3A_356 = arith.constant 128 : i32
      %scan3A_357 = arith.addi %scan3A_355, %scan3A_356 : i32
      %scan3A_358 = arith.constant 1 : i32
      %scan3A_359:2 = scf.for %scan3A_2093 = %scan3A_355 to %scan3A_357 step %scan3A_358 iter_args(%scan3A_2094 = %broadcast_in_dim3A_352, %scan3A_2095 = %broadcast_in_dim3A_354) -> (vector<16xf32>, vector<16xf32>)  : i32 {
        %mul3A_2096 = arith.constant 16 : i32
        %mul3A_2097 = arith.muli %scan3A_2093, %mul3A_2096 : i32
        %get3A_2098 = arith.constant 0 : i32
        %get3A_2099 = arith.index_cast %get3A_2098 : i32 to index
        %get3A_2100 = arith.index_cast %mul3A_2097 : i32 to index
        %get3A_2101 = tpu.vector_load %arg6[%get3A_2099, %get3A_2100] {strides = array<i32>} : memref<4x2048xf32, #tpu.memory_space<vmem>>, vector<1x16xf32>,
        %get3A_2102 = vector.shape_cast %get3A_2101 : vector<1x16xf32> to vector<16xf32>
        %get3A_2103 = arith.constant 1 : i32
        %get3A_2104 = arith.index_cast %get3A_2103 : i32 to index
        %get3A_2105 = arith.index_cast %mul3A_2097 : i32 to index
        %get3A_2106 = tpu.vector_load %arg6[%get3A_2104, %get3A_2105] {strides = array<i32>} : memref<4x2048xf32, #tpu.memory_space<vmem>>, vector<1x16xf32>,
        %get3A_2107 = vector.shape_cast %get3A_2106 : vector<1x16xf32> to vector<16xf32>
        %get3A_2108 = arith.constant 2 : i32
        %get3A_2109 = arith.index_cast %get3A_2108 : i32 to index
        %get3A_2110 = arith.index_cast %mul3A_2097 : i32 to index
        %get3A_2111 = tpu.vector_load %arg6[%get3A_2109, %get3A_2110] {strides = array<i32>} : memref<4x2048xf32, #tpu.memory_space<vmem>>, vector<1x16xf32>,
        %get3A_2112 = vector.shape_cast %get3A_2111 : vector<1x16xf32> to vector<16xf32>
        %get3A_2113 = arith.constant 3 : i32
        %get3A_2114 = arith.index_cast %get3A_2113 : i32 to index
        %get3A_2115 = arith.index_cast %mul3A_2097 : i32 to index
        %get3A_2116 = tpu.vector_load %arg6[%get3A_2114, %get3A_2115] {strides = array<i32>} : memref<4x2048xf32, #tpu.memory_space<vmem>>, vector<1x16xf32>,
        %get3A_2117 = vector.shape_cast %get3A_2116 : vector<1x16xf32> to vector<16xf32>
        %mul3A_2118 = arith.mulf %get3A_2102, %gather3A_266 : vector<16xf32>
        %mul3A_2119 = arith.mulf %get3A_2107, %gather3A_278 : vector<16xf32>
        %add3A_2120 = arith.addf %mul3A_2118, %mul3A_2119 : vector<16xf32>
        %mul3A_2121 = arith.mulf %get3A_2112, %gather3A_290 : vector<16xf32>
        %add3A_2122 = arith.addf %add3A_2120, %mul3A_2121 : vector<16xf32>
        %add3A_2123 = arith.addf %gather3A_302, %get3A_2117 : vector<16xf32>
        %add3A_2124 = arith.addf %add3A_2123, %add3A_2122 : vector<16xf32>
        %min3A_2125 = arith.minimumf %scan3A_2094, %add3A_2124 : vector<16xf32>
        %mul3A_2126 = arith.mulf %get3A_2102, %gather3A_314 : vector<16xf32>
        %mul3A_2127 = arith.mulf %get3A_2107, %gather3A_326 : vector<16xf32>
        %add3A_2128 = arith.addf %mul3A_2126, %mul3A_2127 : vector<16xf32>
        %mul3A_2129 = arith.mulf %get3A_2112, %gather3A_338 : vector<16xf32>
        %add3A_2130 = arith.addf %add3A_2128, %mul3A_2129 : vector<16xf32>
        %add3A_2131 = arith.addf %gather3A_350, %get3A_2117 : vector<16xf32>
        %add3A_2132 = arith.addf %add3A_2131, %add3A_2130 : vector<16xf32>
        %min3A_2133 = arith.minimumf %scan3A_2095, %add3A_2132 : vector<16xf32>
        scf.yield %min3A_2125, %min3A_2133 : vector<16xf32>, vector<16xf32>
      }
      %scan3A_360 = arith.constant 128 : i32
      %eq3A_361 = arith.constant 0 : i32
      %eq3A_362 = vector.broadcast %eq3A_361 : i32 to vector<16xi32>
      %eq3A_363 = arith.cmpi eq, %iota3A_20, %eq3A_362 : vector<16xi32>
      %xor3A = arith.constant 8 : i32
      %xor3A_364 = vector.broadcast %xor3A : i32 to vector<16xi32>
      %xor3A_365 = arith.xori %iota3A_20, %xor3A_364 : vector<16xi32>
      %lt3A_366 = arith.constant 0 : i32
      %lt3A_367 = vector.broadcast %lt3A_366 : i32 to vector<16xi32>
      %lt3A_368 = arith.cmpi slt, %xor3A_365, %lt3A_367 : vector<16xi32>
      %add3A_369 = arith.constant 16 : i32
      %add3A_370 = vector.broadcast %add3A_369 : i32 to vector<16xi32>
      %add3A_371 = arith.addi %xor3A_365, %add3A_370 : vector<16xi32>
      %select_n3A_372 = arith.select %lt3A_368, %add3A_371, %xor3A_365 : vector<16xi1>, vector<16xi32>
      %broadcast_in_dim3A_373 = vector.shape_cast %select_n3A_372 : vector<16xi32> to vector<16x1xi32>
      %gather3A_374 = vector.shape_cast %broadcast_in_dim3A_373 : vector<16x1xi32> to vector<16xi32>
      %gather3A_375 = tpu.dynamic_gather %scan3A_359#0[%gather3A_374] in [0] : vector<16xf32>, vector<16xi32> -> vector<16xf32>
      %min3A = arith.minimumf %scan3A_359#0, %gather3A_375 : vector<16xf32>
      %xor3A_376 = arith.constant 4 : i32
      %xor3A_377 = vector.broadcast %xor3A_376 : i32 to vector<16xi32>
      %xor3A_378 = arith.xori %iota3A_20, %xor3A_377 : vector<16xi32>
      %lt3A_379 = arith.constant 0 : i32
      %lt3A_380 = vector.broadcast %lt3A_379 : i32 to vector<16xi32>
      %lt3A_381 = arith.cmpi slt, %xor3A_378, %lt3A_380 : vector<16xi32>
      %add3A_382 = arith.constant 16 : i32
      %add3A_383 = vector.broadcast %add3A_382 : i32 to vector<16xi32>
      %add3A_384 = arith.addi %xor3A_378, %add3A_383 : vector<16xi32>
      %select_n3A_385 = arith.select %lt3A_381, %add3A_384, %xor3A_378 : vector<16xi1>, vector<16xi32>
      %broadcast_in_dim3A_386 = vector.shape_cast %select_n3A_385 : vector<16xi32> to vector<16x1xi32>
      %gather3A_387 = vector.shape_cast %broadcast_in_dim3A_386 : vector<16x1xi32> to vector<16xi32>
      %gather3A_388 = tpu.dynamic_gather %min3A[%gather3A_387] in [0] : vector<16xf32>, vector<16xi32> -> vector<16xf32>
      %min3A_389 = arith.minimumf %min3A, %gather3A_388 : vector<16xf32>
      %xor3A_390 = arith.constant 2 : i32
      %xor3A_391 = vector.broadcast %xor3A_390 : i32 to vector<16xi32>
      %xor3A_392 = arith.xori %iota3A_20, %xor3A_391 : vector<16xi32>
      %lt3A_393 = arith.constant 0 : i32
      %lt3A_394 = vector.broadcast %lt3A_393 : i32 to vector<16xi32>
      %lt3A_395 = arith.cmpi slt, %xor3A_392, %lt3A_394 : vector<16xi32>
      %add3A_396 = arith.constant 16 : i32
      %add3A_397 = vector.broadcast %add3A_396 : i32 to vector<16xi32>
      %add3A_398 = arith.addi %xor3A_392, %add3A_397 : vector<16xi32>
      %select_n3A_399 = arith.select %lt3A_395, %add3A_398, %xor3A_392 : vector<16xi1>, vector<16xi32>
      %broadcast_in_dim3A_400 = vector.shape_cast %select_n3A_399 : vector<16xi32> to vector<16x1xi32>
      %gather3A_401 = vector.shape_cast %broadcast_in_dim3A_400 : vector<16x1xi32> to vector<16xi32>
      %gather3A_402 = tpu.dynamic_gather %min3A_389[%gather3A_401] in [0] : vector<16xf32>, vector<16xi32> -> vector<16xf32>
      %min3A_403 = arith.minimumf %min3A_389, %gather3A_402 : vector<16xf32>
      %xor3A_404 = arith.constant 1 : i32
      %xor3A_405 = vector.broadcast %xor3A_404 : i32 to vector<16xi32>
      %xor3A_406 = arith.xori %iota3A_20, %xor3A_405 : vector<16xi32>
      %lt3A_407 = arith.constant 0 : i32
      %lt3A_408 = vector.broadcast %lt3A_407 : i32 to vector<16xi32>
      %lt3A_409 = arith.cmpi slt, %xor3A_406, %lt3A_408 : vector<16xi32>
      %add3A_410 = arith.constant 16 : i32
      %add3A_411 = vector.broadcast %add3A_410 : i32 to vector<16xi32>
      %add3A_412 = arith.addi %xor3A_406, %add3A_411 : vector<16xi32>
      %select_n3A_413 = arith.select %lt3A_409, %add3A_412, %xor3A_406 : vector<16xi1>, vector<16xi32>
      %broadcast_in_dim3A_414 = vector.shape_cast %select_n3A_413 : vector<16xi32> to vector<16x1xi32>
      %gather3A_415 = vector.shape_cast %broadcast_in_dim3A_414 : vector<16x1xi32> to vector<16xi32>
      %gather3A_416 = tpu.dynamic_gather %min3A_403[%gather3A_415] in [0] : vector<16xf32>, vector<16xi32> -> vector<16xf32>
      %min3A_417 = arith.minimumf %min3A_403, %gather3A_416 : vector<16xf32>
      %select_n3A_418 = arith.select %eq3A_363, %min3A_417, %broadcast_in_dim3A_254 : vector<16xi1>, vector<16xf32>
      %eq3A_419 = arith.constant 1 : i32
      %eq3A_420 = vector.broadcast %eq3A_419 : i32 to vector<16xi32>
      %eq3A_421 = arith.cmpi eq, %iota3A_20, %eq3A_420 : vector<16xi32>
      %xor3A_422 = arith.constant 8 : i32
      %xor3A_423 = vector.broadcast %xor3A_422 : i32 to vector<16xi32>
      %xor3A_424 = arith.xori %iota3A_20, %xor3A_423 : vector<16xi32>
      %lt3A_425 = arith.constant 0 : i32
      %lt3A_426 = vector.broadcast %lt3A_425 : i32 to vector<16xi32>
      %lt3A_427 = arith.cmpi slt, %xor3A_424, %lt3A_426 : vector<16xi32>
      %add3A_428 = arith.constant 16 : i32
      %add3A_429 = vector.broadcast %add3A_428 : i32 to vector<16xi32>
      %add3A_430 = arith.addi %xor3A_424, %add3A_429 : vector<16xi32>
      %select_n3A_431 = arith.select %lt3A_427, %add3A_430, %xor3A_424 : vector<16xi1>, vector<16xi32>
      %broadcast_in_dim3A_432 = vector.shape_cast %select_n3A_431 : vector<16xi32> to vector<16x1xi32>
      %gather3A_433 = vector.shape_cast %broadcast_in_dim3A_432 : vector<16x1xi32> to vector<16xi32>
      %gather3A_434 = tpu.dynamic_gather %scan3A_359#1[%gather3A_433] in [0] : vector<16xf32>, vector<16xi32> -> vector<16xf32>
      %min3A_435 = arith.minimumf %scan3A_359#1, %gather3A_434 : vector<16xf32>
      %xor3A_436 = arith.constant 4 : i32
      %xor3A_437 = vector.broadcast %xor3A_436 : i32 to vector<16xi32>
      %xor3A_438 = arith.xori %iota3A_20, %xor3A_437 : vector<16xi32>
      %lt3A_439 = arith.constant 0 : i32
      %lt3A_440 = vector.broadcast %lt3A_439 : i32 to vector<16xi32>
      %lt3A_441 = arith.cmpi slt, %xor3A_438, %lt3A_440 : vector<16xi32>
      %add3A_442 = arith.constant 16 : i32
      %add3A_443 = vector.broadcast %add3A_442 : i32 to vector<16xi32>
      %add3A_444 = arith.addi %xor3A_438, %add3A_443 : vector<16xi32>
      %select_n3A_445 = arith.select %lt3A_441, %add3A_444, %xor3A_438 : vector<16xi1>, vector<16xi32>
      %broadcast_in_dim3A_446 = vector.shape_cast %select_n3A_445 : vector<16xi32> to vector<16x1xi32>
      %gather3A_447 = vector.shape_cast %broadcast_in_dim3A_446 : vector<16x1xi32> to vector<16xi32>
      %gather3A_448 = tpu.dynamic_gather %min3A_435[%gather3A_447] in [0] : vector<16xf32>, vector<16xi32> -> vector<16xf32>
      %min3A_449 = arith.minimumf %min3A_435, %gather3A_448 : vector<16xf32>
      %xor3A_450 = arith.constant 2 : i32
      %xor3A_451 = vector.broadcast %xor3A_450 : i32 to vector<16xi32>
      %xor3A_452 = arith.xori %iota3A_20, %xor3A_451 : vector<16xi32>
      %lt3A_453 = arith.constant 0 : i32
      %lt3A_454 = vector.broadcast %lt3A_453 : i32 to vector<16xi32>
      %lt3A_455 = arith.cmpi slt, %xor3A_452, %lt3A_454 : vector<16xi32>
      %add3A_456 = arith.constant 16 : i32
      %add3A_457 = vector.broadcast %add3A_456 : i32 to vector<16xi32>
      %add3A_458 = arith.addi %xor3A_452, %add3A_457 : vector<16xi32>
      %select_n3A_459 = arith.select %lt3A_455, %add3A_458, %xor3A_452 : vector<16xi1>, vector<16xi32>
      %broadcast_in_dim3A_460 = vector.shape_cast %select_n3A_459 : vector<16xi32> to vector<16x1xi32>
      %gather3A_461 = vector.shape_cast %broadcast_in_dim3A_460 : vector<16x1xi32> to vector<16xi32>
      %gather3A_462 = tpu.dynamic_gather %min3A_449[%gather3A_461] in [0] : vector<16xf32>, vector<16xi32> -> vector<16xf32>
      %min3A_463 = arith.minimumf %min3A_449, %gather3A_462 : vector<16xf32>
      %xor3A_464 = arith.constant 1 : i32
      %xor3A_465 = vector.broadcast %xor3A_464 : i32 to vector<16xi32>
      %xor3A_466 = arith.xori %iota3A_20, %xor3A_465 : vector<16xi32>
      %lt3A_467 = arith.constant 0 : i32
      %lt3A_468 = vector.broadcast %lt3A_467 : i32 to vector<16xi32>
      %lt3A_469 = arith.cmpi slt, %xor3A_466, %lt3A_468 : vector<16xi32>
      %add3A_470 = arith.constant 16 : i32
      %add3A_471 = vector.broadcast %add3A_470 : i32 to vector<16xi32>
      %add3A_472 = arith.addi %xor3A_466, %add3A_471 : vector<16xi32>
      %select_n3A_473 = arith.select %lt3A_469, %add3A_472, %xor3A_466 : vector<16xi1>, vector<16xi32>
      %broadcast_in_dim3A_474 = vector.shape_cast %select_n3A_473 : vector<16xi32> to vector<16x1xi32>
      %gather3A_475 = vector.shape_cast %broadcast_in_dim3A_474 : vector<16x1xi32> to vector<16xi32>
      %gather3A_476 = tpu.dynamic_gather %min3A_463[%gather3A_475] in [0] : vector<16xf32>, vector<16xi32> -> vector<16xf32>
      %min3A_477 = arith.minimumf %min3A_463, %gather3A_476 : vector<16xf32>
      %select_n3A_478 = arith.select %eq3A_421, %min3A_477, %select_n3A_418 : vector<16xi1>, vector<16xf32>
      %broadcast_in_dim3A_479 = arith.constant 2 : i32
      %broadcast_in_dim3A_480 = vector.broadcast %broadcast_in_dim3A_479 : i32 to vector<16xi32>
      %lt3A_481 = arith.constant 0 : i32
      %lt3A_482 = vector.broadcast %lt3A_481 : i32 to vector<16xi32>
      %lt3A_483 = arith.cmpi slt, %broadcast_in_dim3A_480, %lt3A_482 : vector<16xi32>
      %add3A_484 = arith.constant 16 : i32
      %add3A_485 = vector.broadcast %add3A_484 : i32 to vector<16xi32>
      %add3A_486 = arith.addi %broadcast_in_dim3A_480, %add3A_485 : vector<16xi32>
      %select_n3A_487 = arith.select %lt3A_483, %add3A_486, %broadcast_in_dim3A_480 : vector<16xi1>, vector<16xi32>
      %broadcast_in_dim3A_488 = vector.shape_cast %select_n3A_487 : vector<16xi32> to vector<16x1xi32>
      %gather3A_489 = vector.shape_cast %broadcast_in_dim3A_488 : vector<16x1xi32> to vector<16xi32>
      %gather3A_490 = tpu.dynamic_gather %bitcast_convert_type3A_222[%gather3A_489] in [0] : vector<16xf32>, vector<16xi32> -> vector<16xf32>
      %broadcast_in_dim3A_491 = arith.constant 2 : i32
      %broadcast_in_dim3A_492 = vector.broadcast %broadcast_in_dim3A_491 : i32 to vector<16xi32>
      %lt3A_493 = arith.constant 0 : i32
      %lt3A_494 = vector.broadcast %lt3A_493 : i32 to vector<16xi32>
      %lt3A_495 = arith.cmpi slt, %broadcast_in_dim3A_492, %lt3A_494 : vector<16xi32>
      %add3A_496 = arith.constant 16 : i32
      %add3A_497 = vector.broadcast %add3A_496 : i32 to vector<16xi32>
      %add3A_498 = arith.addi %broadcast_in_dim3A_492, %add3A_497 : vector<16xi32>
      %select_n3A_499 = arith.select %lt3A_495, %add3A_498, %broadcast_in_dim3A_492 : vector<16xi1>, vector<16xi32>
      %broadcast_in_dim3A_500 = vector.shape_cast %select_n3A_499 : vector<16xi32> to vector<16x1xi32>
      %gather3A_501 = vector.shape_cast %broadcast_in_dim3A_500 : vector<16x1xi32> to vector<16xi32>
      %gather3A_502 = tpu.dynamic_gather %bitcast_convert_type3A_237[%gather3A_501] in [0] : vector<16xf32>, vector<16xi32> -> vector<16xf32>
      %broadcast_in_dim3A_503 = arith.constant 2 : i32
      %broadcast_in_dim3A_504 = vector.broadcast %broadcast_in_dim3A_503 : i32 to vector<16xi32>
      %lt3A_505 = arith.constant 0 : i32
      %lt3A_506 = vector.broadcast %lt3A_505 : i32 to vector<16xi32>
      %lt3A_507 = arith.cmpi slt, %broadcast_in_dim3A_504, %lt3A_506 : vector<16xi32>
      %add3A_508 = arith.constant 16 : i32
      %add3A_509 = vector.broadcast %add3A_508 : i32 to vector<16xi32>
      %add3A_510 = arith.addi %broadcast_in_dim3A_504, %add3A_509 : vector<16xi32>
      %select_n3A_511 = arith.select %lt3A_507, %add3A_510, %broadcast_in_dim3A_504 : vector<16xi1>, vector<16xi32>
      %broadcast_in_dim3A_512 = vector.shape_cast %select_n3A_511 : vector<16xi32> to vector<16x1xi32>
      %gather3A_513 = vector.shape_cast %broadcast_in_dim3A_512 : vector<16x1xi32> to vector<16xi32>
      %gather3A_514 = tpu.dynamic_gather %bitcast_convert_type3A_252[%gather3A_513] in [0] : vector<16xf32>, vector<16xi32> -> vector<16xf32>
      %broadcast_in_dim3A_515 = arith.constant 2 : i32
      %broadcast_in_dim3A_516 = vector.broadcast %broadcast_in_dim3A_515 : i32 to vector<16xi32>
      %lt3A_517 = arith.constant 0 : i32
      %lt3A_518 = vector.broadcast %lt3A_517 : i32 to vector<16xi32>
      %lt3A_519 = arith.cmpi slt, %broadcast_in_dim3A_516, %lt3A_518 : vector<16xi32>
      %add3A_520 = arith.constant 16 : i32
      %add3A_521 = vector.broadcast %add3A_520 : i32 to vector<16xi32>
      %add3A_522 = arith.addi %broadcast_in_dim3A_516, %add3A_521 : vector<16xi32>
      %select_n3A_523 = arith.select %lt3A_519, %add3A_522, %broadcast_in_dim3A_516 : vector<16xi1>, vector<16xi32>
      %broadcast_in_dim3A_524 = vector.shape_cast %select_n3A_523 : vector<16xi32> to vector<16x1xi32>
      %gather3A_525 = vector.shape_cast %broadcast_in_dim3A_524 : vector<16x1xi32> to vector<16xi32>
      %gather3A_526 = tpu.dynamic_gather %add3A_208[%gather3A_525] in [0] : vector<16xf32>, vector<16xi32> -> vector<16xf32>
      %broadcast_in_dim3A_527 = arith.constant 3 : i32
      %broadcast_in_dim3A_528 = vector.broadcast %broadcast_in_dim3A_527 : i32 to vector<16xi32>
      %lt3A_529 = arith.constant 0 : i32
      %lt3A_530 = vector.broadcast %lt3A_529 : i32 to vector<16xi32>
      %lt3A_531 = arith.cmpi slt, %broadcast_in_dim3A_528, %lt3A_530 : vector<16xi32>
      %add3A_532 = arith.constant 16 : i32
      %add3A_533 = vector.broadcast %add3A_532 : i32 to vector<16xi32>
      %add3A_534 = arith.addi %broadcast_in_dim3A_528, %add3A_533 : vector<16xi32>
      %select_n3A_535 = arith.select %lt3A_531, %add3A_534, %broadcast_in_dim3A_528 : vector<16xi1>, vector<16xi32>
      %broadcast_in_dim3A_536 = vector.shape_cast %select_n3A_535 : vector<16xi32> to vector<16x1xi32>
      %gather3A_537 = vector.shape_cast %broadcast_in_dim3A_536 : vector<16x1xi32> to vector<16xi32>
      %gather3A_538 = tpu.dynamic_gather %bitcast_convert_type3A_222[%gather3A_537] in [0] : vector<16xf32>, vector<16xi32> -> vector<16xf32>
      %broadcast_in_dim3A_539 = arith.constant 3 : i32
      %broadcast_in_dim3A_540 = vector.broadcast %broadcast_in_dim3A_539 : i32 to vector<16xi32>
      %lt3A_541 = arith.constant 0 : i32
      %lt3A_542 = vector.broadcast %lt3A_541 : i32 to vector<16xi32>
      %lt3A_543 = arith.cmpi slt, %broadcast_in_dim3A_540, %lt3A_542 : vector<16xi32>
      %add3A_544 = arith.constant 16 : i32
      %add3A_545 = vector.broadcast %add3A_544 : i32 to vector<16xi32>
      %add3A_546 = arith.addi %broadcast_in_dim3A_540, %add3A_545 : vector<16xi32>
      %select_n3A_547 = arith.select %lt3A_543, %add3A_546, %broadcast_in_dim3A_540 : vector<16xi1>, vector<16xi32>
      %broadcast_in_dim3A_548 = vector.shape_cast %select_n3A_547 : vector<16xi32> to vector<16x1xi32>
      %gather3A_549 = vector.shape_cast %broadcast_in_dim3A_548 : vector<16x1xi32> to vector<16xi32>
      %gather3A_550 = tpu.dynamic_gather %bitcast_convert_type3A_237[%gather3A_549] in [0] : vector<16xf32>, vector<16xi32> -> vector<16xf32>
      %broadcast_in_dim3A_551 = arith.constant 3 : i32
      %broadcast_in_dim3A_552 = vector.broadcast %broadcast_in_dim3A_551 : i32 to vector<16xi32>
      %lt3A_553 = arith.constant 0 : i32
      %lt3A_554 = vector.broadcast %lt3A_553 : i32 to vector<16xi32>
      %lt3A_555 = arith.cmpi slt, %broadcast_in_dim3A_552, %lt3A_554 : vector<16xi32>
      %add3A_556 = arith.constant 16 : i32
      %add3A_557 = vector.broadcast %add3A_556 : i32 to vector<16xi32>
      %add3A_558 = arith.addi %broadcast_in_dim3A_552, %add3A_557 : vector<16xi32>
      %select_n3A_559 = arith.select %lt3A_555, %add3A_558, %broadcast_in_dim3A_552 : vector<16xi1>, vector<16xi32>
      %broadcast_in_dim3A_560 = vector.shape_cast %select_n3A_559 : vector<16xi32> to vector<16x1xi32>
      %gather3A_561 = vector.shape_cast %broadcast_in_dim3A_560 : vector<16x1xi32> to vector<16xi32>
      %gather3A_562 = tpu.dynamic_gather %bitcast_convert_type3A_252[%gather3A_561] in [0] : vector<16xf32>, vector<16xi32> -> vector<16xf32>
      %broadcast_in_dim3A_563 = arith.constant 3 : i32
      %broadcast_in_dim3A_564 = vector.broadcast %broadcast_in_dim3A_563 : i32 to vector<16xi32>
      %lt3A_565 = arith.constant 0 : i32
      %lt3A_566 = vector.broadcast %lt3A_565 : i32 to vector<16xi32>
      %lt3A_567 = arith.cmpi slt, %broadcast_in_dim3A_564, %lt3A_566 : vector<16xi32>
      %add3A_568 = arith.constant 16 : i32
      %add3A_569 = vector.broadcast %add3A_568 : i32 to vector<16xi32>
      %add3A_570 = arith.addi %broadcast_in_dim3A_564, %add3A_569 : vector<16xi32>
      %select_n3A_571 = arith.select %lt3A_567, %add3A_570, %broadcast_in_dim3A_564 : vector<16xi1>, vector<16xi32>
      %broadcast_in_dim3A_572 = vector.shape_cast %select_n3A_571 : vector<16xi32> to vector<16x1xi32>
      %gather3A_573 = vector.shape_cast %broadcast_in_dim3A_572 : vector<16x1xi32> to vector<16xi32>
      %gather3A_574 = tpu.dynamic_gather %add3A_208[%gather3A_573] in [0] : vector<16xf32>, vector<16xi32> -> vector<16xf32>
      %broadcast_in_dim3A_575 = arith.constant 1.000000e+30 : f32
      %broadcast_in_dim3A_576 = vector.broadcast %broadcast_in_dim3A_575 : f32 to vector<16xf32>
      %broadcast_in_dim3A_577 = arith.constant 1.000000e+30 : f32
      %broadcast_in_dim3A_578 = vector.broadcast %broadcast_in_dim3A_577 : f32 to vector<16xf32>
      %scan3A_579 = arith.constant 0 : i32
      %scan3A_580 = arith.constant 128 : i32
      %scan3A_581 = arith.addi %scan3A_579, %scan3A_580 : i32
      %scan3A_582 = arith.constant 1 : i32
      %scan3A_583:2 = scf.for %scan3A_2093 = %scan3A_579 to %scan3A_581 step %scan3A_582 iter_args(%scan3A_2094 = %broadcast_in_dim3A_576, %scan3A_2095 = %broadcast_in_dim3A_578) -> (vector<16xf32>, vector<16xf32>)  : i32 {
        %mul3A_2096 = arith.constant 16 : i32
        %mul3A_2097 = arith.muli %scan3A_2093, %mul3A_2096 : i32
        %get3A_2098 = arith.constant 0 : i32
        %get3A_2099 = arith.index_cast %get3A_2098 : i32 to index
        %get3A_2100 = arith.index_cast %mul3A_2097 : i32 to index
        %get3A_2101 = tpu.vector_load %arg6[%get3A_2099, %get3A_2100] {strides = array<i32>} : memref<4x2048xf32, #tpu.memory_space<vmem>>, vector<1x16xf32>,
        %get3A_2102 = vector.shape_cast %get3A_2101 : vector<1x16xf32> to vector<16xf32>
        %get3A_2103 = arith.constant 1 : i32
        %get3A_2104 = arith.index_cast %get3A_2103 : i32 to index
        %get3A_2105 = arith.index_cast %mul3A_2097 : i32 to index
        %get3A_2106 = tpu.vector_load %arg6[%get3A_2104, %get3A_2105] {strides = array<i32>} : memref<4x2048xf32, #tpu.memory_space<vmem>>, vector<1x16xf32>,
        %get3A_2107 = vector.shape_cast %get3A_2106 : vector<1x16xf32> to vector<16xf32>
        %get3A_2108 = arith.constant 2 : i32
        %get3A_2109 = arith.index_cast %get3A_2108 : i32 to index
        %get3A_2110 = arith.index_cast %mul3A_2097 : i32 to index
        %get3A_2111 = tpu.vector_load %arg6[%get3A_2109, %get3A_2110] {strides = array<i32>} : memref<4x2048xf32, #tpu.memory_space<vmem>>, vector<1x16xf32>,
        %get3A_2112 = vector.shape_cast %get3A_2111 : vector<1x16xf32> to vector<16xf32>
        %get3A_2113 = arith.constant 3 : i32
        %get3A_2114 = arith.index_cast %get3A_2113 : i32 to index
        %get3A_2115 = arith.index_cast %mul3A_2097 : i32 to index
        %get3A_2116 = tpu.vector_load %arg6[%get3A_2114, %get3A_2115] {strides = array<i32>} : memref<4x2048xf32, #tpu.memory_space<vmem>>, vector<1x16xf32>,
        %get3A_2117 = vector.shape_cast %get3A_2116 : vector<1x16xf32> to vector<16xf32>
        %mul3A_2118 = arith.mulf %get3A_2102, %gather3A_490 : vector<16xf32>
        %mul3A_2119 = arith.mulf %get3A_2107, %gather3A_502 : vector<16xf32>
        %add3A_2120 = arith.addf %mul3A_2118, %mul3A_2119 : vector<16xf32>
        %mul3A_2121 = arith.mulf %get3A_2112, %gather3A_514 : vector<16xf32>
        %add3A_2122 = arith.addf %add3A_2120, %mul3A_2121 : vector<16xf32>
        %add3A_2123 = arith.addf %gather3A_526, %get3A_2117 : vector<16xf32>
        %add3A_2124 = arith.addf %add3A_2123, %add3A_2122 : vector<16xf32>
        %min3A_2125 = arith.minimumf %scan3A_2094, %add3A_2124 : vector<16xf32>
        %mul3A_2126 = arith.mulf %get3A_2102, %gather3A_538 : vector<16xf32>
        %mul3A_2127 = arith.mulf %get3A_2107, %gather3A_550 : vector<16xf32>
        %add3A_2128 = arith.addf %mul3A_2126, %mul3A_2127 : vector<16xf32>
        %mul3A_2129 = arith.mulf %get3A_2112, %gather3A_562 : vector<16xf32>
        %add3A_2130 = arith.addf %add3A_2128, %mul3A_2129 : vector<16xf32>
        %add3A_2131 = arith.addf %gather3A_574, %get3A_2117 : vector<16xf32>
        %add3A_2132 = arith.addf %add3A_2131, %add3A_2130 : vector<16xf32>
        %min3A_2133 = arith.minimumf %scan3A_2095, %add3A_2132 : vector<16xf32>
        scf.yield %min3A_2125, %min3A_2133 : vector<16xf32>, vector<16xf32>
      }
      %scan3A_584 = arith.constant 128 : i32
      %eq3A_585 = arith.constant 2 : i32
      %eq3A_586 = vector.broadcast %eq3A_585 : i32 to vector<16xi32>
      %eq3A_587 = arith.cmpi eq, %iota3A_20, %eq3A_586 : vector<16xi32>
      %xor3A_588 = arith.constant 8 : i32
      %xor3A_589 = vector.broadcast %xor3A_588 : i32 to vector<16xi32>
      %xor3A_590 = arith.xori %iota3A_20, %xor3A_589 : vector<16xi32>
      %lt3A_591 = arith.constant 0 : i32
      %lt3A_592 = vector.broadcast %lt3A_591 : i32 to vector<16xi32>
      %lt3A_593 = arith.cmpi slt, %xor3A_590, %lt3A_592 : vector<16xi32>
      %add3A_594 = arith.constant 16 : i32
      %add3A_595 = vector.broadcast %add3A_594 : i32 to vector<16xi32>
      %add3A_596 = arith.addi %xor3A_590, %add3A_595 : vector<16xi32>
      %select_n3A_597 = arith.select %lt3A_593, %add3A_596, %xor3A_590 : vector<16xi1>, vector<16xi32>
      %broadcast_in_dim3A_598 = vector.shape_cast %select_n3A_597 : vector<16xi32> to vector<16x1xi32>
      %gather3A_599 = vector.shape_cast %broadcast_in_dim3A_598 : vector<16x1xi32> to vector<16xi32>
      %gather3A_600 = tpu.dynamic_gather %scan3A_583#0[%gather3A_599] in [0] : vector<16xf32>, vector<16xi32> -> vector<16xf32>
      %min3A_601 = arith.minimumf %scan3A_583#0, %gather3A_600 : vector<16xf32>
      %xor3A_602 = arith.constant 4 : i32
      %xor3A_603 = vector.broadcast %xor3A_602 : i32 to vector<16xi32>
      %xor3A_604 = arith.xori %iota3A_20, %xor3A_603 : vector<16xi32>
      %lt3A_605 = arith.constant 0 : i32
      %lt3A_606 = vector.broadcast %lt3A_605 : i32 to vector<16xi32>
      %lt3A_607 = arith.cmpi slt, %xor3A_604, %lt3A_606 : vector<16xi32>
      %add3A_608 = arith.constant 16 : i32
      %add3A_609 = vector.broadcast %add3A_608 : i32 to vector<16xi32>
      %add3A_610 = arith.addi %xor3A_604, %add3A_609 : vector<16xi32>
      %select_n3A_611 = arith.select %lt3A_607, %add3A_610, %xor3A_604 : vector<16xi1>, vector<16xi32>
      %broadcast_in_dim3A_612 = vector.shape_cast %select_n3A_611 : vector<16xi32> to vector<16x1xi32>
      %gather3A_613 = vector.shape_cast %broadcast_in_dim3A_612 : vector<16x1xi32> to vector<16xi32>
      %gather3A_614 = tpu.dynamic_gather %min3A_601[%gather3A_613] in [0] : vector<16xf32>, vector<16xi32> -> vector<16xf32>
      %min3A_615 = arith.minimumf %min3A_601, %gather3A_614 : vector<16xf32>
      %xor3A_616 = arith.constant 2 : i32
      %xor3A_617 = vector.broadcast %xor3A_616 : i32 to vector<16xi32>
      %xor3A_618 = arith.xori %iota3A_20, %xor3A_617 : vector<16xi32>
      %lt3A_619 = arith.constant 0 : i32
      %lt3A_620 = vector.broadcast %lt3A_619 : i32 to vector<16xi32>
      %lt3A_621 = arith.cmpi slt, %xor3A_618, %lt3A_620 : vector<16xi32>
      %add3A_622 = arith.constant 16 : i32
      %add3A_623 = vector.broadcast %add3A_622 : i32 to vector<16xi32>
      %add3A_624 = arith.addi %xor3A_618, %add3A_623 : vector<16xi32>
      %select_n3A_625 = arith.select %lt3A_621, %add3A_624, %xor3A_618 : vector<16xi1>, vector<16xi32>
      %broadcast_in_dim3A_626 = vector.shape_cast %select_n3A_625 : vector<16xi32> to vector<16x1xi32>
      %gather3A_627 = vector.shape_cast %broadcast_in_dim3A_626 : vector<16x1xi32> to vector<16xi32>
      %gather3A_628 = tpu.dynamic_gather %min3A_615[%gather3A_627] in [0] : vector<16xf32>, vector<16xi32> -> vector<16xf32>
      %min3A_629 = arith.minimumf %min3A_615, %gather3A_628 : vector<16xf32>
      %xor3A_630 = arith.constant 1 : i32
      %xor3A_631 = vector.broadcast %xor3A_630 : i32 to vector<16xi32>
      %xor3A_632 = arith.xori %iota3A_20, %xor3A_631 : vector<16xi32>
      %lt3A_633 = arith.constant 0 : i32
      %lt3A_634 = vector.broadcast %lt3A_633 : i32 to vector<16xi32>
      %lt3A_635 = arith.cmpi slt, %xor3A_632, %lt3A_634 : vector<16xi32>
      %add3A_636 = arith.constant 16 : i32
      %add3A_637 = vector.broadcast %add3A_636 : i32 to vector<16xi32>
      %add3A_638 = arith.addi %xor3A_632, %add3A_637 : vector<16xi32>
      %select_n3A_639 = arith.select %lt3A_635, %add3A_638, %xor3A_632 : vector<16xi1>, vector<16xi32>
      %broadcast_in_dim3A_640 = vector.shape_cast %select_n3A_639 : vector<16xi32> to vector<16x1xi32>
      %gather3A_641 = vector.shape_cast %broadcast_in_dim3A_640 : vector<16x1xi32> to vector<16xi32>
      %gather3A_642 = tpu.dynamic_gather %min3A_629[%gather3A_641] in [0] : vector<16xf32>, vector<16xi32> -> vector<16xf32>
      %min3A_643 = arith.minimumf %min3A_629, %gather3A_642 : vector<16xf32>
      %select_n3A_644 = arith.select %eq3A_587, %min3A_643, %select_n3A_478 : vector<16xi1>, vector<16xf32>
      %eq3A_645 = arith.constant 3 : i32
      %eq3A_646 = vector.broadcast %eq3A_645 : i32 to vector<16xi32>
      %eq3A_647 = arith.cmpi eq, %iota3A_20, %eq3A_646 : vector<16xi32>
      %xor3A_648 = arith.constant 8 : i32
      %xor3A_649 = vector.broadcast %xor3A_648 : i32 to vector<16xi32>
      %xor3A_650 = arith.xori %iota3A_20, %xor3A_649 : vector<16xi32>
      %lt3A_651 = arith.constant 0 : i32
      %lt3A_652 = vector.broadcast %lt3A_651 : i32 to vector<16xi32>
      %lt3A_653 = arith.cmpi slt, %xor3A_650, %lt3A_652 : vector<16xi32>
      %add3A_654 = arith.constant 16 : i32
      %add3A_655 = vector.broadcast %add3A_654 : i32 to vector<16xi32>
      %add3A_656 = arith.addi %xor3A_650, %add3A_655 : vector<16xi32>
      %select_n3A_657 = arith.select %lt3A_653, %add3A_656, %xor3A_650 : vector<16xi1>, vector<16xi32>
      %broadcast_in_dim3A_658 = vector.shape_cast %select_n3A_657 : vector<16xi32> to vector<16x1xi32>
      %gather3A_659 = vector.shape_cast %broadcast_in_dim3A_658 : vector<16x1xi32> to vector<16xi32>
      %gather3A_660 = tpu.dynamic_gather %scan3A_583#1[%gather3A_659] in [0] : vector<16xf32>, vector<16xi32> -> vector<16xf32>
      %min3A_661 = arith.minimumf %scan3A_583#1, %gather3A_660 : vector<16xf32>
      %xor3A_662 = arith.constant 4 : i32
      %xor3A_663 = vector.broadcast %xor3A_662 : i32 to vector<16xi32>
      %xor3A_664 = arith.xori %iota3A_20, %xor3A_663 : vector<16xi32>
      %lt3A_665 = arith.constant 0 : i32
      %lt3A_666 = vector.broadcast %lt3A_665 : i32 to vector<16xi32>
      %lt3A_667 = arith.cmpi slt, %xor3A_664, %lt3A_666 : vector<16xi32>
      %add3A_668 = arith.constant 16 : i32
      %add3A_669 = vector.broadcast %add3A_668 : i32 to vector<16xi32>
      %add3A_670 = arith.addi %xor3A_664, %add3A_669 : vector<16xi32>
      %select_n3A_671 = arith.select %lt3A_667, %add3A_670, %xor3A_664 : vector<16xi1>, vector<16xi32>
      %broadcast_in_dim3A_672 = vector.shape_cast %select_n3A_671 : vector<16xi32> to vector<16x1xi32>
      %gather3A_673 = vector.shape_cast %broadcast_in_dim3A_672 : vector<16x1xi32> to vector<16xi32>
      %gather3A_674 = tpu.dynamic_gather %min3A_661[%gather3A_673] in [0] : vector<16xf32>, vector<16xi32> -> vector<16xf32>
      %min3A_675 = arith.minimumf %min3A_661, %gather3A_674 : vector<16xf32>
      %xor3A_676 = arith.constant 2 : i32
      %xor3A_677 = vector.broadcast %xor3A_676 : i32 to vector<16xi32>
      %xor3A_678 = arith.xori %iota3A_20, %xor3A_677 : vector<16xi32>
      %lt3A_679 = arith.constant 0 : i32
      %lt3A_680 = vector.broadcast %lt3A_679 : i32 to vector<16xi32>
      %lt3A_681 = arith.cmpi slt, %xor3A_678, %lt3A_680 : vector<16xi32>
      %add3A_682 = arith.constant 16 : i32
      %add3A_683 = vector.broadcast %add3A_682 : i32 to vector<16xi32>
      %add3A_684 = arith.addi %xor3A_678, %add3A_683 : vector<16xi32>
      %select_n3A_685 = arith.select %lt3A_681, %add3A_684, %xor3A_678 : vector<16xi1>, vector<16xi32>
      %broadcast_in_dim3A_686 = vector.shape_cast %select_n3A_685 : vector<16xi32> to vector<16x1xi32>
      %gather3A_687 = vector.shape_cast %broadcast_in_dim3A_686 : vector<16x1xi32> to vector<16xi32>
      %gather3A_688 = tpu.dynamic_gather %min3A_675[%gather3A_687] in [0] : vector<16xf32>, vector<16xi32> -> vector<16xf32>
      %min3A_689 = arith.minimumf %min3A_675, %gather3A_688 : vector<16xf32>
      %xor3A_690 = arith.constant 1 : i32
      %xor3A_691 = vector.broadcast %xor3A_690 : i32 to vector<16xi32>
      %xor3A_692 = arith.xori %iota3A_20, %xor3A_691 : vector<16xi32>
      %lt3A_693 = arith.constant 0 : i32
      %lt3A_694 = vector.broadcast %lt3A_693 : i32 to vector<16xi32>
      %lt3A_695 = arith.cmpi slt, %xor3A_692, %lt3A_694 : vector<16xi32>
      %add3A_696 = arith.constant 16 : i32
      %add3A_697 = vector.broadcast %add3A_696 : i32 to vector<16xi32>
      %add3A_698 = arith.addi %xor3A_692, %add3A_697 : vector<16xi32>
      %select_n3A_699 = arith.select %lt3A_695, %add3A_698, %xor3A_692 : vector<16xi1>, vector<16xi32>
      %broadcast_in_dim3A_700 = vector.shape_cast %select_n3A_699 : vector<16xi32> to vector<16x1xi32>
      %gather3A_701 = vector.shape_cast %broadcast_in_dim3A_700 : vector<16x1xi32> to vector<16xi32>
      %gather3A_702 = tpu.dynamic_gather %min3A_689[%gather3A_701] in [0] : vector<16xf32>, vector<16xi32> -> vector<16xf32>
      %min3A_703 = arith.minimumf %min3A_689, %gather3A_702 : vector<16xf32>
      %select_n3A_704 = arith.select %eq3A_647, %min3A_703, %select_n3A_644 : vector<16xi1>, vector<16xf32>
      %broadcast_in_dim3A_705 = arith.constant 4 : i32
      %broadcast_in_dim3A_706 = vector.broadcast %broadcast_in_dim3A_705 : i32 to vector<16xi32>
      %lt3A_707 = arith.constant 0 : i32
      %lt3A_708 = vector.broadcast %lt3A_707 : i32 to vector<16xi32>
      %lt3A_709 = arith.cmpi slt, %broadcast_in_dim3A_706, %lt3A_708 : vector<16xi32>
      %add3A_710 = arith.constant 16 : i32
      %add3A_711 = vector.broadcast %add3A_710 : i32 to vector<16xi32>
      %add3A_712 = arith.addi %broadcast_in_dim3A_706, %add3A_711 : vector<16xi32>
      %select_n3A_713 = arith.select %lt3A_709, %add3A_712, %broadcast_in_dim3A_706 : vector<16xi1>, vector<16xi32>
      %broadcast_in_dim3A_714 = vector.shape_cast %select_n3A_713 : vector<16xi32> to vector<16x1xi32>
      %gather3A_715 = vector.shape_cast %broadcast_in_dim3A_714 : vector<16x1xi32> to vector<16xi32>
      %gather3A_716 = tpu.dynamic_gather %bitcast_convert_type3A_222[%gather3A_715] in [0] : vector<16xf32>, vector<16xi32> -> vector<16xf32>
      %broadcast_in_dim3A_717 = arith.constant 4 : i32
      %broadcast_in_dim3A_718 = vector.broadcast %broadcast_in_dim3A_717 : i32 to vector<16xi32>
      %lt3A_719 = arith.constant 0 : i32
      %lt3A_720 = vector.broadcast %lt3A_719 : i32 to vector<16xi32>
      %lt3A_721 = arith.cmpi slt, %broadcast_in_dim3A_718, %lt3A_720 : vector<16xi32>
      %add3A_722 = arith.constant 16 : i32
      %add3A_723 = vector.broadcast %add3A_722 : i32 to vector<16xi32>
      %add3A_724 = arith.addi %broadcast_in_dim3A_718, %add3A_723 : vector<16xi32>
      %select_n3A_725 = arith.select %lt3A_721, %add3A_724, %broadcast_in_dim3A_718 : vector<16xi1>, vector<16xi32>
      %broadcast_in_dim3A_726 = vector.shape_cast %select_n3A_725 : vector<16xi32> to vector<16x1xi32>
      %gather3A_727 = vector.shape_cast %broadcast_in_dim3A_726 : vector<16x1xi32> to vector<16xi32>
      %gather3A_728 = tpu.dynamic_gather %bitcast_convert_type3A_237[%gather3A_727] in [0] : vector<16xf32>, vector<16xi32> -> vector<16xf32>
      %broadcast_in_dim3A_729 = arith.constant 4 : i32
      %broadcast_in_dim3A_730 = vector.broadcast %broadcast_in_dim3A_729 : i32 to vector<16xi32>
      %lt3A_731 = arith.constant 0 : i32
      %lt3A_732 = vector.broadcast %lt3A_731 : i32 to vector<16xi32>
      %lt3A_733 = arith.cmpi slt, %broadcast_in_dim3A_730, %lt3A_732 : vector<16xi32>
      %add3A_734 = arith.constant 16 : i32
      %add3A_735 = vector.broadcast %add3A_734 : i32 to vector<16xi32>
      %add3A_736 = arith.addi %broadcast_in_dim3A_730, %add3A_735 : vector<16xi32>
      %select_n3A_737 = arith.select %lt3A_733, %add3A_736, %broadcast_in_dim3A_730 : vector<16xi1>, vector<16xi32>
      %broadcast_in_dim3A_738 = vector.shape_cast %select_n3A_737 : vector<16xi32> to vector<16x1xi32>
      %gather3A_739 = vector.shape_cast %broadcast_in_dim3A_738 : vector<16x1xi32> to vector<16xi32>
      %gather3A_740 = tpu.dynamic_gather %bitcast_convert_type3A_252[%gather3A_739] in [0] : vector<16xf32>, vector<16xi32> -> vector<16xf32>
      %broadcast_in_dim3A_741 = arith.constant 4 : i32
      %broadcast_in_dim3A_742 = vector.broadcast %broadcast_in_dim3A_741 : i32 to vector<16xi32>
      %lt3A_743 = arith.constant 0 : i32
      %lt3A_744 = vector.broadcast %lt3A_743 : i32 to vector<16xi32>
      %lt3A_745 = arith.cmpi slt, %broadcast_in_dim3A_742, %lt3A_744 : vector<16xi32>
      %add3A_746 = arith.constant 16 : i32
      %add3A_747 = vector.broadcast %add3A_746 : i32 to vector<16xi32>
      %add3A_748 = arith.addi %broadcast_in_dim3A_742, %add3A_747 : vector<16xi32>
      %select_n3A_749 = arith.select %lt3A_745, %add3A_748, %broadcast_in_dim3A_742 : vector<16xi1>, vector<16xi32>
      %broadcast_in_dim3A_750 = vector.shape_cast %select_n3A_749 : vector<16xi32> to vector<16x1xi32>
      %gather3A_751 = vector.shape_cast %broadcast_in_dim3A_750 : vector<16x1xi32> to vector<16xi32>
      %gather3A_752 = tpu.dynamic_gather %add3A_208[%gather3A_751] in [0] : vector<16xf32>, vector<16xi32> -> vector<16xf32>
      %broadcast_in_dim3A_753 = arith.constant 5 : i32
      %broadcast_in_dim3A_754 = vector.broadcast %broadcast_in_dim3A_753 : i32 to vector<16xi32>
      %lt3A_755 = arith.constant 0 : i32
      %lt3A_756 = vector.broadcast %lt3A_755 : i32 to vector<16xi32>
      %lt3A_757 = arith.cmpi slt, %broadcast_in_dim3A_754, %lt3A_756 : vector<16xi32>
      %add3A_758 = arith.constant 16 : i32
      %add3A_759 = vector.broadcast %add3A_758 : i32 to vector<16xi32>
      %add3A_760 = arith.addi %broadcast_in_dim3A_754, %add3A_759 : vector<16xi32>
      %select_n3A_761 = arith.select %lt3A_757, %add3A_760, %broadcast_in_dim3A_754 : vector<16xi1>, vector<16xi32>
      %broadcast_in_dim3A_762 = vector.shape_cast %select_n3A_761 : vector<16xi32> to vector<16x1xi32>
      %gather3A_763 = vector.shape_cast %broadcast_in_dim3A_762 : vector<16x1xi32> to vector<16xi32>
      %gather3A_764 = tpu.dynamic_gather %bitcast_convert_type3A_222[%gather3A_763] in [0] : vector<16xf32>, vector<16xi32> -> vector<16xf32>
      %broadcast_in_dim3A_765 = arith.constant 5 : i32
      %broadcast_in_dim3A_766 = vector.broadcast %broadcast_in_dim3A_765 : i32 to vector<16xi32>
      %lt3A_767 = arith.constant 0 : i32
      %lt3A_768 = vector.broadcast %lt3A_767 : i32 to vector<16xi32>
      %lt3A_769 = arith.cmpi slt, %broadcast_in_dim3A_766, %lt3A_768 : vector<16xi32>
      %add3A_770 = arith.constant 16 : i32
      %add3A_771 = vector.broadcast %add3A_770 : i32 to vector<16xi32>
      %add3A_772 = arith.addi %broadcast_in_dim3A_766, %add3A_771 : vector<16xi32>
      %select_n3A_773 = arith.select %lt3A_769, %add3A_772, %broadcast_in_dim3A_766 : vector<16xi1>, vector<16xi32>
      %broadcast_in_dim3A_774 = vector.shape_cast %select_n3A_773 : vector<16xi32> to vector<16x1xi32>
      %gather3A_775 = vector.shape_cast %broadcast_in_dim3A_774 : vector<16x1xi32> to vector<16xi32>
      %gather3A_776 = tpu.dynamic_gather %bitcast_convert_type3A_237[%gather3A_775] in [0] : vector<16xf32>, vector<16xi32> -> vector<16xf32>
      %broadcast_in_dim3A_777 = arith.constant 5 : i32
      %broadcast_in_dim3A_778 = vector.broadcast %broadcast_in_dim3A_777 : i32 to vector<16xi32>
      %lt3A_779 = arith.constant 0 : i32
      %lt3A_780 = vector.broadcast %lt3A_779 : i32 to vector<16xi32>
      %lt3A_781 = arith.cmpi slt, %broadcast_in_dim3A_778, %lt3A_780 : vector<16xi32>
      %add3A_782 = arith.constant 16 : i32
      %add3A_783 = vector.broadcast %add3A_782 : i32 to vector<16xi32>
      %add3A_784 = arith.addi %broadcast_in_dim3A_778, %add3A_783 : vector<16xi32>
      %select_n3A_785 = arith.select %lt3A_781, %add3A_784, %broadcast_in_dim3A_778 : vector<16xi1>, vector<16xi32>
      %broadcast_in_dim3A_786 = vector.shape_cast %select_n3A_785 : vector<16xi32> to vector<16x1xi32>
      %gather3A_787 = vector.shape_cast %broadcast_in_dim3A_786 : vector<16x1xi32> to vector<16xi32>
      %gather3A_788 = tpu.dynamic_gather %bitcast_convert_type3A_252[%gather3A_787] in [0] : vector<16xf32>, vector<16xi32> -> vector<16xf32>
      %broadcast_in_dim3A_789 = arith.constant 5 : i32
      %broadcast_in_dim3A_790 = vector.broadcast %broadcast_in_dim3A_789 : i32 to vector<16xi32>
      %lt3A_791 = arith.constant 0 : i32
      %lt3A_792 = vector.broadcast %lt3A_791 : i32 to vector<16xi32>
      %lt3A_793 = arith.cmpi slt, %broadcast_in_dim3A_790, %lt3A_792 : vector<16xi32>
      %add3A_794 = arith.constant 16 : i32
      %add3A_795 = vector.broadcast %add3A_794 : i32 to vector<16xi32>
      %add3A_796 = arith.addi %broadcast_in_dim3A_790, %add3A_795 : vector<16xi32>
      %select_n3A_797 = arith.select %lt3A_793, %add3A_796, %broadcast_in_dim3A_790 : vector<16xi1>, vector<16xi32>
      %broadcast_in_dim3A_798 = vector.shape_cast %select_n3A_797 : vector<16xi32> to vector<16x1xi32>
      %gather3A_799 = vector.shape_cast %broadcast_in_dim3A_798 : vector<16x1xi32> to vector<16xi32>
      %gather3A_800 = tpu.dynamic_gather %add3A_208[%gather3A_799] in [0] : vector<16xf32>, vector<16xi32> -> vector<16xf32>
      %broadcast_in_dim3A_801 = arith.constant 1.000000e+30 : f32
      %broadcast_in_dim3A_802 = vector.broadcast %broadcast_in_dim3A_801 : f32 to vector<16xf32>
      %broadcast_in_dim3A_803 = arith.constant 1.000000e+30 : f32
      %broadcast_in_dim3A_804 = vector.broadcast %broadcast_in_dim3A_803 : f32 to vector<16xf32>
      %scan3A_805 = arith.constant 0 : i32
      %scan3A_806 = arith.constant 128 : i32
      %scan3A_807 = arith.addi %scan3A_805, %scan3A_806 : i32
      %scan3A_808 = arith.constant 1 : i32
      %scan3A_809:2 = scf.for %scan3A_2093 = %scan3A_805 to %scan3A_807 step %scan3A_808 iter_args(%scan3A_2094 = %broadcast_in_dim3A_802, %scan3A_2095 = %broadcast_in_dim3A_804) -> (vector<16xf32>, vector<16xf32>)  : i32 {
        %mul3A_2096 = arith.constant 16 : i32
        %mul3A_2097 = arith.muli %scan3A_2093, %mul3A_2096 : i32
        %get3A_2098 = arith.constant 0 : i32
        %get3A_2099 = arith.index_cast %get3A_2098 : i32 to index
        %get3A_2100 = arith.index_cast %mul3A_2097 : i32 to index
        %get3A_2101 = tpu.vector_load %arg6[%get3A_2099, %get3A_2100] {strides = array<i32>} : memref<4x2048xf32, #tpu.memory_space<vmem>>, vector<1x16xf32>,
        %get3A_2102 = vector.shape_cast %get3A_2101 : vector<1x16xf32> to vector<16xf32>
        %get3A_2103 = arith.constant 1 : i32
        %get3A_2104 = arith.index_cast %get3A_2103 : i32 to index
        %get3A_2105 = arith.index_cast %mul3A_2097 : i32 to index
        %get3A_2106 = tpu.vector_load %arg6[%get3A_2104, %get3A_2105] {strides = array<i32>} : memref<4x2048xf32, #tpu.memory_space<vmem>>, vector<1x16xf32>,
        %get3A_2107 = vector.shape_cast %get3A_2106 : vector<1x16xf32> to vector<16xf32>
        %get3A_2108 = arith.constant 2 : i32
        %get3A_2109 = arith.index_cast %get3A_2108 : i32 to index
        %get3A_2110 = arith.index_cast %mul3A_2097 : i32 to index
        %get3A_2111 = tpu.vector_load %arg6[%get3A_2109, %get3A_2110] {strides = array<i32>} : memref<4x2048xf32, #tpu.memory_space<vmem>>, vector<1x16xf32>,
        %get3A_2112 = vector.shape_cast %get3A_2111 : vector<1x16xf32> to vector<16xf32>
        %get3A_2113 = arith.constant 3 : i32
        %get3A_2114 = arith.index_cast %get3A_2113 : i32 to index
        %get3A_2115 = arith.index_cast %mul3A_2097 : i32 to index
        %get3A_2116 = tpu.vector_load %arg6[%get3A_2114, %get3A_2115] {strides = array<i32>} : memref<4x2048xf32, #tpu.memory_space<vmem>>, vector<1x16xf32>,
        %get3A_2117 = vector.shape_cast %get3A_2116 : vector<1x16xf32> to vector<16xf32>
        %mul3A_2118 = arith.mulf %get3A_2102, %gather3A_716 : vector<16xf32>
        %mul3A_2119 = arith.mulf %get3A_2107, %gather3A_728 : vector<16xf32>
        %add3A_2120 = arith.addf %mul3A_2118, %mul3A_2119 : vector<16xf32>
        %mul3A_2121 = arith.mulf %get3A_2112, %gather3A_740 : vector<16xf32>
        %add3A_2122 = arith.addf %add3A_2120, %mul3A_2121 : vector<16xf32>
        %add3A_2123 = arith.addf %gather3A_752, %get3A_2117 : vector<16xf32>
        %add3A_2124 = arith.addf %add3A_2123, %add3A_2122 : vector<16xf32>
        %min3A_2125 = arith.minimumf %scan3A_2094, %add3A_2124 : vector<16xf32>
        %mul3A_2126 = arith.mulf %get3A_2102, %gather3A_764 : vector<16xf32>
        %mul3A_2127 = arith.mulf %get3A_2107, %gather3A_776 : vector<16xf32>
        %add3A_2128 = arith.addf %mul3A_2126, %mul3A_2127 : vector<16xf32>
        %mul3A_2129 = arith.mulf %get3A_2112, %gather3A_788 : vector<16xf32>
        %add3A_2130 = arith.addf %add3A_2128, %mul3A_2129 : vector<16xf32>
        %add3A_2131 = arith.addf %gather3A_800, %get3A_2117 : vector<16xf32>
        %add3A_2132 = arith.addf %add3A_2131, %add3A_2130 : vector<16xf32>
        %min3A_2133 = arith.minimumf %scan3A_2095, %add3A_2132 : vector<16xf32>
        scf.yield %min3A_2125, %min3A_2133 : vector<16xf32>, vector<16xf32>
      }
      %scan3A_810 = arith.constant 128 : i32
      %eq3A_811 = arith.constant 4 : i32
      %eq3A_812 = vector.broadcast %eq3A_811 : i32 to vector<16xi32>
      %eq3A_813 = arith.cmpi eq, %iota3A_20, %eq3A_812 : vector<16xi32>
      %xor3A_814 = arith.constant 8 : i32
      %xor3A_815 = vector.broadcast %xor3A_814 : i32 to vector<16xi32>
      %xor3A_816 = arith.xori %iota3A_20, %xor3A_815 : vector<16xi32>
      %lt3A_817 = arith.constant 0 : i32
      %lt3A_818 = vector.broadcast %lt3A_817 : i32 to vector<16xi32>
      %lt3A_819 = arith.cmpi slt, %xor3A_816, %lt3A_818 : vector<16xi32>
      %add3A_820 = arith.constant 16 : i32
      %add3A_821 = vector.broadcast %add3A_820 : i32 to vector<16xi32>
      %add3A_822 = arith.addi %xor3A_816, %add3A_821 : vector<16xi32>
      %select_n3A_823 = arith.select %lt3A_819, %add3A_822, %xor3A_816 : vector<16xi1>, vector<16xi32>
      %broadcast_in_dim3A_824 = vector.shape_cast %select_n3A_823 : vector<16xi32> to vector<16x1xi32>
      %gather3A_825 = vector.shape_cast %broadcast_in_dim3A_824 : vector<16x1xi32> to vector<16xi32>
      %gather3A_826 = tpu.dynamic_gather %scan3A_809#0[%gather3A_825] in [0] : vector<16xf32>, vector<16xi32> -> vector<16xf32>
      %min3A_827 = arith.minimumf %scan3A_809#0, %gather3A_826 : vector<16xf32>
      %xor3A_828 = arith.constant 4 : i32
      %xor3A_829 = vector.broadcast %xor3A_828 : i32 to vector<16xi32>
      %xor3A_830 = arith.xori %iota3A_20, %xor3A_829 : vector<16xi32>
      %lt3A_831 = arith.constant 0 : i32
      %lt3A_832 = vector.broadcast %lt3A_831 : i32 to vector<16xi32>
      %lt3A_833 = arith.cmpi slt, %xor3A_830, %lt3A_832 : vector<16xi32>
      %add3A_834 = arith.constant 16 : i32
      %add3A_835 = vector.broadcast %add3A_834 : i32 to vector<16xi32>
      %add3A_836 = arith.addi %xor3A_830, %add3A_835 : vector<16xi32>
      %select_n3A_837 = arith.select %lt3A_833, %add3A_836, %xor3A_830 : vector<16xi1>, vector<16xi32>
      %broadcast_in_dim3A_838 = vector.shape_cast %select_n3A_837 : vector<16xi32> to vector<16x1xi32>
      %gather3A_839 = vector.shape_cast %broadcast_in_dim3A_838 : vector<16x1xi32> to vector<16xi32>
      %gather3A_840 = tpu.dynamic_gather %min3A_827[%gather3A_839] in [0] : vector<16xf32>, vector<16xi32> -> vector<16xf32>
      %min3A_841 = arith.minimumf %min3A_827, %gather3A_840 : vector<16xf32>
      %xor3A_842 = arith.constant 2 : i32
      %xor3A_843 = vector.broadcast %xor3A_842 : i32 to vector<16xi32>
      %xor3A_844 = arith.xori %iota3A_20, %xor3A_843 : vector<16xi32>
      %lt3A_845 = arith.constant 0 : i32
      %lt3A_846 = vector.broadcast %lt3A_845 : i32 to vector<16xi32>
      %lt3A_847 = arith.cmpi slt, %xor3A_844, %lt3A_846 : vector<16xi32>
      %add3A_848 = arith.constant 16 : i32
      %add3A_849 = vector.broadcast %add3A_848 : i32 to vector<16xi32>
      %add3A_850 = arith.addi %xor3A_844, %add3A_849 : vector<16xi32>
      %select_n3A_851 = arith.select %lt3A_847, %add3A_850, %xor3A_844 : vector<16xi1>, vector<16xi32>
      %broadcast_in_dim3A_852 = vector.shape_cast %select_n3A_851 : vector<16xi32> to vector<16x1xi32>
      %gather3A_853 = vector.shape_cast %broadcast_in_dim3A_852 : vector<16x1xi32> to vector<16xi32>
      %gather3A_854 = tpu.dynamic_gather %min3A_841[%gather3A_853] in [0] : vector<16xf32>, vector<16xi32> -> vector<16xf32>
      %min3A_855 = arith.minimumf %min3A_841, %gather3A_854 : vector<16xf32>
      %xor3A_856 = arith.constant 1 : i32
      %xor3A_857 = vector.broadcast %xor3A_856 : i32 to vector<16xi32>
      %xor3A_858 = arith.xori %iota3A_20, %xor3A_857 : vector<16xi32>
      %lt3A_859 = arith.constant 0 : i32
      %lt3A_860 = vector.broadcast %lt3A_859 : i32 to vector<16xi32>
      %lt3A_861 = arith.cmpi slt, %xor3A_858, %lt3A_860 : vector<16xi32>
      %add3A_862 = arith.constant 16 : i32
      %add3A_863 = vector.broadcast %add3A_862 : i32 to vector<16xi32>
      %add3A_864 = arith.addi %xor3A_858, %add3A_863 : vector<16xi32>
      %select_n3A_865 = arith.select %lt3A_861, %add3A_864, %xor3A_858 : vector<16xi1>, vector<16xi32>
      %broadcast_in_dim3A_866 = vector.shape_cast %select_n3A_865 : vector<16xi32> to vector<16x1xi32>
      %gather3A_867 = vector.shape_cast %broadcast_in_dim3A_866 : vector<16x1xi32> to vector<16xi32>
      %gather3A_868 = tpu.dynamic_gather %min3A_855[%gather3A_867] in [0] : vector<16xf32>, vector<16xi32> -> vector<16xf32>
      %min3A_869 = arith.minimumf %min3A_855, %gather3A_868 : vector<16xf32>
      %select_n3A_870 = arith.select %eq3A_813, %min3A_869, %select_n3A_704 : vector<16xi1>, vector<16xf32>
      %eq3A_871 = arith.constant 5 : i32
      %eq3A_872 = vector.broadcast %eq3A_871 : i32 to vector<16xi32>
      %eq3A_873 = arith.cmpi eq, %iota3A_20, %eq3A_872 : vector<16xi32>
      %xor3A_874 = arith.constant 8 : i32
      %xor3A_875 = vector.broadcast %xor3A_874 : i32 to vector<16xi32>
      %xor3A_876 = arith.xori %iota3A_20, %xor3A_875 : vector<16xi32>
      %lt3A_877 = arith.constant 0 : i32
      %lt3A_878 = vector.broadcast %lt3A_877 : i32 to vector<16xi32>
      %lt3A_879 = arith.cmpi slt, %xor3A_876, %lt3A_878 : vector<16xi32>
      %add3A_880 = arith.constant 16 : i32
      %add3A_881 = vector.broadcast %add3A_880 : i32 to vector<16xi32>
      %add3A_882 = arith.addi %xor3A_876, %add3A_881 : vector<16xi32>
      %select_n3A_883 = arith.select %lt3A_879, %add3A_882, %xor3A_876 : vector<16xi1>, vector<16xi32>
      %broadcast_in_dim3A_884 = vector.shape_cast %select_n3A_883 : vector<16xi32> to vector<16x1xi32>
      %gather3A_885 = vector.shape_cast %broadcast_in_dim3A_884 : vector<16x1xi32> to vector<16xi32>
      %gather3A_886 = tpu.dynamic_gather %scan3A_809#1[%gather3A_885] in [0] : vector<16xf32>, vector<16xi32> -> vector<16xf32>
      %min3A_887 = arith.minimumf %scan3A_809#1, %gather3A_886 : vector<16xf32>
      %xor3A_888 = arith.constant 4 : i32
      %xor3A_889 = vector.broadcast %xor3A_888 : i32 to vector<16xi32>
      %xor3A_890 = arith.xori %iota3A_20, %xor3A_889 : vector<16xi32>
      %lt3A_891 = arith.constant 0 : i32
      %lt3A_892 = vector.broadcast %lt3A_891 : i32 to vector<16xi32>
      %lt3A_893 = arith.cmpi slt, %xor3A_890, %lt3A_892 : vector<16xi32>
      %add3A_894 = arith.constant 16 : i32
      %add3A_895 = vector.broadcast %add3A_894 : i32 to vector<16xi32>
      %add3A_896 = arith.addi %xor3A_890, %add3A_895 : vector<16xi32>
      %select_n3A_897 = arith.select %lt3A_893, %add3A_896, %xor3A_890 : vector<16xi1>, vector<16xi32>
      %broadcast_in_dim3A_898 = vector.shape_cast %select_n3A_897 : vector<16xi32> to vector<16x1xi32>
      %gather3A_899 = vector.shape_cast %broadcast_in_dim3A_898 : vector<16x1xi32> to vector<16xi32>
      %gather3A_900 = tpu.dynamic_gather %min3A_887[%gather3A_899] in [0] : vector<16xf32>, vector<16xi32> -> vector<16xf32>
      %min3A_901 = arith.minimumf %min3A_887, %gather3A_900 : vector<16xf32>
      %xor3A_902 = arith.constant 2 : i32
      %xor3A_903 = vector.broadcast %xor3A_902 : i32 to vector<16xi32>
      %xor3A_904 = arith.xori %iota3A_20, %xor3A_903 : vector<16xi32>
      %lt3A_905 = arith.constant 0 : i32
      %lt3A_906 = vector.broadcast %lt3A_905 : i32 to vector<16xi32>
      %lt3A_907 = arith.cmpi slt, %xor3A_904, %lt3A_906 : vector<16xi32>
      %add3A_908 = arith.constant 16 : i32
      %add3A_909 = vector.broadcast %add3A_908 : i32 to vector<16xi32>
      %add3A_910 = arith.addi %xor3A_904, %add3A_909 : vector<16xi32>
      %select_n3A_911 = arith.select %lt3A_907, %add3A_910, %xor3A_904 : vector<16xi1>, vector<16xi32>
      %broadcast_in_dim3A_912 = vector.shape_cast %select_n3A_911 : vector<16xi32> to vector<16x1xi32>
      %gather3A_913 = vector.shape_cast %broadcast_in_dim3A_912 : vector<16x1xi32> to vector<16xi32>
      %gather3A_914 = tpu.dynamic_gather %min3A_901[%gather3A_913] in [0] : vector<16xf32>, vector<16xi32> -> vector<16xf32>
      %min3A_915 = arith.minimumf %min3A_901, %gather3A_914 : vector<16xf32>
      %xor3A_916 = arith.constant 1 : i32
      %xor3A_917 = vector.broadcast %xor3A_916 : i32 to vector<16xi32>
      %xor3A_918 = arith.xori %iota3A_20, %xor3A_917 : vector<16xi32>
      %lt3A_919 = arith.constant 0 : i32
      %lt3A_920 = vector.broadcast %lt3A_919 : i32 to vector<16xi32>
      %lt3A_921 = arith.cmpi slt, %xor3A_918, %lt3A_920 : vector<16xi32>
      %add3A_922 = arith.constant 16 : i32
      %add3A_923 = vector.broadcast %add3A_922 : i32 to vector<16xi32>
      %add3A_924 = arith.addi %xor3A_918, %add3A_923 : vector<16xi32>
      %select_n3A_925 = arith.select %lt3A_921, %add3A_924, %xor3A_918 : vector<16xi1>, vector<16xi32>
      %broadcast_in_dim3A_926 = vector.shape_cast %select_n3A_925 : vector<16xi32> to vector<16x1xi32>
      %gather3A_927 = vector.shape_cast %broadcast_in_dim3A_926 : vector<16x1xi32> to vector<16xi32>
      %gather3A_928 = tpu.dynamic_gather %min3A_915[%gather3A_927] in [0] : vector<16xf32>, vector<16xi32> -> vector<16xf32>
      %min3A_929 = arith.minimumf %min3A_915, %gather3A_928 : vector<16xf32>
      %select_n3A_930 = arith.select %eq3A_873, %min3A_929, %select_n3A_870 : vector<16xi1>, vector<16xf32>
      %broadcast_in_dim3A_931 = arith.constant 6 : i32
      %broadcast_in_dim3A_932 = vector.broadcast %broadcast_in_dim3A_931 : i32 to vector<16xi32>
      %lt3A_933 = arith.constant 0 : i32
      %lt3A_934 = vector.broadcast %lt3A_933 : i32 to vector<16xi32>
      %lt3A_935 = arith.cmpi slt, %broadcast_in_dim3A_932, %lt3A_934 : vector<16xi32>
      %add3A_936 = arith.constant 16 : i32
      %add3A_937 = vector.broadcast %add3A_936 : i32 to vector<16xi32>
      %add3A_938 = arith.addi %broadcast_in_dim3A_932, %add3A_937 : vector<16xi32>
      %select_n3A_939 = arith.select %lt3A_935, %add3A_938, %broadcast_in_dim3A_932 : vector<16xi1>, vector<16xi32>
      %broadcast_in_dim3A_940 = vector.shape_cast %select_n3A_939 : vector<16xi32> to vector<16x1xi32>
      %gather3A_941 = vector.shape_cast %broadcast_in_dim3A_940 : vector<16x1xi32> to vector<16xi32>
      %gather3A_942 = tpu.dynamic_gather %bitcast_convert_type3A_222[%gather3A_941] in [0] : vector<16xf32>, vector<16xi32> -> vector<16xf32>
      %broadcast_in_dim3A_943 = arith.constant 6 : i32
      %broadcast_in_dim3A_944 = vector.broadcast %broadcast_in_dim3A_943 : i32 to vector<16xi32>
      %lt3A_945 = arith.constant 0 : i32
      %lt3A_946 = vector.broadcast %lt3A_945 : i32 to vector<16xi32>
      %lt3A_947 = arith.cmpi slt, %broadcast_in_dim3A_944, %lt3A_946 : vector<16xi32>
      %add3A_948 = arith.constant 16 : i32
      %add3A_949 = vector.broadcast %add3A_948 : i32 to vector<16xi32>
      %add3A_950 = arith.addi %broadcast_in_dim3A_944, %add3A_949 : vector<16xi32>
      %select_n3A_951 = arith.select %lt3A_947, %add3A_950, %broadcast_in_dim3A_944 : vector<16xi1>, vector<16xi32>
      %broadcast_in_dim3A_952 = vector.shape_cast %select_n3A_951 : vector<16xi32> to vector<16x1xi32>
      %gather3A_953 = vector.shape_cast %broadcast_in_dim3A_952 : vector<16x1xi32> to vector<16xi32>
      %gather3A_954 = tpu.dynamic_gather %bitcast_convert_type3A_237[%gather3A_953] in [0] : vector<16xf32>, vector<16xi32> -> vector<16xf32>
      %broadcast_in_dim3A_955 = arith.constant 6 : i32
      %broadcast_in_dim3A_956 = vector.broadcast %broadcast_in_dim3A_955 : i32 to vector<16xi32>
      %lt3A_957 = arith.constant 0 : i32
      %lt3A_958 = vector.broadcast %lt3A_957 : i32 to vector<16xi32>
      %lt3A_959 = arith.cmpi slt, %broadcast_in_dim3A_956, %lt3A_958 : vector<16xi32>
      %add3A_960 = arith.constant 16 : i32
      %add3A_961 = vector.broadcast %add3A_960 : i32 to vector<16xi32>
      %add3A_962 = arith.addi %broadcast_in_dim3A_956, %add3A_961 : vector<16xi32>
      %select_n3A_963 = arith.select %lt3A_959, %add3A_962, %broadcast_in_dim3A_956 : vector<16xi1>, vector<16xi32>
      %broadcast_in_dim3A_964 = vector.shape_cast %select_n3A_963 : vector<16xi32> to vector<16x1xi32>
      %gather3A_965 = vector.shape_cast %broadcast_in_dim3A_964 : vector<16x1xi32> to vector<16xi32>
      %gather3A_966 = tpu.dynamic_gather %bitcast_convert_type3A_252[%gather3A_965] in [0] : vector<16xf32>, vector<16xi32> -> vector<16xf32>
      %broadcast_in_dim3A_967 = arith.constant 6 : i32
      %broadcast_in_dim3A_968 = vector.broadcast %broadcast_in_dim3A_967 : i32 to vector<16xi32>
      %lt3A_969 = arith.constant 0 : i32
      %lt3A_970 = vector.broadcast %lt3A_969 : i32 to vector<16xi32>
      %lt3A_971 = arith.cmpi slt, %broadcast_in_dim3A_968, %lt3A_970 : vector<16xi32>
      %add3A_972 = arith.constant 16 : i32
      %add3A_973 = vector.broadcast %add3A_972 : i32 to vector<16xi32>
      %add3A_974 = arith.addi %broadcast_in_dim3A_968, %add3A_973 : vector<16xi32>
      %select_n3A_975 = arith.select %lt3A_971, %add3A_974, %broadcast_in_dim3A_968 : vector<16xi1>, vector<16xi32>
      %broadcast_in_dim3A_976 = vector.shape_cast %select_n3A_975 : vector<16xi32> to vector<16x1xi32>
      %gather3A_977 = vector.shape_cast %broadcast_in_dim3A_976 : vector<16x1xi32> to vector<16xi32>
      %gather3A_978 = tpu.dynamic_gather %add3A_208[%gather3A_977] in [0] : vector<16xf32>, vector<16xi32> -> vector<16xf32>
      %broadcast_in_dim3A_979 = arith.constant 7 : i32
      %broadcast_in_dim3A_980 = vector.broadcast %broadcast_in_dim3A_979 : i32 to vector<16xi32>
      %lt3A_981 = arith.constant 0 : i32
      %lt3A_982 = vector.broadcast %lt3A_981 : i32 to vector<16xi32>
      %lt3A_983 = arith.cmpi slt, %broadcast_in_dim3A_980, %lt3A_982 : vector<16xi32>
      %add3A_984 = arith.constant 16 : i32
      %add3A_985 = vector.broadcast %add3A_984 : i32 to vector<16xi32>
      %add3A_986 = arith.addi %broadcast_in_dim3A_980, %add3A_985 : vector<16xi32>
      %select_n3A_987 = arith.select %lt3A_983, %add3A_986, %broadcast_in_dim3A_980 : vector<16xi1>, vector<16xi32>
      %broadcast_in_dim3A_988 = vector.shape_cast %select_n3A_987 : vector<16xi32> to vector<16x1xi32>
      %gather3A_989 = vector.shape_cast %broadcast_in_dim3A_988 : vector<16x1xi32> to vector<16xi32>
      %gather3A_990 = tpu.dynamic_gather %bitcast_convert_type3A_222[%gather3A_989] in [0] : vector<16xf32>, vector<16xi32> -> vector<16xf32>
      %broadcast_in_dim3A_991 = arith.constant 7 : i32
      %broadcast_in_dim3A_992 = vector.broadcast %broadcast_in_dim3A_991 : i32 to vector<16xi32>
      %lt3A_993 = arith.constant 0 : i32
      %lt3A_994 = vector.broadcast %lt3A_993 : i32 to vector<16xi32>
      %lt3A_995 = arith.cmpi slt, %broadcast_in_dim3A_992, %lt3A_994 : vector<16xi32>
      %add3A_996 = arith.constant 16 : i32
      %add3A_997 = vector.broadcast %add3A_996 : i32 to vector<16xi32>
      %add3A_998 = arith.addi %broadcast_in_dim3A_992, %add3A_997 : vector<16xi32>
      %select_n3A_999 = arith.select %lt3A_995, %add3A_998, %broadcast_in_dim3A_992 : vector<16xi1>, vector<16xi32>
      %broadcast_in_dim3A_1000 = vector.shape_cast %select_n3A_999 : vector<16xi32> to vector<16x1xi32>
      %gather3A_1001 = vector.shape_cast %broadcast_in_dim3A_1000 : vector<16x1xi32> to vector<16xi32>
      %gather3A_1002 = tpu.dynamic_gather %bitcast_convert_type3A_237[%gather3A_1001] in [0] : vector<16xf32>, vector<16xi32> -> vector<16xf32>
      %broadcast_in_dim3A_1003 = arith.constant 7 : i32
      %broadcast_in_dim3A_1004 = vector.broadcast %broadcast_in_dim3A_1003 : i32 to vector<16xi32>
      %lt3A_1005 = arith.constant 0 : i32
      %lt3A_1006 = vector.broadcast %lt3A_1005 : i32 to vector<16xi32>
      %lt3A_1007 = arith.cmpi slt, %broadcast_in_dim3A_1004, %lt3A_1006 : vector<16xi32>
      %add3A_1008 = arith.constant 16 : i32
      %add3A_1009 = vector.broadcast %add3A_1008 : i32 to vector<16xi32>
      %add3A_1010 = arith.addi %broadcast_in_dim3A_1004, %add3A_1009 : vector<16xi32>
      %select_n3A_1011 = arith.select %lt3A_1007, %add3A_1010, %broadcast_in_dim3A_1004 : vector<16xi1>, vector<16xi32>
      %broadcast_in_dim3A_1012 = vector.shape_cast %select_n3A_1011 : vector<16xi32> to vector<16x1xi32>
      %gather3A_1013 = vector.shape_cast %broadcast_in_dim3A_1012 : vector<16x1xi32> to vector<16xi32>
      %gather3A_1014 = tpu.dynamic_gather %bitcast_convert_type3A_252[%gather3A_1013] in [0] : vector<16xf32>, vector<16xi32> -> vector<16xf32>
      %broadcast_in_dim3A_1015 = arith.constant 7 : i32
      %broadcast_in_dim3A_1016 = vector.broadcast %broadcast_in_dim3A_1015 : i32 to vector<16xi32>
      %lt3A_1017 = arith.constant 0 : i32
      %lt3A_1018 = vector.broadcast %lt3A_1017 : i32 to vector<16xi32>
      %lt3A_1019 = arith.cmpi slt, %broadcast_in_dim3A_1016, %lt3A_1018 : vector<16xi32>
      %add3A_1020 = arith.constant 16 : i32
      %add3A_1021 = vector.broadcast %add3A_1020 : i32 to vector<16xi32>
      %add3A_1022 = arith.addi %broadcast_in_dim3A_1016, %add3A_1021 : vector<16xi32>
      %select_n3A_1023 = arith.select %lt3A_1019, %add3A_1022, %broadcast_in_dim3A_1016 : vector<16xi1>, vector<16xi32>
      %broadcast_in_dim3A_1024 = vector.shape_cast %select_n3A_1023 : vector<16xi32> to vector<16x1xi32>
      %gather3A_1025 = vector.shape_cast %broadcast_in_dim3A_1024 : vector<16x1xi32> to vector<16xi32>
      %gather3A_1026 = tpu.dynamic_gather %add3A_208[%gather3A_1025] in [0] : vector<16xf32>, vector<16xi32> -> vector<16xf32>
      %broadcast_in_dim3A_1027 = arith.constant 1.000000e+30 : f32
      %broadcast_in_dim3A_1028 = vector.broadcast %broadcast_in_dim3A_1027 : f32 to vector<16xf32>
      %broadcast_in_dim3A_1029 = arith.constant 1.000000e+30 : f32
      %broadcast_in_dim3A_1030 = vector.broadcast %broadcast_in_dim3A_1029 : f32 to vector<16xf32>
      %scan3A_1031 = arith.constant 0 : i32
      %scan3A_1032 = arith.constant 128 : i32
      %scan3A_1033 = arith.addi %scan3A_1031, %scan3A_1032 : i32
      %scan3A_1034 = arith.constant 1 : i32
      %scan3A_1035:2 = scf.for %scan3A_2093 = %scan3A_1031 to %scan3A_1033 step %scan3A_1034 iter_args(%scan3A_2094 = %broadcast_in_dim3A_1028, %scan3A_2095 = %broadcast_in_dim3A_1030) -> (vector<16xf32>, vector<16xf32>)  : i32 {
        %mul3A_2096 = arith.constant 16 : i32
        %mul3A_2097 = arith.muli %scan3A_2093, %mul3A_2096 : i32
        %get3A_2098 = arith.constant 0 : i32
        %get3A_2099 = arith.index_cast %get3A_2098 : i32 to index
        %get3A_2100 = arith.index_cast %mul3A_2097 : i32 to index
        %get3A_2101 = tpu.vector_load %arg6[%get3A_2099, %get3A_2100] {strides = array<i32>} : memref<4x2048xf32, #tpu.memory_space<vmem>>, vector<1x16xf32>,
        %get3A_2102 = vector.shape_cast %get3A_2101 : vector<1x16xf32> to vector<16xf32>
        %get3A_2103 = arith.constant 1 : i32
        %get3A_2104 = arith.index_cast %get3A_2103 : i32 to index
        %get3A_2105 = arith.index_cast %mul3A_2097 : i32 to index
        %get3A_2106 = tpu.vector_load %arg6[%get3A_2104, %get3A_2105] {strides = array<i32>} : memref<4x2048xf32, #tpu.memory_space<vmem>>, vector<1x16xf32>,
        %get3A_2107 = vector.shape_cast %get3A_2106 : vector<1x16xf32> to vector<16xf32>
        %get3A_2108 = arith.constant 2 : i32
        %get3A_2109 = arith.index_cast %get3A_2108 : i32 to index
        %get3A_2110 = arith.index_cast %mul3A_2097 : i32 to index
        %get3A_2111 = tpu.vector_load %arg6[%get3A_2109, %get3A_2110] {strides = array<i32>} : memref<4x2048xf32, #tpu.memory_space<vmem>>, vector<1x16xf32>,
        %get3A_2112 = vector.shape_cast %get3A_2111 : vector<1x16xf32> to vector<16xf32>
        %get3A_2113 = arith.constant 3 : i32
        %get3A_2114 = arith.index_cast %get3A_2113 : i32 to index
        %get3A_2115 = arith.index_cast %mul3A_2097 : i32 to index
        %get3A_2116 = tpu.vector_load %arg6[%get3A_2114, %get3A_2115] {strides = array<i32>} : memref<4x2048xf32, #tpu.memory_space<vmem>>, vector<1x16xf32>,
        %get3A_2117 = vector.shape_cast %get3A_2116 : vector<1x16xf32> to vector<16xf32>
        %mul3A_2118 = arith.mulf %get3A_2102, %gather3A_942 : vector<16xf32>
        %mul3A_2119 = arith.mulf %get3A_2107, %gather3A_954 : vector<16xf32>
        %add3A_2120 = arith.addf %mul3A_2118, %mul3A_2119 : vector<16xf32>
        %mul3A_2121 = arith.mulf %get3A_2112, %gather3A_966 : vector<16xf32>
        %add3A_2122 = arith.addf %add3A_2120, %mul3A_2121 : vector<16xf32>
        %add3A_2123 = arith.addf %gather3A_978, %get3A_2117 : vector<16xf32>
        %add3A_2124 = arith.addf %add3A_2123, %add3A_2122 : vector<16xf32>
        %min3A_2125 = arith.minimumf %scan3A_2094, %add3A_2124 : vector<16xf32>
        %mul3A_2126 = arith.mulf %get3A_2102, %gather3A_990 : vector<16xf32>
        %mul3A_2127 = arith.mulf %get3A_2107, %gather3A_1002 : vector<16xf32>
        %add3A_2128 = arith.addf %mul3A_2126, %mul3A_2127 : vector<16xf32>
        %mul3A_2129 = arith.mulf %get3A_2112, %gather3A_1014 : vector<16xf32>
        %add3A_2130 = arith.addf %add3A_2128, %mul3A_2129 : vector<16xf32>
        %add3A_2131 = arith.addf %gather3A_1026, %get3A_2117 : vector<16xf32>
        %add3A_2132 = arith.addf %add3A_2131, %add3A_2130 : vector<16xf32>
        %min3A_2133 = arith.minimumf %scan3A_2095, %add3A_2132 : vector<16xf32>
        scf.yield %min3A_2125, %min3A_2133 : vector<16xf32>, vector<16xf32>
      }
      %scan3A_1036 = arith.constant 128 : i32
      %eq3A_1037 = arith.constant 6 : i32
      %eq3A_1038 = vector.broadcast %eq3A_1037 : i32 to vector<16xi32>
      %eq3A_1039 = arith.cmpi eq, %iota3A_20, %eq3A_1038 : vector<16xi32>
      %xor3A_1040 = arith.constant 8 : i32
      %xor3A_1041 = vector.broadcast %xor3A_1040 : i32 to vector<16xi32>
      %xor3A_1042 = arith.xori %iota3A_20, %xor3A_1041 : vector<16xi32>
      %lt3A_1043 = arith.constant 0 : i32
      %lt3A_1044 = vector.broadcast %lt3A_1043 : i32 to vector<16xi32>
      %lt3A_1045 = arith.cmpi slt, %xor3A_1042, %lt3A_1044 : vector<16xi32>
      %add3A_1046 = arith.constant 16 : i32
      %add3A_1047 = vector.broadcast %add3A_1046 : i32 to vector<16xi32>
      %add3A_1048 = arith.addi %xor3A_1042, %add3A_1047 : vector<16xi32>
      %select_n3A_1049 = arith.select %lt3A_1045, %add3A_1048, %xor3A_1042 : vector<16xi1>, vector<16xi32>
      %broadcast_in_dim3A_1050 = vector.shape_cast %select_n3A_1049 : vector<16xi32> to vector<16x1xi32>
      %gather3A_1051 = vector.shape_cast %broadcast_in_dim3A_1050 : vector<16x1xi32> to vector<16xi32>
      %gather3A_1052 = tpu.dynamic_gather %scan3A_1035#0[%gather3A_1051] in [0] : vector<16xf32>, vector<16xi32> -> vector<16xf32>
      %min3A_1053 = arith.minimumf %scan3A_1035#0, %gather3A_1052 : vector<16xf32>
      %xor3A_1054 = arith.constant 4 : i32
      %xor3A_1055 = vector.broadcast %xor3A_1054 : i32 to vector<16xi32>
      %xor3A_1056 = arith.xori %iota3A_20, %xor3A_1055 : vector<16xi32>
      %lt3A_1057 = arith.constant 0 : i32
      %lt3A_1058 = vector.broadcast %lt3A_1057 : i32 to vector<16xi32>
      %lt3A_1059 = arith.cmpi slt, %xor3A_1056, %lt3A_1058 : vector<16xi32>
      %add3A_1060 = arith.constant 16 : i32
      %add3A_1061 = vector.broadcast %add3A_1060 : i32 to vector<16xi32>
      %add3A_1062 = arith.addi %xor3A_1056, %add3A_1061 : vector<16xi32>
      %select_n3A_1063 = arith.select %lt3A_1059, %add3A_1062, %xor3A_1056 : vector<16xi1>, vector<16xi32>
      %broadcast_in_dim3A_1064 = vector.shape_cast %select_n3A_1063 : vector<16xi32> to vector<16x1xi32>
      %gather3A_1065 = vector.shape_cast %broadcast_in_dim3A_1064 : vector<16x1xi32> to vector<16xi32>
      %gather3A_1066 = tpu.dynamic_gather %min3A_1053[%gather3A_1065] in [0] : vector<16xf32>, vector<16xi32> -> vector<16xf32>
      %min3A_1067 = arith.minimumf %min3A_1053, %gather3A_1066 : vector<16xf32>
      %xor3A_1068 = arith.constant 2 : i32
      %xor3A_1069 = vector.broadcast %xor3A_1068 : i32 to vector<16xi32>
      %xor3A_1070 = arith.xori %iota3A_20, %xor3A_1069 : vector<16xi32>
      %lt3A_1071 = arith.constant 0 : i32
      %lt3A_1072 = vector.broadcast %lt3A_1071 : i32 to vector<16xi32>
      %lt3A_1073 = arith.cmpi slt, %xor3A_1070, %lt3A_1072 : vector<16xi32>
      %add3A_1074 = arith.constant 16 : i32
      %add3A_1075 = vector.broadcast %add3A_1074 : i32 to vector<16xi32>
      %add3A_1076 = arith.addi %xor3A_1070, %add3A_1075 : vector<16xi32>
      %select_n3A_1077 = arith.select %lt3A_1073, %add3A_1076, %xor3A_1070 : vector<16xi1>, vector<16xi32>
      %broadcast_in_dim3A_1078 = vector.shape_cast %select_n3A_1077 : vector<16xi32> to vector<16x1xi32>
      %gather3A_1079 = vector.shape_cast %broadcast_in_dim3A_1078 : vector<16x1xi32> to vector<16xi32>
      %gather3A_1080 = tpu.dynamic_gather %min3A_1067[%gather3A_1079] in [0] : vector<16xf32>, vector<16xi32> -> vector<16xf32>
      %min3A_1081 = arith.minimumf %min3A_1067, %gather3A_1080 : vector<16xf32>
      %xor3A_1082 = arith.constant 1 : i32
      %xor3A_1083 = vector.broadcast %xor3A_1082 : i32 to vector<16xi32>
      %xor3A_1084 = arith.xori %iota3A_20, %xor3A_1083 : vector<16xi32>
      %lt3A_1085 = arith.constant 0 : i32
      %lt3A_1086 = vector.broadcast %lt3A_1085 : i32 to vector<16xi32>
      %lt3A_1087 = arith.cmpi slt, %xor3A_1084, %lt3A_1086 : vector<16xi32>
      %add3A_1088 = arith.constant 16 : i32
      %add3A_1089 = vector.broadcast %add3A_1088 : i32 to vector<16xi32>
      %add3A_1090 = arith.addi %xor3A_1084, %add3A_1089 : vector<16xi32>
      %select_n3A_1091 = arith.select %lt3A_1087, %add3A_1090, %xor3A_1084 : vector<16xi1>, vector<16xi32>
      %broadcast_in_dim3A_1092 = vector.shape_cast %select_n3A_1091 : vector<16xi32> to vector<16x1xi32>
      %gather3A_1093 = vector.shape_cast %broadcast_in_dim3A_1092 : vector<16x1xi32> to vector<16xi32>
      %gather3A_1094 = tpu.dynamic_gather %min3A_1081[%gather3A_1093] in [0] : vector<16xf32>, vector<16xi32> -> vector<16xf32>
      %min3A_1095 = arith.minimumf %min3A_1081, %gather3A_1094 : vector<16xf32>
      %select_n3A_1096 = arith.select %eq3A_1039, %min3A_1095, %select_n3A_930 : vector<16xi1>, vector<16xf32>
      %eq3A_1097 = arith.constant 7 : i32
      %eq3A_1098 = vector.broadcast %eq3A_1097 : i32 to vector<16xi32>
      %eq3A_1099 = arith.cmpi eq, %iota3A_20, %eq3A_1098 : vector<16xi32>
      %xor3A_1100 = arith.constant 8 : i32
      %xor3A_1101 = vector.broadcast %xor3A_1100 : i32 to vector<16xi32>
      %xor3A_1102 = arith.xori %iota3A_20, %xor3A_1101 : vector<16xi32>
      %lt3A_1103 = arith.constant 0 : i32
      %lt3A_1104 = vector.broadcast %lt3A_1103 : i32 to vector<16xi32>
      %lt3A_1105 = arith.cmpi slt, %xor3A_1102, %lt3A_1104 : vector<16xi32>
      %add3A_1106 = arith.constant 16 : i32
      %add3A_1107 = vector.broadcast %add3A_1106 : i32 to vector<16xi32>
      %add3A_1108 = arith.addi %xor3A_1102, %add3A_1107 : vector<16xi32>
      %select_n3A_1109 = arith.select %lt3A_1105, %add3A_1108, %xor3A_1102 : vector<16xi1>, vector<16xi32>
      %broadcast_in_dim3A_1110 = vector.shape_cast %select_n3A_1109 : vector<16xi32> to vector<16x1xi32>
      %gather3A_1111 = vector.shape_cast %broadcast_in_dim3A_1110 : vector<16x1xi32> to vector<16xi32>
      %gather3A_1112 = tpu.dynamic_gather %scan3A_1035#1[%gather3A_1111] in [0] : vector<16xf32>, vector<16xi32> -> vector<16xf32>
      %min3A_1113 = arith.minimumf %scan3A_1035#1, %gather3A_1112 : vector<16xf32>
      %xor3A_1114 = arith.constant 4 : i32
      %xor3A_1115 = vector.broadcast %xor3A_1114 : i32 to vector<16xi32>
      %xor3A_1116 = arith.xori %iota3A_20, %xor3A_1115 : vector<16xi32>
      %lt3A_1117 = arith.constant 0 : i32
      %lt3A_1118 = vector.broadcast %lt3A_1117 : i32 to vector<16xi32>
      %lt3A_1119 = arith.cmpi slt, %xor3A_1116, %lt3A_1118 : vector<16xi32>
      %add3A_1120 = arith.constant 16 : i32
      %add3A_1121 = vector.broadcast %add3A_1120 : i32 to vector<16xi32>
      %add3A_1122 = arith.addi %xor3A_1116, %add3A_1121 : vector<16xi32>
      %select_n3A_1123 = arith.select %lt3A_1119, %add3A_1122, %xor3A_1116 : vector<16xi1>, vector<16xi32>
      %broadcast_in_dim3A_1124 = vector.shape_cast %select_n3A_1123 : vector<16xi32> to vector<16x1xi32>
      %gather3A_1125 = vector.shape_cast %broadcast_in_dim3A_1124 : vector<16x1xi32> to vector<16xi32>
      %gather3A_1126 = tpu.dynamic_gather %min3A_1113[%gather3A_1125] in [0] : vector<16xf32>, vector<16xi32> -> vector<16xf32>
      %min3A_1127 = arith.minimumf %min3A_1113, %gather3A_1126 : vector<16xf32>
      %xor3A_1128 = arith.constant 2 : i32
      %xor3A_1129 = vector.broadcast %xor3A_1128 : i32 to vector<16xi32>
      %xor3A_1130 = arith.xori %iota3A_20, %xor3A_1129 : vector<16xi32>
      %lt3A_1131 = arith.constant 0 : i32
      %lt3A_1132 = vector.broadcast %lt3A_1131 : i32 to vector<16xi32>
      %lt3A_1133 = arith.cmpi slt, %xor3A_1130, %lt3A_1132 : vector<16xi32>
      %add3A_1134 = arith.constant 16 : i32
      %add3A_1135 = vector.broadcast %add3A_1134 : i32 to vector<16xi32>
      %add3A_1136 = arith.addi %xor3A_1130, %add3A_1135 : vector<16xi32>
      %select_n3A_1137 = arith.select %lt3A_1133, %add3A_1136, %xor3A_1130 : vector<16xi1>, vector<16xi32>
      %broadcast_in_dim3A_1138 = vector.shape_cast %select_n3A_1137 : vector<16xi32> to vector<16x1xi32>
      %gather3A_1139 = vector.shape_cast %broadcast_in_dim3A_1138 : vector<16x1xi32> to vector<16xi32>
      %gather3A_1140 = tpu.dynamic_gather %min3A_1127[%gather3A_1139] in [0] : vector<16xf32>, vector<16xi32> -> vector<16xf32>
      %min3A_1141 = arith.minimumf %min3A_1127, %gather3A_1140 : vector<16xf32>
      %xor3A_1142 = arith.constant 1 : i32
      %xor3A_1143 = vector.broadcast %xor3A_1142 : i32 to vector<16xi32>
      %xor3A_1144 = arith.xori %iota3A_20, %xor3A_1143 : vector<16xi32>
      %lt3A_1145 = arith.constant 0 : i32
      %lt3A_1146 = vector.broadcast %lt3A_1145 : i32 to vector<16xi32>
      %lt3A_1147 = arith.cmpi slt, %xor3A_1144, %lt3A_1146 : vector<16xi32>
      %add3A_1148 = arith.constant 16 : i32
      %add3A_1149 = vector.broadcast %add3A_1148 : i32 to vector<16xi32>
      %add3A_1150 = arith.addi %xor3A_1144, %add3A_1149 : vector<16xi32>
      %select_n3A_1151 = arith.select %lt3A_1147, %add3A_1150, %xor3A_1144 : vector<16xi1>, vector<16xi32>
      %broadcast_in_dim3A_1152 = vector.shape_cast %select_n3A_1151 : vector<16xi32> to vector<16x1xi32>
      %gather3A_1153 = vector.shape_cast %broadcast_in_dim3A_1152 : vector<16x1xi32> to vector<16xi32>
      %gather3A_1154 = tpu.dynamic_gather %min3A_1141[%gather3A_1153] in [0] : vector<16xf32>, vector<16xi32> -> vector<16xf32>
      %min3A_1155 = arith.minimumf %min3A_1141, %gather3A_1154 : vector<16xf32>
      %select_n3A_1156 = arith.select %eq3A_1099, %min3A_1155, %select_n3A_1096 : vector<16xi1>, vector<16xf32>
      %broadcast_in_dim3A_1157 = arith.constant 8 : i32
      %broadcast_in_dim3A_1158 = vector.broadcast %broadcast_in_dim3A_1157 : i32 to vector<16xi32>
      %lt3A_1159 = arith.constant 0 : i32
      %lt3A_1160 = vector.broadcast %lt3A_1159 : i32 to vector<16xi32>
      %lt3A_1161 = arith.cmpi slt, %broadcast_in_dim3A_1158, %lt3A_1160 : vector<16xi32>
      %add3A_1162 = arith.constant 16 : i32
      %add3A_1163 = vector.broadcast %add3A_1162 : i32 to vector<16xi32>
      %add3A_1164 = arith.addi %broadcast_in_dim3A_1158, %add3A_1163 : vector<16xi32>
      %select_n3A_1165 = arith.select %lt3A_1161, %add3A_1164, %broadcast_in_dim3A_1158 : vector<16xi1>, vector<16xi32>
      %broadcast_in_dim3A_1166 = vector.shape_cast %select_n3A_1165 : vector<16xi32> to vector<16x1xi32>
      %gather3A_1167 = vector.shape_cast %broadcast_in_dim3A_1166 : vector<16x1xi32> to vector<16xi32>
      %gather3A_1168 = tpu.dynamic_gather %bitcast_convert_type3A_222[%gather3A_1167] in [0] : vector<16xf32>, vector<16xi32> -> vector<16xf32>
      %broadcast_in_dim3A_1169 = arith.constant 8 : i32
      %broadcast_in_dim3A_1170 = vector.broadcast %broadcast_in_dim3A_1169 : i32 to vector<16xi32>
      %lt3A_1171 = arith.constant 0 : i32
      %lt3A_1172 = vector.broadcast %lt3A_1171 : i32 to vector<16xi32>
      %lt3A_1173 = arith.cmpi slt, %broadcast_in_dim3A_1170, %lt3A_1172 : vector<16xi32>
      %add3A_1174 = arith.constant 16 : i32
      %add3A_1175 = vector.broadcast %add3A_1174 : i32 to vector<16xi32>
      %add3A_1176 = arith.addi %broadcast_in_dim3A_1170, %add3A_1175 : vector<16xi32>
      %select_n3A_1177 = arith.select %lt3A_1173, %add3A_1176, %broadcast_in_dim3A_1170 : vector<16xi1>, vector<16xi32>
      %broadcast_in_dim3A_1178 = vector.shape_cast %select_n3A_1177 : vector<16xi32> to vector<16x1xi32>
      %gather3A_1179 = vector.shape_cast %broadcast_in_dim3A_1178 : vector<16x1xi32> to vector<16xi32>
      %gather3A_1180 = tpu.dynamic_gather %bitcast_convert_type3A_237[%gather3A_1179] in [0] : vector<16xf32>, vector<16xi32> -> vector<16xf32>
      %broadcast_in_dim3A_1181 = arith.constant 8 : i32
      %broadcast_in_dim3A_1182 = vector.broadcast %broadcast_in_dim3A_1181 : i32 to vector<16xi32>
      %lt3A_1183 = arith.constant 0 : i32
      %lt3A_1184 = vector.broadcast %lt3A_1183 : i32 to vector<16xi32>
      %lt3A_1185 = arith.cmpi slt, %broadcast_in_dim3A_1182, %lt3A_1184 : vector<16xi32>
      %add3A_1186 = arith.constant 16 : i32
      %add3A_1187 = vector.broadcast %add3A_1186 : i32 to vector<16xi32>
      %add3A_1188 = arith.addi %broadcast_in_dim3A_1182, %add3A_1187 : vector<16xi32>
      %select_n3A_1189 = arith.select %lt3A_1185, %add3A_1188, %broadcast_in_dim3A_1182 : vector<16xi1>, vector<16xi32>
      %broadcast_in_dim3A_1190 = vector.shape_cast %select_n3A_1189 : vector<16xi32> to vector<16x1xi32>
      %gather3A_1191 = vector.shape_cast %broadcast_in_dim3A_1190 : vector<16x1xi32> to vector<16xi32>
      %gather3A_1192 = tpu.dynamic_gather %bitcast_convert_type3A_252[%gather3A_1191] in [0] : vector<16xf32>, vector<16xi32> -> vector<16xf32>
      %broadcast_in_dim3A_1193 = arith.constant 8 : i32
      %broadcast_in_dim3A_1194 = vector.broadcast %broadcast_in_dim3A_1193 : i32 to vector<16xi32>
      %lt3A_1195 = arith.constant 0 : i32
      %lt3A_1196 = vector.broadcast %lt3A_1195 : i32 to vector<16xi32>
      %lt3A_1197 = arith.cmpi slt, %broadcast_in_dim3A_1194, %lt3A_1196 : vector<16xi32>
      %add3A_1198 = arith.constant 16 : i32
      %add3A_1199 = vector.broadcast %add3A_1198 : i32 to vector<16xi32>
      %add3A_1200 = arith.addi %broadcast_in_dim3A_1194, %add3A_1199 : vector<16xi32>
      %select_n3A_1201 = arith.select %lt3A_1197, %add3A_1200, %broadcast_in_dim3A_1194 : vector<16xi1>, vector<16xi32>
      %broadcast_in_dim3A_1202 = vector.shape_cast %select_n3A_1201 : vector<16xi32> to vector<16x1xi32>
      %gather3A_1203 = vector.shape_cast %broadcast_in_dim3A_1202 : vector<16x1xi32> to vector<16xi32>
      %gather3A_1204 = tpu.dynamic_gather %add3A_208[%gather3A_1203] in [0] : vector<16xf32>, vector<16xi32> -> vector<16xf32>
      %broadcast_in_dim3A_1205 = arith.constant 9 : i32
      %broadcast_in_dim3A_1206 = vector.broadcast %broadcast_in_dim3A_1205 : i32 to vector<16xi32>
      %lt3A_1207 = arith.constant 0 : i32
      %lt3A_1208 = vector.broadcast %lt3A_1207 : i32 to vector<16xi32>
      %lt3A_1209 = arith.cmpi slt, %broadcast_in_dim3A_1206, %lt3A_1208 : vector<16xi32>
      %add3A_1210 = arith.constant 16 : i32
      %add3A_1211 = vector.broadcast %add3A_1210 : i32 to vector<16xi32>
      %add3A_1212 = arith.addi %broadcast_in_dim3A_1206, %add3A_1211 : vector<16xi32>
      %select_n3A_1213 = arith.select %lt3A_1209, %add3A_1212, %broadcast_in_dim3A_1206 : vector<16xi1>, vector<16xi32>
      %broadcast_in_dim3A_1214 = vector.shape_cast %select_n3A_1213 : vector<16xi32> to vector<16x1xi32>
      %gather3A_1215 = vector.shape_cast %broadcast_in_dim3A_1214 : vector<16x1xi32> to vector<16xi32>
      %gather3A_1216 = tpu.dynamic_gather %bitcast_convert_type3A_222[%gather3A_1215] in [0] : vector<16xf32>, vector<16xi32> -> vector<16xf32>
      %broadcast_in_dim3A_1217 = arith.constant 9 : i32
      %broadcast_in_dim3A_1218 = vector.broadcast %broadcast_in_dim3A_1217 : i32 to vector<16xi32>
      %lt3A_1219 = arith.constant 0 : i32
      %lt3A_1220 = vector.broadcast %lt3A_1219 : i32 to vector<16xi32>
      %lt3A_1221 = arith.cmpi slt, %broadcast_in_dim3A_1218, %lt3A_1220 : vector<16xi32>
      %add3A_1222 = arith.constant 16 : i32
      %add3A_1223 = vector.broadcast %add3A_1222 : i32 to vector<16xi32>
      %add3A_1224 = arith.addi %broadcast_in_dim3A_1218, %add3A_1223 : vector<16xi32>
      %select_n3A_1225 = arith.select %lt3A_1221, %add3A_1224, %broadcast_in_dim3A_1218 : vector<16xi1>, vector<16xi32>
      %broadcast_in_dim3A_1226 = vector.shape_cast %select_n3A_1225 : vector<16xi32> to vector<16x1xi32>
      %gather3A_1227 = vector.shape_cast %broadcast_in_dim3A_1226 : vector<16x1xi32> to vector<16xi32>
      %gather3A_1228 = tpu.dynamic_gather %bitcast_convert_type3A_237[%gather3A_1227] in [0] : vector<16xf32>, vector<16xi32> -> vector<16xf32>
      %broadcast_in_dim3A_1229 = arith.constant 9 : i32
      %broadcast_in_dim3A_1230 = vector.broadcast %broadcast_in_dim3A_1229 : i32 to vector<16xi32>
      %lt3A_1231 = arith.constant 0 : i32
      %lt3A_1232 = vector.broadcast %lt3A_1231 : i32 to vector<16xi32>
      %lt3A_1233 = arith.cmpi slt, %broadcast_in_dim3A_1230, %lt3A_1232 : vector<16xi32>
      %add3A_1234 = arith.constant 16 : i32
      %add3A_1235 = vector.broadcast %add3A_1234 : i32 to vector<16xi32>
      %add3A_1236 = arith.addi %broadcast_in_dim3A_1230, %add3A_1235 : vector<16xi32>
      %select_n3A_1237 = arith.select %lt3A_1233, %add3A_1236, %broadcast_in_dim3A_1230 : vector<16xi1>, vector<16xi32>
      %broadcast_in_dim3A_1238 = vector.shape_cast %select_n3A_1237 : vector<16xi32> to vector<16x1xi32>
      %gather3A_1239 = vector.shape_cast %broadcast_in_dim3A_1238 : vector<16x1xi32> to vector<16xi32>
      %gather3A_1240 = tpu.dynamic_gather %bitcast_convert_type3A_252[%gather3A_1239] in [0] : vector<16xf32>, vector<16xi32> -> vector<16xf32>
      %broadcast_in_dim3A_1241 = arith.constant 9 : i32
      %broadcast_in_dim3A_1242 = vector.broadcast %broadcast_in_dim3A_1241 : i32 to vector<16xi32>
      %lt3A_1243 = arith.constant 0 : i32
      %lt3A_1244 = vector.broadcast %lt3A_1243 : i32 to vector<16xi32>
      %lt3A_1245 = arith.cmpi slt, %broadcast_in_dim3A_1242, %lt3A_1244 : vector<16xi32>
      %add3A_1246 = arith.constant 16 : i32
      %add3A_1247 = vector.broadcast %add3A_1246 : i32 to vector<16xi32>
      %add3A_1248 = arith.addi %broadcast_in_dim3A_1242, %add3A_1247 : vector<16xi32>
      %select_n3A_1249 = arith.select %lt3A_1245, %add3A_1248, %broadcast_in_dim3A_1242 : vector<16xi1>, vector<16xi32>
      %broadcast_in_dim3A_1250 = vector.shape_cast %select_n3A_1249 : vector<16xi32> to vector<16x1xi32>
      %gather3A_1251 = vector.shape_cast %broadcast_in_dim3A_1250 : vector<16x1xi32> to vector<16xi32>
      %gather3A_1252 = tpu.dynamic_gather %add3A_208[%gather3A_1251] in [0] : vector<16xf32>, vector<16xi32> -> vector<16xf32>
      %broadcast_in_dim3A_1253 = arith.constant 1.000000e+30 : f32
      %broadcast_in_dim3A_1254 = vector.broadcast %broadcast_in_dim3A_1253 : f32 to vector<16xf32>
      %broadcast_in_dim3A_1255 = arith.constant 1.000000e+30 : f32
      %broadcast_in_dim3A_1256 = vector.broadcast %broadcast_in_dim3A_1255 : f32 to vector<16xf32>
      %scan3A_1257 = arith.constant 0 : i32
      %scan3A_1258 = arith.constant 128 : i32
      %scan3A_1259 = arith.addi %scan3A_1257, %scan3A_1258 : i32
      %scan3A_1260 = arith.constant 1 : i32
      %scan3A_1261:2 = scf.for %scan3A_2093 = %scan3A_1257 to %scan3A_1259 step %scan3A_1260 iter_args(%scan3A_2094 = %broadcast_in_dim3A_1254, %scan3A_2095 = %broadcast_in_dim3A_1256) -> (vector<16xf32>, vector<16xf32>)  : i32 {
        %mul3A_2096 = arith.constant 16 : i32
        %mul3A_2097 = arith.muli %scan3A_2093, %mul3A_2096 : i32
        %get3A_2098 = arith.constant 0 : i32
        %get3A_2099 = arith.index_cast %get3A_2098 : i32 to index
        %get3A_2100 = arith.index_cast %mul3A_2097 : i32 to index
        %get3A_2101 = tpu.vector_load %arg6[%get3A_2099, %get3A_2100] {strides = array<i32>} : memref<4x2048xf32, #tpu.memory_space<vmem>>, vector<1x16xf32>,
        %get3A_2102 = vector.shape_cast %get3A_2101 : vector<1x16xf32> to vector<16xf32>
        %get3A_2103 = arith.constant 1 : i32
        %get3A_2104 = arith.index_cast %get3A_2103 : i32 to index
        %get3A_2105 = arith.index_cast %mul3A_2097 : i32 to index
        %get3A_2106 = tpu.vector_load %arg6[%get3A_2104, %get3A_2105] {strides = array<i32>} : memref<4x2048xf32, #tpu.memory_space<vmem>>, vector<1x16xf32>,
        %get3A_2107 = vector.shape_cast %get3A_2106 : vector<1x16xf32> to vector<16xf32>
        %get3A_2108 = arith.constant 2 : i32
        %get3A_2109 = arith.index_cast %get3A_2108 : i32 to index
        %get3A_2110 = arith.index_cast %mul3A_2097 : i32 to index
        %get3A_2111 = tpu.vector_load %arg6[%get3A_2109, %get3A_2110] {strides = array<i32>} : memref<4x2048xf32, #tpu.memory_space<vmem>>, vector<1x16xf32>,
        %get3A_2112 = vector.shape_cast %get3A_2111 : vector<1x16xf32> to vector<16xf32>
        %get3A_2113 = arith.constant 3 : i32
        %get3A_2114 = arith.index_cast %get3A_2113 : i32 to index
        %get3A_2115 = arith.index_cast %mul3A_2097 : i32 to index
        %get3A_2116 = tpu.vector_load %arg6[%get3A_2114, %get3A_2115] {strides = array<i32>} : memref<4x2048xf32, #tpu.memory_space<vmem>>, vector<1x16xf32>,
        %get3A_2117 = vector.shape_cast %get3A_2116 : vector<1x16xf32> to vector<16xf32>
        %mul3A_2118 = arith.mulf %get3A_2102, %gather3A_1168 : vector<16xf32>
        %mul3A_2119 = arith.mulf %get3A_2107, %gather3A_1180 : vector<16xf32>
        %add3A_2120 = arith.addf %mul3A_2118, %mul3A_2119 : vector<16xf32>
        %mul3A_2121 = arith.mulf %get3A_2112, %gather3A_1192 : vector<16xf32>
        %add3A_2122 = arith.addf %add3A_2120, %mul3A_2121 : vector<16xf32>
        %add3A_2123 = arith.addf %gather3A_1204, %get3A_2117 : vector<16xf32>
        %add3A_2124 = arith.addf %add3A_2123, %add3A_2122 : vector<16xf32>
        %min3A_2125 = arith.minimumf %scan3A_2094, %add3A_2124 : vector<16xf32>
        %mul3A_2126 = arith.mulf %get3A_2102, %gather3A_1216 : vector<16xf32>
        %mul3A_2127 = arith.mulf %get3A_2107, %gather3A_1228 : vector<16xf32>
        %add3A_2128 = arith.addf %mul3A_2126, %mul3A_2127 : vector<16xf32>
        %mul3A_2129 = arith.mulf %get3A_2112, %gather3A_1240 : vector<16xf32>
        %add3A_2130 = arith.addf %add3A_2128, %mul3A_2129 : vector<16xf32>
        %add3A_2131 = arith.addf %gather3A_1252, %get3A_2117 : vector<16xf32>
        %add3A_2132 = arith.addf %add3A_2131, %add3A_2130 : vector<16xf32>
        %min3A_2133 = arith.minimumf %scan3A_2095, %add3A_2132 : vector<16xf32>
        scf.yield %min3A_2125, %min3A_2133 : vector<16xf32>, vector<16xf32>
      }
      %scan3A_1262 = arith.constant 128 : i32
      %eq3A_1263 = arith.constant 8 : i32
      %eq3A_1264 = vector.broadcast %eq3A_1263 : i32 to vector<16xi32>
      %eq3A_1265 = arith.cmpi eq, %iota3A_20, %eq3A_1264 : vector<16xi32>
      %xor3A_1266 = arith.constant 8 : i32
      %xor3A_1267 = vector.broadcast %xor3A_1266 : i32 to vector<16xi32>
      %xor3A_1268 = arith.xori %iota3A_20, %xor3A_1267 : vector<16xi32>
      %lt3A_1269 = arith.constant 0 : i32
      %lt3A_1270 = vector.broadcast %lt3A_1269 : i32 to vector<16xi32>
      %lt3A_1271 = arith.cmpi slt, %xor3A_1268, %lt3A_1270 : vector<16xi32>
      %add3A_1272 = arith.constant 16 : i32
      %add3A_1273 = vector.broadcast %add3A_1272 : i32 to vector<16xi32>
      %add3A_1274 = arith.addi %xor3A_1268, %add3A_1273 : vector<16xi32>
      %select_n3A_1275 = arith.select %lt3A_1271, %add3A_1274, %xor3A_1268 : vector<16xi1>, vector<16xi32>
      %broadcast_in_dim3A_1276 = vector.shape_cast %select_n3A_1275 : vector<16xi32> to vector<16x1xi32>
      %gather3A_1277 = vector.shape_cast %broadcast_in_dim3A_1276 : vector<16x1xi32> to vector<16xi32>
      %gather3A_1278 = tpu.dynamic_gather %scan3A_1261#0[%gather3A_1277] in [0] : vector<16xf32>, vector<16xi32> -> vector<16xf32>
      %min3A_1279 = arith.minimumf %scan3A_1261#0, %gather3A_1278 : vector<16xf32>
      %xor3A_1280 = arith.constant 4 : i32
      %xor3A_1281 = vector.broadcast %xor3A_1280 : i32 to vector<16xi32>
      %xor3A_1282 = arith.xori %iota3A_20, %xor3A_1281 : vector<16xi32>
      %lt3A_1283 = arith.constant 0 : i32
      %lt3A_1284 = vector.broadcast %lt3A_1283 : i32 to vector<16xi32>
      %lt3A_1285 = arith.cmpi slt, %xor3A_1282, %lt3A_1284 : vector<16xi32>
      %add3A_1286 = arith.constant 16 : i32
      %add3A_1287 = vector.broadcast %add3A_1286 : i32 to vector<16xi32>
      %add3A_1288 = arith.addi %xor3A_1282, %add3A_1287 : vector<16xi32>
      %select_n3A_1289 = arith.select %lt3A_1285, %add3A_1288, %xor3A_1282 : vector<16xi1>, vector<16xi32>
      %broadcast_in_dim3A_1290 = vector.shape_cast %select_n3A_1289 : vector<16xi32> to vector<16x1xi32>
      %gather3A_1291 = vector.shape_cast %broadcast_in_dim3A_1290 : vector<16x1xi32> to vector<16xi32>
      %gather3A_1292 = tpu.dynamic_gather %min3A_1279[%gather3A_1291] in [0] : vector<16xf32>, vector<16xi32> -> vector<16xf32>
      %min3A_1293 = arith.minimumf %min3A_1279, %gather3A_1292 : vector<16xf32>
      %xor3A_1294 = arith.constant 2 : i32
      %xor3A_1295 = vector.broadcast %xor3A_1294 : i32 to vector<16xi32>
      %xor3A_1296 = arith.xori %iota3A_20, %xor3A_1295 : vector<16xi32>
      %lt3A_1297 = arith.constant 0 : i32
      %lt3A_1298 = vector.broadcast %lt3A_1297 : i32 to vector<16xi32>
      %lt3A_1299 = arith.cmpi slt, %xor3A_1296, %lt3A_1298 : vector<16xi32>
      %add3A_1300 = arith.constant 16 : i32
      %add3A_1301 = vector.broadcast %add3A_1300 : i32 to vector<16xi32>
      %add3A_1302 = arith.addi %xor3A_1296, %add3A_1301 : vector<16xi32>
      %select_n3A_1303 = arith.select %lt3A_1299, %add3A_1302, %xor3A_1296 : vector<16xi1>, vector<16xi32>
      %broadcast_in_dim3A_1304 = vector.shape_cast %select_n3A_1303 : vector<16xi32> to vector<16x1xi32>
      %gather3A_1305 = vector.shape_cast %broadcast_in_dim3A_1304 : vector<16x1xi32> to vector<16xi32>
      %gather3A_1306 = tpu.dynamic_gather %min3A_1293[%gather3A_1305] in [0] : vector<16xf32>, vector<16xi32> -> vector<16xf32>
      %min3A_1307 = arith.minimumf %min3A_1293, %gather3A_1306 : vector<16xf32>
      %xor3A_1308 = arith.constant 1 : i32
      %xor3A_1309 = vector.broadcast %xor3A_1308 : i32 to vector<16xi32>
      %xor3A_1310 = arith.xori %iota3A_20, %xor3A_1309 : vector<16xi32>
      %lt3A_1311 = arith.constant 0 : i32
      %lt3A_1312 = vector.broadcast %lt3A_1311 : i32 to vector<16xi32>
      %lt3A_1313 = arith.cmpi slt, %xor3A_1310, %lt3A_1312 : vector<16xi32>
      %add3A_1314 = arith.constant 16 : i32
      %add3A_1315 = vector.broadcast %add3A_1314 : i32 to vector<16xi32>
      %add3A_1316 = arith.addi %xor3A_1310, %add3A_1315 : vector<16xi32>
      %select_n3A_1317 = arith.select %lt3A_1313, %add3A_1316, %xor3A_1310 : vector<16xi1>, vector<16xi32>
      %broadcast_in_dim3A_1318 = vector.shape_cast %select_n3A_1317 : vector<16xi32> to vector<16x1xi32>
      %gather3A_1319 = vector.shape_cast %broadcast_in_dim3A_1318 : vector<16x1xi32> to vector<16xi32>
      %gather3A_1320 = tpu.dynamic_gather %min3A_1307[%gather3A_1319] in [0] : vector<16xf32>, vector<16xi32> -> vector<16xf32>
      %min3A_1321 = arith.minimumf %min3A_1307, %gather3A_1320 : vector<16xf32>
      %select_n3A_1322 = arith.select %eq3A_1265, %min3A_1321, %select_n3A_1156 : vector<16xi1>, vector<16xf32>
      %eq3A_1323 = arith.constant 9 : i32
      %eq3A_1324 = vector.broadcast %eq3A_1323 : i32 to vector<16xi32>
      %eq3A_1325 = arith.cmpi eq, %iota3A_20, %eq3A_1324 : vector<16xi32>
      %xor3A_1326 = arith.constant 8 : i32
      %xor3A_1327 = vector.broadcast %xor3A_1326 : i32 to vector<16xi32>
      %xor3A_1328 = arith.xori %iota3A_20, %xor3A_1327 : vector<16xi32>
      %lt3A_1329 = arith.constant 0 : i32
      %lt3A_1330 = vector.broadcast %lt3A_1329 : i32 to vector<16xi32>
      %lt3A_1331 = arith.cmpi slt, %xor3A_1328, %lt3A_1330 : vector<16xi32>
      %add3A_1332 = arith.constant 16 : i32
      %add3A_1333 = vector.broadcast %add3A_1332 : i32 to vector<16xi32>
      %add3A_1334 = arith.addi %xor3A_1328, %add3A_1333 : vector<16xi32>
      %select_n3A_1335 = arith.select %lt3A_1331, %add3A_1334, %xor3A_1328 : vector<16xi1>, vector<16xi32>
      %broadcast_in_dim3A_1336 = vector.shape_cast %select_n3A_1335 : vector<16xi32> to vector<16x1xi32>
      %gather3A_1337 = vector.shape_cast %broadcast_in_dim3A_1336 : vector<16x1xi32> to vector<16xi32>
      %gather3A_1338 = tpu.dynamic_gather %scan3A_1261#1[%gather3A_1337] in [0] : vector<16xf32>, vector<16xi32> -> vector<16xf32>
      %min3A_1339 = arith.minimumf %scan3A_1261#1, %gather3A_1338 : vector<16xf32>
      %xor3A_1340 = arith.constant 4 : i32
      %xor3A_1341 = vector.broadcast %xor3A_1340 : i32 to vector<16xi32>
      %xor3A_1342 = arith.xori %iota3A_20, %xor3A_1341 : vector<16xi32>
      %lt3A_1343 = arith.constant 0 : i32
      %lt3A_1344 = vector.broadcast %lt3A_1343 : i32 to vector<16xi32>
      %lt3A_1345 = arith.cmpi slt, %xor3A_1342, %lt3A_1344 : vector<16xi32>
      %add3A_1346 = arith.constant 16 : i32
      %add3A_1347 = vector.broadcast %add3A_1346 : i32 to vector<16xi32>
      %add3A_1348 = arith.addi %xor3A_1342, %add3A_1347 : vector<16xi32>
      %select_n3A_1349 = arith.select %lt3A_1345, %add3A_1348, %xor3A_1342 : vector<16xi1>, vector<16xi32>
      %broadcast_in_dim3A_1350 = vector.shape_cast %select_n3A_1349 : vector<16xi32> to vector<16x1xi32>
      %gather3A_1351 = vector.shape_cast %broadcast_in_dim3A_1350 : vector<16x1xi32> to vector<16xi32>
      %gather3A_1352 = tpu.dynamic_gather %min3A_1339[%gather3A_1351] in [0] : vector<16xf32>, vector<16xi32> -> vector<16xf32>
      %min3A_1353 = arith.minimumf %min3A_1339, %gather3A_1352 : vector<16xf32>
      %xor3A_1354 = arith.constant 2 : i32
      %xor3A_1355 = vector.broadcast %xor3A_1354 : i32 to vector<16xi32>
      %xor3A_1356 = arith.xori %iota3A_20, %xor3A_1355 : vector<16xi32>
      %lt3A_1357 = arith.constant 0 : i32
      %lt3A_1358 = vector.broadcast %lt3A_1357 : i32 to vector<16xi32>
      %lt3A_1359 = arith.cmpi slt, %xor3A_1356, %lt3A_1358 : vector<16xi32>
      %add3A_1360 = arith.constant 16 : i32
      %add3A_1361 = vector.broadcast %add3A_1360 : i32 to vector<16xi32>
      %add3A_1362 = arith.addi %xor3A_1356, %add3A_1361 : vector<16xi32>
      %select_n3A_1363 = arith.select %lt3A_1359, %add3A_1362, %xor3A_1356 : vector<16xi1>, vector<16xi32>
      %broadcast_in_dim3A_1364 = vector.shape_cast %select_n3A_1363 : vector<16xi32> to vector<16x1xi32>
      %gather3A_1365 = vector.shape_cast %broadcast_in_dim3A_1364 : vector<16x1xi32> to vector<16xi32>
      %gather3A_1366 = tpu.dynamic_gather %min3A_1353[%gather3A_1365] in [0] : vector<16xf32>, vector<16xi32> -> vector<16xf32>
      %min3A_1367 = arith.minimumf %min3A_1353, %gather3A_1366 : vector<16xf32>
      %xor3A_1368 = arith.constant 1 : i32
      %xor3A_1369 = vector.broadcast %xor3A_1368 : i32 to vector<16xi32>
      %xor3A_1370 = arith.xori %iota3A_20, %xor3A_1369 : vector<16xi32>
      %lt3A_1371 = arith.constant 0 : i32
      %lt3A_1372 = vector.broadcast %lt3A_1371 : i32 to vector<16xi32>
      %lt3A_1373 = arith.cmpi slt, %xor3A_1370, %lt3A_1372 : vector<16xi32>
      %add3A_1374 = arith.constant 16 : i32
      %add3A_1375 = vector.broadcast %add3A_1374 : i32 to vector<16xi32>
      %add3A_1376 = arith.addi %xor3A_1370, %add3A_1375 : vector<16xi32>
      %select_n3A_1377 = arith.select %lt3A_1373, %add3A_1376, %xor3A_1370 : vector<16xi1>, vector<16xi32>
      %broadcast_in_dim3A_1378 = vector.shape_cast %select_n3A_1377 : vector<16xi32> to vector<16x1xi32>
      %gather3A_1379 = vector.shape_cast %broadcast_in_dim3A_1378 : vector<16x1xi32> to vector<16xi32>
      %gather3A_1380 = tpu.dynamic_gather %min3A_1367[%gather3A_1379] in [0] : vector<16xf32>, vector<16xi32> -> vector<16xf32>
      %min3A_1381 = arith.minimumf %min3A_1367, %gather3A_1380 : vector<16xf32>
      %select_n3A_1382 = arith.select %eq3A_1325, %min3A_1381, %select_n3A_1322 : vector<16xi1>, vector<16xf32>
      %broadcast_in_dim3A_1383 = arith.constant 10 : i32
      %broadcast_in_dim3A_1384 = vector.broadcast %broadcast_in_dim3A_1383 : i32 to vector<16xi32>
      %lt3A_1385 = arith.constant 0 : i32
      %lt3A_1386 = vector.broadcast %lt3A_1385 : i32 to vector<16xi32>
      %lt3A_1387 = arith.cmpi slt, %broadcast_in_dim3A_1384, %lt3A_1386 : vector<16xi32>
      %add3A_1388 = arith.constant 16 : i32
      %add3A_1389 = vector.broadcast %add3A_1388 : i32 to vector<16xi32>
      %add3A_1390 = arith.addi %broadcast_in_dim3A_1384, %add3A_1389 : vector<16xi32>
      %select_n3A_1391 = arith.select %lt3A_1387, %add3A_1390, %broadcast_in_dim3A_1384 : vector<16xi1>, vector<16xi32>
      %broadcast_in_dim3A_1392 = vector.shape_cast %select_n3A_1391 : vector<16xi32> to vector<16x1xi32>
      %gather3A_1393 = vector.shape_cast %broadcast_in_dim3A_1392 : vector<16x1xi32> to vector<16xi32>
      %gather3A_1394 = tpu.dynamic_gather %bitcast_convert_type3A_222[%gather3A_1393] in [0] : vector<16xf32>, vector<16xi32> -> vector<16xf32>
      %broadcast_in_dim3A_1395 = arith.constant 10 : i32
      %broadcast_in_dim3A_1396 = vector.broadcast %broadcast_in_dim3A_1395 : i32 to vector<16xi32>
      %lt3A_1397 = arith.constant 0 : i32
      %lt3A_1398 = vector.broadcast %lt3A_1397 : i32 to vector<16xi32>
      %lt3A_1399 = arith.cmpi slt, %broadcast_in_dim3A_1396, %lt3A_1398 : vector<16xi32>
      %add3A_1400 = arith.constant 16 : i32
      %add3A_1401 = vector.broadcast %add3A_1400 : i32 to vector<16xi32>
      %add3A_1402 = arith.addi %broadcast_in_dim3A_1396, %add3A_1401 : vector<16xi32>
      %select_n3A_1403 = arith.select %lt3A_1399, %add3A_1402, %broadcast_in_dim3A_1396 : vector<16xi1>, vector<16xi32>
      %broadcast_in_dim3A_1404 = vector.shape_cast %select_n3A_1403 : vector<16xi32> to vector<16x1xi32>
      %gather3A_1405 = vector.shape_cast %broadcast_in_dim3A_1404 : vector<16x1xi32> to vector<16xi32>
      %gather3A_1406 = tpu.dynamic_gather %bitcast_convert_type3A_237[%gather3A_1405] in [0] : vector<16xf32>, vector<16xi32> -> vector<16xf32>
      %broadcast_in_dim3A_1407 = arith.constant 10 : i32
      %broadcast_in_dim3A_1408 = vector.broadcast %broadcast_in_dim3A_1407 : i32 to vector<16xi32>
      %lt3A_1409 = arith.constant 0 : i32
      %lt3A_1410 = vector.broadcast %lt3A_1409 : i32 to vector<16xi32>
      %lt3A_1411 = arith.cmpi slt, %broadcast_in_dim3A_1408, %lt3A_1410 : vector<16xi32>
      %add3A_1412 = arith.constant 16 : i32
      %add3A_1413 = vector.broadcast %add3A_1412 : i32 to vector<16xi32>
      %add3A_1414 = arith.addi %broadcast_in_dim3A_1408, %add3A_1413 : vector<16xi32>
      %select_n3A_1415 = arith.select %lt3A_1411, %add3A_1414, %broadcast_in_dim3A_1408 : vector<16xi1>, vector<16xi32>
      %broadcast_in_dim3A_1416 = vector.shape_cast %select_n3A_1415 : vector<16xi32> to vector<16x1xi32>
      %gather3A_1417 = vector.shape_cast %broadcast_in_dim3A_1416 : vector<16x1xi32> to vector<16xi32>
      %gather3A_1418 = tpu.dynamic_gather %bitcast_convert_type3A_252[%gather3A_1417] in [0] : vector<16xf32>, vector<16xi32> -> vector<16xf32>
      %broadcast_in_dim3A_1419 = arith.constant 10 : i32
      %broadcast_in_dim3A_1420 = vector.broadcast %broadcast_in_dim3A_1419 : i32 to vector<16xi32>
      %lt3A_1421 = arith.constant 0 : i32
      %lt3A_1422 = vector.broadcast %lt3A_1421 : i32 to vector<16xi32>
      %lt3A_1423 = arith.cmpi slt, %broadcast_in_dim3A_1420, %lt3A_1422 : vector<16xi32>
      %add3A_1424 = arith.constant 16 : i32
      %add3A_1425 = vector.broadcast %add3A_1424 : i32 to vector<16xi32>
      %add3A_1426 = arith.addi %broadcast_in_dim3A_1420, %add3A_1425 : vector<16xi32>
      %select_n3A_1427 = arith.select %lt3A_1423, %add3A_1426, %broadcast_in_dim3A_1420 : vector<16xi1>, vector<16xi32>
      %broadcast_in_dim3A_1428 = vector.shape_cast %select_n3A_1427 : vector<16xi32> to vector<16x1xi32>
      %gather3A_1429 = vector.shape_cast %broadcast_in_dim3A_1428 : vector<16x1xi32> to vector<16xi32>
      %gather3A_1430 = tpu.dynamic_gather %add3A_208[%gather3A_1429] in [0] : vector<16xf32>, vector<16xi32> -> vector<16xf32>
      %broadcast_in_dim3A_1431 = arith.constant 11 : i32
      %broadcast_in_dim3A_1432 = vector.broadcast %broadcast_in_dim3A_1431 : i32 to vector<16xi32>
      %lt3A_1433 = arith.constant 0 : i32
      %lt3A_1434 = vector.broadcast %lt3A_1433 : i32 to vector<16xi32>
      %lt3A_1435 = arith.cmpi slt, %broadcast_in_dim3A_1432, %lt3A_1434 : vector<16xi32>
      %add3A_1436 = arith.constant 16 : i32
      %add3A_1437 = vector.broadcast %add3A_1436 : i32 to vector<16xi32>
      %add3A_1438 = arith.addi %broadcast_in_dim3A_1432, %add3A_1437 : vector<16xi32>
      %select_n3A_1439 = arith.select %lt3A_1435, %add3A_1438, %broadcast_in_dim3A_1432 : vector<16xi1>, vector<16xi32>
      %broadcast_in_dim3A_1440 = vector.shape_cast %select_n3A_1439 : vector<16xi32> to vector<16x1xi32>
      %gather3A_1441 = vector.shape_cast %broadcast_in_dim3A_1440 : vector<16x1xi32> to vector<16xi32>
      %gather3A_1442 = tpu.dynamic_gather %bitcast_convert_type3A_222[%gather3A_1441] in [0] : vector<16xf32>, vector<16xi32> -> vector<16xf32>
      %broadcast_in_dim3A_1443 = arith.constant 11 : i32
      %broadcast_in_dim3A_1444 = vector.broadcast %broadcast_in_dim3A_1443 : i32 to vector<16xi32>
      %lt3A_1445 = arith.constant 0 : i32
      %lt3A_1446 = vector.broadcast %lt3A_1445 : i32 to vector<16xi32>
      %lt3A_1447 = arith.cmpi slt, %broadcast_in_dim3A_1444, %lt3A_1446 : vector<16xi32>
      %add3A_1448 = arith.constant 16 : i32
      %add3A_1449 = vector.broadcast %add3A_1448 : i32 to vector<16xi32>
      %add3A_1450 = arith.addi %broadcast_in_dim3A_1444, %add3A_1449 : vector<16xi32>
      %select_n3A_1451 = arith.select %lt3A_1447, %add3A_1450, %broadcast_in_dim3A_1444 : vector<16xi1>, vector<16xi32>
      %broadcast_in_dim3A_1452 = vector.shape_cast %select_n3A_1451 : vector<16xi32> to vector<16x1xi32>
      %gather3A_1453 = vector.shape_cast %broadcast_in_dim3A_1452 : vector<16x1xi32> to vector<16xi32>
      %gather3A_1454 = tpu.dynamic_gather %bitcast_convert_type3A_237[%gather3A_1453] in [0] : vector<16xf32>, vector<16xi32> -> vector<16xf32>
      %broadcast_in_dim3A_1455 = arith.constant 11 : i32
      %broadcast_in_dim3A_1456 = vector.broadcast %broadcast_in_dim3A_1455 : i32 to vector<16xi32>
      %lt3A_1457 = arith.constant 0 : i32
      %lt3A_1458 = vector.broadcast %lt3A_1457 : i32 to vector<16xi32>
      %lt3A_1459 = arith.cmpi slt, %broadcast_in_dim3A_1456, %lt3A_1458 : vector<16xi32>
      %add3A_1460 = arith.constant 16 : i32
      %add3A_1461 = vector.broadcast %add3A_1460 : i32 to vector<16xi32>
      %add3A_1462 = arith.addi %broadcast_in_dim3A_1456, %add3A_1461 : vector<16xi32>
      %select_n3A_1463 = arith.select %lt3A_1459, %add3A_1462, %broadcast_in_dim3A_1456 : vector<16xi1>, vector<16xi32>
      %broadcast_in_dim3A_1464 = vector.shape_cast %select_n3A_1463 : vector<16xi32> to vector<16x1xi32>
      %gather3A_1465 = vector.shape_cast %broadcast_in_dim3A_1464 : vector<16x1xi32> to vector<16xi32>
      %gather3A_1466 = tpu.dynamic_gather %bitcast_convert_type3A_252[%gather3A_1465] in [0] : vector<16xf32>, vector<16xi32> -> vector<16xf32>
      %broadcast_in_dim3A_1467 = arith.constant 11 : i32
      %broadcast_in_dim3A_1468 = vector.broadcast %broadcast_in_dim3A_1467 : i32 to vector<16xi32>
      %lt3A_1469 = arith.constant 0 : i32
      %lt3A_1470 = vector.broadcast %lt3A_1469 : i32 to vector<16xi32>
      %lt3A_1471 = arith.cmpi slt, %broadcast_in_dim3A_1468, %lt3A_1470 : vector<16xi32>
      %add3A_1472 = arith.constant 16 : i32
      %add3A_1473 = vector.broadcast %add3A_1472 : i32 to vector<16xi32>
      %add3A_1474 = arith.addi %broadcast_in_dim3A_1468, %add3A_1473 : vector<16xi32>
      %select_n3A_1475 = arith.select %lt3A_1471, %add3A_1474, %broadcast_in_dim3A_1468 : vector<16xi1>, vector<16xi32>
      %broadcast_in_dim3A_1476 = vector.shape_cast %select_n3A_1475 : vector<16xi32> to vector<16x1xi32>
      %gather3A_1477 = vector.shape_cast %broadcast_in_dim3A_1476 : vector<16x1xi32> to vector<16xi32>
      %gather3A_1478 = tpu.dynamic_gather %add3A_208[%gather3A_1477] in [0] : vector<16xf32>, vector<16xi32> -> vector<16xf32>
      %broadcast_in_dim3A_1479 = arith.constant 1.000000e+30 : f32
      %broadcast_in_dim3A_1480 = vector.broadcast %broadcast_in_dim3A_1479 : f32 to vector<16xf32>
      %broadcast_in_dim3A_1481 = arith.constant 1.000000e+30 : f32
      %broadcast_in_dim3A_1482 = vector.broadcast %broadcast_in_dim3A_1481 : f32 to vector<16xf32>
      %scan3A_1483 = arith.constant 0 : i32
      %scan3A_1484 = arith.constant 128 : i32
      %scan3A_1485 = arith.addi %scan3A_1483, %scan3A_1484 : i32
      %scan3A_1486 = arith.constant 1 : i32
      %scan3A_1487:2 = scf.for %scan3A_2093 = %scan3A_1483 to %scan3A_1485 step %scan3A_1486 iter_args(%scan3A_2094 = %broadcast_in_dim3A_1480, %scan3A_2095 = %broadcast_in_dim3A_1482) -> (vector<16xf32>, vector<16xf32>)  : i32 {
        %mul3A_2096 = arith.constant 16 : i32
        %mul3A_2097 = arith.muli %scan3A_2093, %mul3A_2096 : i32
        %get3A_2098 = arith.constant 0 : i32
        %get3A_2099 = arith.index_cast %get3A_2098 : i32 to index
        %get3A_2100 = arith.index_cast %mul3A_2097 : i32 to index
        %get3A_2101 = tpu.vector_load %arg6[%get3A_2099, %get3A_2100] {strides = array<i32>} : memref<4x2048xf32, #tpu.memory_space<vmem>>, vector<1x16xf32>,
        %get3A_2102 = vector.shape_cast %get3A_2101 : vector<1x16xf32> to vector<16xf32>
        %get3A_2103 = arith.constant 1 : i32
        %get3A_2104 = arith.index_cast %get3A_2103 : i32 to index
        %get3A_2105 = arith.index_cast %mul3A_2097 : i32 to index
        %get3A_2106 = tpu.vector_load %arg6[%get3A_2104, %get3A_2105] {strides = array<i32>} : memref<4x2048xf32, #tpu.memory_space<vmem>>, vector<1x16xf32>,
        %get3A_2107 = vector.shape_cast %get3A_2106 : vector<1x16xf32> to vector<16xf32>
        %get3A_2108 = arith.constant 2 : i32
        %get3A_2109 = arith.index_cast %get3A_2108 : i32 to index
        %get3A_2110 = arith.index_cast %mul3A_2097 : i32 to index
        %get3A_2111 = tpu.vector_load %arg6[%get3A_2109, %get3A_2110] {strides = array<i32>} : memref<4x2048xf32, #tpu.memory_space<vmem>>, vector<1x16xf32>,
        %get3A_2112 = vector.shape_cast %get3A_2111 : vector<1x16xf32> to vector<16xf32>
        %get3A_2113 = arith.constant 3 : i32
        %get3A_2114 = arith.index_cast %get3A_2113 : i32 to index
        %get3A_2115 = arith.index_cast %mul3A_2097 : i32 to index
        %get3A_2116 = tpu.vector_load %arg6[%get3A_2114, %get3A_2115] {strides = array<i32>} : memref<4x2048xf32, #tpu.memory_space<vmem>>, vector<1x16xf32>,
        %get3A_2117 = vector.shape_cast %get3A_2116 : vector<1x16xf32> to vector<16xf32>
        %mul3A_2118 = arith.mulf %get3A_2102, %gather3A_1394 : vector<16xf32>
        %mul3A_2119 = arith.mulf %get3A_2107, %gather3A_1406 : vector<16xf32>
        %add3A_2120 = arith.addf %mul3A_2118, %mul3A_2119 : vector<16xf32>
        %mul3A_2121 = arith.mulf %get3A_2112, %gather3A_1418 : vector<16xf32>
        %add3A_2122 = arith.addf %add3A_2120, %mul3A_2121 : vector<16xf32>
        %add3A_2123 = arith.addf %gather3A_1430, %get3A_2117 : vector<16xf32>
        %add3A_2124 = arith.addf %add3A_2123, %add3A_2122 : vector<16xf32>
        %min3A_2125 = arith.minimumf %scan3A_2094, %add3A_2124 : vector<16xf32>
        %mul3A_2126 = arith.mulf %get3A_2102, %gather3A_1442 : vector<16xf32>
        %mul3A_2127 = arith.mulf %get3A_2107, %gather3A_1454 : vector<16xf32>
        %add3A_2128 = arith.addf %mul3A_2126, %mul3A_2127 : vector<16xf32>
        %mul3A_2129 = arith.mulf %get3A_2112, %gather3A_1466 : vector<16xf32>
        %add3A_2130 = arith.addf %add3A_2128, %mul3A_2129 : vector<16xf32>
        %add3A_2131 = arith.addf %gather3A_1478, %get3A_2117 : vector<16xf32>
        %add3A_2132 = arith.addf %add3A_2131, %add3A_2130 : vector<16xf32>
        %min3A_2133 = arith.minimumf %scan3A_2095, %add3A_2132 : vector<16xf32>
        scf.yield %min3A_2125, %min3A_2133 : vector<16xf32>, vector<16xf32>
      }
      %scan3A_1488 = arith.constant 128 : i32
      %eq3A_1489 = arith.constant 10 : i32
      %eq3A_1490 = vector.broadcast %eq3A_1489 : i32 to vector<16xi32>
      %eq3A_1491 = arith.cmpi eq, %iota3A_20, %eq3A_1490 : vector<16xi32>
      %xor3A_1492 = arith.constant 8 : i32
      %xor3A_1493 = vector.broadcast %xor3A_1492 : i32 to vector<16xi32>
      %xor3A_1494 = arith.xori %iota3A_20, %xor3A_1493 : vector<16xi32>
      %lt3A_1495 = arith.constant 0 : i32
      %lt3A_1496 = vector.broadcast %lt3A_1495 : i32 to vector<16xi32>
      %lt3A_1497 = arith.cmpi slt, %xor3A_1494, %lt3A_1496 : vector<16xi32>
      %add3A_1498 = arith.constant 16 : i32
      %add3A_1499 = vector.broadcast %add3A_1498 : i32 to vector<16xi32>
      %add3A_1500 = arith.addi %xor3A_1494, %add3A_1499 : vector<16xi32>
      %select_n3A_1501 = arith.select %lt3A_1497, %add3A_1500, %xor3A_1494 : vector<16xi1>, vector<16xi32>
      %broadcast_in_dim3A_1502 = vector.shape_cast %select_n3A_1501 : vector<16xi32> to vector<16x1xi32>
      %gather3A_1503 = vector.shape_cast %broadcast_in_dim3A_1502 : vector<16x1xi32> to vector<16xi32>
      %gather3A_1504 = tpu.dynamic_gather %scan3A_1487#0[%gather3A_1503] in [0] : vector<16xf32>, vector<16xi32> -> vector<16xf32>
      %min3A_1505 = arith.minimumf %scan3A_1487#0, %gather3A_1504 : vector<16xf32>
      %xor3A_1506 = arith.constant 4 : i32
      %xor3A_1507 = vector.broadcast %xor3A_1506 : i32 to vector<16xi32>
      %xor3A_1508 = arith.xori %iota3A_20, %xor3A_1507 : vector<16xi32>
      %lt3A_1509 = arith.constant 0 : i32
      %lt3A_1510 = vector.broadcast %lt3A_1509 : i32 to vector<16xi32>
      %lt3A_1511 = arith.cmpi slt, %xor3A_1508, %lt3A_1510 : vector<16xi32>
      %add3A_1512 = arith.constant 16 : i32
      %add3A_1513 = vector.broadcast %add3A_1512 : i32 to vector<16xi32>
      %add3A_1514 = arith.addi %xor3A_1508, %add3A_1513 : vector<16xi32>
      %select_n3A_1515 = arith.select %lt3A_1511, %add3A_1514, %xor3A_1508 : vector<16xi1>, vector<16xi32>
      %broadcast_in_dim3A_1516 = vector.shape_cast %select_n3A_1515 : vector<16xi32> to vector<16x1xi32>
      %gather3A_1517 = vector.shape_cast %broadcast_in_dim3A_1516 : vector<16x1xi32> to vector<16xi32>
      %gather3A_1518 = tpu.dynamic_gather %min3A_1505[%gather3A_1517] in [0] : vector<16xf32>, vector<16xi32> -> vector<16xf32>
      %min3A_1519 = arith.minimumf %min3A_1505, %gather3A_1518 : vector<16xf32>
      %xor3A_1520 = arith.constant 2 : i32
      %xor3A_1521 = vector.broadcast %xor3A_1520 : i32 to vector<16xi32>
      %xor3A_1522 = arith.xori %iota3A_20, %xor3A_1521 : vector<16xi32>
      %lt3A_1523 = arith.constant 0 : i32
      %lt3A_1524 = vector.broadcast %lt3A_1523 : i32 to vector<16xi32>
      %lt3A_1525 = arith.cmpi slt, %xor3A_1522, %lt3A_1524 : vector<16xi32>
      %add3A_1526 = arith.constant 16 : i32
      %add3A_1527 = vector.broadcast %add3A_1526 : i32 to vector<16xi32>
      %add3A_1528 = arith.addi %xor3A_1522, %add3A_1527 : vector<16xi32>
      %select_n3A_1529 = arith.select %lt3A_1525, %add3A_1528, %xor3A_1522 : vector<16xi1>, vector<16xi32>
      %broadcast_in_dim3A_1530 = vector.shape_cast %select_n3A_1529 : vector<16xi32> to vector<16x1xi32>
      %gather3A_1531 = vector.shape_cast %broadcast_in_dim3A_1530 : vector<16x1xi32> to vector<16xi32>
      %gather3A_1532 = tpu.dynamic_gather %min3A_1519[%gather3A_1531] in [0] : vector<16xf32>, vector<16xi32> -> vector<16xf32>
      %min3A_1533 = arith.minimumf %min3A_1519, %gather3A_1532 : vector<16xf32>
      %xor3A_1534 = arith.constant 1 : i32
      %xor3A_1535 = vector.broadcast %xor3A_1534 : i32 to vector<16xi32>
      %xor3A_1536 = arith.xori %iota3A_20, %xor3A_1535 : vector<16xi32>
      %lt3A_1537 = arith.constant 0 : i32
      %lt3A_1538 = vector.broadcast %lt3A_1537 : i32 to vector<16xi32>
      %lt3A_1539 = arith.cmpi slt, %xor3A_1536, %lt3A_1538 : vector<16xi32>
      %add3A_1540 = arith.constant 16 : i32
      %add3A_1541 = vector.broadcast %add3A_1540 : i32 to vector<16xi32>
      %add3A_1542 = arith.addi %xor3A_1536, %add3A_1541 : vector<16xi32>
      %select_n3A_1543 = arith.select %lt3A_1539, %add3A_1542, %xor3A_1536 : vector<16xi1>, vector<16xi32>
      %broadcast_in_dim3A_1544 = vector.shape_cast %select_n3A_1543 : vector<16xi32> to vector<16x1xi32>
      %gather3A_1545 = vector.shape_cast %broadcast_in_dim3A_1544 : vector<16x1xi32> to vector<16xi32>
      %gather3A_1546 = tpu.dynamic_gather %min3A_1533[%gather3A_1545] in [0] : vector<16xf32>, vector<16xi32> -> vector<16xf32>
      %min3A_1547 = arith.minimumf %min3A_1533, %gather3A_1546 : vector<16xf32>
      %select_n3A_1548 = arith.select %eq3A_1491, %min3A_1547, %select_n3A_1382 : vector<16xi1>, vector<16xf32>
      %eq3A_1549 = arith.constant 11 : i32
      %eq3A_1550 = vector.broadcast %eq3A_1549 : i32 to vector<16xi32>
      %eq3A_1551 = arith.cmpi eq, %iota3A_20, %eq3A_1550 : vector<16xi32>
      %xor3A_1552 = arith.constant 8 : i32
      %xor3A_1553 = vector.broadcast %xor3A_1552 : i32 to vector<16xi32>
      %xor3A_1554 = arith.xori %iota3A_20, %xor3A_1553 : vector<16xi32>
      %lt3A_1555 = arith.constant 0 : i32
      %lt3A_1556 = vector.broadcast %lt3A_1555 : i32 to vector<16xi32>
      %lt3A_1557 = arith.cmpi slt, %xor3A_1554, %lt3A_1556 : vector<16xi32>
      %add3A_1558 = arith.constant 16 : i32
      %add3A_1559 = vector.broadcast %add3A_1558 : i32 to vector<16xi32>
      %add3A_1560 = arith.addi %xor3A_1554, %add3A_1559 : vector<16xi32>
      %select_n3A_1561 = arith.select %lt3A_1557, %add3A_1560, %xor3A_1554 : vector<16xi1>, vector<16xi32>
      %broadcast_in_dim3A_1562 = vector.shape_cast %select_n3A_1561 : vector<16xi32> to vector<16x1xi32>
      %gather3A_1563 = vector.shape_cast %broadcast_in_dim3A_1562 : vector<16x1xi32> to vector<16xi32>
      %gather3A_1564 = tpu.dynamic_gather %scan3A_1487#1[%gather3A_1563] in [0] : vector<16xf32>, vector<16xi32> -> vector<16xf32>
      %min3A_1565 = arith.minimumf %scan3A_1487#1, %gather3A_1564 : vector<16xf32>
      %xor3A_1566 = arith.constant 4 : i32
      %xor3A_1567 = vector.broadcast %xor3A_1566 : i32 to vector<16xi32>
      %xor3A_1568 = arith.xori %iota3A_20, %xor3A_1567 : vector<16xi32>
      %lt3A_1569 = arith.constant 0 : i32
      %lt3A_1570 = vector.broadcast %lt3A_1569 : i32 to vector<16xi32>
      %lt3A_1571 = arith.cmpi slt, %xor3A_1568, %lt3A_1570 : vector<16xi32>
      %add3A_1572 = arith.constant 16 : i32
      %add3A_1573 = vector.broadcast %add3A_1572 : i32 to vector<16xi32>
      %add3A_1574 = arith.addi %xor3A_1568, %add3A_1573 : vector<16xi32>
      %select_n3A_1575 = arith.select %lt3A_1571, %add3A_1574, %xor3A_1568 : vector<16xi1>, vector<16xi32>
      %broadcast_in_dim3A_1576 = vector.shape_cast %select_n3A_1575 : vector<16xi32> to vector<16x1xi32>
      %gather3A_1577 = vector.shape_cast %broadcast_in_dim3A_1576 : vector<16x1xi32> to vector<16xi32>
      %gather3A_1578 = tpu.dynamic_gather %min3A_1565[%gather3A_1577] in [0] : vector<16xf32>, vector<16xi32> -> vector<16xf32>
      %min3A_1579 = arith.minimumf %min3A_1565, %gather3A_1578 : vector<16xf32>
      %xor3A_1580 = arith.constant 2 : i32
      %xor3A_1581 = vector.broadcast %xor3A_1580 : i32 to vector<16xi32>
      %xor3A_1582 = arith.xori %iota3A_20, %xor3A_1581 : vector<16xi32>
      %lt3A_1583 = arith.constant 0 : i32
      %lt3A_1584 = vector.broadcast %lt3A_1583 : i32 to vector<16xi32>
      %lt3A_1585 = arith.cmpi slt, %xor3A_1582, %lt3A_1584 : vector<16xi32>
      %add3A_1586 = arith.constant 16 : i32
      %add3A_1587 = vector.broadcast %add3A_1586 : i32 to vector<16xi32>
      %add3A_1588 = arith.addi %xor3A_1582, %add3A_1587 : vector<16xi32>
      %select_n3A_1589 = arith.select %lt3A_1585, %add3A_1588, %xor3A_1582 : vector<16xi1>, vector<16xi32>
      %broadcast_in_dim3A_1590 = vector.shape_cast %select_n3A_1589 : vector<16xi32> to vector<16x1xi32>
      %gather3A_1591 = vector.shape_cast %broadcast_in_dim3A_1590 : vector<16x1xi32> to vector<16xi32>
      %gather3A_1592 = tpu.dynamic_gather %min3A_1579[%gather3A_1591] in [0] : vector<16xf32>, vector<16xi32> -> vector<16xf32>
      %min3A_1593 = arith.minimumf %min3A_1579, %gather3A_1592 : vector<16xf32>
      %xor3A_1594 = arith.constant 1 : i32
      %xor3A_1595 = vector.broadcast %xor3A_1594 : i32 to vector<16xi32>
      %xor3A_1596 = arith.xori %iota3A_20, %xor3A_1595 : vector<16xi32>
      %lt3A_1597 = arith.constant 0 : i32
      %lt3A_1598 = vector.broadcast %lt3A_1597 : i32 to vector<16xi32>
      %lt3A_1599 = arith.cmpi slt, %xor3A_1596, %lt3A_1598 : vector<16xi32>
      %add3A_1600 = arith.constant 16 : i32
      %add3A_1601 = vector.broadcast %add3A_1600 : i32 to vector<16xi32>
      %add3A_1602 = arith.addi %xor3A_1596, %add3A_1601 : vector<16xi32>
      %select_n3A_1603 = arith.select %lt3A_1599, %add3A_1602, %xor3A_1596 : vector<16xi1>, vector<16xi32>
      %broadcast_in_dim3A_1604 = vector.shape_cast %select_n3A_1603 : vector<16xi32> to vector<16x1xi32>
      %gather3A_1605 = vector.shape_cast %broadcast_in_dim3A_1604 : vector<16x1xi32> to vector<16xi32>
      %gather3A_1606 = tpu.dynamic_gather %min3A_1593[%gather3A_1605] in [0] : vector<16xf32>, vector<16xi32> -> vector<16xf32>
      %min3A_1607 = arith.minimumf %min3A_1593, %gather3A_1606 : vector<16xf32>
      %select_n3A_1608 = arith.select %eq3A_1551, %min3A_1607, %select_n3A_1548 : vector<16xi1>, vector<16xf32>
      %broadcast_in_dim3A_1609 = arith.constant 12 : i32
      %broadcast_in_dim3A_1610 = vector.broadcast %broadcast_in_dim3A_1609 : i32 to vector<16xi32>
      %lt3A_1611 = arith.constant 0 : i32
      %lt3A_1612 = vector.broadcast %lt3A_1611 : i32 to vector<16xi32>
      %lt3A_1613 = arith.cmpi slt, %broadcast_in_dim3A_1610, %lt3A_1612 : vector<16xi32>
      %add3A_1614 = arith.constant 16 : i32
      %add3A_1615 = vector.broadcast %add3A_1614 : i32 to vector<16xi32>
      %add3A_1616 = arith.addi %broadcast_in_dim3A_1610, %add3A_1615 : vector<16xi32>
      %select_n3A_1617 = arith.select %lt3A_1613, %add3A_1616, %broadcast_in_dim3A_1610 : vector<16xi1>, vector<16xi32>
      %broadcast_in_dim3A_1618 = vector.shape_cast %select_n3A_1617 : vector<16xi32> to vector<16x1xi32>
      %gather3A_1619 = vector.shape_cast %broadcast_in_dim3A_1618 : vector<16x1xi32> to vector<16xi32>
      %gather3A_1620 = tpu.dynamic_gather %bitcast_convert_type3A_222[%gather3A_1619] in [0] : vector<16xf32>, vector<16xi32> -> vector<16xf32>
      %broadcast_in_dim3A_1621 = arith.constant 12 : i32
      %broadcast_in_dim3A_1622 = vector.broadcast %broadcast_in_dim3A_1621 : i32 to vector<16xi32>
      %lt3A_1623 = arith.constant 0 : i32
      %lt3A_1624 = vector.broadcast %lt3A_1623 : i32 to vector<16xi32>
      %lt3A_1625 = arith.cmpi slt, %broadcast_in_dim3A_1622, %lt3A_1624 : vector<16xi32>
      %add3A_1626 = arith.constant 16 : i32
      %add3A_1627 = vector.broadcast %add3A_1626 : i32 to vector<16xi32>
      %add3A_1628 = arith.addi %broadcast_in_dim3A_1622, %add3A_1627 : vector<16xi32>
      %select_n3A_1629 = arith.select %lt3A_1625, %add3A_1628, %broadcast_in_dim3A_1622 : vector<16xi1>, vector<16xi32>
      %broadcast_in_dim3A_1630 = vector.shape_cast %select_n3A_1629 : vector<16xi32> to vector<16x1xi32>
      %gather3A_1631 = vector.shape_cast %broadcast_in_dim3A_1630 : vector<16x1xi32> to vector<16xi32>
      %gather3A_1632 = tpu.dynamic_gather %bitcast_convert_type3A_237[%gather3A_1631] in [0] : vector<16xf32>, vector<16xi32> -> vector<16xf32>
      %broadcast_in_dim3A_1633 = arith.constant 12 : i32
      %broadcast_in_dim3A_1634 = vector.broadcast %broadcast_in_dim3A_1633 : i32 to vector<16xi32>
      %lt3A_1635 = arith.constant 0 : i32
      %lt3A_1636 = vector.broadcast %lt3A_1635 : i32 to vector<16xi32>
      %lt3A_1637 = arith.cmpi slt, %broadcast_in_dim3A_1634, %lt3A_1636 : vector<16xi32>
      %add3A_1638 = arith.constant 16 : i32
      %add3A_1639 = vector.broadcast %add3A_1638 : i32 to vector<16xi32>
      %add3A_1640 = arith.addi %broadcast_in_dim3A_1634, %add3A_1639 : vector<16xi32>
      %select_n3A_1641 = arith.select %lt3A_1637, %add3A_1640, %broadcast_in_dim3A_1634 : vector<16xi1>, vector<16xi32>
      %broadcast_in_dim3A_1642 = vector.shape_cast %select_n3A_1641 : vector<16xi32> to vector<16x1xi32>
      %gather3A_1643 = vector.shape_cast %broadcast_in_dim3A_1642 : vector<16x1xi32> to vector<16xi32>
      %gather3A_1644 = tpu.dynamic_gather %bitcast_convert_type3A_252[%gather3A_1643] in [0] : vector<16xf32>, vector<16xi32> -> vector<16xf32>
      %broadcast_in_dim3A_1645 = arith.constant 12 : i32
      %broadcast_in_dim3A_1646 = vector.broadcast %broadcast_in_dim3A_1645 : i32 to vector<16xi32>
      %lt3A_1647 = arith.constant 0 : i32
      %lt3A_1648 = vector.broadcast %lt3A_1647 : i32 to vector<16xi32>
      %lt3A_1649 = arith.cmpi slt, %broadcast_in_dim3A_1646, %lt3A_1648 : vector<16xi32>
      %add3A_1650 = arith.constant 16 : i32
      %add3A_1651 = vector.broadcast %add3A_1650 : i32 to vector<16xi32>
      %add3A_1652 = arith.addi %broadcast_in_dim3A_1646, %add3A_1651 : vector<16xi32>
      %select_n3A_1653 = arith.select %lt3A_1649, %add3A_1652, %broadcast_in_dim3A_1646 : vector<16xi1>, vector<16xi32>
      %broadcast_in_dim3A_1654 = vector.shape_cast %select_n3A_1653 : vector<16xi32> to vector<16x1xi32>
      %gather3A_1655 = vector.shape_cast %broadcast_in_dim3A_1654 : vector<16x1xi32> to vector<16xi32>
      %gather3A_1656 = tpu.dynamic_gather %add3A_208[%gather3A_1655] in [0] : vector<16xf32>, vector<16xi32> -> vector<16xf32>
      %broadcast_in_dim3A_1657 = arith.constant 13 : i32
      %broadcast_in_dim3A_1658 = vector.broadcast %broadcast_in_dim3A_1657 : i32 to vector<16xi32>
      %lt3A_1659 = arith.constant 0 : i32
      %lt3A_1660 = vector.broadcast %lt3A_1659 : i32 to vector<16xi32>
      %lt3A_1661 = arith.cmpi slt, %broadcast_in_dim3A_1658, %lt3A_1660 : vector<16xi32>
      %add3A_1662 = arith.constant 16 : i32
      %add3A_1663 = vector.broadcast %add3A_1662 : i32 to vector<16xi32>
      %add3A_1664 = arith.addi %broadcast_in_dim3A_1658, %add3A_1663 : vector<16xi32>
      %select_n3A_1665 = arith.select %lt3A_1661, %add3A_1664, %broadcast_in_dim3A_1658 : vector<16xi1>, vector<16xi32>
      %broadcast_in_dim3A_1666 = vector.shape_cast %select_n3A_1665 : vector<16xi32> to vector<16x1xi32>
      %gather3A_1667 = vector.shape_cast %broadcast_in_dim3A_1666 : vector<16x1xi32> to vector<16xi32>
      %gather3A_1668 = tpu.dynamic_gather %bitcast_convert_type3A_222[%gather3A_1667] in [0] : vector<16xf32>, vector<16xi32> -> vector<16xf32>
      %broadcast_in_dim3A_1669 = arith.constant 13 : i32
      %broadcast_in_dim3A_1670 = vector.broadcast %broadcast_in_dim3A_1669 : i32 to vector<16xi32>
      %lt3A_1671 = arith.constant 0 : i32
      %lt3A_1672 = vector.broadcast %lt3A_1671 : i32 to vector<16xi32>
      %lt3A_1673 = arith.cmpi slt, %broadcast_in_dim3A_1670, %lt3A_1672 : vector<16xi32>
      %add3A_1674 = arith.constant 16 : i32
      %add3A_1675 = vector.broadcast %add3A_1674 : i32 to vector<16xi32>
      %add3A_1676 = arith.addi %broadcast_in_dim3A_1670, %add3A_1675 : vector<16xi32>
      %select_n3A_1677 = arith.select %lt3A_1673, %add3A_1676, %broadcast_in_dim3A_1670 : vector<16xi1>, vector<16xi32>
      %broadcast_in_dim3A_1678 = vector.shape_cast %select_n3A_1677 : vector<16xi32> to vector<16x1xi32>
      %gather3A_1679 = vector.shape_cast %broadcast_in_dim3A_1678 : vector<16x1xi32> to vector<16xi32>
      %gather3A_1680 = tpu.dynamic_gather %bitcast_convert_type3A_237[%gather3A_1679] in [0] : vector<16xf32>, vector<16xi32> -> vector<16xf32>
      %broadcast_in_dim3A_1681 = arith.constant 13 : i32
      %broadcast_in_dim3A_1682 = vector.broadcast %broadcast_in_dim3A_1681 : i32 to vector<16xi32>
      %lt3A_1683 = arith.constant 0 : i32
      %lt3A_1684 = vector.broadcast %lt3A_1683 : i32 to vector<16xi32>
      %lt3A_1685 = arith.cmpi slt, %broadcast_in_dim3A_1682, %lt3A_1684 : vector<16xi32>
      %add3A_1686 = arith.constant 16 : i32
      %add3A_1687 = vector.broadcast %add3A_1686 : i32 to vector<16xi32>
      %add3A_1688 = arith.addi %broadcast_in_dim3A_1682, %add3A_1687 : vector<16xi32>
      %select_n3A_1689 = arith.select %lt3A_1685, %add3A_1688, %broadcast_in_dim3A_1682 : vector<16xi1>, vector<16xi32>
      %broadcast_in_dim3A_1690 = vector.shape_cast %select_n3A_1689 : vector<16xi32> to vector<16x1xi32>
      %gather3A_1691 = vector.shape_cast %broadcast_in_dim3A_1690 : vector<16x1xi32> to vector<16xi32>
      %gather3A_1692 = tpu.dynamic_gather %bitcast_convert_type3A_252[%gather3A_1691] in [0] : vector<16xf32>, vector<16xi32> -> vector<16xf32>
      %broadcast_in_dim3A_1693 = arith.constant 13 : i32
      %broadcast_in_dim3A_1694 = vector.broadcast %broadcast_in_dim3A_1693 : i32 to vector<16xi32>
      %lt3A_1695 = arith.constant 0 : i32
      %lt3A_1696 = vector.broadcast %lt3A_1695 : i32 to vector<16xi32>
      %lt3A_1697 = arith.cmpi slt, %broadcast_in_dim3A_1694, %lt3A_1696 : vector<16xi32>
      %add3A_1698 = arith.constant 16 : i32
      %add3A_1699 = vector.broadcast %add3A_1698 : i32 to vector<16xi32>
      %add3A_1700 = arith.addi %broadcast_in_dim3A_1694, %add3A_1699 : vector<16xi32>
      %select_n3A_1701 = arith.select %lt3A_1697, %add3A_1700, %broadcast_in_dim3A_1694 : vector<16xi1>, vector<16xi32>
      %broadcast_in_dim3A_1702 = vector.shape_cast %select_n3A_1701 : vector<16xi32> to vector<16x1xi32>
      %gather3A_1703 = vector.shape_cast %broadcast_in_dim3A_1702 : vector<16x1xi32> to vector<16xi32>
      %gather3A_1704 = tpu.dynamic_gather %add3A_208[%gather3A_1703] in [0] : vector<16xf32>, vector<16xi32> -> vector<16xf32>
      %broadcast_in_dim3A_1705 = arith.constant 1.000000e+30 : f32
      %broadcast_in_dim3A_1706 = vector.broadcast %broadcast_in_dim3A_1705 : f32 to vector<16xf32>
      %broadcast_in_dim3A_1707 = arith.constant 1.000000e+30 : f32
      %broadcast_in_dim3A_1708 = vector.broadcast %broadcast_in_dim3A_1707 : f32 to vector<16xf32>
      %scan3A_1709 = arith.constant 0 : i32
      %scan3A_1710 = arith.constant 128 : i32
      %scan3A_1711 = arith.addi %scan3A_1709, %scan3A_1710 : i32
      %scan3A_1712 = arith.constant 1 : i32
      %scan3A_1713:2 = scf.for %scan3A_2093 = %scan3A_1709 to %scan3A_1711 step %scan3A_1712 iter_args(%scan3A_2094 = %broadcast_in_dim3A_1706, %scan3A_2095 = %broadcast_in_dim3A_1708) -> (vector<16xf32>, vector<16xf32>)  : i32 {
        %mul3A_2096 = arith.constant 16 : i32
        %mul3A_2097 = arith.muli %scan3A_2093, %mul3A_2096 : i32
        %get3A_2098 = arith.constant 0 : i32
        %get3A_2099 = arith.index_cast %get3A_2098 : i32 to index
        %get3A_2100 = arith.index_cast %mul3A_2097 : i32 to index
        %get3A_2101 = tpu.vector_load %arg6[%get3A_2099, %get3A_2100] {strides = array<i32>} : memref<4x2048xf32, #tpu.memory_space<vmem>>, vector<1x16xf32>,
        %get3A_2102 = vector.shape_cast %get3A_2101 : vector<1x16xf32> to vector<16xf32>
        %get3A_2103 = arith.constant 1 : i32
        %get3A_2104 = arith.index_cast %get3A_2103 : i32 to index
        %get3A_2105 = arith.index_cast %mul3A_2097 : i32 to index
        %get3A_2106 = tpu.vector_load %arg6[%get3A_2104, %get3A_2105] {strides = array<i32>} : memref<4x2048xf32, #tpu.memory_space<vmem>>, vector<1x16xf32>,
        %get3A_2107 = vector.shape_cast %get3A_2106 : vector<1x16xf32> to vector<16xf32>
        %get3A_2108 = arith.constant 2 : i32
        %get3A_2109 = arith.index_cast %get3A_2108 : i32 to index
        %get3A_2110 = arith.index_cast %mul3A_2097 : i32 to index
        %get3A_2111 = tpu.vector_load %arg6[%get3A_2109, %get3A_2110] {strides = array<i32>} : memref<4x2048xf32, #tpu.memory_space<vmem>>, vector<1x16xf32>,
        %get3A_2112 = vector.shape_cast %get3A_2111 : vector<1x16xf32> to vector<16xf32>
        %get3A_2113 = arith.constant 3 : i32
        %get3A_2114 = arith.index_cast %get3A_2113 : i32 to index
        %get3A_2115 = arith.index_cast %mul3A_2097 : i32 to index
        %get3A_2116 = tpu.vector_load %arg6[%get3A_2114, %get3A_2115] {strides = array<i32>} : memref<4x2048xf32, #tpu.memory_space<vmem>>, vector<1x16xf32>,
        %get3A_2117 = vector.shape_cast %get3A_2116 : vector<1x16xf32> to vector<16xf32>
        %mul3A_2118 = arith.mulf %get3A_2102, %gather3A_1620 : vector<16xf32>
        %mul3A_2119 = arith.mulf %get3A_2107, %gather3A_1632 : vector<16xf32>
        %add3A_2120 = arith.addf %mul3A_2118, %mul3A_2119 : vector<16xf32>
        %mul3A_2121 = arith.mulf %get3A_2112, %gather3A_1644 : vector<16xf32>
        %add3A_2122 = arith.addf %add3A_2120, %mul3A_2121 : vector<16xf32>
        %add3A_2123 = arith.addf %gather3A_1656, %get3A_2117 : vector<16xf32>
        %add3A_2124 = arith.addf %add3A_2123, %add3A_2122 : vector<16xf32>
        %min3A_2125 = arith.minimumf %scan3A_2094, %add3A_2124 : vector<16xf32>
        %mul3A_2126 = arith.mulf %get3A_2102, %gather3A_1668 : vector<16xf32>
        %mul3A_2127 = arith.mulf %get3A_2107, %gather3A_1680 : vector<16xf32>
        %add3A_2128 = arith.addf %mul3A_2126, %mul3A_2127 : vector<16xf32>
        %mul3A_2129 = arith.mulf %get3A_2112, %gather3A_1692 : vector<16xf32>
        %add3A_2130 = arith.addf %add3A_2128, %mul3A_2129 : vector<16xf32>
        %add3A_2131 = arith.addf %gather3A_1704, %get3A_2117 : vector<16xf32>
        %add3A_2132 = arith.addf %add3A_2131, %add3A_2130 : vector<16xf32>
        %min3A_2133 = arith.minimumf %scan3A_2095, %add3A_2132 : vector<16xf32>
        scf.yield %min3A_2125, %min3A_2133 : vector<16xf32>, vector<16xf32>
      }
      %scan3A_1714 = arith.constant 128 : i32
      %eq3A_1715 = arith.constant 12 : i32
      %eq3A_1716 = vector.broadcast %eq3A_1715 : i32 to vector<16xi32>
      %eq3A_1717 = arith.cmpi eq, %iota3A_20, %eq3A_1716 : vector<16xi32>
      %xor3A_1718 = arith.constant 8 : i32
      %xor3A_1719 = vector.broadcast %xor3A_1718 : i32 to vector<16xi32>
      %xor3A_1720 = arith.xori %iota3A_20, %xor3A_1719 : vector<16xi32>
      %lt3A_1721 = arith.constant 0 : i32
      %lt3A_1722 = vector.broadcast %lt3A_1721 : i32 to vector<16xi32>
      %lt3A_1723 = arith.cmpi slt, %xor3A_1720, %lt3A_1722 : vector<16xi32>
      %add3A_1724 = arith.constant 16 : i32
      %add3A_1725 = vector.broadcast %add3A_1724 : i32 to vector<16xi32>
      %add3A_1726 = arith.addi %xor3A_1720, %add3A_1725 : vector<16xi32>
      %select_n3A_1727 = arith.select %lt3A_1723, %add3A_1726, %xor3A_1720 : vector<16xi1>, vector<16xi32>
      %broadcast_in_dim3A_1728 = vector.shape_cast %select_n3A_1727 : vector<16xi32> to vector<16x1xi32>
      %gather3A_1729 = vector.shape_cast %broadcast_in_dim3A_1728 : vector<16x1xi32> to vector<16xi32>
      %gather3A_1730 = tpu.dynamic_gather %scan3A_1713#0[%gather3A_1729] in [0] : vector<16xf32>, vector<16xi32> -> vector<16xf32>
      %min3A_1731 = arith.minimumf %scan3A_1713#0, %gather3A_1730 : vector<16xf32>
      %xor3A_1732 = arith.constant 4 : i32
      %xor3A_1733 = vector.broadcast %xor3A_1732 : i32 to vector<16xi32>
      %xor3A_1734 = arith.xori %iota3A_20, %xor3A_1733 : vector<16xi32>
      %lt3A_1735 = arith.constant 0 : i32
      %lt3A_1736 = vector.broadcast %lt3A_1735 : i32 to vector<16xi32>
      %lt3A_1737 = arith.cmpi slt, %xor3A_1734, %lt3A_1736 : vector<16xi32>
      %add3A_1738 = arith.constant 16 : i32
      %add3A_1739 = vector.broadcast %add3A_1738 : i32 to vector<16xi32>
      %add3A_1740 = arith.addi %xor3A_1734, %add3A_1739 : vector<16xi32>
      %select_n3A_1741 = arith.select %lt3A_1737, %add3A_1740, %xor3A_1734 : vector<16xi1>, vector<16xi32>
      %broadcast_in_dim3A_1742 = vector.shape_cast %select_n3A_1741 : vector<16xi32> to vector<16x1xi32>
      %gather3A_1743 = vector.shape_cast %broadcast_in_dim3A_1742 : vector<16x1xi32> to vector<16xi32>
      %gather3A_1744 = tpu.dynamic_gather %min3A_1731[%gather3A_1743] in [0] : vector<16xf32>, vector<16xi32> -> vector<16xf32>
      %min3A_1745 = arith.minimumf %min3A_1731, %gather3A_1744 : vector<16xf32>
      %xor3A_1746 = arith.constant 2 : i32
      %xor3A_1747 = vector.broadcast %xor3A_1746 : i32 to vector<16xi32>
      %xor3A_1748 = arith.xori %iota3A_20, %xor3A_1747 : vector<16xi32>
      %lt3A_1749 = arith.constant 0 : i32
      %lt3A_1750 = vector.broadcast %lt3A_1749 : i32 to vector<16xi32>
      %lt3A_1751 = arith.cmpi slt, %xor3A_1748, %lt3A_1750 : vector<16xi32>
      %add3A_1752 = arith.constant 16 : i32
      %add3A_1753 = vector.broadcast %add3A_1752 : i32 to vector<16xi32>
      %add3A_1754 = arith.addi %xor3A_1748, %add3A_1753 : vector<16xi32>
      %select_n3A_1755 = arith.select %lt3A_1751, %add3A_1754, %xor3A_1748 : vector<16xi1>, vector<16xi32>
      %broadcast_in_dim3A_1756 = vector.shape_cast %select_n3A_1755 : vector<16xi32> to vector<16x1xi32>
      %gather3A_1757 = vector.shape_cast %broadcast_in_dim3A_1756 : vector<16x1xi32> to vector<16xi32>
      %gather3A_1758 = tpu.dynamic_gather %min3A_1745[%gather3A_1757] in [0] : vector<16xf32>, vector<16xi32> -> vector<16xf32>
      %min3A_1759 = arith.minimumf %min3A_1745, %gather3A_1758 : vector<16xf32>
      %xor3A_1760 = arith.constant 1 : i32
      %xor3A_1761 = vector.broadcast %xor3A_1760 : i32 to vector<16xi32>
      %xor3A_1762 = arith.xori %iota3A_20, %xor3A_1761 : vector<16xi32>
      %lt3A_1763 = arith.constant 0 : i32
      %lt3A_1764 = vector.broadcast %lt3A_1763 : i32 to vector<16xi32>
      %lt3A_1765 = arith.cmpi slt, %xor3A_1762, %lt3A_1764 : vector<16xi32>
      %add3A_1766 = arith.constant 16 : i32
      %add3A_1767 = vector.broadcast %add3A_1766 : i32 to vector<16xi32>
      %add3A_1768 = arith.addi %xor3A_1762, %add3A_1767 : vector<16xi32>
      %select_n3A_1769 = arith.select %lt3A_1765, %add3A_1768, %xor3A_1762 : vector<16xi1>, vector<16xi32>
      %broadcast_in_dim3A_1770 = vector.shape_cast %select_n3A_1769 : vector<16xi32> to vector<16x1xi32>
      %gather3A_1771 = vector.shape_cast %broadcast_in_dim3A_1770 : vector<16x1xi32> to vector<16xi32>
      %gather3A_1772 = tpu.dynamic_gather %min3A_1759[%gather3A_1771] in [0] : vector<16xf32>, vector<16xi32> -> vector<16xf32>
      %min3A_1773 = arith.minimumf %min3A_1759, %gather3A_1772 : vector<16xf32>
      %select_n3A_1774 = arith.select %eq3A_1717, %min3A_1773, %select_n3A_1608 : vector<16xi1>, vector<16xf32>
      %eq3A_1775 = arith.constant 13 : i32
      %eq3A_1776 = vector.broadcast %eq3A_1775 : i32 to vector<16xi32>
      %eq3A_1777 = arith.cmpi eq, %iota3A_20, %eq3A_1776 : vector<16xi32>
      %xor3A_1778 = arith.constant 8 : i32
      %xor3A_1779 = vector.broadcast %xor3A_1778 : i32 to vector<16xi32>
      %xor3A_1780 = arith.xori %iota3A_20, %xor3A_1779 : vector<16xi32>
      %lt3A_1781 = arith.constant 0 : i32
      %lt3A_1782 = vector.broadcast %lt3A_1781 : i32 to vector<16xi32>
      %lt3A_1783 = arith.cmpi slt, %xor3A_1780, %lt3A_1782 : vector<16xi32>
      %add3A_1784 = arith.constant 16 : i32
      %add3A_1785 = vector.broadcast %add3A_1784 : i32 to vector<16xi32>
      %add3A_1786 = arith.addi %xor3A_1780, %add3A_1785 : vector<16xi32>
      %select_n3A_1787 = arith.select %lt3A_1783, %add3A_1786, %xor3A_1780 : vector<16xi1>, vector<16xi32>
      %broadcast_in_dim3A_1788 = vector.shape_cast %select_n3A_1787 : vector<16xi32> to vector<16x1xi32>
      %gather3A_1789 = vector.shape_cast %broadcast_in_dim3A_1788 : vector<16x1xi32> to vector<16xi32>
      %gather3A_1790 = tpu.dynamic_gather %scan3A_1713#1[%gather3A_1789] in [0] : vector<16xf32>, vector<16xi32> -> vector<16xf32>
      %min3A_1791 = arith.minimumf %scan3A_1713#1, %gather3A_1790 : vector<16xf32>
      %xor3A_1792 = arith.constant 4 : i32
      %xor3A_1793 = vector.broadcast %xor3A_1792 : i32 to vector<16xi32>
      %xor3A_1794 = arith.xori %iota3A_20, %xor3A_1793 : vector<16xi32>
      %lt3A_1795 = arith.constant 0 : i32
      %lt3A_1796 = vector.broadcast %lt3A_1795 : i32 to vector<16xi32>
      %lt3A_1797 = arith.cmpi slt, %xor3A_1794, %lt3A_1796 : vector<16xi32>
      %add3A_1798 = arith.constant 16 : i32
      %add3A_1799 = vector.broadcast %add3A_1798 : i32 to vector<16xi32>
      %add3A_1800 = arith.addi %xor3A_1794, %add3A_1799 : vector<16xi32>
      %select_n3A_1801 = arith.select %lt3A_1797, %add3A_1800, %xor3A_1794 : vector<16xi1>, vector<16xi32>
      %broadcast_in_dim3A_1802 = vector.shape_cast %select_n3A_1801 : vector<16xi32> to vector<16x1xi32>
      %gather3A_1803 = vector.shape_cast %broadcast_in_dim3A_1802 : vector<16x1xi32> to vector<16xi32>
      %gather3A_1804 = tpu.dynamic_gather %min3A_1791[%gather3A_1803] in [0] : vector<16xf32>, vector<16xi32> -> vector<16xf32>
      %min3A_1805 = arith.minimumf %min3A_1791, %gather3A_1804 : vector<16xf32>
      %xor3A_1806 = arith.constant 2 : i32
      %xor3A_1807 = vector.broadcast %xor3A_1806 : i32 to vector<16xi32>
      %xor3A_1808 = arith.xori %iota3A_20, %xor3A_1807 : vector<16xi32>
      %lt3A_1809 = arith.constant 0 : i32
      %lt3A_1810 = vector.broadcast %lt3A_1809 : i32 to vector<16xi32>
      %lt3A_1811 = arith.cmpi slt, %xor3A_1808, %lt3A_1810 : vector<16xi32>
      %add3A_1812 = arith.constant 16 : i32
      %add3A_1813 = vector.broadcast %add3A_1812 : i32 to vector<16xi32>
      %add3A_1814 = arith.addi %xor3A_1808, %add3A_1813 : vector<16xi32>
      %select_n3A_1815 = arith.select %lt3A_1811, %add3A_1814, %xor3A_1808 : vector<16xi1>, vector<16xi32>
      %broadcast_in_dim3A_1816 = vector.shape_cast %select_n3A_1815 : vector<16xi32> to vector<16x1xi32>
      %gather3A_1817 = vector.shape_cast %broadcast_in_dim3A_1816 : vector<16x1xi32> to vector<16xi32>
      %gather3A_1818 = tpu.dynamic_gather %min3A_1805[%gather3A_1817] in [0] : vector<16xf32>, vector<16xi32> -> vector<16xf32>
      %min3A_1819 = arith.minimumf %min3A_1805, %gather3A_1818 : vector<16xf32>
      %xor3A_1820 = arith.constant 1 : i32
      %xor3A_1821 = vector.broadcast %xor3A_1820 : i32 to vector<16xi32>
      %xor3A_1822 = arith.xori %iota3A_20, %xor3A_1821 : vector<16xi32>
      %lt3A_1823 = arith.constant 0 : i32
      %lt3A_1824 = vector.broadcast %lt3A_1823 : i32 to vector<16xi32>
      %lt3A_1825 = arith.cmpi slt, %xor3A_1822, %lt3A_1824 : vector<16xi32>
      %add3A_1826 = arith.constant 16 : i32
      %add3A_1827 = vector.broadcast %add3A_1826 : i32 to vector<16xi32>
      %add3A_1828 = arith.addi %xor3A_1822, %add3A_1827 : vector<16xi32>
      %select_n3A_1829 = arith.select %lt3A_1825, %add3A_1828, %xor3A_1822 : vector<16xi1>, vector<16xi32>
      %broadcast_in_dim3A_1830 = vector.shape_cast %select_n3A_1829 : vector<16xi32> to vector<16x1xi32>
      %gather3A_1831 = vector.shape_cast %broadcast_in_dim3A_1830 : vector<16x1xi32> to vector<16xi32>
      %gather3A_1832 = tpu.dynamic_gather %min3A_1819[%gather3A_1831] in [0] : vector<16xf32>, vector<16xi32> -> vector<16xf32>
      %min3A_1833 = arith.minimumf %min3A_1819, %gather3A_1832 : vector<16xf32>
      %select_n3A_1834 = arith.select %eq3A_1777, %min3A_1833, %select_n3A_1774 : vector<16xi1>, vector<16xf32>
      %broadcast_in_dim3A_1835 = arith.constant 14 : i32
      %broadcast_in_dim3A_1836 = vector.broadcast %broadcast_in_dim3A_1835 : i32 to vector<16xi32>
      %lt3A_1837 = arith.constant 0 : i32
      %lt3A_1838 = vector.broadcast %lt3A_1837 : i32 to vector<16xi32>
      %lt3A_1839 = arith.cmpi slt, %broadcast_in_dim3A_1836, %lt3A_1838 : vector<16xi32>
      %add3A_1840 = arith.constant 16 : i32
      %add3A_1841 = vector.broadcast %add3A_1840 : i32 to vector<16xi32>
      %add3A_1842 = arith.addi %broadcast_in_dim3A_1836, %add3A_1841 : vector<16xi32>
      %select_n3A_1843 = arith.select %lt3A_1839, %add3A_1842, %broadcast_in_dim3A_1836 : vector<16xi1>, vector<16xi32>
      %broadcast_in_dim3A_1844 = vector.shape_cast %select_n3A_1843 : vector<16xi32> to vector<16x1xi32>
      %gather3A_1845 = vector.shape_cast %broadcast_in_dim3A_1844 : vector<16x1xi32> to vector<16xi32>
      %gather3A_1846 = tpu.dynamic_gather %bitcast_convert_type3A_222[%gather3A_1845] in [0] : vector<16xf32>, vector<16xi32> -> vector<16xf32>
      %broadcast_in_dim3A_1847 = arith.constant 14 : i32
      %broadcast_in_dim3A_1848 = vector.broadcast %broadcast_in_dim3A_1847 : i32 to vector<16xi32>
      %lt3A_1849 = arith.constant 0 : i32
      %lt3A_1850 = vector.broadcast %lt3A_1849 : i32 to vector<16xi32>
      %lt3A_1851 = arith.cmpi slt, %broadcast_in_dim3A_1848, %lt3A_1850 : vector<16xi32>
      %add3A_1852 = arith.constant 16 : i32
      %add3A_1853 = vector.broadcast %add3A_1852 : i32 to vector<16xi32>
      %add3A_1854 = arith.addi %broadcast_in_dim3A_1848, %add3A_1853 : vector<16xi32>
      %select_n3A_1855 = arith.select %lt3A_1851, %add3A_1854, %broadcast_in_dim3A_1848 : vector<16xi1>, vector<16xi32>
      %broadcast_in_dim3A_1856 = vector.shape_cast %select_n3A_1855 : vector<16xi32> to vector<16x1xi32>
      %gather3A_1857 = vector.shape_cast %broadcast_in_dim3A_1856 : vector<16x1xi32> to vector<16xi32>
      %gather3A_1858 = tpu.dynamic_gather %bitcast_convert_type3A_237[%gather3A_1857] in [0] : vector<16xf32>, vector<16xi32> -> vector<16xf32>
      %broadcast_in_dim3A_1859 = arith.constant 14 : i32
      %broadcast_in_dim3A_1860 = vector.broadcast %broadcast_in_dim3A_1859 : i32 to vector<16xi32>
      %lt3A_1861 = arith.constant 0 : i32
      %lt3A_1862 = vector.broadcast %lt3A_1861 : i32 to vector<16xi32>
      %lt3A_1863 = arith.cmpi slt, %broadcast_in_dim3A_1860, %lt3A_1862 : vector<16xi32>
      %add3A_1864 = arith.constant 16 : i32
      %add3A_1865 = vector.broadcast %add3A_1864 : i32 to vector<16xi32>
      %add3A_1866 = arith.addi %broadcast_in_dim3A_1860, %add3A_1865 : vector<16xi32>
      %select_n3A_1867 = arith.select %lt3A_1863, %add3A_1866, %broadcast_in_dim3A_1860 : vector<16xi1>, vector<16xi32>
      %broadcast_in_dim3A_1868 = vector.shape_cast %select_n3A_1867 : vector<16xi32> to vector<16x1xi32>
      %gather3A_1869 = vector.shape_cast %broadcast_in_dim3A_1868 : vector<16x1xi32> to vector<16xi32>
      %gather3A_1870 = tpu.dynamic_gather %bitcast_convert_type3A_252[%gather3A_1869] in [0] : vector<16xf32>, vector<16xi32> -> vector<16xf32>
      %broadcast_in_dim3A_1871 = arith.constant 14 : i32
      %broadcast_in_dim3A_1872 = vector.broadcast %broadcast_in_dim3A_1871 : i32 to vector<16xi32>
      %lt3A_1873 = arith.constant 0 : i32
      %lt3A_1874 = vector.broadcast %lt3A_1873 : i32 to vector<16xi32>
      %lt3A_1875 = arith.cmpi slt, %broadcast_in_dim3A_1872, %lt3A_1874 : vector<16xi32>
      %add3A_1876 = arith.constant 16 : i32
      %add3A_1877 = vector.broadcast %add3A_1876 : i32 to vector<16xi32>
      %add3A_1878 = arith.addi %broadcast_in_dim3A_1872, %add3A_1877 : vector<16xi32>
      %select_n3A_1879 = arith.select %lt3A_1875, %add3A_1878, %broadcast_in_dim3A_1872 : vector<16xi1>, vector<16xi32>
      %broadcast_in_dim3A_1880 = vector.shape_cast %select_n3A_1879 : vector<16xi32> to vector<16x1xi32>
      %gather3A_1881 = vector.shape_cast %broadcast_in_dim3A_1880 : vector<16x1xi32> to vector<16xi32>
      %gather3A_1882 = tpu.dynamic_gather %add3A_208[%gather3A_1881] in [0] : vector<16xf32>, vector<16xi32> -> vector<16xf32>
      %broadcast_in_dim3A_1883 = arith.constant 15 : i32
      %broadcast_in_dim3A_1884 = vector.broadcast %broadcast_in_dim3A_1883 : i32 to vector<16xi32>
      %lt3A_1885 = arith.constant 0 : i32
      %lt3A_1886 = vector.broadcast %lt3A_1885 : i32 to vector<16xi32>
      %lt3A_1887 = arith.cmpi slt, %broadcast_in_dim3A_1884, %lt3A_1886 : vector<16xi32>
      %add3A_1888 = arith.constant 16 : i32
      %add3A_1889 = vector.broadcast %add3A_1888 : i32 to vector<16xi32>
      %add3A_1890 = arith.addi %broadcast_in_dim3A_1884, %add3A_1889 : vector<16xi32>
      %select_n3A_1891 = arith.select %lt3A_1887, %add3A_1890, %broadcast_in_dim3A_1884 : vector<16xi1>, vector<16xi32>
      %broadcast_in_dim3A_1892 = vector.shape_cast %select_n3A_1891 : vector<16xi32> to vector<16x1xi32>
      %gather3A_1893 = vector.shape_cast %broadcast_in_dim3A_1892 : vector<16x1xi32> to vector<16xi32>
      %gather3A_1894 = tpu.dynamic_gather %bitcast_convert_type3A_222[%gather3A_1893] in [0] : vector<16xf32>, vector<16xi32> -> vector<16xf32>
      %broadcast_in_dim3A_1895 = arith.constant 15 : i32
      %broadcast_in_dim3A_1896 = vector.broadcast %broadcast_in_dim3A_1895 : i32 to vector<16xi32>
      %lt3A_1897 = arith.constant 0 : i32
      %lt3A_1898 = vector.broadcast %lt3A_1897 : i32 to vector<16xi32>
      %lt3A_1899 = arith.cmpi slt, %broadcast_in_dim3A_1896, %lt3A_1898 : vector<16xi32>
      %add3A_1900 = arith.constant 16 : i32
      %add3A_1901 = vector.broadcast %add3A_1900 : i32 to vector<16xi32>
      %add3A_1902 = arith.addi %broadcast_in_dim3A_1896, %add3A_1901 : vector<16xi32>
      %select_n3A_1903 = arith.select %lt3A_1899, %add3A_1902, %broadcast_in_dim3A_1896 : vector<16xi1>, vector<16xi32>
      %broadcast_in_dim3A_1904 = vector.shape_cast %select_n3A_1903 : vector<16xi32> to vector<16x1xi32>
      %gather3A_1905 = vector.shape_cast %broadcast_in_dim3A_1904 : vector<16x1xi32> to vector<16xi32>
      %gather3A_1906 = tpu.dynamic_gather %bitcast_convert_type3A_237[%gather3A_1905] in [0] : vector<16xf32>, vector<16xi32> -> vector<16xf32>
      %broadcast_in_dim3A_1907 = arith.constant 15 : i32
      %broadcast_in_dim3A_1908 = vector.broadcast %broadcast_in_dim3A_1907 : i32 to vector<16xi32>
      %lt3A_1909 = arith.constant 0 : i32
      %lt3A_1910 = vector.broadcast %lt3A_1909 : i32 to vector<16xi32>
      %lt3A_1911 = arith.cmpi slt, %broadcast_in_dim3A_1908, %lt3A_1910 : vector<16xi32>
      %add3A_1912 = arith.constant 16 : i32
      %add3A_1913 = vector.broadcast %add3A_1912 : i32 to vector<16xi32>
      %add3A_1914 = arith.addi %broadcast_in_dim3A_1908, %add3A_1913 : vector<16xi32>
      %select_n3A_1915 = arith.select %lt3A_1911, %add3A_1914, %broadcast_in_dim3A_1908 : vector<16xi1>, vector<16xi32>
      %broadcast_in_dim3A_1916 = vector.shape_cast %select_n3A_1915 : vector<16xi32> to vector<16x1xi32>
      %gather3A_1917 = vector.shape_cast %broadcast_in_dim3A_1916 : vector<16x1xi32> to vector<16xi32>
      %gather3A_1918 = tpu.dynamic_gather %bitcast_convert_type3A_252[%gather3A_1917] in [0] : vector<16xf32>, vector<16xi32> -> vector<16xf32>
      %broadcast_in_dim3A_1919 = arith.constant 15 : i32
      %broadcast_in_dim3A_1920 = vector.broadcast %broadcast_in_dim3A_1919 : i32 to vector<16xi32>
      %lt3A_1921 = arith.constant 0 : i32
      %lt3A_1922 = vector.broadcast %lt3A_1921 : i32 to vector<16xi32>
      %lt3A_1923 = arith.cmpi slt, %broadcast_in_dim3A_1920, %lt3A_1922 : vector<16xi32>
      %add3A_1924 = arith.constant 16 : i32
      %add3A_1925 = vector.broadcast %add3A_1924 : i32 to vector<16xi32>
      %add3A_1926 = arith.addi %broadcast_in_dim3A_1920, %add3A_1925 : vector<16xi32>
      %select_n3A_1927 = arith.select %lt3A_1923, %add3A_1926, %broadcast_in_dim3A_1920 : vector<16xi1>, vector<16xi32>
      %broadcast_in_dim3A_1928 = vector.shape_cast %select_n3A_1927 : vector<16xi32> to vector<16x1xi32>
      %gather3A_1929 = vector.shape_cast %broadcast_in_dim3A_1928 : vector<16x1xi32> to vector<16xi32>
      %gather3A_1930 = tpu.dynamic_gather %add3A_208[%gather3A_1929] in [0] : vector<16xf32>, vector<16xi32> -> vector<16xf32>
      %broadcast_in_dim3A_1931 = arith.constant 1.000000e+30 : f32
      %broadcast_in_dim3A_1932 = vector.broadcast %broadcast_in_dim3A_1931 : f32 to vector<16xf32>
      %broadcast_in_dim3A_1933 = arith.constant 1.000000e+30 : f32
      %broadcast_in_dim3A_1934 = vector.broadcast %broadcast_in_dim3A_1933 : f32 to vector<16xf32>
      %scan3A_1935 = arith.constant 0 : i32
      %scan3A_1936 = arith.constant 128 : i32
      %scan3A_1937 = arith.addi %scan3A_1935, %scan3A_1936 : i32
      %scan3A_1938 = arith.constant 1 : i32
      %scan3A_1939:2 = scf.for %scan3A_2093 = %scan3A_1935 to %scan3A_1937 step %scan3A_1938 iter_args(%scan3A_2094 = %broadcast_in_dim3A_1932, %scan3A_2095 = %broadcast_in_dim3A_1934) -> (vector<16xf32>, vector<16xf32>)  : i32 {
        %mul3A_2096 = arith.constant 16 : i32
        %mul3A_2097 = arith.muli %scan3A_2093, %mul3A_2096 : i32
        %get3A_2098 = arith.constant 0 : i32
        %get3A_2099 = arith.index_cast %get3A_2098 : i32 to index
        %get3A_2100 = arith.index_cast %mul3A_2097 : i32 to index
        %get3A_2101 = tpu.vector_load %arg6[%get3A_2099, %get3A_2100] {strides = array<i32>} : memref<4x2048xf32, #tpu.memory_space<vmem>>, vector<1x16xf32>,
        %get3A_2102 = vector.shape_cast %get3A_2101 : vector<1x16xf32> to vector<16xf32>
        %get3A_2103 = arith.constant 1 : i32
        %get3A_2104 = arith.index_cast %get3A_2103 : i32 to index
        %get3A_2105 = arith.index_cast %mul3A_2097 : i32 to index
        %get3A_2106 = tpu.vector_load %arg6[%get3A_2104, %get3A_2105] {strides = array<i32>} : memref<4x2048xf32, #tpu.memory_space<vmem>>, vector<1x16xf32>,
        %get3A_2107 = vector.shape_cast %get3A_2106 : vector<1x16xf32> to vector<16xf32>
        %get3A_2108 = arith.constant 2 : i32
        %get3A_2109 = arith.index_cast %get3A_2108 : i32 to index
        %get3A_2110 = arith.index_cast %mul3A_2097 : i32 to index
        %get3A_2111 = tpu.vector_load %arg6[%get3A_2109, %get3A_2110] {strides = array<i32>} : memref<4x2048xf32, #tpu.memory_space<vmem>>, vector<1x16xf32>,
        %get3A_2112 = vector.shape_cast %get3A_2111 : vector<1x16xf32> to vector<16xf32>
        %get3A_2113 = arith.constant 3 : i32
        %get3A_2114 = arith.index_cast %get3A_2113 : i32 to index
        %get3A_2115 = arith.index_cast %mul3A_2097 : i32 to index
        %get3A_2116 = tpu.vector_load %arg6[%get3A_2114, %get3A_2115] {strides = array<i32>} : memref<4x2048xf32, #tpu.memory_space<vmem>>, vector<1x16xf32>,
        %get3A_2117 = vector.shape_cast %get3A_2116 : vector<1x16xf32> to vector<16xf32>
        %mul3A_2118 = arith.mulf %get3A_2102, %gather3A_1846 : vector<16xf32>
        %mul3A_2119 = arith.mulf %get3A_2107, %gather3A_1858 : vector<16xf32>
        %add3A_2120 = arith.addf %mul3A_2118, %mul3A_2119 : vector<16xf32>
        %mul3A_2121 = arith.mulf %get3A_2112, %gather3A_1870 : vector<16xf32>
        %add3A_2122 = arith.addf %add3A_2120, %mul3A_2121 : vector<16xf32>
        %add3A_2123 = arith.addf %gather3A_1882, %get3A_2117 : vector<16xf32>
        %add3A_2124 = arith.addf %add3A_2123, %add3A_2122 : vector<16xf32>
        %min3A_2125 = arith.minimumf %scan3A_2094, %add3A_2124 : vector<16xf32>
        %mul3A_2126 = arith.mulf %get3A_2102, %gather3A_1894 : vector<16xf32>
        %mul3A_2127 = arith.mulf %get3A_2107, %gather3A_1906 : vector<16xf32>
        %add3A_2128 = arith.addf %mul3A_2126, %mul3A_2127 : vector<16xf32>
        %mul3A_2129 = arith.mulf %get3A_2112, %gather3A_1918 : vector<16xf32>
        %add3A_2130 = arith.addf %add3A_2128, %mul3A_2129 : vector<16xf32>
        %add3A_2131 = arith.addf %gather3A_1930, %get3A_2117 : vector<16xf32>
        %add3A_2132 = arith.addf %add3A_2131, %add3A_2130 : vector<16xf32>
        %min3A_2133 = arith.minimumf %scan3A_2095, %add3A_2132 : vector<16xf32>
        scf.yield %min3A_2125, %min3A_2133 : vector<16xf32>, vector<16xf32>
      }
      %scan3A_1940 = arith.constant 128 : i32
      %eq3A_1941 = arith.constant 14 : i32
      %eq3A_1942 = vector.broadcast %eq3A_1941 : i32 to vector<16xi32>
      %eq3A_1943 = arith.cmpi eq, %iota3A_20, %eq3A_1942 : vector<16xi32>
      %xor3A_1944 = arith.constant 8 : i32
      %xor3A_1945 = vector.broadcast %xor3A_1944 : i32 to vector<16xi32>
      %xor3A_1946 = arith.xori %iota3A_20, %xor3A_1945 : vector<16xi32>
      %lt3A_1947 = arith.constant 0 : i32
      %lt3A_1948 = vector.broadcast %lt3A_1947 : i32 to vector<16xi32>
      %lt3A_1949 = arith.cmpi slt, %xor3A_1946, %lt3A_1948 : vector<16xi32>
      %add3A_1950 = arith.constant 16 : i32
      %add3A_1951 = vector.broadcast %add3A_1950 : i32 to vector<16xi32>
      %add3A_1952 = arith.addi %xor3A_1946, %add3A_1951 : vector<16xi32>
      %select_n3A_1953 = arith.select %lt3A_1949, %add3A_1952, %xor3A_1946 : vector<16xi1>, vector<16xi32>
      %broadcast_in_dim3A_1954 = vector.shape_cast %select_n3A_1953 : vector<16xi32> to vector<16x1xi32>
      %gather3A_1955 = vector.shape_cast %broadcast_in_dim3A_1954 : vector<16x1xi32> to vector<16xi32>
      %gather3A_1956 = tpu.dynamic_gather %scan3A_1939#0[%gather3A_1955] in [0] : vector<16xf32>, vector<16xi32> -> vector<16xf32>
      %min3A_1957 = arith.minimumf %scan3A_1939#0, %gather3A_1956 : vector<16xf32>
      %xor3A_1958 = arith.constant 4 : i32
      %xor3A_1959 = vector.broadcast %xor3A_1958 : i32 to vector<16xi32>
      %xor3A_1960 = arith.xori %iota3A_20, %xor3A_1959 : vector<16xi32>
      %lt3A_1961 = arith.constant 0 : i32
      %lt3A_1962 = vector.broadcast %lt3A_1961 : i32 to vector<16xi32>
      %lt3A_1963 = arith.cmpi slt, %xor3A_1960, %lt3A_1962 : vector<16xi32>
      %add3A_1964 = arith.constant 16 : i32
      %add3A_1965 = vector.broadcast %add3A_1964 : i32 to vector<16xi32>
      %add3A_1966 = arith.addi %xor3A_1960, %add3A_1965 : vector<16xi32>
      %select_n3A_1967 = arith.select %lt3A_1963, %add3A_1966, %xor3A_1960 : vector<16xi1>, vector<16xi32>
      %broadcast_in_dim3A_1968 = vector.shape_cast %select_n3A_1967 : vector<16xi32> to vector<16x1xi32>
      %gather3A_1969 = vector.shape_cast %broadcast_in_dim3A_1968 : vector<16x1xi32> to vector<16xi32>
      %gather3A_1970 = tpu.dynamic_gather %min3A_1957[%gather3A_1969] in [0] : vector<16xf32>, vector<16xi32> -> vector<16xf32>
      %min3A_1971 = arith.minimumf %min3A_1957, %gather3A_1970 : vector<16xf32>
      %xor3A_1972 = arith.constant 2 : i32
      %xor3A_1973 = vector.broadcast %xor3A_1972 : i32 to vector<16xi32>
      %xor3A_1974 = arith.xori %iota3A_20, %xor3A_1973 : vector<16xi32>
      %lt3A_1975 = arith.constant 0 : i32
      %lt3A_1976 = vector.broadcast %lt3A_1975 : i32 to vector<16xi32>
      %lt3A_1977 = arith.cmpi slt, %xor3A_1974, %lt3A_1976 : vector<16xi32>
      %add3A_1978 = arith.constant 16 : i32
      %add3A_1979 = vector.broadcast %add3A_1978 : i32 to vector<16xi32>
      %add3A_1980 = arith.addi %xor3A_1974, %add3A_1979 : vector<16xi32>
      %select_n3A_1981 = arith.select %lt3A_1977, %add3A_1980, %xor3A_1974 : vector<16xi1>, vector<16xi32>
      %broadcast_in_dim3A_1982 = vector.shape_cast %select_n3A_1981 : vector<16xi32> to vector<16x1xi32>
      %gather3A_1983 = vector.shape_cast %broadcast_in_dim3A_1982 : vector<16x1xi32> to vector<16xi32>
      %gather3A_1984 = tpu.dynamic_gather %min3A_1971[%gather3A_1983] in [0] : vector<16xf32>, vector<16xi32> -> vector<16xf32>
      %min3A_1985 = arith.minimumf %min3A_1971, %gather3A_1984 : vector<16xf32>
      %xor3A_1986 = arith.constant 1 : i32
      %xor3A_1987 = vector.broadcast %xor3A_1986 : i32 to vector<16xi32>
      %xor3A_1988 = arith.xori %iota3A_20, %xor3A_1987 : vector<16xi32>
      %lt3A_1989 = arith.constant 0 : i32
      %lt3A_1990 = vector.broadcast %lt3A_1989 : i32 to vector<16xi32>
      %lt3A_1991 = arith.cmpi slt, %xor3A_1988, %lt3A_1990 : vector<16xi32>
      %add3A_1992 = arith.constant 16 : i32
      %add3A_1993 = vector.broadcast %add3A_1992 : i32 to vector<16xi32>
      %add3A_1994 = arith.addi %xor3A_1988, %add3A_1993 : vector<16xi32>
      %select_n3A_1995 = arith.select %lt3A_1991, %add3A_1994, %xor3A_1988 : vector<16xi1>, vector<16xi32>
      %broadcast_in_dim3A_1996 = vector.shape_cast %select_n3A_1995 : vector<16xi32> to vector<16x1xi32>
      %gather3A_1997 = vector.shape_cast %broadcast_in_dim3A_1996 : vector<16x1xi32> to vector<16xi32>
      %gather3A_1998 = tpu.dynamic_gather %min3A_1985[%gather3A_1997] in [0] : vector<16xf32>, vector<16xi32> -> vector<16xf32>
      %min3A_1999 = arith.minimumf %min3A_1985, %gather3A_1998 : vector<16xf32>
      %select_n3A_2000 = arith.select %eq3A_1943, %min3A_1999, %select_n3A_1834 : vector<16xi1>, vector<16xf32>
      %eq3A_2001 = arith.constant 15 : i32
      %eq3A_2002 = vector.broadcast %eq3A_2001 : i32 to vector<16xi32>
      %eq3A_2003 = arith.cmpi eq, %iota3A_20, %eq3A_2002 : vector<16xi32>
      %xor3A_2004 = arith.constant 8 : i32
      %xor3A_2005 = vector.broadcast %xor3A_2004 : i32 to vector<16xi32>
      %xor3A_2006 = arith.xori %iota3A_20, %xor3A_2005 : vector<16xi32>
      %lt3A_2007 = arith.constant 0 : i32
      %lt3A_2008 = vector.broadcast %lt3A_2007 : i32 to vector<16xi32>
      %lt3A_2009 = arith.cmpi slt, %xor3A_2006, %lt3A_2008 : vector<16xi32>
      %add3A_2010 = arith.constant 16 : i32
      %add3A_2011 = vector.broadcast %add3A_2010 : i32 to vector<16xi32>
      %add3A_2012 = arith.addi %xor3A_2006, %add3A_2011 : vector<16xi32>
      %select_n3A_2013 = arith.select %lt3A_2009, %add3A_2012, %xor3A_2006 : vector<16xi1>, vector<16xi32>
      %broadcast_in_dim3A_2014 = vector.shape_cast %select_n3A_2013 : vector<16xi32> to vector<16x1xi32>
      %gather3A_2015 = vector.shape_cast %broadcast_in_dim3A_2014 : vector<16x1xi32> to vector<16xi32>
      %gather3A_2016 = tpu.dynamic_gather %scan3A_1939#1[%gather3A_2015] in [0] : vector<16xf32>, vector<16xi32> -> vector<16xf32>
      %min3A_2017 = arith.minimumf %scan3A_1939#1, %gather3A_2016 : vector<16xf32>
      %xor3A_2018 = arith.constant 4 : i32
      %xor3A_2019 = vector.broadcast %xor3A_2018 : i32 to vector<16xi32>
      %xor3A_2020 = arith.xori %iota3A_20, %xor3A_2019 : vector<16xi32>
      %lt3A_2021 = arith.constant 0 : i32
      %lt3A_2022 = vector.broadcast %lt3A_2021 : i32 to vector<16xi32>
      %lt3A_2023 = arith.cmpi slt, %xor3A_2020, %lt3A_2022 : vector<16xi32>
      %add3A_2024 = arith.constant 16 : i32
      %add3A_2025 = vector.broadcast %add3A_2024 : i32 to vector<16xi32>
      %add3A_2026 = arith.addi %xor3A_2020, %add3A_2025 : vector<16xi32>
      %select_n3A_2027 = arith.select %lt3A_2023, %add3A_2026, %xor3A_2020 : vector<16xi1>, vector<16xi32>
      %broadcast_in_dim3A_2028 = vector.shape_cast %select_n3A_2027 : vector<16xi32> to vector<16x1xi32>
      %gather3A_2029 = vector.shape_cast %broadcast_in_dim3A_2028 : vector<16x1xi32> to vector<16xi32>
      %gather3A_2030 = tpu.dynamic_gather %min3A_2017[%gather3A_2029] in [0] : vector<16xf32>, vector<16xi32> -> vector<16xf32>
      %min3A_2031 = arith.minimumf %min3A_2017, %gather3A_2030 : vector<16xf32>
      %xor3A_2032 = arith.constant 2 : i32
      %xor3A_2033 = vector.broadcast %xor3A_2032 : i32 to vector<16xi32>
      %xor3A_2034 = arith.xori %iota3A_20, %xor3A_2033 : vector<16xi32>
      %lt3A_2035 = arith.constant 0 : i32
      %lt3A_2036 = vector.broadcast %lt3A_2035 : i32 to vector<16xi32>
      %lt3A_2037 = arith.cmpi slt, %xor3A_2034, %lt3A_2036 : vector<16xi32>
      %add3A_2038 = arith.constant 16 : i32
      %add3A_2039 = vector.broadcast %add3A_2038 : i32 to vector<16xi32>
      %add3A_2040 = arith.addi %xor3A_2034, %add3A_2039 : vector<16xi32>
      %select_n3A_2041 = arith.select %lt3A_2037, %add3A_2040, %xor3A_2034 : vector<16xi1>, vector<16xi32>
      %broadcast_in_dim3A_2042 = vector.shape_cast %select_n3A_2041 : vector<16xi32> to vector<16x1xi32>
      %gather3A_2043 = vector.shape_cast %broadcast_in_dim3A_2042 : vector<16x1xi32> to vector<16xi32>
      %gather3A_2044 = tpu.dynamic_gather %min3A_2031[%gather3A_2043] in [0] : vector<16xf32>, vector<16xi32> -> vector<16xf32>
      %min3A_2045 = arith.minimumf %min3A_2031, %gather3A_2044 : vector<16xf32>
      %xor3A_2046 = arith.constant 1 : i32
      %xor3A_2047 = vector.broadcast %xor3A_2046 : i32 to vector<16xi32>
      %xor3A_2048 = arith.xori %iota3A_20, %xor3A_2047 : vector<16xi32>
      %lt3A_2049 = arith.constant 0 : i32
      %lt3A_2050 = vector.broadcast %lt3A_2049 : i32 to vector<16xi32>
      %lt3A_2051 = arith.cmpi slt, %xor3A_2048, %lt3A_2050 : vector<16xi32>
      %add3A_2052 = arith.constant 16 : i32
      %add3A_2053 = vector.broadcast %add3A_2052 : i32 to vector<16xi32>
      %add3A_2054 = arith.addi %xor3A_2048, %add3A_2053 : vector<16xi32>
      %select_n3A_2055 = arith.select %lt3A_2051, %add3A_2054, %xor3A_2048 : vector<16xi1>, vector<16xi32>
      %broadcast_in_dim3A_2056 = vector.shape_cast %select_n3A_2055 : vector<16xi32> to vector<16x1xi32>
      %gather3A_2057 = vector.shape_cast %broadcast_in_dim3A_2056 : vector<16x1xi32> to vector<16xi32>
      %gather3A_2058 = tpu.dynamic_gather %min3A_2045[%gather3A_2057] in [0] : vector<16xf32>, vector<16xi32> -> vector<16xf32>
      %min3A_2059 = arith.minimumf %min3A_2045, %gather3A_2058 : vector<16xf32>
      %select_n3A_2060 = arith.select %eq3A_2003, %min3A_2059, %select_n3A_2000 : vector<16xi1>, vector<16xf32>
      %max3A = arith.constant 9.99999996E-13 : f32
      %max3A_2061 = vector.broadcast %max3A : f32 to vector<16xf32>
      %max3A_2062 = arith.maximumf %select_n3A_2060, %max3A_2061 : vector<16xf32>
      %mul3A_2063 = arith.constant 5.000000e-01 : f32
      %mul3A_2064 = vector.broadcast %mul3A_2063 : f32 to vector<16xf32>
      %mul3A_2065 = arith.mulf %max3A_2062, %mul3A_2064 : vector<16xf32>
      %bitcast_convert_type3A_2066 = tpu.bitcast %max3A_2062 : vector<16xf32> -> vector<16xi32>
      %shift_right_logical3A_2067 = arith.constant 1 : i32
      %shift_right_logical3A_2068 = vector.broadcast %shift_right_logical3A_2067 : i32 to vector<16xi32>
      %shift_right_logical3A_2069 = arith.shrui %bitcast_convert_type3A_2066, %shift_right_logical3A_2068 : vector<16xi32>
      %sub3A = arith.constant 1597463007 : i32
      %sub3A_2070 = vector.broadcast %sub3A : i32 to vector<16xi32>
      %sub3A_2071 = arith.subi %sub3A_2070, %shift_right_logical3A_2069 : vector<16xi32>
      %bitcast_convert_type3A_2072 = tpu.bitcast %sub3A_2071 : vector<16xi32> -> vector<16xf32>
      %mul3A_2073 = arith.mulf %mul3A_2065, %bitcast_convert_type3A_2072 : vector<16xf32>
      %mul3A_2074 = arith.mulf %mul3A_2073, %bitcast_convert_type3A_2072 : vector<16xf32>
      %sub3A_2075 = arith.constant 1.500000e+00 : f32
      %sub3A_2076 = vector.broadcast %sub3A_2075 : f32 to vector<16xf32>
      %sub3A_2077 = arith.subf %sub3A_2076, %mul3A_2074 : vector<16xf32>
      %mul3A_2078 = arith.mulf %bitcast_convert_type3A_2072, %sub3A_2077 : vector<16xf32>
      %mul3A_2079 = arith.mulf %mul3A_2065, %mul3A_2078 : vector<16xf32>
      %mul3A_2080 = arith.mulf %mul3A_2079, %mul3A_2078 : vector<16xf32>
      %sub3A_2081 = arith.constant 1.500000e+00 : f32
      %sub3A_2082 = vector.broadcast %sub3A_2081 : f32 to vector<16xf32>
      %sub3A_2083 = arith.subf %sub3A_2082, %mul3A_2080 : vector<16xf32>
      %mul3A_2084 = arith.mulf %mul3A_2078, %sub3A_2083 : vector<16xf32>
      %mul3A_2085 = arith.mulf %mul3A_2065, %mul3A_2084 : vector<16xf32>
      %mul3A_2086 = arith.mulf %mul3A_2085, %mul3A_2084 : vector<16xf32>
      %sub3A_2087 = arith.constant 1.500000e+00 : f32
      %sub3A_2088 = vector.broadcast %sub3A_2087 : f32 to vector<16xf32>
      %sub3A_2089 = arith.subf %sub3A_2088, %mul3A_2086 : vector<16xf32>
      %mul3A_2090 = arith.mulf %mul3A_2084, %sub3A_2089 : vector<16xf32>
      %mul3A_2091 = arith.mulf %max3A_2062, %mul3A_2090 : vector<16xf32>
      %add3A_2092 = arith.addf %scan3A_42, %mul3A_2091 : vector<16xf32>
      scf.yield %add3A_2092 : vector<16xf32>
    }
    %scan3A_26 = arith.constant 4 : i32
    %iota3A_27 = tpu.iota {dimensions = array<i32: 0>} : vector<16xi32>
    %scan3A_28 = arith.constant 0 : i32
    %scan3A_29 = arith.constant 4 : i32
    %scan3A_30 = arith.addi %scan3A_28, %scan3A_29 : i32
    %scan3A_31 = arith.constant 1 : i32
    %scan3A_32 = scf.for %scan3A_41 = %scan3A_28 to %scan3A_30 step %scan3A_31 iter_args(%scan3A_42 = %scan3A_25) -> (vector<16xf32>)  : i32 {
      %mul3A_43 = arith.constant 16 : i32
      %mul3A_44 = arith.muli %scan3A_41, %mul3A_43 : i32
      %add3A_45 = arith.addi %mul3A_2, %mul3A_44 : i32
      %mul3A_46 = arith.constant 3 : i32
      %mul3A_47 = arith.muli %add3A_45, %mul3A_46 : i32
      %get3A = arith.index_cast %mul3A_47 : i32 to index
      %get3A_48 = tpu.vector_load %arg4[%get3A] {strides = array<i32>} : memref<6144xf32, #tpu.memory_space<vmem>>, vector<16xf32>,
      %get3A_49 = vector.shape_cast %get3A_48 : vector<16xf32> to vector<16xf32>
      %add3A_50 = arith.constant 16 : i32
      %add3A_51 = arith.addi %mul3A_47, %add3A_50 : i32
      %get3A_52 = arith.index_cast %add3A_51 : i32 to index
      %get3A_53 = tpu.vector_load %arg4[%get3A_52] {strides = array<i32>} : memref<6144xf32, #tpu.memory_space<vmem>>, vector<16xf32>,
      %get3A_54 = vector.shape_cast %get3A_53 : vector<16xf32> to vector<16xf32>
      %add3A_55 = arith.constant 32 : i32
      %add3A_56 = arith.addi %mul3A_47, %add3A_55 : i32
      %get3A_57 = arith.index_cast %add3A_56 : i32 to index
      %get3A_58 = tpu.vector_load %arg4[%get3A_57] {strides = array<i32>} : memref<6144xf32, #tpu.memory_space<vmem>>, vector<16xf32>,
      %get3A_59 = vector.shape_cast %get3A_58 : vector<16xf32> to vector<16xf32>
      %mul3A_60 = arith.constant 3 : i32
      %mul3A_61 = vector.broadcast %mul3A_60 : i32 to vector<16xi32>
      %mul3A_62 = arith.muli %iota3A_27, %mul3A_61 : vector<16xi32>
      %add3A_63 = arith.constant 0 : i32
      %add3A_64 = vector.broadcast %add3A_63 : i32 to vector<16xi32>
      %add3A_65 = arith.addi %mul3A_62, %add3A_64 : vector<16xi32>
      %and3A = arith.constant 15 : i32
      %and3A_66 = vector.broadcast %and3A : i32 to vector<16xi32>
      %and3A_67 = arith.andi %add3A_65, %and3A_66 : vector<16xi32>
      %shift_right_logical3A = arith.constant 4 : i32
      %shift_right_logical3A_68 = vector.broadcast %shift_right_logical3A : i32 to vector<16xi32>
      %shift_right_logical3A_69 = arith.shrui %add3A_65, %shift_right_logical3A_68 : vector<16xi32>
      %eq3A = arith.constant 0 : i32
      %eq3A_70 = vector.broadcast %eq3A : i32 to vector<16xi32>
      %eq3A_71 = arith.cmpi eq, %shift_right_logical3A_69, %eq3A_70 : vector<16xi32>
      %lt3A = arith.constant 0 : i32
      %lt3A_72 = vector.broadcast %lt3A : i32 to vector<16xi32>
      %lt3A_73 = arith.cmpi slt, %and3A_67, %lt3A_72 : vector<16xi32>
      %add3A_74 = arith.constant 16 : i32
      %add3A_75 = vector.broadcast %add3A_74 : i32 to vector<16xi32>
      %add3A_76 = arith.addi %and3A_67, %add3A_75 : vector<16xi32>
      %select_n3A = arith.select %lt3A_73, %add3A_76, %and3A_67 : vector<16xi1>, vector<16xi32>
      %broadcast_in_dim3A_77 = vector.shape_cast %select_n3A : vector<16xi32> to vector<16x1xi32>
      %gather3A = vector.shape_cast %broadcast_in_dim3A_77 : vector<16x1xi32> to vector<16xi32>
      %gather3A_78 = tpu.dynamic_gather %get3A_49[%gather3A] in [0] : vector<16xf32>, vector<16xi32> -> vector<16xf32>
      %eq3A_79 = arith.constant 1 : i32
      %eq3A_80 = vector.broadcast %eq3A_79 : i32 to vector<16xi32>
      %eq3A_81 = arith.cmpi eq, %shift_right_logical3A_69, %eq3A_80 : vector<16xi32>
      %lt3A_82 = arith.constant 0 : i32
      %lt3A_83 = vector.broadcast %lt3A_82 : i32 to vector<16xi32>
      %lt3A_84 = arith.cmpi slt, %and3A_67, %lt3A_83 : vector<16xi32>
      %add3A_85 = arith.constant 16 : i32
      %add3A_86 = vector.broadcast %add3A_85 : i32 to vector<16xi32>
      %add3A_87 = arith.addi %and3A_67, %add3A_86 : vector<16xi32>
      %select_n3A_88 = arith.select %lt3A_84, %add3A_87, %and3A_67 : vector<16xi1>, vector<16xi32>
      %broadcast_in_dim3A_89 = vector.shape_cast %select_n3A_88 : vector<16xi32> to vector<16x1xi32>
      %gather3A_90 = vector.shape_cast %broadcast_in_dim3A_89 : vector<16x1xi32> to vector<16xi32>
      %gather3A_91 = tpu.dynamic_gather %get3A_54[%gather3A_90] in [0] : vector<16xf32>, vector<16xi32> -> vector<16xf32>
      %lt3A_92 = arith.constant 0 : i32
      %lt3A_93 = vector.broadcast %lt3A_92 : i32 to vector<16xi32>
      %lt3A_94 = arith.cmpi slt, %and3A_67, %lt3A_93 : vector<16xi32>
      %add3A_95 = arith.constant 16 : i32
      %add3A_96 = vector.broadcast %add3A_95 : i32 to vector<16xi32>
      %add3A_97 = arith.addi %and3A_67, %add3A_96 : vector<16xi32>
      %select_n3A_98 = arith.select %lt3A_94, %add3A_97, %and3A_67 : vector<16xi1>, vector<16xi32>
      %broadcast_in_dim3A_99 = vector.shape_cast %select_n3A_98 : vector<16xi32> to vector<16x1xi32>
      %gather3A_100 = vector.shape_cast %broadcast_in_dim3A_99 : vector<16x1xi32> to vector<16xi32>
      %gather3A_101 = tpu.dynamic_gather %get3A_59[%gather3A_100] in [0] : vector<16xf32>, vector<16xi32> -> vector<16xf32>
      %select_n3A_102 = arith.select %eq3A_81, %gather3A_91, %gather3A_101 : vector<16xi1>, vector<16xf32>
      %select_n3A_103 = arith.select %eq3A_71, %gather3A_78, %select_n3A_102 : vector<16xi1>, vector<16xf32>
      %mul3A_104 = arith.constant 3 : i32
      %mul3A_105 = vector.broadcast %mul3A_104 : i32 to vector<16xi32>
      %mul3A_106 = arith.muli %iota3A_27, %mul3A_105 : vector<16xi32>
      %add3A_107 = arith.constant 1 : i32
      %add3A_108 = vector.broadcast %add3A_107 : i32 to vector<16xi32>
      %add3A_109 = arith.addi %mul3A_106, %add3A_108 : vector<16xi32>
      %and3A_110 = arith.constant 15 : i32
      %and3A_111 = vector.broadcast %and3A_110 : i32 to vector<16xi32>
      %and3A_112 = arith.andi %add3A_109, %and3A_111 : vector<16xi32>
      %shift_right_logical3A_113 = arith.constant 4 : i32
      %shift_right_logical3A_114 = vector.broadcast %shift_right_logical3A_113 : i32 to vector<16xi32>
      %shift_right_logical3A_115 = arith.shrui %add3A_109, %shift_right_logical3A_114 : vector<16xi32>
      %eq3A_116 = arith.constant 0 : i32
      %eq3A_117 = vector.broadcast %eq3A_116 : i32 to vector<16xi32>
      %eq3A_118 = arith.cmpi eq, %shift_right_logical3A_115, %eq3A_117 : vector<16xi32>
      %lt3A_119 = arith.constant 0 : i32
      %lt3A_120 = vector.broadcast %lt3A_119 : i32 to vector<16xi32>
      %lt3A_121 = arith.cmpi slt, %and3A_112, %lt3A_120 : vector<16xi32>
      %add3A_122 = arith.constant 16 : i32
      %add3A_123 = vector.broadcast %add3A_122 : i32 to vector<16xi32>
      %add3A_124 = arith.addi %and3A_112, %add3A_123 : vector<16xi32>
      %select_n3A_125 = arith.select %lt3A_121, %add3A_124, %and3A_112 : vector<16xi1>, vector<16xi32>
      %broadcast_in_dim3A_126 = vector.shape_cast %select_n3A_125 : vector<16xi32> to vector<16x1xi32>
      %gather3A_127 = vector.shape_cast %broadcast_in_dim3A_126 : vector<16x1xi32> to vector<16xi32>
      %gather3A_128 = tpu.dynamic_gather %get3A_49[%gather3A_127] in [0] : vector<16xf32>, vector<16xi32> -> vector<16xf32>
      %eq3A_129 = arith.constant 1 : i32
      %eq3A_130 = vector.broadcast %eq3A_129 : i32 to vector<16xi32>
      %eq3A_131 = arith.cmpi eq, %shift_right_logical3A_115, %eq3A_130 : vector<16xi32>
      %lt3A_132 = arith.constant 0 : i32
      %lt3A_133 = vector.broadcast %lt3A_132 : i32 to vector<16xi32>
      %lt3A_134 = arith.cmpi slt, %and3A_112, %lt3A_133 : vector<16xi32>
      %add3A_135 = arith.constant 16 : i32
      %add3A_136 = vector.broadcast %add3A_135 : i32 to vector<16xi32>
      %add3A_137 = arith.addi %and3A_112, %add3A_136 : vector<16xi32>
      %select_n3A_138 = arith.select %lt3A_134, %add3A_137, %and3A_112 : vector<16xi1>, vector<16xi32>
      %broadcast_in_dim3A_139 = vector.shape_cast %select_n3A_138 : vector<16xi32> to vector<16x1xi32>
      %gather3A_140 = vector.shape_cast %broadcast_in_dim3A_139 : vector<16x1xi32> to vector<16xi32>
      %gather3A_141 = tpu.dynamic_gather %get3A_54[%gather3A_140] in [0] : vector<16xf32>, vector<16xi32> -> vector<16xf32>
      %lt3A_142 = arith.constant 0 : i32
      %lt3A_143 = vector.broadcast %lt3A_142 : i32 to vector<16xi32>
      %lt3A_144 = arith.cmpi slt, %and3A_112, %lt3A_143 : vector<16xi32>
      %add3A_145 = arith.constant 16 : i32
      %add3A_146 = vector.broadcast %add3A_145 : i32 to vector<16xi32>
      %add3A_147 = arith.addi %and3A_112, %add3A_146 : vector<16xi32>
      %select_n3A_148 = arith.select %lt3A_144, %add3A_147, %and3A_112 : vector<16xi1>, vector<16xi32>
      %broadcast_in_dim3A_149 = vector.shape_cast %select_n3A_148 : vector<16xi32> to vector<16x1xi32>
      %gather3A_150 = vector.shape_cast %broadcast_in_dim3A_149 : vector<16x1xi32> to vector<16xi32>
      %gather3A_151 = tpu.dynamic_gather %get3A_59[%gather3A_150] in [0] : vector<16xf32>, vector<16xi32> -> vector<16xf32>
      %select_n3A_152 = arith.select %eq3A_131, %gather3A_141, %gather3A_151 : vector<16xi1>, vector<16xf32>
      %select_n3A_153 = arith.select %eq3A_118, %gather3A_128, %select_n3A_152 : vector<16xi1>, vector<16xf32>
      %mul3A_154 = arith.constant 3 : i32
      %mul3A_155 = vector.broadcast %mul3A_154 : i32 to vector<16xi32>
      %mul3A_156 = arith.muli %iota3A_27, %mul3A_155 : vector<16xi32>
      %add3A_157 = arith.constant 2 : i32
      %add3A_158 = vector.broadcast %add3A_157 : i32 to vector<16xi32>
      %add3A_159 = arith.addi %mul3A_156, %add3A_158 : vector<16xi32>
      %and3A_160 = arith.constant 15 : i32
      %and3A_161 = vector.broadcast %and3A_160 : i32 to vector<16xi32>
      %and3A_162 = arith.andi %add3A_159, %and3A_161 : vector<16xi32>
      %shift_right_logical3A_163 = arith.constant 4 : i32
      %shift_right_logical3A_164 = vector.broadcast %shift_right_logical3A_163 : i32 to vector<16xi32>
      %shift_right_logical3A_165 = arith.shrui %add3A_159, %shift_right_logical3A_164 : vector<16xi32>
      %eq3A_166 = arith.constant 0 : i32
      %eq3A_167 = vector.broadcast %eq3A_166 : i32 to vector<16xi32>
      %eq3A_168 = arith.cmpi eq, %shift_right_logical3A_165, %eq3A_167 : vector<16xi32>
      %lt3A_169 = arith.constant 0 : i32
      %lt3A_170 = vector.broadcast %lt3A_169 : i32 to vector<16xi32>
      %lt3A_171 = arith.cmpi slt, %and3A_162, %lt3A_170 : vector<16xi32>
      %add3A_172 = arith.constant 16 : i32
      %add3A_173 = vector.broadcast %add3A_172 : i32 to vector<16xi32>
      %add3A_174 = arith.addi %and3A_162, %add3A_173 : vector<16xi32>
      %select_n3A_175 = arith.select %lt3A_171, %add3A_174, %and3A_162 : vector<16xi1>, vector<16xi32>
      %broadcast_in_dim3A_176 = vector.shape_cast %select_n3A_175 : vector<16xi32> to vector<16x1xi32>
      %gather3A_177 = vector.shape_cast %broadcast_in_dim3A_176 : vector<16x1xi32> to vector<16xi32>
      %gather3A_178 = tpu.dynamic_gather %get3A_49[%gather3A_177] in [0] : vector<16xf32>, vector<16xi32> -> vector<16xf32>
      %eq3A_179 = arith.constant 1 : i32
      %eq3A_180 = vector.broadcast %eq3A_179 : i32 to vector<16xi32>
      %eq3A_181 = arith.cmpi eq, %shift_right_logical3A_165, %eq3A_180 : vector<16xi32>
      %lt3A_182 = arith.constant 0 : i32
      %lt3A_183 = vector.broadcast %lt3A_182 : i32 to vector<16xi32>
      %lt3A_184 = arith.cmpi slt, %and3A_162, %lt3A_183 : vector<16xi32>
      %add3A_185 = arith.constant 16 : i32
      %add3A_186 = vector.broadcast %add3A_185 : i32 to vector<16xi32>
      %add3A_187 = arith.addi %and3A_162, %add3A_186 : vector<16xi32>
      %select_n3A_188 = arith.select %lt3A_184, %add3A_187, %and3A_162 : vector<16xi1>, vector<16xi32>
      %broadcast_in_dim3A_189 = vector.shape_cast %select_n3A_188 : vector<16xi32> to vector<16x1xi32>
      %gather3A_190 = vector.shape_cast %broadcast_in_dim3A_189 : vector<16x1xi32> to vector<16xi32>
      %gather3A_191 = tpu.dynamic_gather %get3A_54[%gather3A_190] in [0] : vector<16xf32>, vector<16xi32> -> vector<16xf32>
      %lt3A_192 = arith.constant 0 : i32
      %lt3A_193 = vector.broadcast %lt3A_192 : i32 to vector<16xi32>
      %lt3A_194 = arith.cmpi slt, %and3A_162, %lt3A_193 : vector<16xi32>
      %add3A_195 = arith.constant 16 : i32
      %add3A_196 = vector.broadcast %add3A_195 : i32 to vector<16xi32>
      %add3A_197 = arith.addi %and3A_162, %add3A_196 : vector<16xi32>
      %select_n3A_198 = arith.select %lt3A_194, %add3A_197, %and3A_162 : vector<16xi1>, vector<16xi32>
      %broadcast_in_dim3A_199 = vector.shape_cast %select_n3A_198 : vector<16xi32> to vector<16x1xi32>
      %gather3A_200 = vector.shape_cast %broadcast_in_dim3A_199 : vector<16x1xi32> to vector<16xi32>
      %gather3A_201 = tpu.dynamic_gather %get3A_59[%gather3A_200] in [0] : vector<16xf32>, vector<16xi32> -> vector<16xf32>
      %select_n3A_202 = arith.select %eq3A_181, %gather3A_191, %gather3A_201 : vector<16xi1>, vector<16xf32>
      %select_n3A_203 = arith.select %eq3A_168, %gather3A_178, %select_n3A_202 : vector<16xi1>, vector<16xf32>
      %mul3A_204 = arith.mulf %select_n3A_103, %select_n3A_103 : vector<16xf32>
      %mul3A_205 = arith.mulf %select_n3A_153, %select_n3A_153 : vector<16xf32>
      %add3A_206 = arith.addf %mul3A_204, %mul3A_205 : vector<16xf32>
      %mul3A_207 = arith.mulf %select_n3A_203, %select_n3A_203 : vector<16xf32>
      %add3A_208 = arith.addf %add3A_206, %mul3A_207 : vector<16xf32>
      %bitcast_convert_type3A = tpu.bitcast %select_n3A_103 : vector<16xf32> -> vector<16xi32>
      %shift_right_logical3A_209 = arith.constant 16 : i32
      %shift_right_logical3A_210 = vector.broadcast %shift_right_logical3A_209 : i32 to vector<16xi32>
      %shift_right_logical3A_211 = arith.shrui %bitcast_convert_type3A, %shift_right_logical3A_210 : vector<16xi32>
      %and3A_212 = arith.constant 1 : i32
      %and3A_213 = vector.broadcast %and3A_212 : i32 to vector<16xi32>
      %and3A_214 = arith.andi %shift_right_logical3A_211, %and3A_213 : vector<16xi32>
      %add3A_215 = arith.constant 32767 : i32
      %add3A_216 = vector.broadcast %add3A_215 : i32 to vector<16xi32>
      %add3A_217 = arith.addi %bitcast_convert_type3A, %add3A_216 : vector<16xi32>
      %add3A_218 = arith.addi %add3A_217, %and3A_214 : vector<16xi32>
      %and3A_219 = arith.constant -65536 : i32
      %and3A_220 = vector.broadcast %and3A_219 : i32 to vector<16xi32>
      %and3A_221 = arith.andi %add3A_218, %and3A_220 : vector<16xi32>
      %bitcast_convert_type3A_222 = tpu.bitcast %and3A_221 : vector<16xi32> -> vector<16xf32>
      %bitcast_convert_type3A_223 = tpu.bitcast %select_n3A_153 : vector<16xf32> -> vector<16xi32>
      %shift_right_logical3A_224 = arith.constant 16 : i32
      %shift_right_logical3A_225 = vector.broadcast %shift_right_logical3A_224 : i32 to vector<16xi32>
      %shift_right_logical3A_226 = arith.shrui %bitcast_convert_type3A_223, %shift_right_logical3A_225 : vector<16xi32>
      %and3A_227 = arith.constant 1 : i32
      %and3A_228 = vector.broadcast %and3A_227 : i32 to vector<16xi32>
      %and3A_229 = arith.andi %shift_right_logical3A_226, %and3A_228 : vector<16xi32>
      %add3A_230 = arith.constant 32767 : i32
      %add3A_231 = vector.broadcast %add3A_230 : i32 to vector<16xi32>
      %add3A_232 = arith.addi %bitcast_convert_type3A_223, %add3A_231 : vector<16xi32>
      %add3A_233 = arith.addi %add3A_232, %and3A_229 : vector<16xi32>
      %and3A_234 = arith.constant -65536 : i32
      %and3A_235 = vector.broadcast %and3A_234 : i32 to vector<16xi32>
      %and3A_236 = arith.andi %add3A_233, %and3A_235 : vector<16xi32>
      %bitcast_convert_type3A_237 = tpu.bitcast %and3A_236 : vector<16xi32> -> vector<16xf32>
      %bitcast_convert_type3A_238 = tpu.bitcast %select_n3A_203 : vector<16xf32> -> vector<16xi32>
      %shift_right_logical3A_239 = arith.constant 16 : i32
      %shift_right_logical3A_240 = vector.broadcast %shift_right_logical3A_239 : i32 to vector<16xi32>
      %shift_right_logical3A_241 = arith.shrui %bitcast_convert_type3A_238, %shift_right_logical3A_240 : vector<16xi32>
      %and3A_242 = arith.constant 1 : i32
      %and3A_243 = vector.broadcast %and3A_242 : i32 to vector<16xi32>
      %and3A_244 = arith.andi %shift_right_logical3A_241, %and3A_243 : vector<16xi32>
      %add3A_245 = arith.constant 32767 : i32
      %add3A_246 = vector.broadcast %add3A_245 : i32 to vector<16xi32>
      %add3A_247 = arith.addi %bitcast_convert_type3A_238, %add3A_246 : vector<16xi32>
      %add3A_248 = arith.addi %add3A_247, %and3A_244 : vector<16xi32>
      %and3A_249 = arith.constant -65536 : i32
      %and3A_250 = vector.broadcast %and3A_249 : i32 to vector<16xi32>
      %and3A_251 = arith.andi %add3A_248, %and3A_250 : vector<16xi32>
      %bitcast_convert_type3A_252 = tpu.bitcast %and3A_251 : vector<16xi32> -> vector<16xf32>
      %broadcast_in_dim3A_253 = arith.constant 0.000000e+00 : f32
      %broadcast_in_dim3A_254 = vector.broadcast %broadcast_in_dim3A_253 : f32 to vector<16xf32>
      %broadcast_in_dim3A_255 = arith.constant 0 : i32
      %broadcast_in_dim3A_256 = vector.broadcast %broadcast_in_dim3A_255 : i32 to vector<16xi32>
      %lt3A_257 = arith.constant 0 : i32
      %lt3A_258 = vector.broadcast %lt3A_257 : i32 to vector<16xi32>
      %lt3A_259 = arith.cmpi slt, %broadcast_in_dim3A_256, %lt3A_258 : vector<16xi32>
      %add3A_260 = arith.constant 16 : i32
      %add3A_261 = vector.broadcast %add3A_260 : i32 to vector<16xi32>
      %add3A_262 = arith.addi %broadcast_in_dim3A_256, %add3A_261 : vector<16xi32>
      %select_n3A_263 = arith.select %lt3A_259, %add3A_262, %broadcast_in_dim3A_256 : vector<16xi1>, vector<16xi32>
      %broadcast_in_dim3A_264 = vector.shape_cast %select_n3A_263 : vector<16xi32> to vector<16x1xi32>
      %gather3A_265 = vector.shape_cast %broadcast_in_dim3A_264 : vector<16x1xi32> to vector<16xi32>
      %gather3A_266 = tpu.dynamic_gather %bitcast_convert_type3A_222[%gather3A_265] in [0] : vector<16xf32>, vector<16xi32> -> vector<16xf32>
      %broadcast_in_dim3A_267 = arith.constant 0 : i32
      %broadcast_in_dim3A_268 = vector.broadcast %broadcast_in_dim3A_267 : i32 to vector<16xi32>
      %lt3A_269 = arith.constant 0 : i32
      %lt3A_270 = vector.broadcast %lt3A_269 : i32 to vector<16xi32>
      %lt3A_271 = arith.cmpi slt, %broadcast_in_dim3A_268, %lt3A_270 : vector<16xi32>
      %add3A_272 = arith.constant 16 : i32
      %add3A_273 = vector.broadcast %add3A_272 : i32 to vector<16xi32>
      %add3A_274 = arith.addi %broadcast_in_dim3A_268, %add3A_273 : vector<16xi32>
      %select_n3A_275 = arith.select %lt3A_271, %add3A_274, %broadcast_in_dim3A_268 : vector<16xi1>, vector<16xi32>
      %broadcast_in_dim3A_276 = vector.shape_cast %select_n3A_275 : vector<16xi32> to vector<16x1xi32>
      %gather3A_277 = vector.shape_cast %broadcast_in_dim3A_276 : vector<16x1xi32> to vector<16xi32>
      %gather3A_278 = tpu.dynamic_gather %bitcast_convert_type3A_237[%gather3A_277] in [0] : vector<16xf32>, vector<16xi32> -> vector<16xf32>
      %broadcast_in_dim3A_279 = arith.constant 0 : i32
      %broadcast_in_dim3A_280 = vector.broadcast %broadcast_in_dim3A_279 : i32 to vector<16xi32>
      %lt3A_281 = arith.constant 0 : i32
      %lt3A_282 = vector.broadcast %lt3A_281 : i32 to vector<16xi32>
      %lt3A_283 = arith.cmpi slt, %broadcast_in_dim3A_280, %lt3A_282 : vector<16xi32>
      %add3A_284 = arith.constant 16 : i32
      %add3A_285 = vector.broadcast %add3A_284 : i32 to vector<16xi32>
      %add3A_286 = arith.addi %broadcast_in_dim3A_280, %add3A_285 : vector<16xi32>
      %select_n3A_287 = arith.select %lt3A_283, %add3A_286, %broadcast_in_dim3A_280 : vector<16xi1>, vector<16xi32>
      %broadcast_in_dim3A_288 = vector.shape_cast %select_n3A_287 : vector<16xi32> to vector<16x1xi32>
      %gather3A_289 = vector.shape_cast %broadcast_in_dim3A_288 : vector<16x1xi32> to vector<16xi32>
      %gather3A_290 = tpu.dynamic_gather %bitcast_convert_type3A_252[%gather3A_289] in [0] : vector<16xf32>, vector<16xi32> -> vector<16xf32>
      %broadcast_in_dim3A_291 = arith.constant 0 : i32
      %broadcast_in_dim3A_292 = vector.broadcast %broadcast_in_dim3A_291 : i32 to vector<16xi32>
      %lt3A_293 = arith.constant 0 : i32
      %lt3A_294 = vector.broadcast %lt3A_293 : i32 to vector<16xi32>
      %lt3A_295 = arith.cmpi slt, %broadcast_in_dim3A_292, %lt3A_294 : vector<16xi32>
      %add3A_296 = arith.constant 16 : i32
      %add3A_297 = vector.broadcast %add3A_296 : i32 to vector<16xi32>
      %add3A_298 = arith.addi %broadcast_in_dim3A_292, %add3A_297 : vector<16xi32>
      %select_n3A_299 = arith.select %lt3A_295, %add3A_298, %broadcast_in_dim3A_292 : vector<16xi1>, vector<16xi32>
      %broadcast_in_dim3A_300 = vector.shape_cast %select_n3A_299 : vector<16xi32> to vector<16x1xi32>
      %gather3A_301 = vector.shape_cast %broadcast_in_dim3A_300 : vector<16x1xi32> to vector<16xi32>
      %gather3A_302 = tpu.dynamic_gather %add3A_208[%gather3A_301] in [0] : vector<16xf32>, vector<16xi32> -> vector<16xf32>
      %broadcast_in_dim3A_303 = arith.constant 1 : i32
      %broadcast_in_dim3A_304 = vector.broadcast %broadcast_in_dim3A_303 : i32 to vector<16xi32>
      %lt3A_305 = arith.constant 0 : i32
      %lt3A_306 = vector.broadcast %lt3A_305 : i32 to vector<16xi32>
      %lt3A_307 = arith.cmpi slt, %broadcast_in_dim3A_304, %lt3A_306 : vector<16xi32>
      %add3A_308 = arith.constant 16 : i32
      %add3A_309 = vector.broadcast %add3A_308 : i32 to vector<16xi32>
      %add3A_310 = arith.addi %broadcast_in_dim3A_304, %add3A_309 : vector<16xi32>
      %select_n3A_311 = arith.select %lt3A_307, %add3A_310, %broadcast_in_dim3A_304 : vector<16xi1>, vector<16xi32>
      %broadcast_in_dim3A_312 = vector.shape_cast %select_n3A_311 : vector<16xi32> to vector<16x1xi32>
      %gather3A_313 = vector.shape_cast %broadcast_in_dim3A_312 : vector<16x1xi32> to vector<16xi32>
      %gather3A_314 = tpu.dynamic_gather %bitcast_convert_type3A_222[%gather3A_313] in [0] : vector<16xf32>, vector<16xi32> -> vector<16xf32>
      %broadcast_in_dim3A_315 = arith.constant 1 : i32
      %broadcast_in_dim3A_316 = vector.broadcast %broadcast_in_dim3A_315 : i32 to vector<16xi32>
      %lt3A_317 = arith.constant 0 : i32
      %lt3A_318 = vector.broadcast %lt3A_317 : i32 to vector<16xi32>
      %lt3A_319 = arith.cmpi slt, %broadcast_in_dim3A_316, %lt3A_318 : vector<16xi32>
      %add3A_320 = arith.constant 16 : i32
      %add3A_321 = vector.broadcast %add3A_320 : i32 to vector<16xi32>
      %add3A_322 = arith.addi %broadcast_in_dim3A_316, %add3A_321 : vector<16xi32>
      %select_n3A_323 = arith.select %lt3A_319, %add3A_322, %broadcast_in_dim3A_316 : vector<16xi1>, vector<16xi32>
      %broadcast_in_dim3A_324 = vector.shape_cast %select_n3A_323 : vector<16xi32> to vector<16x1xi32>
      %gather3A_325 = vector.shape_cast %broadcast_in_dim3A_324 : vector<16x1xi32> to vector<16xi32>
      %gather3A_326 = tpu.dynamic_gather %bitcast_convert_type3A_237[%gather3A_325] in [0] : vector<16xf32>, vector<16xi32> -> vector<16xf32>
      %broadcast_in_dim3A_327 = arith.constant 1 : i32
      %broadcast_in_dim3A_328 = vector.broadcast %broadcast_in_dim3A_327 : i32 to vector<16xi32>
      %lt3A_329 = arith.constant 0 : i32
      %lt3A_330 = vector.broadcast %lt3A_329 : i32 to vector<16xi32>
      %lt3A_331 = arith.cmpi slt, %broadcast_in_dim3A_328, %lt3A_330 : vector<16xi32>
      %add3A_332 = arith.constant 16 : i32
      %add3A_333 = vector.broadcast %add3A_332 : i32 to vector<16xi32>
      %add3A_334 = arith.addi %broadcast_in_dim3A_328, %add3A_333 : vector<16xi32>
      %select_n3A_335 = arith.select %lt3A_331, %add3A_334, %broadcast_in_dim3A_328 : vector<16xi1>, vector<16xi32>
      %broadcast_in_dim3A_336 = vector.shape_cast %select_n3A_335 : vector<16xi32> to vector<16x1xi32>
      %gather3A_337 = vector.shape_cast %broadcast_in_dim3A_336 : vector<16x1xi32> to vector<16xi32>
      %gather3A_338 = tpu.dynamic_gather %bitcast_convert_type3A_252[%gather3A_337] in [0] : vector<16xf32>, vector<16xi32> -> vector<16xf32>
      %broadcast_in_dim3A_339 = arith.constant 1 : i32
      %broadcast_in_dim3A_340 = vector.broadcast %broadcast_in_dim3A_339 : i32 to vector<16xi32>
      %lt3A_341 = arith.constant 0 : i32
      %lt3A_342 = vector.broadcast %lt3A_341 : i32 to vector<16xi32>
      %lt3A_343 = arith.cmpi slt, %broadcast_in_dim3A_340, %lt3A_342 : vector<16xi32>
      %add3A_344 = arith.constant 16 : i32
      %add3A_345 = vector.broadcast %add3A_344 : i32 to vector<16xi32>
      %add3A_346 = arith.addi %broadcast_in_dim3A_340, %add3A_345 : vector<16xi32>
      %select_n3A_347 = arith.select %lt3A_343, %add3A_346, %broadcast_in_dim3A_340 : vector<16xi1>, vector<16xi32>
      %broadcast_in_dim3A_348 = vector.shape_cast %select_n3A_347 : vector<16xi32> to vector<16x1xi32>
      %gather3A_349 = vector.shape_cast %broadcast_in_dim3A_348 : vector<16x1xi32> to vector<16xi32>
      %gather3A_350 = tpu.dynamic_gather %add3A_208[%gather3A_349] in [0] : vector<16xf32>, vector<16xi32> -> vector<16xf32>
      %broadcast_in_dim3A_351 = arith.constant 1.000000e+30 : f32
      %broadcast_in_dim3A_352 = vector.broadcast %broadcast_in_dim3A_351 : f32 to vector<16xf32>
      %broadcast_in_dim3A_353 = arith.constant 1.000000e+30 : f32
      %broadcast_in_dim3A_354 = vector.broadcast %broadcast_in_dim3A_353 : f32 to vector<16xf32>
      %scan3A_355 = arith.constant 0 : i32
      %scan3A_356 = arith.constant 128 : i32
      %scan3A_357 = arith.addi %scan3A_355, %scan3A_356 : i32
      %scan3A_358 = arith.constant 1 : i32
      %scan3A_359:2 = scf.for %scan3A_2093 = %scan3A_355 to %scan3A_357 step %scan3A_358 iter_args(%scan3A_2094 = %broadcast_in_dim3A_352, %scan3A_2095 = %broadcast_in_dim3A_354) -> (vector<16xf32>, vector<16xf32>)  : i32 {
        %mul3A_2096 = arith.constant 16 : i32
        %mul3A_2097 = arith.muli %scan3A_2093, %mul3A_2096 : i32
        %get3A_2098 = arith.constant 0 : i32
        %get3A_2099 = arith.index_cast %get3A_2098 : i32 to index
        %get3A_2100 = arith.index_cast %mul3A_2097 : i32 to index
        %get3A_2101 = tpu.vector_load %arg7[%get3A_2099, %get3A_2100] {strides = array<i32>} : memref<4x2048xf32, #tpu.memory_space<vmem>>, vector<1x16xf32>,
        %get3A_2102 = vector.shape_cast %get3A_2101 : vector<1x16xf32> to vector<16xf32>
        %get3A_2103 = arith.constant 1 : i32
        %get3A_2104 = arith.index_cast %get3A_2103 : i32 to index
        %get3A_2105 = arith.index_cast %mul3A_2097 : i32 to index
        %get3A_2106 = tpu.vector_load %arg7[%get3A_2104, %get3A_2105] {strides = array<i32>} : memref<4x2048xf32, #tpu.memory_space<vmem>>, vector<1x16xf32>,
        %get3A_2107 = vector.shape_cast %get3A_2106 : vector<1x16xf32> to vector<16xf32>
        %get3A_2108 = arith.constant 2 : i32
        %get3A_2109 = arith.index_cast %get3A_2108 : i32 to index
        %get3A_2110 = arith.index_cast %mul3A_2097 : i32 to index
        %get3A_2111 = tpu.vector_load %arg7[%get3A_2109, %get3A_2110] {strides = array<i32>} : memref<4x2048xf32, #tpu.memory_space<vmem>>, vector<1x16xf32>,
        %get3A_2112 = vector.shape_cast %get3A_2111 : vector<1x16xf32> to vector<16xf32>
        %get3A_2113 = arith.constant 3 : i32
        %get3A_2114 = arith.index_cast %get3A_2113 : i32 to index
        %get3A_2115 = arith.index_cast %mul3A_2097 : i32 to index
        %get3A_2116 = tpu.vector_load %arg7[%get3A_2114, %get3A_2115] {strides = array<i32>} : memref<4x2048xf32, #tpu.memory_space<vmem>>, vector<1x16xf32>,
        %get3A_2117 = vector.shape_cast %get3A_2116 : vector<1x16xf32> to vector<16xf32>
        %mul3A_2118 = arith.mulf %get3A_2102, %gather3A_266 : vector<16xf32>
        %mul3A_2119 = arith.mulf %get3A_2107, %gather3A_278 : vector<16xf32>
        %add3A_2120 = arith.addf %mul3A_2118, %mul3A_2119 : vector<16xf32>
        %mul3A_2121 = arith.mulf %get3A_2112, %gather3A_290 : vector<16xf32>
        %add3A_2122 = arith.addf %add3A_2120, %mul3A_2121 : vector<16xf32>
        %add3A_2123 = arith.addf %gather3A_302, %get3A_2117 : vector<16xf32>
        %add3A_2124 = arith.addf %add3A_2123, %add3A_2122 : vector<16xf32>
        %min3A_2125 = arith.minimumf %scan3A_2094, %add3A_2124 : vector<16xf32>
        %mul3A_2126 = arith.mulf %get3A_2102, %gather3A_314 : vector<16xf32>
        %mul3A_2127 = arith.mulf %get3A_2107, %gather3A_326 : vector<16xf32>
        %add3A_2128 = arith.addf %mul3A_2126, %mul3A_2127 : vector<16xf32>
        %mul3A_2129 = arith.mulf %get3A_2112, %gather3A_338 : vector<16xf32>
        %add3A_2130 = arith.addf %add3A_2128, %mul3A_2129 : vector<16xf32>
        %add3A_2131 = arith.addf %gather3A_350, %get3A_2117 : vector<16xf32>
        %add3A_2132 = arith.addf %add3A_2131, %add3A_2130 : vector<16xf32>
        %min3A_2133 = arith.minimumf %scan3A_2095, %add3A_2132 : vector<16xf32>
        scf.yield %min3A_2125, %min3A_2133 : vector<16xf32>, vector<16xf32>
      }
      %scan3A_360 = arith.constant 128 : i32
      %eq3A_361 = arith.constant 0 : i32
      %eq3A_362 = vector.broadcast %eq3A_361 : i32 to vector<16xi32>
      %eq3A_363 = arith.cmpi eq, %iota3A_27, %eq3A_362 : vector<16xi32>
      %xor3A = arith.constant 8 : i32
      %xor3A_364 = vector.broadcast %xor3A : i32 to vector<16xi32>
      %xor3A_365 = arith.xori %iota3A_27, %xor3A_364 : vector<16xi32>
      %lt3A_366 = arith.constant 0 : i32
      %lt3A_367 = vector.broadcast %lt3A_366 : i32 to vector<16xi32>
      %lt3A_368 = arith.cmpi slt, %xor3A_365, %lt3A_367 : vector<16xi32>
      %add3A_369 = arith.constant 16 : i32
      %add3A_370 = vector.broadcast %add3A_369 : i32 to vector<16xi32>
      %add3A_371 = arith.addi %xor3A_365, %add3A_370 : vector<16xi32>
      %select_n3A_372 = arith.select %lt3A_368, %add3A_371, %xor3A_365 : vector<16xi1>, vector<16xi32>
      %broadcast_in_dim3A_373 = vector.shape_cast %select_n3A_372 : vector<16xi32> to vector<16x1xi32>
      %gather3A_374 = vector.shape_cast %broadcast_in_dim3A_373 : vector<16x1xi32> to vector<16xi32>
      %gather3A_375 = tpu.dynamic_gather %scan3A_359#0[%gather3A_374] in [0] : vector<16xf32>, vector<16xi32> -> vector<16xf32>
      %min3A = arith.minimumf %scan3A_359#0, %gather3A_375 : vector<16xf32>
      %xor3A_376 = arith.constant 4 : i32
      %xor3A_377 = vector.broadcast %xor3A_376 : i32 to vector<16xi32>
      %xor3A_378 = arith.xori %iota3A_27, %xor3A_377 : vector<16xi32>
      %lt3A_379 = arith.constant 0 : i32
      %lt3A_380 = vector.broadcast %lt3A_379 : i32 to vector<16xi32>
      %lt3A_381 = arith.cmpi slt, %xor3A_378, %lt3A_380 : vector<16xi32>
      %add3A_382 = arith.constant 16 : i32
      %add3A_383 = vector.broadcast %add3A_382 : i32 to vector<16xi32>
      %add3A_384 = arith.addi %xor3A_378, %add3A_383 : vector<16xi32>
      %select_n3A_385 = arith.select %lt3A_381, %add3A_384, %xor3A_378 : vector<16xi1>, vector<16xi32>
      %broadcast_in_dim3A_386 = vector.shape_cast %select_n3A_385 : vector<16xi32> to vector<16x1xi32>
      %gather3A_387 = vector.shape_cast %broadcast_in_dim3A_386 : vector<16x1xi32> to vector<16xi32>
      %gather3A_388 = tpu.dynamic_gather %min3A[%gather3A_387] in [0] : vector<16xf32>, vector<16xi32> -> vector<16xf32>
      %min3A_389 = arith.minimumf %min3A, %gather3A_388 : vector<16xf32>
      %xor3A_390 = arith.constant 2 : i32
      %xor3A_391 = vector.broadcast %xor3A_390 : i32 to vector<16xi32>
      %xor3A_392 = arith.xori %iota3A_27, %xor3A_391 : vector<16xi32>
      %lt3A_393 = arith.constant 0 : i32
      %lt3A_394 = vector.broadcast %lt3A_393 : i32 to vector<16xi32>
      %lt3A_395 = arith.cmpi slt, %xor3A_392, %lt3A_394 : vector<16xi32>
      %add3A_396 = arith.constant 16 : i32
      %add3A_397 = vector.broadcast %add3A_396 : i32 to vector<16xi32>
      %add3A_398 = arith.addi %xor3A_392, %add3A_397 : vector<16xi32>
      %select_n3A_399 = arith.select %lt3A_395, %add3A_398, %xor3A_392 : vector<16xi1>, vector<16xi32>
      %broadcast_in_dim3A_400 = vector.shape_cast %select_n3A_399 : vector<16xi32> to vector<16x1xi32>
      %gather3A_401 = vector.shape_cast %broadcast_in_dim3A_400 : vector<16x1xi32> to vector<16xi32>
      %gather3A_402 = tpu.dynamic_gather %min3A_389[%gather3A_401] in [0] : vector<16xf32>, vector<16xi32> -> vector<16xf32>
      %min3A_403 = arith.minimumf %min3A_389, %gather3A_402 : vector<16xf32>
      %xor3A_404 = arith.constant 1 : i32
      %xor3A_405 = vector.broadcast %xor3A_404 : i32 to vector<16xi32>
      %xor3A_406 = arith.xori %iota3A_27, %xor3A_405 : vector<16xi32>
      %lt3A_407 = arith.constant 0 : i32
      %lt3A_408 = vector.broadcast %lt3A_407 : i32 to vector<16xi32>
      %lt3A_409 = arith.cmpi slt, %xor3A_406, %lt3A_408 : vector<16xi32>
      %add3A_410 = arith.constant 16 : i32
      %add3A_411 = vector.broadcast %add3A_410 : i32 to vector<16xi32>
      %add3A_412 = arith.addi %xor3A_406, %add3A_411 : vector<16xi32>
      %select_n3A_413 = arith.select %lt3A_409, %add3A_412, %xor3A_406 : vector<16xi1>, vector<16xi32>
      %broadcast_in_dim3A_414 = vector.shape_cast %select_n3A_413 : vector<16xi32> to vector<16x1xi32>
      %gather3A_415 = vector.shape_cast %broadcast_in_dim3A_414 : vector<16x1xi32> to vector<16xi32>
      %gather3A_416 = tpu.dynamic_gather %min3A_403[%gather3A_415] in [0] : vector<16xf32>, vector<16xi32> -> vector<16xf32>
      %min3A_417 = arith.minimumf %min3A_403, %gather3A_416 : vector<16xf32>
      %select_n3A_418 = arith.select %eq3A_363, %min3A_417, %broadcast_in_dim3A_254 : vector<16xi1>, vector<16xf32>
      %eq3A_419 = arith.constant 1 : i32
      %eq3A_420 = vector.broadcast %eq3A_419 : i32 to vector<16xi32>
      %eq3A_421 = arith.cmpi eq, %iota3A_27, %eq3A_420 : vector<16xi32>
      %xor3A_422 = arith.constant 8 : i32
      %xor3A_423 = vector.broadcast %xor3A_422 : i32 to vector<16xi32>
      %xor3A_424 = arith.xori %iota3A_27, %xor3A_423 : vector<16xi32>
      %lt3A_425 = arith.constant 0 : i32
      %lt3A_426 = vector.broadcast %lt3A_425 : i32 to vector<16xi32>
      %lt3A_427 = arith.cmpi slt, %xor3A_424, %lt3A_426 : vector<16xi32>
      %add3A_428 = arith.constant 16 : i32
      %add3A_429 = vector.broadcast %add3A_428 : i32 to vector<16xi32>
      %add3A_430 = arith.addi %xor3A_424, %add3A_429 : vector<16xi32>
      %select_n3A_431 = arith.select %lt3A_427, %add3A_430, %xor3A_424 : vector<16xi1>, vector<16xi32>
      %broadcast_in_dim3A_432 = vector.shape_cast %select_n3A_431 : vector<16xi32> to vector<16x1xi32>
      %gather3A_433 = vector.shape_cast %broadcast_in_dim3A_432 : vector<16x1xi32> to vector<16xi32>
      %gather3A_434 = tpu.dynamic_gather %scan3A_359#1[%gather3A_433] in [0] : vector<16xf32>, vector<16xi32> -> vector<16xf32>
      %min3A_435 = arith.minimumf %scan3A_359#1, %gather3A_434 : vector<16xf32>
      %xor3A_436 = arith.constant 4 : i32
      %xor3A_437 = vector.broadcast %xor3A_436 : i32 to vector<16xi32>
      %xor3A_438 = arith.xori %iota3A_27, %xor3A_437 : vector<16xi32>
      %lt3A_439 = arith.constant 0 : i32
      %lt3A_440 = vector.broadcast %lt3A_439 : i32 to vector<16xi32>
      %lt3A_441 = arith.cmpi slt, %xor3A_438, %lt3A_440 : vector<16xi32>
      %add3A_442 = arith.constant 16 : i32
      %add3A_443 = vector.broadcast %add3A_442 : i32 to vector<16xi32>
      %add3A_444 = arith.addi %xor3A_438, %add3A_443 : vector<16xi32>
      %select_n3A_445 = arith.select %lt3A_441, %add3A_444, %xor3A_438 : vector<16xi1>, vector<16xi32>
      %broadcast_in_dim3A_446 = vector.shape_cast %select_n3A_445 : vector<16xi32> to vector<16x1xi32>
      %gather3A_447 = vector.shape_cast %broadcast_in_dim3A_446 : vector<16x1xi32> to vector<16xi32>
      %gather3A_448 = tpu.dynamic_gather %min3A_435[%gather3A_447] in [0] : vector<16xf32>, vector<16xi32> -> vector<16xf32>
      %min3A_449 = arith.minimumf %min3A_435, %gather3A_448 : vector<16xf32>
      %xor3A_450 = arith.constant 2 : i32
      %xor3A_451 = vector.broadcast %xor3A_450 : i32 to vector<16xi32>
      %xor3A_452 = arith.xori %iota3A_27, %xor3A_451 : vector<16xi32>
      %lt3A_453 = arith.constant 0 : i32
      %lt3A_454 = vector.broadcast %lt3A_453 : i32 to vector<16xi32>
      %lt3A_455 = arith.cmpi slt, %xor3A_452, %lt3A_454 : vector<16xi32>
      %add3A_456 = arith.constant 16 : i32
      %add3A_457 = vector.broadcast %add3A_456 : i32 to vector<16xi32>
      %add3A_458 = arith.addi %xor3A_452, %add3A_457 : vector<16xi32>
      %select_n3A_459 = arith.select %lt3A_455, %add3A_458, %xor3A_452 : vector<16xi1>, vector<16xi32>
      %broadcast_in_dim3A_460 = vector.shape_cast %select_n3A_459 : vector<16xi32> to vector<16x1xi32>
      %gather3A_461 = vector.shape_cast %broadcast_in_dim3A_460 : vector<16x1xi32> to vector<16xi32>
      %gather3A_462 = tpu.dynamic_gather %min3A_449[%gather3A_461] in [0] : vector<16xf32>, vector<16xi32> -> vector<16xf32>
      %min3A_463 = arith.minimumf %min3A_449, %gather3A_462 : vector<16xf32>
      %xor3A_464 = arith.constant 1 : i32
      %xor3A_465 = vector.broadcast %xor3A_464 : i32 to vector<16xi32>
      %xor3A_466 = arith.xori %iota3A_27, %xor3A_465 : vector<16xi32>
      %lt3A_467 = arith.constant 0 : i32
      %lt3A_468 = vector.broadcast %lt3A_467 : i32 to vector<16xi32>
      %lt3A_469 = arith.cmpi slt, %xor3A_466, %lt3A_468 : vector<16xi32>
      %add3A_470 = arith.constant 16 : i32
      %add3A_471 = vector.broadcast %add3A_470 : i32 to vector<16xi32>
      %add3A_472 = arith.addi %xor3A_466, %add3A_471 : vector<16xi32>
      %select_n3A_473 = arith.select %lt3A_469, %add3A_472, %xor3A_466 : vector<16xi1>, vector<16xi32>
      %broadcast_in_dim3A_474 = vector.shape_cast %select_n3A_473 : vector<16xi32> to vector<16x1xi32>
      %gather3A_475 = vector.shape_cast %broadcast_in_dim3A_474 : vector<16x1xi32> to vector<16xi32>
      %gather3A_476 = tpu.dynamic_gather %min3A_463[%gather3A_475] in [0] : vector<16xf32>, vector<16xi32> -> vector<16xf32>
      %min3A_477 = arith.minimumf %min3A_463, %gather3A_476 : vector<16xf32>
      %select_n3A_478 = arith.select %eq3A_421, %min3A_477, %select_n3A_418 : vector<16xi1>, vector<16xf32>
      %broadcast_in_dim3A_479 = arith.constant 2 : i32
      %broadcast_in_dim3A_480 = vector.broadcast %broadcast_in_dim3A_479 : i32 to vector<16xi32>
      %lt3A_481 = arith.constant 0 : i32
      %lt3A_482 = vector.broadcast %lt3A_481 : i32 to vector<16xi32>
      %lt3A_483 = arith.cmpi slt, %broadcast_in_dim3A_480, %lt3A_482 : vector<16xi32>
      %add3A_484 = arith.constant 16 : i32
      %add3A_485 = vector.broadcast %add3A_484 : i32 to vector<16xi32>
      %add3A_486 = arith.addi %broadcast_in_dim3A_480, %add3A_485 : vector<16xi32>
      %select_n3A_487 = arith.select %lt3A_483, %add3A_486, %broadcast_in_dim3A_480 : vector<16xi1>, vector<16xi32>
      %broadcast_in_dim3A_488 = vector.shape_cast %select_n3A_487 : vector<16xi32> to vector<16x1xi32>
      %gather3A_489 = vector.shape_cast %broadcast_in_dim3A_488 : vector<16x1xi32> to vector<16xi32>
      %gather3A_490 = tpu.dynamic_gather %bitcast_convert_type3A_222[%gather3A_489] in [0] : vector<16xf32>, vector<16xi32> -> vector<16xf32>
      %broadcast_in_dim3A_491 = arith.constant 2 : i32
      %broadcast_in_dim3A_492 = vector.broadcast %broadcast_in_dim3A_491 : i32 to vector<16xi32>
      %lt3A_493 = arith.constant 0 : i32
      %lt3A_494 = vector.broadcast %lt3A_493 : i32 to vector<16xi32>
      %lt3A_495 = arith.cmpi slt, %broadcast_in_dim3A_492, %lt3A_494 : vector<16xi32>
      %add3A_496 = arith.constant 16 : i32
      %add3A_497 = vector.broadcast %add3A_496 : i32 to vector<16xi32>
      %add3A_498 = arith.addi %broadcast_in_dim3A_492, %add3A_497 : vector<16xi32>
      %select_n3A_499 = arith.select %lt3A_495, %add3A_498, %broadcast_in_dim3A_492 : vector<16xi1>, vector<16xi32>
      %broadcast_in_dim3A_500 = vector.shape_cast %select_n3A_499 : vector<16xi32> to vector<16x1xi32>
      %gather3A_501 = vector.shape_cast %broadcast_in_dim3A_500 : vector<16x1xi32> to vector<16xi32>
      %gather3A_502 = tpu.dynamic_gather %bitcast_convert_type3A_237[%gather3A_501] in [0] : vector<16xf32>, vector<16xi32> -> vector<16xf32>
      %broadcast_in_dim3A_503 = arith.constant 2 : i32
      %broadcast_in_dim3A_504 = vector.broadcast %broadcast_in_dim3A_503 : i32 to vector<16xi32>
      %lt3A_505 = arith.constant 0 : i32
      %lt3A_506 = vector.broadcast %lt3A_505 : i32 to vector<16xi32>
      %lt3A_507 = arith.cmpi slt, %broadcast_in_dim3A_504, %lt3A_506 : vector<16xi32>
      %add3A_508 = arith.constant 16 : i32
      %add3A_509 = vector.broadcast %add3A_508 : i32 to vector<16xi32>
      %add3A_510 = arith.addi %broadcast_in_dim3A_504, %add3A_509 : vector<16xi32>
      %select_n3A_511 = arith.select %lt3A_507, %add3A_510, %broadcast_in_dim3A_504 : vector<16xi1>, vector<16xi32>
      %broadcast_in_dim3A_512 = vector.shape_cast %select_n3A_511 : vector<16xi32> to vector<16x1xi32>
      %gather3A_513 = vector.shape_cast %broadcast_in_dim3A_512 : vector<16x1xi32> to vector<16xi32>
      %gather3A_514 = tpu.dynamic_gather %bitcast_convert_type3A_252[%gather3A_513] in [0] : vector<16xf32>, vector<16xi32> -> vector<16xf32>
      %broadcast_in_dim3A_515 = arith.constant 2 : i32
      %broadcast_in_dim3A_516 = vector.broadcast %broadcast_in_dim3A_515 : i32 to vector<16xi32>
      %lt3A_517 = arith.constant 0 : i32
      %lt3A_518 = vector.broadcast %lt3A_517 : i32 to vector<16xi32>
      %lt3A_519 = arith.cmpi slt, %broadcast_in_dim3A_516, %lt3A_518 : vector<16xi32>
      %add3A_520 = arith.constant 16 : i32
      %add3A_521 = vector.broadcast %add3A_520 : i32 to vector<16xi32>
      %add3A_522 = arith.addi %broadcast_in_dim3A_516, %add3A_521 : vector<16xi32>
      %select_n3A_523 = arith.select %lt3A_519, %add3A_522, %broadcast_in_dim3A_516 : vector<16xi1>, vector<16xi32>
      %broadcast_in_dim3A_524 = vector.shape_cast %select_n3A_523 : vector<16xi32> to vector<16x1xi32>
      %gather3A_525 = vector.shape_cast %broadcast_in_dim3A_524 : vector<16x1xi32> to vector<16xi32>
      %gather3A_526 = tpu.dynamic_gather %add3A_208[%gather3A_525] in [0] : vector<16xf32>, vector<16xi32> -> vector<16xf32>
      %broadcast_in_dim3A_527 = arith.constant 3 : i32
      %broadcast_in_dim3A_528 = vector.broadcast %broadcast_in_dim3A_527 : i32 to vector<16xi32>
      %lt3A_529 = arith.constant 0 : i32
      %lt3A_530 = vector.broadcast %lt3A_529 : i32 to vector<16xi32>
      %lt3A_531 = arith.cmpi slt, %broadcast_in_dim3A_528, %lt3A_530 : vector<16xi32>
      %add3A_532 = arith.constant 16 : i32
      %add3A_533 = vector.broadcast %add3A_532 : i32 to vector<16xi32>
      %add3A_534 = arith.addi %broadcast_in_dim3A_528, %add3A_533 : vector<16xi32>
      %select_n3A_535 = arith.select %lt3A_531, %add3A_534, %broadcast_in_dim3A_528 : vector<16xi1>, vector<16xi32>
      %broadcast_in_dim3A_536 = vector.shape_cast %select_n3A_535 : vector<16xi32> to vector<16x1xi32>
      %gather3A_537 = vector.shape_cast %broadcast_in_dim3A_536 : vector<16x1xi32> to vector<16xi32>
      %gather3A_538 = tpu.dynamic_gather %bitcast_convert_type3A_222[%gather3A_537] in [0] : vector<16xf32>, vector<16xi32> -> vector<16xf32>
      %broadcast_in_dim3A_539 = arith.constant 3 : i32
      %broadcast_in_dim3A_540 = vector.broadcast %broadcast_in_dim3A_539 : i32 to vector<16xi32>
      %lt3A_541 = arith.constant 0 : i32
      %lt3A_542 = vector.broadcast %lt3A_541 : i32 to vector<16xi32>
      %lt3A_543 = arith.cmpi slt, %broadcast_in_dim3A_540, %lt3A_542 : vector<16xi32>
      %add3A_544 = arith.constant 16 : i32
      %add3A_545 = vector.broadcast %add3A_544 : i32 to vector<16xi32>
      %add3A_546 = arith.addi %broadcast_in_dim3A_540, %add3A_545 : vector<16xi32>
      %select_n3A_547 = arith.select %lt3A_543, %add3A_546, %broadcast_in_dim3A_540 : vector<16xi1>, vector<16xi32>
      %broadcast_in_dim3A_548 = vector.shape_cast %select_n3A_547 : vector<16xi32> to vector<16x1xi32>
      %gather3A_549 = vector.shape_cast %broadcast_in_dim3A_548 : vector<16x1xi32> to vector<16xi32>
      %gather3A_550 = tpu.dynamic_gather %bitcast_convert_type3A_237[%gather3A_549] in [0] : vector<16xf32>, vector<16xi32> -> vector<16xf32>
      %broadcast_in_dim3A_551 = arith.constant 3 : i32
      %broadcast_in_dim3A_552 = vector.broadcast %broadcast_in_dim3A_551 : i32 to vector<16xi32>
      %lt3A_553 = arith.constant 0 : i32
      %lt3A_554 = vector.broadcast %lt3A_553 : i32 to vector<16xi32>
      %lt3A_555 = arith.cmpi slt, %broadcast_in_dim3A_552, %lt3A_554 : vector<16xi32>
      %add3A_556 = arith.constant 16 : i32
      %add3A_557 = vector.broadcast %add3A_556 : i32 to vector<16xi32>
      %add3A_558 = arith.addi %broadcast_in_dim3A_552, %add3A_557 : vector<16xi32>
      %select_n3A_559 = arith.select %lt3A_555, %add3A_558, %broadcast_in_dim3A_552 : vector<16xi1>, vector<16xi32>
      %broadcast_in_dim3A_560 = vector.shape_cast %select_n3A_559 : vector<16xi32> to vector<16x1xi32>
      %gather3A_561 = vector.shape_cast %broadcast_in_dim3A_560 : vector<16x1xi32> to vector<16xi32>
      %gather3A_562 = tpu.dynamic_gather %bitcast_convert_type3A_252[%gather3A_561] in [0] : vector<16xf32>, vector<16xi32> -> vector<16xf32>
      %broadcast_in_dim3A_563 = arith.constant 3 : i32
      %broadcast_in_dim3A_564 = vector.broadcast %broadcast_in_dim3A_563 : i32 to vector<16xi32>
      %lt3A_565 = arith.constant 0 : i32
      %lt3A_566 = vector.broadcast %lt3A_565 : i32 to vector<16xi32>
      %lt3A_567 = arith.cmpi slt, %broadcast_in_dim3A_564, %lt3A_566 : vector<16xi32>
      %add3A_568 = arith.constant 16 : i32
      %add3A_569 = vector.broadcast %add3A_568 : i32 to vector<16xi32>
      %add3A_570 = arith.addi %broadcast_in_dim3A_564, %add3A_569 : vector<16xi32>
      %select_n3A_571 = arith.select %lt3A_567, %add3A_570, %broadcast_in_dim3A_564 : vector<16xi1>, vector<16xi32>
      %broadcast_in_dim3A_572 = vector.shape_cast %select_n3A_571 : vector<16xi32> to vector<16x1xi32>
      %gather3A_573 = vector.shape_cast %broadcast_in_dim3A_572 : vector<16x1xi32> to vector<16xi32>
      %gather3A_574 = tpu.dynamic_gather %add3A_208[%gather3A_573] in [0] : vector<16xf32>, vector<16xi32> -> vector<16xf32>
      %broadcast_in_dim3A_575 = arith.constant 1.000000e+30 : f32
      %broadcast_in_dim3A_576 = vector.broadcast %broadcast_in_dim3A_575 : f32 to vector<16xf32>
      %broadcast_in_dim3A_577 = arith.constant 1.000000e+30 : f32
      %broadcast_in_dim3A_578 = vector.broadcast %broadcast_in_dim3A_577 : f32 to vector<16xf32>
      %scan3A_579 = arith.constant 0 : i32
      %scan3A_580 = arith.constant 128 : i32
      %scan3A_581 = arith.addi %scan3A_579, %scan3A_580 : i32
      %scan3A_582 = arith.constant 1 : i32
      %scan3A_583:2 = scf.for %scan3A_2093 = %scan3A_579 to %scan3A_581 step %scan3A_582 iter_args(%scan3A_2094 = %broadcast_in_dim3A_576, %scan3A_2095 = %broadcast_in_dim3A_578) -> (vector<16xf32>, vector<16xf32>)  : i32 {
        %mul3A_2096 = arith.constant 16 : i32
        %mul3A_2097 = arith.muli %scan3A_2093, %mul3A_2096 : i32
        %get3A_2098 = arith.constant 0 : i32
        %get3A_2099 = arith.index_cast %get3A_2098 : i32 to index
        %get3A_2100 = arith.index_cast %mul3A_2097 : i32 to index
        %get3A_2101 = tpu.vector_load %arg7[%get3A_2099, %get3A_2100] {strides = array<i32>} : memref<4x2048xf32, #tpu.memory_space<vmem>>, vector<1x16xf32>,
        %get3A_2102 = vector.shape_cast %get3A_2101 : vector<1x16xf32> to vector<16xf32>
        %get3A_2103 = arith.constant 1 : i32
        %get3A_2104 = arith.index_cast %get3A_2103 : i32 to index
        %get3A_2105 = arith.index_cast %mul3A_2097 : i32 to index
        %get3A_2106 = tpu.vector_load %arg7[%get3A_2104, %get3A_2105] {strides = array<i32>} : memref<4x2048xf32, #tpu.memory_space<vmem>>, vector<1x16xf32>,
        %get3A_2107 = vector.shape_cast %get3A_2106 : vector<1x16xf32> to vector<16xf32>
        %get3A_2108 = arith.constant 2 : i32
        %get3A_2109 = arith.index_cast %get3A_2108 : i32 to index
        %get3A_2110 = arith.index_cast %mul3A_2097 : i32 to index
        %get3A_2111 = tpu.vector_load %arg7[%get3A_2109, %get3A_2110] {strides = array<i32>} : memref<4x2048xf32, #tpu.memory_space<vmem>>, vector<1x16xf32>,
        %get3A_2112 = vector.shape_cast %get3A_2111 : vector<1x16xf32> to vector<16xf32>
        %get3A_2113 = arith.constant 3 : i32
        %get3A_2114 = arith.index_cast %get3A_2113 : i32 to index
        %get3A_2115 = arith.index_cast %mul3A_2097 : i32 to index
        %get3A_2116 = tpu.vector_load %arg7[%get3A_2114, %get3A_2115] {strides = array<i32>} : memref<4x2048xf32, #tpu.memory_space<vmem>>, vector<1x16xf32>,
        %get3A_2117 = vector.shape_cast %get3A_2116 : vector<1x16xf32> to vector<16xf32>
        %mul3A_2118 = arith.mulf %get3A_2102, %gather3A_490 : vector<16xf32>
        %mul3A_2119 = arith.mulf %get3A_2107, %gather3A_502 : vector<16xf32>
        %add3A_2120 = arith.addf %mul3A_2118, %mul3A_2119 : vector<16xf32>
        %mul3A_2121 = arith.mulf %get3A_2112, %gather3A_514 : vector<16xf32>
        %add3A_2122 = arith.addf %add3A_2120, %mul3A_2121 : vector<16xf32>
        %add3A_2123 = arith.addf %gather3A_526, %get3A_2117 : vector<16xf32>
        %add3A_2124 = arith.addf %add3A_2123, %add3A_2122 : vector<16xf32>
        %min3A_2125 = arith.minimumf %scan3A_2094, %add3A_2124 : vector<16xf32>
        %mul3A_2126 = arith.mulf %get3A_2102, %gather3A_538 : vector<16xf32>
        %mul3A_2127 = arith.mulf %get3A_2107, %gather3A_550 : vector<16xf32>
        %add3A_2128 = arith.addf %mul3A_2126, %mul3A_2127 : vector<16xf32>
        %mul3A_2129 = arith.mulf %get3A_2112, %gather3A_562 : vector<16xf32>
        %add3A_2130 = arith.addf %add3A_2128, %mul3A_2129 : vector<16xf32>
        %add3A_2131 = arith.addf %gather3A_574, %get3A_2117 : vector<16xf32>
        %add3A_2132 = arith.addf %add3A_2131, %add3A_2130 : vector<16xf32>
        %min3A_2133 = arith.minimumf %scan3A_2095, %add3A_2132 : vector<16xf32>
        scf.yield %min3A_2125, %min3A_2133 : vector<16xf32>, vector<16xf32>
      }
      %scan3A_584 = arith.constant 128 : i32
      %eq3A_585 = arith.constant 2 : i32
      %eq3A_586 = vector.broadcast %eq3A_585 : i32 to vector<16xi32>
      %eq3A_587 = arith.cmpi eq, %iota3A_27, %eq3A_586 : vector<16xi32>
      %xor3A_588 = arith.constant 8 : i32
      %xor3A_589 = vector.broadcast %xor3A_588 : i32 to vector<16xi32>
      %xor3A_590 = arith.xori %iota3A_27, %xor3A_589 : vector<16xi32>
      %lt3A_591 = arith.constant 0 : i32
      %lt3A_592 = vector.broadcast %lt3A_591 : i32 to vector<16xi32>
      %lt3A_593 = arith.cmpi slt, %xor3A_590, %lt3A_592 : vector<16xi32>
      %add3A_594 = arith.constant 16 : i32
      %add3A_595 = vector.broadcast %add3A_594 : i32 to vector<16xi32>
      %add3A_596 = arith.addi %xor3A_590, %add3A_595 : vector<16xi32>
      %select_n3A_597 = arith.select %lt3A_593, %add3A_596, %xor3A_590 : vector<16xi1>, vector<16xi32>
      %broadcast_in_dim3A_598 = vector.shape_cast %select_n3A_597 : vector<16xi32> to vector<16x1xi32>
      %gather3A_599 = vector.shape_cast %broadcast_in_dim3A_598 : vector<16x1xi32> to vector<16xi32>
      %gather3A_600 = tpu.dynamic_gather %scan3A_583#0[%gather3A_599] in [0] : vector<16xf32>, vector<16xi32> -> vector<16xf32>
      %min3A_601 = arith.minimumf %scan3A_583#0, %gather3A_600 : vector<16xf32>
      %xor3A_602 = arith.constant 4 : i32
      %xor3A_603 = vector.broadcast %xor3A_602 : i32 to vector<16xi32>
      %xor3A_604 = arith.xori %iota3A_27, %xor3A_603 : vector<16xi32>
      %lt3A_605 = arith.constant 0 : i32
      %lt3A_606 = vector.broadcast %lt3A_605 : i32 to vector<16xi32>
      %lt3A_607 = arith.cmpi slt, %xor3A_604, %lt3A_606 : vector<16xi32>
      %add3A_608 = arith.constant 16 : i32
      %add3A_609 = vector.broadcast %add3A_608 : i32 to vector<16xi32>
      %add3A_610 = arith.addi %xor3A_604, %add3A_609 : vector<16xi32>
      %select_n3A_611 = arith.select %lt3A_607, %add3A_610, %xor3A_604 : vector<16xi1>, vector<16xi32>
      %broadcast_in_dim3A_612 = vector.shape_cast %select_n3A_611 : vector<16xi32> to vector<16x1xi32>
      %gather3A_613 = vector.shape_cast %broadcast_in_dim3A_612 : vector<16x1xi32> to vector<16xi32>
      %gather3A_614 = tpu.dynamic_gather %min3A_601[%gather3A_613] in [0] : vector<16xf32>, vector<16xi32> -> vector<16xf32>
      %min3A_615 = arith.minimumf %min3A_601, %gather3A_614 : vector<16xf32>
      %xor3A_616 = arith.constant 2 : i32
      %xor3A_617 = vector.broadcast %xor3A_616 : i32 to vector<16xi32>
      %xor3A_618 = arith.xori %iota3A_27, %xor3A_617 : vector<16xi32>
      %lt3A_619 = arith.constant 0 : i32
      %lt3A_620 = vector.broadcast %lt3A_619 : i32 to vector<16xi32>
      %lt3A_621 = arith.cmpi slt, %xor3A_618, %lt3A_620 : vector<16xi32>
      %add3A_622 = arith.constant 16 : i32
      %add3A_623 = vector.broadcast %add3A_622 : i32 to vector<16xi32>
      %add3A_624 = arith.addi %xor3A_618, %add3A_623 : vector<16xi32>
      %select_n3A_625 = arith.select %lt3A_621, %add3A_624, %xor3A_618 : vector<16xi1>, vector<16xi32>
      %broadcast_in_dim3A_626 = vector.shape_cast %select_n3A_625 : vector<16xi32> to vector<16x1xi32>
      %gather3A_627 = vector.shape_cast %broadcast_in_dim3A_626 : vector<16x1xi32> to vector<16xi32>
      %gather3A_628 = tpu.dynamic_gather %min3A_615[%gather3A_627] in [0] : vector<16xf32>, vector<16xi32> -> vector<16xf32>
      %min3A_629 = arith.minimumf %min3A_615, %gather3A_628 : vector<16xf32>
      %xor3A_630 = arith.constant 1 : i32
      %xor3A_631 = vector.broadcast %xor3A_630 : i32 to vector<16xi32>
      %xor3A_632 = arith.xori %iota3A_27, %xor3A_631 : vector<16xi32>
      %lt3A_633 = arith.constant 0 : i32
      %lt3A_634 = vector.broadcast %lt3A_633 : i32 to vector<16xi32>
      %lt3A_635 = arith.cmpi slt, %xor3A_632, %lt3A_634 : vector<16xi32>
      %add3A_636 = arith.constant 16 : i32
      %add3A_637 = vector.broadcast %add3A_636 : i32 to vector<16xi32>
      %add3A_638 = arith.addi %xor3A_632, %add3A_637 : vector<16xi32>
      %select_n3A_639 = arith.select %lt3A_635, %add3A_638, %xor3A_632 : vector<16xi1>, vector<16xi32>
      %broadcast_in_dim3A_640 = vector.shape_cast %select_n3A_639 : vector<16xi32> to vector<16x1xi32>
      %gather3A_641 = vector.shape_cast %broadcast_in_dim3A_640 : vector<16x1xi32> to vector<16xi32>
      %gather3A_642 = tpu.dynamic_gather %min3A_629[%gather3A_641] in [0] : vector<16xf32>, vector<16xi32> -> vector<16xf32>
      %min3A_643 = arith.minimumf %min3A_629, %gather3A_642 : vector<16xf32>
      %select_n3A_644 = arith.select %eq3A_587, %min3A_643, %select_n3A_478 : vector<16xi1>, vector<16xf32>
      %eq3A_645 = arith.constant 3 : i32
      %eq3A_646 = vector.broadcast %eq3A_645 : i32 to vector<16xi32>
      %eq3A_647 = arith.cmpi eq, %iota3A_27, %eq3A_646 : vector<16xi32>
      %xor3A_648 = arith.constant 8 : i32
      %xor3A_649 = vector.broadcast %xor3A_648 : i32 to vector<16xi32>
      %xor3A_650 = arith.xori %iota3A_27, %xor3A_649 : vector<16xi32>
      %lt3A_651 = arith.constant 0 : i32
      %lt3A_652 = vector.broadcast %lt3A_651 : i32 to vector<16xi32>
      %lt3A_653 = arith.cmpi slt, %xor3A_650, %lt3A_652 : vector<16xi32>
      %add3A_654 = arith.constant 16 : i32
      %add3A_655 = vector.broadcast %add3A_654 : i32 to vector<16xi32>
      %add3A_656 = arith.addi %xor3A_650, %add3A_655 : vector<16xi32>
      %select_n3A_657 = arith.select %lt3A_653, %add3A_656, %xor3A_650 : vector<16xi1>, vector<16xi32>
      %broadcast_in_dim3A_658 = vector.shape_cast %select_n3A_657 : vector<16xi32> to vector<16x1xi32>
      %gather3A_659 = vector.shape_cast %broadcast_in_dim3A_658 : vector<16x1xi32> to vector<16xi32>
      %gather3A_660 = tpu.dynamic_gather %scan3A_583#1[%gather3A_659] in [0] : vector<16xf32>, vector<16xi32> -> vector<16xf32>
      %min3A_661 = arith.minimumf %scan3A_583#1, %gather3A_660 : vector<16xf32>
      %xor3A_662 = arith.constant 4 : i32
      %xor3A_663 = vector.broadcast %xor3A_662 : i32 to vector<16xi32>
      %xor3A_664 = arith.xori %iota3A_27, %xor3A_663 : vector<16xi32>
      %lt3A_665 = arith.constant 0 : i32
      %lt3A_666 = vector.broadcast %lt3A_665 : i32 to vector<16xi32>
      %lt3A_667 = arith.cmpi slt, %xor3A_664, %lt3A_666 : vector<16xi32>
      %add3A_668 = arith.constant 16 : i32
      %add3A_669 = vector.broadcast %add3A_668 : i32 to vector<16xi32>
      %add3A_670 = arith.addi %xor3A_664, %add3A_669 : vector<16xi32>
      %select_n3A_671 = arith.select %lt3A_667, %add3A_670, %xor3A_664 : vector<16xi1>, vector<16xi32>
      %broadcast_in_dim3A_672 = vector.shape_cast %select_n3A_671 : vector<16xi32> to vector<16x1xi32>
      %gather3A_673 = vector.shape_cast %broadcast_in_dim3A_672 : vector<16x1xi32> to vector<16xi32>
      %gather3A_674 = tpu.dynamic_gather %min3A_661[%gather3A_673] in [0] : vector<16xf32>, vector<16xi32> -> vector<16xf32>
      %min3A_675 = arith.minimumf %min3A_661, %gather3A_674 : vector<16xf32>
      %xor3A_676 = arith.constant 2 : i32
      %xor3A_677 = vector.broadcast %xor3A_676 : i32 to vector<16xi32>
      %xor3A_678 = arith.xori %iota3A_27, %xor3A_677 : vector<16xi32>
      %lt3A_679 = arith.constant 0 : i32
      %lt3A_680 = vector.broadcast %lt3A_679 : i32 to vector<16xi32>
      %lt3A_681 = arith.cmpi slt, %xor3A_678, %lt3A_680 : vector<16xi32>
      %add3A_682 = arith.constant 16 : i32
      %add3A_683 = vector.broadcast %add3A_682 : i32 to vector<16xi32>
      %add3A_684 = arith.addi %xor3A_678, %add3A_683 : vector<16xi32>
      %select_n3A_685 = arith.select %lt3A_681, %add3A_684, %xor3A_678 : vector<16xi1>, vector<16xi32>
      %broadcast_in_dim3A_686 = vector.shape_cast %select_n3A_685 : vector<16xi32> to vector<16x1xi32>
      %gather3A_687 = vector.shape_cast %broadcast_in_dim3A_686 : vector<16x1xi32> to vector<16xi32>
      %gather3A_688 = tpu.dynamic_gather %min3A_675[%gather3A_687] in [0] : vector<16xf32>, vector<16xi32> -> vector<16xf32>
      %min3A_689 = arith.minimumf %min3A_675, %gather3A_688 : vector<16xf32>
      %xor3A_690 = arith.constant 1 : i32
      %xor3A_691 = vector.broadcast %xor3A_690 : i32 to vector<16xi32>
      %xor3A_692 = arith.xori %iota3A_27, %xor3A_691 : vector<16xi32>
      %lt3A_693 = arith.constant 0 : i32
      %lt3A_694 = vector.broadcast %lt3A_693 : i32 to vector<16xi32>
      %lt3A_695 = arith.cmpi slt, %xor3A_692, %lt3A_694 : vector<16xi32>
      %add3A_696 = arith.constant 16 : i32
      %add3A_697 = vector.broadcast %add3A_696 : i32 to vector<16xi32>
      %add3A_698 = arith.addi %xor3A_692, %add3A_697 : vector<16xi32>
      %select_n3A_699 = arith.select %lt3A_695, %add3A_698, %xor3A_692 : vector<16xi1>, vector<16xi32>
      %broadcast_in_dim3A_700 = vector.shape_cast %select_n3A_699 : vector<16xi32> to vector<16x1xi32>
      %gather3A_701 = vector.shape_cast %broadcast_in_dim3A_700 : vector<16x1xi32> to vector<16xi32>
      %gather3A_702 = tpu.dynamic_gather %min3A_689[%gather3A_701] in [0] : vector<16xf32>, vector<16xi32> -> vector<16xf32>
      %min3A_703 = arith.minimumf %min3A_689, %gather3A_702 : vector<16xf32>
      %select_n3A_704 = arith.select %eq3A_647, %min3A_703, %select_n3A_644 : vector<16xi1>, vector<16xf32>
      %broadcast_in_dim3A_705 = arith.constant 4 : i32
      %broadcast_in_dim3A_706 = vector.broadcast %broadcast_in_dim3A_705 : i32 to vector<16xi32>
      %lt3A_707 = arith.constant 0 : i32
      %lt3A_708 = vector.broadcast %lt3A_707 : i32 to vector<16xi32>
      %lt3A_709 = arith.cmpi slt, %broadcast_in_dim3A_706, %lt3A_708 : vector<16xi32>
      %add3A_710 = arith.constant 16 : i32
      %add3A_711 = vector.broadcast %add3A_710 : i32 to vector<16xi32>
      %add3A_712 = arith.addi %broadcast_in_dim3A_706, %add3A_711 : vector<16xi32>
      %select_n3A_713 = arith.select %lt3A_709, %add3A_712, %broadcast_in_dim3A_706 : vector<16xi1>, vector<16xi32>
      %broadcast_in_dim3A_714 = vector.shape_cast %select_n3A_713 : vector<16xi32> to vector<16x1xi32>
      %gather3A_715 = vector.shape_cast %broadcast_in_dim3A_714 : vector<16x1xi32> to vector<16xi32>
      %gather3A_716 = tpu.dynamic_gather %bitcast_convert_type3A_222[%gather3A_715] in [0] : vector<16xf32>, vector<16xi32> -> vector<16xf32>
      %broadcast_in_dim3A_717 = arith.constant 4 : i32
      %broadcast_in_dim3A_718 = vector.broadcast %broadcast_in_dim3A_717 : i32 to vector<16xi32>
      %lt3A_719 = arith.constant 0 : i32
      %lt3A_720 = vector.broadcast %lt3A_719 : i32 to vector<16xi32>
      %lt3A_721 = arith.cmpi slt, %broadcast_in_dim3A_718, %lt3A_720 : vector<16xi32>
      %add3A_722 = arith.constant 16 : i32
      %add3A_723 = vector.broadcast %add3A_722 : i32 to vector<16xi32>
      %add3A_724 = arith.addi %broadcast_in_dim3A_718, %add3A_723 : vector<16xi32>
      %select_n3A_725 = arith.select %lt3A_721, %add3A_724, %broadcast_in_dim3A_718 : vector<16xi1>, vector<16xi32>
      %broadcast_in_dim3A_726 = vector.shape_cast %select_n3A_725 : vector<16xi32> to vector<16x1xi32>
      %gather3A_727 = vector.shape_cast %broadcast_in_dim3A_726 : vector<16x1xi32> to vector<16xi32>
      %gather3A_728 = tpu.dynamic_gather %bitcast_convert_type3A_237[%gather3A_727] in [0] : vector<16xf32>, vector<16xi32> -> vector<16xf32>
      %broadcast_in_dim3A_729 = arith.constant 4 : i32
      %broadcast_in_dim3A_730 = vector.broadcast %broadcast_in_dim3A_729 : i32 to vector<16xi32>
      %lt3A_731 = arith.constant 0 : i32
      %lt3A_732 = vector.broadcast %lt3A_731 : i32 to vector<16xi32>
      %lt3A_733 = arith.cmpi slt, %broadcast_in_dim3A_730, %lt3A_732 : vector<16xi32>
      %add3A_734 = arith.constant 16 : i32
      %add3A_735 = vector.broadcast %add3A_734 : i32 to vector<16xi32>
      %add3A_736 = arith.addi %broadcast_in_dim3A_730, %add3A_735 : vector<16xi32>
      %select_n3A_737 = arith.select %lt3A_733, %add3A_736, %broadcast_in_dim3A_730 : vector<16xi1>, vector<16xi32>
      %broadcast_in_dim3A_738 = vector.shape_cast %select_n3A_737 : vector<16xi32> to vector<16x1xi32>
      %gather3A_739 = vector.shape_cast %broadcast_in_dim3A_738 : vector<16x1xi32> to vector<16xi32>
      %gather3A_740 = tpu.dynamic_gather %bitcast_convert_type3A_252[%gather3A_739] in [0] : vector<16xf32>, vector<16xi32> -> vector<16xf32>
      %broadcast_in_dim3A_741 = arith.constant 4 : i32
      %broadcast_in_dim3A_742 = vector.broadcast %broadcast_in_dim3A_741 : i32 to vector<16xi32>
      %lt3A_743 = arith.constant 0 : i32
      %lt3A_744 = vector.broadcast %lt3A_743 : i32 to vector<16xi32>
      %lt3A_745 = arith.cmpi slt, %broadcast_in_dim3A_742, %lt3A_744 : vector<16xi32>
      %add3A_746 = arith.constant 16 : i32
      %add3A_747 = vector.broadcast %add3A_746 : i32 to vector<16xi32>
      %add3A_748 = arith.addi %broadcast_in_dim3A_742, %add3A_747 : vector<16xi32>
      %select_n3A_749 = arith.select %lt3A_745, %add3A_748, %broadcast_in_dim3A_742 : vector<16xi1>, vector<16xi32>
      %broadcast_in_dim3A_750 = vector.shape_cast %select_n3A_749 : vector<16xi32> to vector<16x1xi32>
      %gather3A_751 = vector.shape_cast %broadcast_in_dim3A_750 : vector<16x1xi32> to vector<16xi32>
      %gather3A_752 = tpu.dynamic_gather %add3A_208[%gather3A_751] in [0] : vector<16xf32>, vector<16xi32> -> vector<16xf32>
      %broadcast_in_dim3A_753 = arith.constant 5 : i32
      %broadcast_in_dim3A_754 = vector.broadcast %broadcast_in_dim3A_753 : i32 to vector<16xi32>
      %lt3A_755 = arith.constant 0 : i32
      %lt3A_756 = vector.broadcast %lt3A_755 : i32 to vector<16xi32>
      %lt3A_757 = arith.cmpi slt, %broadcast_in_dim3A_754, %lt3A_756 : vector<16xi32>
      %add3A_758 = arith.constant 16 : i32
      %add3A_759 = vector.broadcast %add3A_758 : i32 to vector<16xi32>
      %add3A_760 = arith.addi %broadcast_in_dim3A_754, %add3A_759 : vector<16xi32>
      %select_n3A_761 = arith.select %lt3A_757, %add3A_760, %broadcast_in_dim3A_754 : vector<16xi1>, vector<16xi32>
      %broadcast_in_dim3A_762 = vector.shape_cast %select_n3A_761 : vector<16xi32> to vector<16x1xi32>
      %gather3A_763 = vector.shape_cast %broadcast_in_dim3A_762 : vector<16x1xi32> to vector<16xi32>
      %gather3A_764 = tpu.dynamic_gather %bitcast_convert_type3A_222[%gather3A_763] in [0] : vector<16xf32>, vector<16xi32> -> vector<16xf32>
      %broadcast_in_dim3A_765 = arith.constant 5 : i32
      %broadcast_in_dim3A_766 = vector.broadcast %broadcast_in_dim3A_765 : i32 to vector<16xi32>
      %lt3A_767 = arith.constant 0 : i32
      %lt3A_768 = vector.broadcast %lt3A_767 : i32 to vector<16xi32>
      %lt3A_769 = arith.cmpi slt, %broadcast_in_dim3A_766, %lt3A_768 : vector<16xi32>
      %add3A_770 = arith.constant 16 : i32
      %add3A_771 = vector.broadcast %add3A_770 : i32 to vector<16xi32>
      %add3A_772 = arith.addi %broadcast_in_dim3A_766, %add3A_771 : vector<16xi32>
      %select_n3A_773 = arith.select %lt3A_769, %add3A_772, %broadcast_in_dim3A_766 : vector<16xi1>, vector<16xi32>
      %broadcast_in_dim3A_774 = vector.shape_cast %select_n3A_773 : vector<16xi32> to vector<16x1xi32>
      %gather3A_775 = vector.shape_cast %broadcast_in_dim3A_774 : vector<16x1xi32> to vector<16xi32>
      %gather3A_776 = tpu.dynamic_gather %bitcast_convert_type3A_237[%gather3A_775] in [0] : vector<16xf32>, vector<16xi32> -> vector<16xf32>
      %broadcast_in_dim3A_777 = arith.constant 5 : i32
      %broadcast_in_dim3A_778 = vector.broadcast %broadcast_in_dim3A_777 : i32 to vector<16xi32>
      %lt3A_779 = arith.constant 0 : i32
      %lt3A_780 = vector.broadcast %lt3A_779 : i32 to vector<16xi32>
      %lt3A_781 = arith.cmpi slt, %broadcast_in_dim3A_778, %lt3A_780 : vector<16xi32>
      %add3A_782 = arith.constant 16 : i32
      %add3A_783 = vector.broadcast %add3A_782 : i32 to vector<16xi32>
      %add3A_784 = arith.addi %broadcast_in_dim3A_778, %add3A_783 : vector<16xi32>
      %select_n3A_785 = arith.select %lt3A_781, %add3A_784, %broadcast_in_dim3A_778 : vector<16xi1>, vector<16xi32>
      %broadcast_in_dim3A_786 = vector.shape_cast %select_n3A_785 : vector<16xi32> to vector<16x1xi32>
      %gather3A_787 = vector.shape_cast %broadcast_in_dim3A_786 : vector<16x1xi32> to vector<16xi32>
      %gather3A_788 = tpu.dynamic_gather %bitcast_convert_type3A_252[%gather3A_787] in [0] : vector<16xf32>, vector<16xi32> -> vector<16xf32>
      %broadcast_in_dim3A_789 = arith.constant 5 : i32
      %broadcast_in_dim3A_790 = vector.broadcast %broadcast_in_dim3A_789 : i32 to vector<16xi32>
      %lt3A_791 = arith.constant 0 : i32
      %lt3A_792 = vector.broadcast %lt3A_791 : i32 to vector<16xi32>
      %lt3A_793 = arith.cmpi slt, %broadcast_in_dim3A_790, %lt3A_792 : vector<16xi32>
      %add3A_794 = arith.constant 16 : i32
      %add3A_795 = vector.broadcast %add3A_794 : i32 to vector<16xi32>
      %add3A_796 = arith.addi %broadcast_in_dim3A_790, %add3A_795 : vector<16xi32>
      %select_n3A_797 = arith.select %lt3A_793, %add3A_796, %broadcast_in_dim3A_790 : vector<16xi1>, vector<16xi32>
      %broadcast_in_dim3A_798 = vector.shape_cast %select_n3A_797 : vector<16xi32> to vector<16x1xi32>
      %gather3A_799 = vector.shape_cast %broadcast_in_dim3A_798 : vector<16x1xi32> to vector<16xi32>
      %gather3A_800 = tpu.dynamic_gather %add3A_208[%gather3A_799] in [0] : vector<16xf32>, vector<16xi32> -> vector<16xf32>
      %broadcast_in_dim3A_801 = arith.constant 1.000000e+30 : f32
      %broadcast_in_dim3A_802 = vector.broadcast %broadcast_in_dim3A_801 : f32 to vector<16xf32>
      %broadcast_in_dim3A_803 = arith.constant 1.000000e+30 : f32
      %broadcast_in_dim3A_804 = vector.broadcast %broadcast_in_dim3A_803 : f32 to vector<16xf32>
      %scan3A_805 = arith.constant 0 : i32
      %scan3A_806 = arith.constant 128 : i32
      %scan3A_807 = arith.addi %scan3A_805, %scan3A_806 : i32
      %scan3A_808 = arith.constant 1 : i32
      %scan3A_809:2 = scf.for %scan3A_2093 = %scan3A_805 to %scan3A_807 step %scan3A_808 iter_args(%scan3A_2094 = %broadcast_in_dim3A_802, %scan3A_2095 = %broadcast_in_dim3A_804) -> (vector<16xf32>, vector<16xf32>)  : i32 {
        %mul3A_2096 = arith.constant 16 : i32
        %mul3A_2097 = arith.muli %scan3A_2093, %mul3A_2096 : i32
        %get3A_2098 = arith.constant 0 : i32
        %get3A_2099 = arith.index_cast %get3A_2098 : i32 to index
        %get3A_2100 = arith.index_cast %mul3A_2097 : i32 to index
        %get3A_2101 = tpu.vector_load %arg7[%get3A_2099, %get3A_2100] {strides = array<i32>} : memref<4x2048xf32, #tpu.memory_space<vmem>>, vector<1x16xf32>,
        %get3A_2102 = vector.shape_cast %get3A_2101 : vector<1x16xf32> to vector<16xf32>
        %get3A_2103 = arith.constant 1 : i32
        %get3A_2104 = arith.index_cast %get3A_2103 : i32 to index
        %get3A_2105 = arith.index_cast %mul3A_2097 : i32 to index
        %get3A_2106 = tpu.vector_load %arg7[%get3A_2104, %get3A_2105] {strides = array<i32>} : memref<4x2048xf32, #tpu.memory_space<vmem>>, vector<1x16xf32>,
        %get3A_2107 = vector.shape_cast %get3A_2106 : vector<1x16xf32> to vector<16xf32>
        %get3A_2108 = arith.constant 2 : i32
        %get3A_2109 = arith.index_cast %get3A_2108 : i32 to index
        %get3A_2110 = arith.index_cast %mul3A_2097 : i32 to index
        %get3A_2111 = tpu.vector_load %arg7[%get3A_2109, %get3A_2110] {strides = array<i32>} : memref<4x2048xf32, #tpu.memory_space<vmem>>, vector<1x16xf32>,
        %get3A_2112 = vector.shape_cast %get3A_2111 : vector<1x16xf32> to vector<16xf32>
        %get3A_2113 = arith.constant 3 : i32
        %get3A_2114 = arith.index_cast %get3A_2113 : i32 to index
        %get3A_2115 = arith.index_cast %mul3A_2097 : i32 to index
        %get3A_2116 = tpu.vector_load %arg7[%get3A_2114, %get3A_2115] {strides = array<i32>} : memref<4x2048xf32, #tpu.memory_space<vmem>>, vector<1x16xf32>,
        %get3A_2117 = vector.shape_cast %get3A_2116 : vector<1x16xf32> to vector<16xf32>
        %mul3A_2118 = arith.mulf %get3A_2102, %gather3A_716 : vector<16xf32>
        %mul3A_2119 = arith.mulf %get3A_2107, %gather3A_728 : vector<16xf32>
        %add3A_2120 = arith.addf %mul3A_2118, %mul3A_2119 : vector<16xf32>
        %mul3A_2121 = arith.mulf %get3A_2112, %gather3A_740 : vector<16xf32>
        %add3A_2122 = arith.addf %add3A_2120, %mul3A_2121 : vector<16xf32>
        %add3A_2123 = arith.addf %gather3A_752, %get3A_2117 : vector<16xf32>
        %add3A_2124 = arith.addf %add3A_2123, %add3A_2122 : vector<16xf32>
        %min3A_2125 = arith.minimumf %scan3A_2094, %add3A_2124 : vector<16xf32>
        %mul3A_2126 = arith.mulf %get3A_2102, %gather3A_764 : vector<16xf32>
        %mul3A_2127 = arith.mulf %get3A_2107, %gather3A_776 : vector<16xf32>
        %add3A_2128 = arith.addf %mul3A_2126, %mul3A_2127 : vector<16xf32>
        %mul3A_2129 = arith.mulf %get3A_2112, %gather3A_788 : vector<16xf32>
        %add3A_2130 = arith.addf %add3A_2128, %mul3A_2129 : vector<16xf32>
        %add3A_2131 = arith.addf %gather3A_800, %get3A_2117 : vector<16xf32>
        %add3A_2132 = arith.addf %add3A_2131, %add3A_2130 : vector<16xf32>
        %min3A_2133 = arith.minimumf %scan3A_2095, %add3A_2132 : vector<16xf32>
        scf.yield %min3A_2125, %min3A_2133 : vector<16xf32>, vector<16xf32>
      }
      %scan3A_810 = arith.constant 128 : i32
      %eq3A_811 = arith.constant 4 : i32
      %eq3A_812 = vector.broadcast %eq3A_811 : i32 to vector<16xi32>
      %eq3A_813 = arith.cmpi eq, %iota3A_27, %eq3A_812 : vector<16xi32>
      %xor3A_814 = arith.constant 8 : i32
      %xor3A_815 = vector.broadcast %xor3A_814 : i32 to vector<16xi32>
      %xor3A_816 = arith.xori %iota3A_27, %xor3A_815 : vector<16xi32>
      %lt3A_817 = arith.constant 0 : i32
      %lt3A_818 = vector.broadcast %lt3A_817 : i32 to vector<16xi32>
      %lt3A_819 = arith.cmpi slt, %xor3A_816, %lt3A_818 : vector<16xi32>
      %add3A_820 = arith.constant 16 : i32
      %add3A_821 = vector.broadcast %add3A_820 : i32 to vector<16xi32>
      %add3A_822 = arith.addi %xor3A_816, %add3A_821 : vector<16xi32>
      %select_n3A_823 = arith.select %lt3A_819, %add3A_822, %xor3A_816 : vector<16xi1>, vector<16xi32>
      %broadcast_in_dim3A_824 = vector.shape_cast %select_n3A_823 : vector<16xi32> to vector<16x1xi32>
      %gather3A_825 = vector.shape_cast %broadcast_in_dim3A_824 : vector<16x1xi32> to vector<16xi32>
      %gather3A_826 = tpu.dynamic_gather %scan3A_809#0[%gather3A_825] in [0] : vector<16xf32>, vector<16xi32> -> vector<16xf32>
      %min3A_827 = arith.minimumf %scan3A_809#0, %gather3A_826 : vector<16xf32>
      %xor3A_828 = arith.constant 4 : i32
      %xor3A_829 = vector.broadcast %xor3A_828 : i32 to vector<16xi32>
      %xor3A_830 = arith.xori %iota3A_27, %xor3A_829 : vector<16xi32>
      %lt3A_831 = arith.constant 0 : i32
      %lt3A_832 = vector.broadcast %lt3A_831 : i32 to vector<16xi32>
      %lt3A_833 = arith.cmpi slt, %xor3A_830, %lt3A_832 : vector<16xi32>
      %add3A_834 = arith.constant 16 : i32
      %add3A_835 = vector.broadcast %add3A_834 : i32 to vector<16xi32>
      %add3A_836 = arith.addi %xor3A_830, %add3A_835 : vector<16xi32>
      %select_n3A_837 = arith.select %lt3A_833, %add3A_836, %xor3A_830 : vector<16xi1>, vector<16xi32>
      %broadcast_in_dim3A_838 = vector.shape_cast %select_n3A_837 : vector<16xi32> to vector<16x1xi32>
      %gather3A_839 = vector.shape_cast %broadcast_in_dim3A_838 : vector<16x1xi32> to vector<16xi32>
      %gather3A_840 = tpu.dynamic_gather %min3A_827[%gather3A_839] in [0] : vector<16xf32>, vector<16xi32> -> vector<16xf32>
      %min3A_841 = arith.minimumf %min3A_827, %gather3A_840 : vector<16xf32>
      %xor3A_842 = arith.constant 2 : i32
      %xor3A_843 = vector.broadcast %xor3A_842 : i32 to vector<16xi32>
      %xor3A_844 = arith.xori %iota3A_27, %xor3A_843 : vector<16xi32>
      %lt3A_845 = arith.constant 0 : i32
      %lt3A_846 = vector.broadcast %lt3A_845 : i32 to vector<16xi32>
      %lt3A_847 = arith.cmpi slt, %xor3A_844, %lt3A_846 : vector<16xi32>
      %add3A_848 = arith.constant 16 : i32
      %add3A_849 = vector.broadcast %add3A_848 : i32 to vector<16xi32>
      %add3A_850 = arith.addi %xor3A_844, %add3A_849 : vector<16xi32>
      %select_n3A_851 = arith.select %lt3A_847, %add3A_850, %xor3A_844 : vector<16xi1>, vector<16xi32>
      %broadcast_in_dim3A_852 = vector.shape_cast %select_n3A_851 : vector<16xi32> to vector<16x1xi32>
      %gather3A_853 = vector.shape_cast %broadcast_in_dim3A_852 : vector<16x1xi32> to vector<16xi32>
      %gather3A_854 = tpu.dynamic_gather %min3A_841[%gather3A_853] in [0] : vector<16xf32>, vector<16xi32> -> vector<16xf32>
      %min3A_855 = arith.minimumf %min3A_841, %gather3A_854 : vector<16xf32>
      %xor3A_856 = arith.constant 1 : i32
      %xor3A_857 = vector.broadcast %xor3A_856 : i32 to vector<16xi32>
      %xor3A_858 = arith.xori %iota3A_27, %xor3A_857 : vector<16xi32>
      %lt3A_859 = arith.constant 0 : i32
      %lt3A_860 = vector.broadcast %lt3A_859 : i32 to vector<16xi32>
      %lt3A_861 = arith.cmpi slt, %xor3A_858, %lt3A_860 : vector<16xi32>
      %add3A_862 = arith.constant 16 : i32
      %add3A_863 = vector.broadcast %add3A_862 : i32 to vector<16xi32>
      %add3A_864 = arith.addi %xor3A_858, %add3A_863 : vector<16xi32>
      %select_n3A_865 = arith.select %lt3A_861, %add3A_864, %xor3A_858 : vector<16xi1>, vector<16xi32>
      %broadcast_in_dim3A_866 = vector.shape_cast %select_n3A_865 : vector<16xi32> to vector<16x1xi32>
      %gather3A_867 = vector.shape_cast %broadcast_in_dim3A_866 : vector<16x1xi32> to vector<16xi32>
      %gather3A_868 = tpu.dynamic_gather %min3A_855[%gather3A_867] in [0] : vector<16xf32>, vector<16xi32> -> vector<16xf32>
      %min3A_869 = arith.minimumf %min3A_855, %gather3A_868 : vector<16xf32>
      %select_n3A_870 = arith.select %eq3A_813, %min3A_869, %select_n3A_704 : vector<16xi1>, vector<16xf32>
      %eq3A_871 = arith.constant 5 : i32
      %eq3A_872 = vector.broadcast %eq3A_871 : i32 to vector<16xi32>
      %eq3A_873 = arith.cmpi eq, %iota3A_27, %eq3A_872 : vector<16xi32>
      %xor3A_874 = arith.constant 8 : i32
      %xor3A_875 = vector.broadcast %xor3A_874 : i32 to vector<16xi32>
      %xor3A_876 = arith.xori %iota3A_27, %xor3A_875 : vector<16xi32>
      %lt3A_877 = arith.constant 0 : i32
      %lt3A_878 = vector.broadcast %lt3A_877 : i32 to vector<16xi32>
      %lt3A_879 = arith.cmpi slt, %xor3A_876, %lt3A_878 : vector<16xi32>
      %add3A_880 = arith.constant 16 : i32
      %add3A_881 = vector.broadcast %add3A_880 : i32 to vector<16xi32>
      %add3A_882 = arith.addi %xor3A_876, %add3A_881 : vector<16xi32>
      %select_n3A_883 = arith.select %lt3A_879, %add3A_882, %xor3A_876 : vector<16xi1>, vector<16xi32>
      %broadcast_in_dim3A_884 = vector.shape_cast %select_n3A_883 : vector<16xi32> to vector<16x1xi32>
      %gather3A_885 = vector.shape_cast %broadcast_in_dim3A_884 : vector<16x1xi32> to vector<16xi32>
      %gather3A_886 = tpu.dynamic_gather %scan3A_809#1[%gather3A_885] in [0] : vector<16xf32>, vector<16xi32> -> vector<16xf32>
      %min3A_887 = arith.minimumf %scan3A_809#1, %gather3A_886 : vector<16xf32>
      %xor3A_888 = arith.constant 4 : i32
      %xor3A_889 = vector.broadcast %xor3A_888 : i32 to vector<16xi32>
      %xor3A_890 = arith.xori %iota3A_27, %xor3A_889 : vector<16xi32>
      %lt3A_891 = arith.constant 0 : i32
      %lt3A_892 = vector.broadcast %lt3A_891 : i32 to vector<16xi32>
      %lt3A_893 = arith.cmpi slt, %xor3A_890, %lt3A_892 : vector<16xi32>
      %add3A_894 = arith.constant 16 : i32
      %add3A_895 = vector.broadcast %add3A_894 : i32 to vector<16xi32>
      %add3A_896 = arith.addi %xor3A_890, %add3A_895 : vector<16xi32>
      %select_n3A_897 = arith.select %lt3A_893, %add3A_896, %xor3A_890 : vector<16xi1>, vector<16xi32>
      %broadcast_in_dim3A_898 = vector.shape_cast %select_n3A_897 : vector<16xi32> to vector<16x1xi32>
      %gather3A_899 = vector.shape_cast %broadcast_in_dim3A_898 : vector<16x1xi32> to vector<16xi32>
      %gather3A_900 = tpu.dynamic_gather %min3A_887[%gather3A_899] in [0] : vector<16xf32>, vector<16xi32> -> vector<16xf32>
      %min3A_901 = arith.minimumf %min3A_887, %gather3A_900 : vector<16xf32>
      %xor3A_902 = arith.constant 2 : i32
      %xor3A_903 = vector.broadcast %xor3A_902 : i32 to vector<16xi32>
      %xor3A_904 = arith.xori %iota3A_27, %xor3A_903 : vector<16xi32>
      %lt3A_905 = arith.constant 0 : i32
      %lt3A_906 = vector.broadcast %lt3A_905 : i32 to vector<16xi32>
      %lt3A_907 = arith.cmpi slt, %xor3A_904, %lt3A_906 : vector<16xi32>
      %add3A_908 = arith.constant 16 : i32
      %add3A_909 = vector.broadcast %add3A_908 : i32 to vector<16xi32>
      %add3A_910 = arith.addi %xor3A_904, %add3A_909 : vector<16xi32>
      %select_n3A_911 = arith.select %lt3A_907, %add3A_910, %xor3A_904 : vector<16xi1>, vector<16xi32>
      %broadcast_in_dim3A_912 = vector.shape_cast %select_n3A_911 : vector<16xi32> to vector<16x1xi32>
      %gather3A_913 = vector.shape_cast %broadcast_in_dim3A_912 : vector<16x1xi32> to vector<16xi32>
      %gather3A_914 = tpu.dynamic_gather %min3A_901[%gather3A_913] in [0] : vector<16xf32>, vector<16xi32> -> vector<16xf32>
      %min3A_915 = arith.minimumf %min3A_901, %gather3A_914 : vector<16xf32>
      %xor3A_916 = arith.constant 1 : i32
      %xor3A_917 = vector.broadcast %xor3A_916 : i32 to vector<16xi32>
      %xor3A_918 = arith.xori %iota3A_27, %xor3A_917 : vector<16xi32>
      %lt3A_919 = arith.constant 0 : i32
      %lt3A_920 = vector.broadcast %lt3A_919 : i32 to vector<16xi32>
      %lt3A_921 = arith.cmpi slt, %xor3A_918, %lt3A_920 : vector<16xi32>
      %add3A_922 = arith.constant 16 : i32
      %add3A_923 = vector.broadcast %add3A_922 : i32 to vector<16xi32>
      %add3A_924 = arith.addi %xor3A_918, %add3A_923 : vector<16xi32>
      %select_n3A_925 = arith.select %lt3A_921, %add3A_924, %xor3A_918 : vector<16xi1>, vector<16xi32>
      %broadcast_in_dim3A_926 = vector.shape_cast %select_n3A_925 : vector<16xi32> to vector<16x1xi32>
      %gather3A_927 = vector.shape_cast %broadcast_in_dim3A_926 : vector<16x1xi32> to vector<16xi32>
      %gather3A_928 = tpu.dynamic_gather %min3A_915[%gather3A_927] in [0] : vector<16xf32>, vector<16xi32> -> vector<16xf32>
      %min3A_929 = arith.minimumf %min3A_915, %gather3A_928 : vector<16xf32>
      %select_n3A_930 = arith.select %eq3A_873, %min3A_929, %select_n3A_870 : vector<16xi1>, vector<16xf32>
      %broadcast_in_dim3A_931 = arith.constant 6 : i32
      %broadcast_in_dim3A_932 = vector.broadcast %broadcast_in_dim3A_931 : i32 to vector<16xi32>
      %lt3A_933 = arith.constant 0 : i32
      %lt3A_934 = vector.broadcast %lt3A_933 : i32 to vector<16xi32>
      %lt3A_935 = arith.cmpi slt, %broadcast_in_dim3A_932, %lt3A_934 : vector<16xi32>
      %add3A_936 = arith.constant 16 : i32
      %add3A_937 = vector.broadcast %add3A_936 : i32 to vector<16xi32>
      %add3A_938 = arith.addi %broadcast_in_dim3A_932, %add3A_937 : vector<16xi32>
      %select_n3A_939 = arith.select %lt3A_935, %add3A_938, %broadcast_in_dim3A_932 : vector<16xi1>, vector<16xi32>
      %broadcast_in_dim3A_940 = vector.shape_cast %select_n3A_939 : vector<16xi32> to vector<16x1xi32>
      %gather3A_941 = vector.shape_cast %broadcast_in_dim3A_940 : vector<16x1xi32> to vector<16xi32>
      %gather3A_942 = tpu.dynamic_gather %bitcast_convert_type3A_222[%gather3A_941] in [0] : vector<16xf32>, vector<16xi32> -> vector<16xf32>
      %broadcast_in_dim3A_943 = arith.constant 6 : i32
      %broadcast_in_dim3A_944 = vector.broadcast %broadcast_in_dim3A_943 : i32 to vector<16xi32>
      %lt3A_945 = arith.constant 0 : i32
      %lt3A_946 = vector.broadcast %lt3A_945 : i32 to vector<16xi32>
      %lt3A_947 = arith.cmpi slt, %broadcast_in_dim3A_944, %lt3A_946 : vector<16xi32>
      %add3A_948 = arith.constant 16 : i32
      %add3A_949 = vector.broadcast %add3A_948 : i32 to vector<16xi32>
      %add3A_950 = arith.addi %broadcast_in_dim3A_944, %add3A_949 : vector<16xi32>
      %select_n3A_951 = arith.select %lt3A_947, %add3A_950, %broadcast_in_dim3A_944 : vector<16xi1>, vector<16xi32>
      %broadcast_in_dim3A_952 = vector.shape_cast %select_n3A_951 : vector<16xi32> to vector<16x1xi32>
      %gather3A_953 = vector.shape_cast %broadcast_in_dim3A_952 : vector<16x1xi32> to vector<16xi32>
      %gather3A_954 = tpu.dynamic_gather %bitcast_convert_type3A_237[%gather3A_953] in [0] : vector<16xf32>, vector<16xi32> -> vector<16xf32>
      %broadcast_in_dim3A_955 = arith.constant 6 : i32
      %broadcast_in_dim3A_956 = vector.broadcast %broadcast_in_dim3A_955 : i32 to vector<16xi32>
      %lt3A_957 = arith.constant 0 : i32
      %lt3A_958 = vector.broadcast %lt3A_957 : i32 to vector<16xi32>
      %lt3A_959 = arith.cmpi slt, %broadcast_in_dim3A_956, %lt3A_958 : vector<16xi32>
      %add3A_960 = arith.constant 16 : i32
      %add3A_961 = vector.broadcast %add3A_960 : i32 to vector<16xi32>
      %add3A_962 = arith.addi %broadcast_in_dim3A_956, %add3A_961 : vector<16xi32>
      %select_n3A_963 = arith.select %lt3A_959, %add3A_962, %broadcast_in_dim3A_956 : vector<16xi1>, vector<16xi32>
      %broadcast_in_dim3A_964 = vector.shape_cast %select_n3A_963 : vector<16xi32> to vector<16x1xi32>
      %gather3A_965 = vector.shape_cast %broadcast_in_dim3A_964 : vector<16x1xi32> to vector<16xi32>
      %gather3A_966 = tpu.dynamic_gather %bitcast_convert_type3A_252[%gather3A_965] in [0] : vector<16xf32>, vector<16xi32> -> vector<16xf32>
      %broadcast_in_dim3A_967 = arith.constant 6 : i32
      %broadcast_in_dim3A_968 = vector.broadcast %broadcast_in_dim3A_967 : i32 to vector<16xi32>
      %lt3A_969 = arith.constant 0 : i32
      %lt3A_970 = vector.broadcast %lt3A_969 : i32 to vector<16xi32>
      %lt3A_971 = arith.cmpi slt, %broadcast_in_dim3A_968, %lt3A_970 : vector<16xi32>
      %add3A_972 = arith.constant 16 : i32
      %add3A_973 = vector.broadcast %add3A_972 : i32 to vector<16xi32>
      %add3A_974 = arith.addi %broadcast_in_dim3A_968, %add3A_973 : vector<16xi32>
      %select_n3A_975 = arith.select %lt3A_971, %add3A_974, %broadcast_in_dim3A_968 : vector<16xi1>, vector<16xi32>
      %broadcast_in_dim3A_976 = vector.shape_cast %select_n3A_975 : vector<16xi32> to vector<16x1xi32>
      %gather3A_977 = vector.shape_cast %broadcast_in_dim3A_976 : vector<16x1xi32> to vector<16xi32>
      %gather3A_978 = tpu.dynamic_gather %add3A_208[%gather3A_977] in [0] : vector<16xf32>, vector<16xi32> -> vector<16xf32>
      %broadcast_in_dim3A_979 = arith.constant 7 : i32
      %broadcast_in_dim3A_980 = vector.broadcast %broadcast_in_dim3A_979 : i32 to vector<16xi32>
      %lt3A_981 = arith.constant 0 : i32
      %lt3A_982 = vector.broadcast %lt3A_981 : i32 to vector<16xi32>
      %lt3A_983 = arith.cmpi slt, %broadcast_in_dim3A_980, %lt3A_982 : vector<16xi32>
      %add3A_984 = arith.constant 16 : i32
      %add3A_985 = vector.broadcast %add3A_984 : i32 to vector<16xi32>
      %add3A_986 = arith.addi %broadcast_in_dim3A_980, %add3A_985 : vector<16xi32>
      %select_n3A_987 = arith.select %lt3A_983, %add3A_986, %broadcast_in_dim3A_980 : vector<16xi1>, vector<16xi32>
      %broadcast_in_dim3A_988 = vector.shape_cast %select_n3A_987 : vector<16xi32> to vector<16x1xi32>
      %gather3A_989 = vector.shape_cast %broadcast_in_dim3A_988 : vector<16x1xi32> to vector<16xi32>
      %gather3A_990 = tpu.dynamic_gather %bitcast_convert_type3A_222[%gather3A_989] in [0] : vector<16xf32>, vector<16xi32> -> vector<16xf32>
      %broadcast_in_dim3A_991 = arith.constant 7 : i32
      %broadcast_in_dim3A_992 = vector.broadcast %broadcast_in_dim3A_991 : i32 to vector<16xi32>
      %lt3A_993 = arith.constant 0 : i32
      %lt3A_994 = vector.broadcast %lt3A_993 : i32 to vector<16xi32>
      %lt3A_995 = arith.cmpi slt, %broadcast_in_dim3A_992, %lt3A_994 : vector<16xi32>
      %add3A_996 = arith.constant 16 : i32
      %add3A_997 = vector.broadcast %add3A_996 : i32 to vector<16xi32>
      %add3A_998 = arith.addi %broadcast_in_dim3A_992, %add3A_997 : vector<16xi32>
      %select_n3A_999 = arith.select %lt3A_995, %add3A_998, %broadcast_in_dim3A_992 : vector<16xi1>, vector<16xi32>
      %broadcast_in_dim3A_1000 = vector.shape_cast %select_n3A_999 : vector<16xi32> to vector<16x1xi32>
      %gather3A_1001 = vector.shape_cast %broadcast_in_dim3A_1000 : vector<16x1xi32> to vector<16xi32>
      %gather3A_1002 = tpu.dynamic_gather %bitcast_convert_type3A_237[%gather3A_1001] in [0] : vector<16xf32>, vector<16xi32> -> vector<16xf32>
      %broadcast_in_dim3A_1003 = arith.constant 7 : i32
      %broadcast_in_dim3A_1004 = vector.broadcast %broadcast_in_dim3A_1003 : i32 to vector<16xi32>
      %lt3A_1005 = arith.constant 0 : i32
      %lt3A_1006 = vector.broadcast %lt3A_1005 : i32 to vector<16xi32>
      %lt3A_1007 = arith.cmpi slt, %broadcast_in_dim3A_1004, %lt3A_1006 : vector<16xi32>
      %add3A_1008 = arith.constant 16 : i32
      %add3A_1009 = vector.broadcast %add3A_1008 : i32 to vector<16xi32>
      %add3A_1010 = arith.addi %broadcast_in_dim3A_1004, %add3A_1009 : vector<16xi32>
      %select_n3A_1011 = arith.select %lt3A_1007, %add3A_1010, %broadcast_in_dim3A_1004 : vector<16xi1>, vector<16xi32>
      %broadcast_in_dim3A_1012 = vector.shape_cast %select_n3A_1011 : vector<16xi32> to vector<16x1xi32>
      %gather3A_1013 = vector.shape_cast %broadcast_in_dim3A_1012 : vector<16x1xi32> to vector<16xi32>
      %gather3A_1014 = tpu.dynamic_gather %bitcast_convert_type3A_252[%gather3A_1013] in [0] : vector<16xf32>, vector<16xi32> -> vector<16xf32>
      %broadcast_in_dim3A_1015 = arith.constant 7 : i32
      %broadcast_in_dim3A_1016 = vector.broadcast %broadcast_in_dim3A_1015 : i32 to vector<16xi32>
      %lt3A_1017 = arith.constant 0 : i32
      %lt3A_1018 = vector.broadcast %lt3A_1017 : i32 to vector<16xi32>
      %lt3A_1019 = arith.cmpi slt, %broadcast_in_dim3A_1016, %lt3A_1018 : vector<16xi32>
      %add3A_1020 = arith.constant 16 : i32
      %add3A_1021 = vector.broadcast %add3A_1020 : i32 to vector<16xi32>
      %add3A_1022 = arith.addi %broadcast_in_dim3A_1016, %add3A_1021 : vector<16xi32>
      %select_n3A_1023 = arith.select %lt3A_1019, %add3A_1022, %broadcast_in_dim3A_1016 : vector<16xi1>, vector<16xi32>
      %broadcast_in_dim3A_1024 = vector.shape_cast %select_n3A_1023 : vector<16xi32> to vector<16x1xi32>
      %gather3A_1025 = vector.shape_cast %broadcast_in_dim3A_1024 : vector<16x1xi32> to vector<16xi32>
      %gather3A_1026 = tpu.dynamic_gather %add3A_208[%gather3A_1025] in [0] : vector<16xf32>, vector<16xi32> -> vector<16xf32>
      %broadcast_in_dim3A_1027 = arith.constant 1.000000e+30 : f32
      %broadcast_in_dim3A_1028 = vector.broadcast %broadcast_in_dim3A_1027 : f32 to vector<16xf32>
      %broadcast_in_dim3A_1029 = arith.constant 1.000000e+30 : f32
      %broadcast_in_dim3A_1030 = vector.broadcast %broadcast_in_dim3A_1029 : f32 to vector<16xf32>
      %scan3A_1031 = arith.constant 0 : i32
      %scan3A_1032 = arith.constant 128 : i32
      %scan3A_1033 = arith.addi %scan3A_1031, %scan3A_1032 : i32
      %scan3A_1034 = arith.constant 1 : i32
      %scan3A_1035:2 = scf.for %scan3A_2093 = %scan3A_1031 to %scan3A_1033 step %scan3A_1034 iter_args(%scan3A_2094 = %broadcast_in_dim3A_1028, %scan3A_2095 = %broadcast_in_dim3A_1030) -> (vector<16xf32>, vector<16xf32>)  : i32 {
        %mul3A_2096 = arith.constant 16 : i32
        %mul3A_2097 = arith.muli %scan3A_2093, %mul3A_2096 : i32
        %get3A_2098 = arith.constant 0 : i32
        %get3A_2099 = arith.index_cast %get3A_2098 : i32 to index
        %get3A_2100 = arith.index_cast %mul3A_2097 : i32 to index
        %get3A_2101 = tpu.vector_load %arg7[%get3A_2099, %get3A_2100] {strides = array<i32>} : memref<4x2048xf32, #tpu.memory_space<vmem>>, vector<1x16xf32>,
        %get3A_2102 = vector.shape_cast %get3A_2101 : vector<1x16xf32> to vector<16xf32>
        %get3A_2103 = arith.constant 1 : i32
        %get3A_2104 = arith.index_cast %get3A_2103 : i32 to index
        %get3A_2105 = arith.index_cast %mul3A_2097 : i32 to index
        %get3A_2106 = tpu.vector_load %arg7[%get3A_2104, %get3A_2105] {strides = array<i32>} : memref<4x2048xf32, #tpu.memory_space<vmem>>, vector<1x16xf32>,
        %get3A_2107 = vector.shape_cast %get3A_2106 : vector<1x16xf32> to vector<16xf32>
        %get3A_2108 = arith.constant 2 : i32
        %get3A_2109 = arith.index_cast %get3A_2108 : i32 to index
        %get3A_2110 = arith.index_cast %mul3A_2097 : i32 to index
        %get3A_2111 = tpu.vector_load %arg7[%get3A_2109, %get3A_2110] {strides = array<i32>} : memref<4x2048xf32, #tpu.memory_space<vmem>>, vector<1x16xf32>,
        %get3A_2112 = vector.shape_cast %get3A_2111 : vector<1x16xf32> to vector<16xf32>
        %get3A_2113 = arith.constant 3 : i32
        %get3A_2114 = arith.index_cast %get3A_2113 : i32 to index
        %get3A_2115 = arith.index_cast %mul3A_2097 : i32 to index
        %get3A_2116 = tpu.vector_load %arg7[%get3A_2114, %get3A_2115] {strides = array<i32>} : memref<4x2048xf32, #tpu.memory_space<vmem>>, vector<1x16xf32>,
        %get3A_2117 = vector.shape_cast %get3A_2116 : vector<1x16xf32> to vector<16xf32>
        %mul3A_2118 = arith.mulf %get3A_2102, %gather3A_942 : vector<16xf32>
        %mul3A_2119 = arith.mulf %get3A_2107, %gather3A_954 : vector<16xf32>
        %add3A_2120 = arith.addf %mul3A_2118, %mul3A_2119 : vector<16xf32>
        %mul3A_2121 = arith.mulf %get3A_2112, %gather3A_966 : vector<16xf32>
        %add3A_2122 = arith.addf %add3A_2120, %mul3A_2121 : vector<16xf32>
        %add3A_2123 = arith.addf %gather3A_978, %get3A_2117 : vector<16xf32>
        %add3A_2124 = arith.addf %add3A_2123, %add3A_2122 : vector<16xf32>
        %min3A_2125 = arith.minimumf %scan3A_2094, %add3A_2124 : vector<16xf32>
        %mul3A_2126 = arith.mulf %get3A_2102, %gather3A_990 : vector<16xf32>
        %mul3A_2127 = arith.mulf %get3A_2107, %gather3A_1002 : vector<16xf32>
        %add3A_2128 = arith.addf %mul3A_2126, %mul3A_2127 : vector<16xf32>
        %mul3A_2129 = arith.mulf %get3A_2112, %gather3A_1014 : vector<16xf32>
        %add3A_2130 = arith.addf %add3A_2128, %mul3A_2129 : vector<16xf32>
        %add3A_2131 = arith.addf %gather3A_1026, %get3A_2117 : vector<16xf32>
        %add3A_2132 = arith.addf %add3A_2131, %add3A_2130 : vector<16xf32>
        %min3A_2133 = arith.minimumf %scan3A_2095, %add3A_2132 : vector<16xf32>
        scf.yield %min3A_2125, %min3A_2133 : vector<16xf32>, vector<16xf32>
      }
      %scan3A_1036 = arith.constant 128 : i32
      %eq3A_1037 = arith.constant 6 : i32
      %eq3A_1038 = vector.broadcast %eq3A_1037 : i32 to vector<16xi32>
      %eq3A_1039 = arith.cmpi eq, %iota3A_27, %eq3A_1038 : vector<16xi32>
      %xor3A_1040 = arith.constant 8 : i32
      %xor3A_1041 = vector.broadcast %xor3A_1040 : i32 to vector<16xi32>
      %xor3A_1042 = arith.xori %iota3A_27, %xor3A_1041 : vector<16xi32>
      %lt3A_1043 = arith.constant 0 : i32
      %lt3A_1044 = vector.broadcast %lt3A_1043 : i32 to vector<16xi32>
      %lt3A_1045 = arith.cmpi slt, %xor3A_1042, %lt3A_1044 : vector<16xi32>
      %add3A_1046 = arith.constant 16 : i32
      %add3A_1047 = vector.broadcast %add3A_1046 : i32 to vector<16xi32>
      %add3A_1048 = arith.addi %xor3A_1042, %add3A_1047 : vector<16xi32>
      %select_n3A_1049 = arith.select %lt3A_1045, %add3A_1048, %xor3A_1042 : vector<16xi1>, vector<16xi32>
      %broadcast_in_dim3A_1050 = vector.shape_cast %select_n3A_1049 : vector<16xi32> to vector<16x1xi32>
      %gather3A_1051 = vector.shape_cast %broadcast_in_dim3A_1050 : vector<16x1xi32> to vector<16xi32>
      %gather3A_1052 = tpu.dynamic_gather %scan3A_1035#0[%gather3A_1051] in [0] : vector<16xf32>, vector<16xi32> -> vector<16xf32>
      %min3A_1053 = arith.minimumf %scan3A_1035#0, %gather3A_1052 : vector<16xf32>
      %xor3A_1054 = arith.constant 4 : i32
      %xor3A_1055 = vector.broadcast %xor3A_1054 : i32 to vector<16xi32>
      %xor3A_1056 = arith.xori %iota3A_27, %xor3A_1055 : vector<16xi32>
      %lt3A_1057 = arith.constant 0 : i32
      %lt3A_1058 = vector.broadcast %lt3A_1057 : i32 to vector<16xi32>
      %lt3A_1059 = arith.cmpi slt, %xor3A_1056, %lt3A_1058 : vector<16xi32>
      %add3A_1060 = arith.constant 16 : i32
      %add3A_1061 = vector.broadcast %add3A_1060 : i32 to vector<16xi32>
      %add3A_1062 = arith.addi %xor3A_1056, %add3A_1061 : vector<16xi32>
      %select_n3A_1063 = arith.select %lt3A_1059, %add3A_1062, %xor3A_1056 : vector<16xi1>, vector<16xi32>
      %broadcast_in_dim3A_1064 = vector.shape_cast %select_n3A_1063 : vector<16xi32> to vector<16x1xi32>
      %gather3A_1065 = vector.shape_cast %broadcast_in_dim3A_1064 : vector<16x1xi32> to vector<16xi32>
      %gather3A_1066 = tpu.dynamic_gather %min3A_1053[%gather3A_1065] in [0] : vector<16xf32>, vector<16xi32> -> vector<16xf32>
      %min3A_1067 = arith.minimumf %min3A_1053, %gather3A_1066 : vector<16xf32>
      %xor3A_1068 = arith.constant 2 : i32
      %xor3A_1069 = vector.broadcast %xor3A_1068 : i32 to vector<16xi32>
      %xor3A_1070 = arith.xori %iota3A_27, %xor3A_1069 : vector<16xi32>
      %lt3A_1071 = arith.constant 0 : i32
      %lt3A_1072 = vector.broadcast %lt3A_1071 : i32 to vector<16xi32>
      %lt3A_1073 = arith.cmpi slt, %xor3A_1070, %lt3A_1072 : vector<16xi32>
      %add3A_1074 = arith.constant 16 : i32
      %add3A_1075 = vector.broadcast %add3A_1074 : i32 to vector<16xi32>
      %add3A_1076 = arith.addi %xor3A_1070, %add3A_1075 : vector<16xi32>
      %select_n3A_1077 = arith.select %lt3A_1073, %add3A_1076, %xor3A_1070 : vector<16xi1>, vector<16xi32>
      %broadcast_in_dim3A_1078 = vector.shape_cast %select_n3A_1077 : vector<16xi32> to vector<16x1xi32>
      %gather3A_1079 = vector.shape_cast %broadcast_in_dim3A_1078 : vector<16x1xi32> to vector<16xi32>
      %gather3A_1080 = tpu.dynamic_gather %min3A_1067[%gather3A_1079] in [0] : vector<16xf32>, vector<16xi32> -> vector<16xf32>
      %min3A_1081 = arith.minimumf %min3A_1067, %gather3A_1080 : vector<16xf32>
      %xor3A_1082 = arith.constant 1 : i32
      %xor3A_1083 = vector.broadcast %xor3A_1082 : i32 to vector<16xi32>
      %xor3A_1084 = arith.xori %iota3A_27, %xor3A_1083 : vector<16xi32>
      %lt3A_1085 = arith.constant 0 : i32
      %lt3A_1086 = vector.broadcast %lt3A_1085 : i32 to vector<16xi32>
      %lt3A_1087 = arith.cmpi slt, %xor3A_1084, %lt3A_1086 : vector<16xi32>
      %add3A_1088 = arith.constant 16 : i32
      %add3A_1089 = vector.broadcast %add3A_1088 : i32 to vector<16xi32>
      %add3A_1090 = arith.addi %xor3A_1084, %add3A_1089 : vector<16xi32>
      %select_n3A_1091 = arith.select %lt3A_1087, %add3A_1090, %xor3A_1084 : vector<16xi1>, vector<16xi32>
      %broadcast_in_dim3A_1092 = vector.shape_cast %select_n3A_1091 : vector<16xi32> to vector<16x1xi32>
      %gather3A_1093 = vector.shape_cast %broadcast_in_dim3A_1092 : vector<16x1xi32> to vector<16xi32>
      %gather3A_1094 = tpu.dynamic_gather %min3A_1081[%gather3A_1093] in [0] : vector<16xf32>, vector<16xi32> -> vector<16xf32>
      %min3A_1095 = arith.minimumf %min3A_1081, %gather3A_1094 : vector<16xf32>
      %select_n3A_1096 = arith.select %eq3A_1039, %min3A_1095, %select_n3A_930 : vector<16xi1>, vector<16xf32>
      %eq3A_1097 = arith.constant 7 : i32
      %eq3A_1098 = vector.broadcast %eq3A_1097 : i32 to vector<16xi32>
      %eq3A_1099 = arith.cmpi eq, %iota3A_27, %eq3A_1098 : vector<16xi32>
      %xor3A_1100 = arith.constant 8 : i32
      %xor3A_1101 = vector.broadcast %xor3A_1100 : i32 to vector<16xi32>
      %xor3A_1102 = arith.xori %iota3A_27, %xor3A_1101 : vector<16xi32>
      %lt3A_1103 = arith.constant 0 : i32
      %lt3A_1104 = vector.broadcast %lt3A_1103 : i32 to vector<16xi32>
      %lt3A_1105 = arith.cmpi slt, %xor3A_1102, %lt3A_1104 : vector<16xi32>
      %add3A_1106 = arith.constant 16 : i32
      %add3A_1107 = vector.broadcast %add3A_1106 : i32 to vector<16xi32>
      %add3A_1108 = arith.addi %xor3A_1102, %add3A_1107 : vector<16xi32>
      %select_n3A_1109 = arith.select %lt3A_1105, %add3A_1108, %xor3A_1102 : vector<16xi1>, vector<16xi32>
      %broadcast_in_dim3A_1110 = vector.shape_cast %select_n3A_1109 : vector<16xi32> to vector<16x1xi32>
      %gather3A_1111 = vector.shape_cast %broadcast_in_dim3A_1110 : vector<16x1xi32> to vector<16xi32>
      %gather3A_1112 = tpu.dynamic_gather %scan3A_1035#1[%gather3A_1111] in [0] : vector<16xf32>, vector<16xi32> -> vector<16xf32>
      %min3A_1113 = arith.minimumf %scan3A_1035#1, %gather3A_1112 : vector<16xf32>
      %xor3A_1114 = arith.constant 4 : i32
      %xor3A_1115 = vector.broadcast %xor3A_1114 : i32 to vector<16xi32>
      %xor3A_1116 = arith.xori %iota3A_27, %xor3A_1115 : vector<16xi32>
      %lt3A_1117 = arith.constant 0 : i32
      %lt3A_1118 = vector.broadcast %lt3A_1117 : i32 to vector<16xi32>
      %lt3A_1119 = arith.cmpi slt, %xor3A_1116, %lt3A_1118 : vector<16xi32>
      %add3A_1120 = arith.constant 16 : i32
      %add3A_1121 = vector.broadcast %add3A_1120 : i32 to vector<16xi32>
      %add3A_1122 = arith.addi %xor3A_1116, %add3A_1121 : vector<16xi32>
      %select_n3A_1123 = arith.select %lt3A_1119, %add3A_1122, %xor3A_1116 : vector<16xi1>, vector<16xi32>
      %broadcast_in_dim3A_1124 = vector.shape_cast %select_n3A_1123 : vector<16xi32> to vector<16x1xi32>
      %gather3A_1125 = vector.shape_cast %broadcast_in_dim3A_1124 : vector<16x1xi32> to vector<16xi32>
      %gather3A_1126 = tpu.dynamic_gather %min3A_1113[%gather3A_1125] in [0] : vector<16xf32>, vector<16xi32> -> vector<16xf32>
      %min3A_1127 = arith.minimumf %min3A_1113, %gather3A_1126 : vector<16xf32>
      %xor3A_1128 = arith.constant 2 : i32
      %xor3A_1129 = vector.broadcast %xor3A_1128 : i32 to vector<16xi32>
      %xor3A_1130 = arith.xori %iota3A_27, %xor3A_1129 : vector<16xi32>
      %lt3A_1131 = arith.constant 0 : i32
      %lt3A_1132 = vector.broadcast %lt3A_1131 : i32 to vector<16xi32>
      %lt3A_1133 = arith.cmpi slt, %xor3A_1130, %lt3A_1132 : vector<16xi32>
      %add3A_1134 = arith.constant 16 : i32
      %add3A_1135 = vector.broadcast %add3A_1134 : i32 to vector<16xi32>
      %add3A_1136 = arith.addi %xor3A_1130, %add3A_1135 : vector<16xi32>
      %select_n3A_1137 = arith.select %lt3A_1133, %add3A_1136, %xor3A_1130 : vector<16xi1>, vector<16xi32>
      %broadcast_in_dim3A_1138 = vector.shape_cast %select_n3A_1137 : vector<16xi32> to vector<16x1xi32>
      %gather3A_1139 = vector.shape_cast %broadcast_in_dim3A_1138 : vector<16x1xi32> to vector<16xi32>
      %gather3A_1140 = tpu.dynamic_gather %min3A_1127[%gather3A_1139] in [0] : vector<16xf32>, vector<16xi32> -> vector<16xf32>
      %min3A_1141 = arith.minimumf %min3A_1127, %gather3A_1140 : vector<16xf32>
      %xor3A_1142 = arith.constant 1 : i32
      %xor3A_1143 = vector.broadcast %xor3A_1142 : i32 to vector<16xi32>
      %xor3A_1144 = arith.xori %iota3A_27, %xor3A_1143 : vector<16xi32>
      %lt3A_1145 = arith.constant 0 : i32
      %lt3A_1146 = vector.broadcast %lt3A_1145 : i32 to vector<16xi32>
      %lt3A_1147 = arith.cmpi slt, %xor3A_1144, %lt3A_1146 : vector<16xi32>
      %add3A_1148 = arith.constant 16 : i32
      %add3A_1149 = vector.broadcast %add3A_1148 : i32 to vector<16xi32>
      %add3A_1150 = arith.addi %xor3A_1144, %add3A_1149 : vector<16xi32>
      %select_n3A_1151 = arith.select %lt3A_1147, %add3A_1150, %xor3A_1144 : vector<16xi1>, vector<16xi32>
      %broadcast_in_dim3A_1152 = vector.shape_cast %select_n3A_1151 : vector<16xi32> to vector<16x1xi32>
      %gather3A_1153 = vector.shape_cast %broadcast_in_dim3A_1152 : vector<16x1xi32> to vector<16xi32>
      %gather3A_1154 = tpu.dynamic_gather %min3A_1141[%gather3A_1153] in [0] : vector<16xf32>, vector<16xi32> -> vector<16xf32>
      %min3A_1155 = arith.minimumf %min3A_1141, %gather3A_1154 : vector<16xf32>
      %select_n3A_1156 = arith.select %eq3A_1099, %min3A_1155, %select_n3A_1096 : vector<16xi1>, vector<16xf32>
      %broadcast_in_dim3A_1157 = arith.constant 8 : i32
      %broadcast_in_dim3A_1158 = vector.broadcast %broadcast_in_dim3A_1157 : i32 to vector<16xi32>
      %lt3A_1159 = arith.constant 0 : i32
      %lt3A_1160 = vector.broadcast %lt3A_1159 : i32 to vector<16xi32>
      %lt3A_1161 = arith.cmpi slt, %broadcast_in_dim3A_1158, %lt3A_1160 : vector<16xi32>
      %add3A_1162 = arith.constant 16 : i32
      %add3A_1163 = vector.broadcast %add3A_1162 : i32 to vector<16xi32>
      %add3A_1164 = arith.addi %broadcast_in_dim3A_1158, %add3A_1163 : vector<16xi32>
      %select_n3A_1165 = arith.select %lt3A_1161, %add3A_1164, %broadcast_in_dim3A_1158 : vector<16xi1>, vector<16xi32>
      %broadcast_in_dim3A_1166 = vector.shape_cast %select_n3A_1165 : vector<16xi32> to vector<16x1xi32>
      %gather3A_1167 = vector.shape_cast %broadcast_in_dim3A_1166 : vector<16x1xi32> to vector<16xi32>
      %gather3A_1168 = tpu.dynamic_gather %bitcast_convert_type3A_222[%gather3A_1167] in [0] : vector<16xf32>, vector<16xi32> -> vector<16xf32>
      %broadcast_in_dim3A_1169 = arith.constant 8 : i32
      %broadcast_in_dim3A_1170 = vector.broadcast %broadcast_in_dim3A_1169 : i32 to vector<16xi32>
      %lt3A_1171 = arith.constant 0 : i32
      %lt3A_1172 = vector.broadcast %lt3A_1171 : i32 to vector<16xi32>
      %lt3A_1173 = arith.cmpi slt, %broadcast_in_dim3A_1170, %lt3A_1172 : vector<16xi32>
      %add3A_1174 = arith.constant 16 : i32
      %add3A_1175 = vector.broadcast %add3A_1174 : i32 to vector<16xi32>
      %add3A_1176 = arith.addi %broadcast_in_dim3A_1170, %add3A_1175 : vector<16xi32>
      %select_n3A_1177 = arith.select %lt3A_1173, %add3A_1176, %broadcast_in_dim3A_1170 : vector<16xi1>, vector<16xi32>
      %broadcast_in_dim3A_1178 = vector.shape_cast %select_n3A_1177 : vector<16xi32> to vector<16x1xi32>
      %gather3A_1179 = vector.shape_cast %broadcast_in_dim3A_1178 : vector<16x1xi32> to vector<16xi32>
      %gather3A_1180 = tpu.dynamic_gather %bitcast_convert_type3A_237[%gather3A_1179] in [0] : vector<16xf32>, vector<16xi32> -> vector<16xf32>
      %broadcast_in_dim3A_1181 = arith.constant 8 : i32
      %broadcast_in_dim3A_1182 = vector.broadcast %broadcast_in_dim3A_1181 : i32 to vector<16xi32>
      %lt3A_1183 = arith.constant 0 : i32
      %lt3A_1184 = vector.broadcast %lt3A_1183 : i32 to vector<16xi32>
      %lt3A_1185 = arith.cmpi slt, %broadcast_in_dim3A_1182, %lt3A_1184 : vector<16xi32>
      %add3A_1186 = arith.constant 16 : i32
      %add3A_1187 = vector.broadcast %add3A_1186 : i32 to vector<16xi32>
      %add3A_1188 = arith.addi %broadcast_in_dim3A_1182, %add3A_1187 : vector<16xi32>
      %select_n3A_1189 = arith.select %lt3A_1185, %add3A_1188, %broadcast_in_dim3A_1182 : vector<16xi1>, vector<16xi32>
      %broadcast_in_dim3A_1190 = vector.shape_cast %select_n3A_1189 : vector<16xi32> to vector<16x1xi32>
      %gather3A_1191 = vector.shape_cast %broadcast_in_dim3A_1190 : vector<16x1xi32> to vector<16xi32>
      %gather3A_1192 = tpu.dynamic_gather %bitcast_convert_type3A_252[%gather3A_1191] in [0] : vector<16xf32>, vector<16xi32> -> vector<16xf32>
      %broadcast_in_dim3A_1193 = arith.constant 8 : i32
      %broadcast_in_dim3A_1194 = vector.broadcast %broadcast_in_dim3A_1193 : i32 to vector<16xi32>
      %lt3A_1195 = arith.constant 0 : i32
      %lt3A_1196 = vector.broadcast %lt3A_1195 : i32 to vector<16xi32>
      %lt3A_1197 = arith.cmpi slt, %broadcast_in_dim3A_1194, %lt3A_1196 : vector<16xi32>
      %add3A_1198 = arith.constant 16 : i32
      %add3A_1199 = vector.broadcast %add3A_1198 : i32 to vector<16xi32>
      %add3A_1200 = arith.addi %broadcast_in_dim3A_1194, %add3A_1199 : vector<16xi32>
      %select_n3A_1201 = arith.select %lt3A_1197, %add3A_1200, %broadcast_in_dim3A_1194 : vector<16xi1>, vector<16xi32>
      %broadcast_in_dim3A_1202 = vector.shape_cast %select_n3A_1201 : vector<16xi32> to vector<16x1xi32>
      %gather3A_1203 = vector.shape_cast %broadcast_in_dim3A_1202 : vector<16x1xi32> to vector<16xi32>
      %gather3A_1204 = tpu.dynamic_gather %add3A_208[%gather3A_1203] in [0] : vector<16xf32>, vector<16xi32> -> vector<16xf32>
      %broadcast_in_dim3A_1205 = arith.constant 9 : i32
      %broadcast_in_dim3A_1206 = vector.broadcast %broadcast_in_dim3A_1205 : i32 to vector<16xi32>
      %lt3A_1207 = arith.constant 0 : i32
      %lt3A_1208 = vector.broadcast %lt3A_1207 : i32 to vector<16xi32>
      %lt3A_1209 = arith.cmpi slt, %broadcast_in_dim3A_1206, %lt3A_1208 : vector<16xi32>
      %add3A_1210 = arith.constant 16 : i32
      %add3A_1211 = vector.broadcast %add3A_1210 : i32 to vector<16xi32>
      %add3A_1212 = arith.addi %broadcast_in_dim3A_1206, %add3A_1211 : vector<16xi32>
      %select_n3A_1213 = arith.select %lt3A_1209, %add3A_1212, %broadcast_in_dim3A_1206 : vector<16xi1>, vector<16xi32>
      %broadcast_in_dim3A_1214 = vector.shape_cast %select_n3A_1213 : vector<16xi32> to vector<16x1xi32>
      %gather3A_1215 = vector.shape_cast %broadcast_in_dim3A_1214 : vector<16x1xi32> to vector<16xi32>
      %gather3A_1216 = tpu.dynamic_gather %bitcast_convert_type3A_222[%gather3A_1215] in [0] : vector<16xf32>, vector<16xi32> -> vector<16xf32>
      %broadcast_in_dim3A_1217 = arith.constant 9 : i32
      %broadcast_in_dim3A_1218 = vector.broadcast %broadcast_in_dim3A_1217 : i32 to vector<16xi32>
      %lt3A_1219 = arith.constant 0 : i32
      %lt3A_1220 = vector.broadcast %lt3A_1219 : i32 to vector<16xi32>
      %lt3A_1221 = arith.cmpi slt, %broadcast_in_dim3A_1218, %lt3A_1220 : vector<16xi32>
      %add3A_1222 = arith.constant 16 : i32
      %add3A_1223 = vector.broadcast %add3A_1222 : i32 to vector<16xi32>
      %add3A_1224 = arith.addi %broadcast_in_dim3A_1218, %add3A_1223 : vector<16xi32>
      %select_n3A_1225 = arith.select %lt3A_1221, %add3A_1224, %broadcast_in_dim3A_1218 : vector<16xi1>, vector<16xi32>
      %broadcast_in_dim3A_1226 = vector.shape_cast %select_n3A_1225 : vector<16xi32> to vector<16x1xi32>
      %gather3A_1227 = vector.shape_cast %broadcast_in_dim3A_1226 : vector<16x1xi32> to vector<16xi32>
      %gather3A_1228 = tpu.dynamic_gather %bitcast_convert_type3A_237[%gather3A_1227] in [0] : vector<16xf32>, vector<16xi32> -> vector<16xf32>
      %broadcast_in_dim3A_1229 = arith.constant 9 : i32
      %broadcast_in_dim3A_1230 = vector.broadcast %broadcast_in_dim3A_1229 : i32 to vector<16xi32>
      %lt3A_1231 = arith.constant 0 : i32
      %lt3A_1232 = vector.broadcast %lt3A_1231 : i32 to vector<16xi32>
      %lt3A_1233 = arith.cmpi slt, %broadcast_in_dim3A_1230, %lt3A_1232 : vector<16xi32>
      %add3A_1234 = arith.constant 16 : i32
      %add3A_1235 = vector.broadcast %add3A_1234 : i32 to vector<16xi32>
      %add3A_1236 = arith.addi %broadcast_in_dim3A_1230, %add3A_1235 : vector<16xi32>
      %select_n3A_1237 = arith.select %lt3A_1233, %add3A_1236, %broadcast_in_dim3A_1230 : vector<16xi1>, vector<16xi32>
      %broadcast_in_dim3A_1238 = vector.shape_cast %select_n3A_1237 : vector<16xi32> to vector<16x1xi32>
      %gather3A_1239 = vector.shape_cast %broadcast_in_dim3A_1238 : vector<16x1xi32> to vector<16xi32>
      %gather3A_1240 = tpu.dynamic_gather %bitcast_convert_type3A_252[%gather3A_1239] in [0] : vector<16xf32>, vector<16xi32> -> vector<16xf32>
      %broadcast_in_dim3A_1241 = arith.constant 9 : i32
      %broadcast_in_dim3A_1242 = vector.broadcast %broadcast_in_dim3A_1241 : i32 to vector<16xi32>
      %lt3A_1243 = arith.constant 0 : i32
      %lt3A_1244 = vector.broadcast %lt3A_1243 : i32 to vector<16xi32>
      %lt3A_1245 = arith.cmpi slt, %broadcast_in_dim3A_1242, %lt3A_1244 : vector<16xi32>
      %add3A_1246 = arith.constant 16 : i32
      %add3A_1247 = vector.broadcast %add3A_1246 : i32 to vector<16xi32>
      %add3A_1248 = arith.addi %broadcast_in_dim3A_1242, %add3A_1247 : vector<16xi32>
      %select_n3A_1249 = arith.select %lt3A_1245, %add3A_1248, %broadcast_in_dim3A_1242 : vector<16xi1>, vector<16xi32>
      %broadcast_in_dim3A_1250 = vector.shape_cast %select_n3A_1249 : vector<16xi32> to vector<16x1xi32>
      %gather3A_1251 = vector.shape_cast %broadcast_in_dim3A_1250 : vector<16x1xi32> to vector<16xi32>
      %gather3A_1252 = tpu.dynamic_gather %add3A_208[%gather3A_1251] in [0] : vector<16xf32>, vector<16xi32> -> vector<16xf32>
      %broadcast_in_dim3A_1253 = arith.constant 1.000000e+30 : f32
      %broadcast_in_dim3A_1254 = vector.broadcast %broadcast_in_dim3A_1253 : f32 to vector<16xf32>
      %broadcast_in_dim3A_1255 = arith.constant 1.000000e+30 : f32
      %broadcast_in_dim3A_1256 = vector.broadcast %broadcast_in_dim3A_1255 : f32 to vector<16xf32>
      %scan3A_1257 = arith.constant 0 : i32
      %scan3A_1258 = arith.constant 128 : i32
      %scan3A_1259 = arith.addi %scan3A_1257, %scan3A_1258 : i32
      %scan3A_1260 = arith.constant 1 : i32
      %scan3A_1261:2 = scf.for %scan3A_2093 = %scan3A_1257 to %scan3A_1259 step %scan3A_1260 iter_args(%scan3A_2094 = %broadcast_in_dim3A_1254, %scan3A_2095 = %broadcast_in_dim3A_1256) -> (vector<16xf32>, vector<16xf32>)  : i32 {
        %mul3A_2096 = arith.constant 16 : i32
        %mul3A_2097 = arith.muli %scan3A_2093, %mul3A_2096 : i32
        %get3A_2098 = arith.constant 0 : i32
        %get3A_2099 = arith.index_cast %get3A_2098 : i32 to index
        %get3A_2100 = arith.index_cast %mul3A_2097 : i32 to index
        %get3A_2101 = tpu.vector_load %arg7[%get3A_2099, %get3A_2100] {strides = array<i32>} : memref<4x2048xf32, #tpu.memory_space<vmem>>, vector<1x16xf32>,
        %get3A_2102 = vector.shape_cast %get3A_2101 : vector<1x16xf32> to vector<16xf32>
        %get3A_2103 = arith.constant 1 : i32
        %get3A_2104 = arith.index_cast %get3A_2103 : i32 to index
        %get3A_2105 = arith.index_cast %mul3A_2097 : i32 to index
        %get3A_2106 = tpu.vector_load %arg7[%get3A_2104, %get3A_2105] {strides = array<i32>} : memref<4x2048xf32, #tpu.memory_space<vmem>>, vector<1x16xf32>,
        %get3A_2107 = vector.shape_cast %get3A_2106 : vector<1x16xf32> to vector<16xf32>
        %get3A_2108 = arith.constant 2 : i32
        %get3A_2109 = arith.index_cast %get3A_2108 : i32 to index
        %get3A_2110 = arith.index_cast %mul3A_2097 : i32 to index
        %get3A_2111 = tpu.vector_load %arg7[%get3A_2109, %get3A_2110] {strides = array<i32>} : memref<4x2048xf32, #tpu.memory_space<vmem>>, vector<1x16xf32>,
        %get3A_2112 = vector.shape_cast %get3A_2111 : vector<1x16xf32> to vector<16xf32>
        %get3A_2113 = arith.constant 3 : i32
        %get3A_2114 = arith.index_cast %get3A_2113 : i32 to index
        %get3A_2115 = arith.index_cast %mul3A_2097 : i32 to index
        %get3A_2116 = tpu.vector_load %arg7[%get3A_2114, %get3A_2115] {strides = array<i32>} : memref<4x2048xf32, #tpu.memory_space<vmem>>, vector<1x16xf32>,
        %get3A_2117 = vector.shape_cast %get3A_2116 : vector<1x16xf32> to vector<16xf32>
        %mul3A_2118 = arith.mulf %get3A_2102, %gather3A_1168 : vector<16xf32>
        %mul3A_2119 = arith.mulf %get3A_2107, %gather3A_1180 : vector<16xf32>
        %add3A_2120 = arith.addf %mul3A_2118, %mul3A_2119 : vector<16xf32>
        %mul3A_2121 = arith.mulf %get3A_2112, %gather3A_1192 : vector<16xf32>
        %add3A_2122 = arith.addf %add3A_2120, %mul3A_2121 : vector<16xf32>
        %add3A_2123 = arith.addf %gather3A_1204, %get3A_2117 : vector<16xf32>
        %add3A_2124 = arith.addf %add3A_2123, %add3A_2122 : vector<16xf32>
        %min3A_2125 = arith.minimumf %scan3A_2094, %add3A_2124 : vector<16xf32>
        %mul3A_2126 = arith.mulf %get3A_2102, %gather3A_1216 : vector<16xf32>
        %mul3A_2127 = arith.mulf %get3A_2107, %gather3A_1228 : vector<16xf32>
        %add3A_2128 = arith.addf %mul3A_2126, %mul3A_2127 : vector<16xf32>
        %mul3A_2129 = arith.mulf %get3A_2112, %gather3A_1240 : vector<16xf32>
        %add3A_2130 = arith.addf %add3A_2128, %mul3A_2129 : vector<16xf32>
        %add3A_2131 = arith.addf %gather3A_1252, %get3A_2117 : vector<16xf32>
        %add3A_2132 = arith.addf %add3A_2131, %add3A_2130 : vector<16xf32>
        %min3A_2133 = arith.minimumf %scan3A_2095, %add3A_2132 : vector<16xf32>
        scf.yield %min3A_2125, %min3A_2133 : vector<16xf32>, vector<16xf32>
      }
      %scan3A_1262 = arith.constant 128 : i32
      %eq3A_1263 = arith.constant 8 : i32
      %eq3A_1264 = vector.broadcast %eq3A_1263 : i32 to vector<16xi32>
      %eq3A_1265 = arith.cmpi eq, %iota3A_27, %eq3A_1264 : vector<16xi32>
      %xor3A_1266 = arith.constant 8 : i32
      %xor3A_1267 = vector.broadcast %xor3A_1266 : i32 to vector<16xi32>
      %xor3A_1268 = arith.xori %iota3A_27, %xor3A_1267 : vector<16xi32>
      %lt3A_1269 = arith.constant 0 : i32
      %lt3A_1270 = vector.broadcast %lt3A_1269 : i32 to vector<16xi32>
      %lt3A_1271 = arith.cmpi slt, %xor3A_1268, %lt3A_1270 : vector<16xi32>
      %add3A_1272 = arith.constant 16 : i32
      %add3A_1273 = vector.broadcast %add3A_1272 : i32 to vector<16xi32>
      %add3A_1274 = arith.addi %xor3A_1268, %add3A_1273 : vector<16xi32>
      %select_n3A_1275 = arith.select %lt3A_1271, %add3A_1274, %xor3A_1268 : vector<16xi1>, vector<16xi32>
      %broadcast_in_dim3A_1276 = vector.shape_cast %select_n3A_1275 : vector<16xi32> to vector<16x1xi32>
      %gather3A_1277 = vector.shape_cast %broadcast_in_dim3A_1276 : vector<16x1xi32> to vector<16xi32>
      %gather3A_1278 = tpu.dynamic_gather %scan3A_1261#0[%gather3A_1277] in [0] : vector<16xf32>, vector<16xi32> -> vector<16xf32>
      %min3A_1279 = arith.minimumf %scan3A_1261#0, %gather3A_1278 : vector<16xf32>
      %xor3A_1280 = arith.constant 4 : i32
      %xor3A_1281 = vector.broadcast %xor3A_1280 : i32 to vector<16xi32>
      %xor3A_1282 = arith.xori %iota3A_27, %xor3A_1281 : vector<16xi32>
      %lt3A_1283 = arith.constant 0 : i32
      %lt3A_1284 = vector.broadcast %lt3A_1283 : i32 to vector<16xi32>
      %lt3A_1285 = arith.cmpi slt, %xor3A_1282, %lt3A_1284 : vector<16xi32>
      %add3A_1286 = arith.constant 16 : i32
      %add3A_1287 = vector.broadcast %add3A_1286 : i32 to vector<16xi32>
      %add3A_1288 = arith.addi %xor3A_1282, %add3A_1287 : vector<16xi32>
      %select_n3A_1289 = arith.select %lt3A_1285, %add3A_1288, %xor3A_1282 : vector<16xi1>, vector<16xi32>
      %broadcast_in_dim3A_1290 = vector.shape_cast %select_n3A_1289 : vector<16xi32> to vector<16x1xi32>
      %gather3A_1291 = vector.shape_cast %broadcast_in_dim3A_1290 : vector<16x1xi32> to vector<16xi32>
      %gather3A_1292 = tpu.dynamic_gather %min3A_1279[%gather3A_1291] in [0] : vector<16xf32>, vector<16xi32> -> vector<16xf32>
      %min3A_1293 = arith.minimumf %min3A_1279, %gather3A_1292 : vector<16xf32>
      %xor3A_1294 = arith.constant 2 : i32
      %xor3A_1295 = vector.broadcast %xor3A_1294 : i32 to vector<16xi32>
      %xor3A_1296 = arith.xori %iota3A_27, %xor3A_1295 : vector<16xi32>
      %lt3A_1297 = arith.constant 0 : i32
      %lt3A_1298 = vector.broadcast %lt3A_1297 : i32 to vector<16xi32>
      %lt3A_1299 = arith.cmpi slt, %xor3A_1296, %lt3A_1298 : vector<16xi32>
      %add3A_1300 = arith.constant 16 : i32
      %add3A_1301 = vector.broadcast %add3A_1300 : i32 to vector<16xi32>
      %add3A_1302 = arith.addi %xor3A_1296, %add3A_1301 : vector<16xi32>
      %select_n3A_1303 = arith.select %lt3A_1299, %add3A_1302, %xor3A_1296 : vector<16xi1>, vector<16xi32>
      %broadcast_in_dim3A_1304 = vector.shape_cast %select_n3A_1303 : vector<16xi32> to vector<16x1xi32>
      %gather3A_1305 = vector.shape_cast %broadcast_in_dim3A_1304 : vector<16x1xi32> to vector<16xi32>
      %gather3A_1306 = tpu.dynamic_gather %min3A_1293[%gather3A_1305] in [0] : vector<16xf32>, vector<16xi32> -> vector<16xf32>
      %min3A_1307 = arith.minimumf %min3A_1293, %gather3A_1306 : vector<16xf32>
      %xor3A_1308 = arith.constant 1 : i32
      %xor3A_1309 = vector.broadcast %xor3A_1308 : i32 to vector<16xi32>
      %xor3A_1310 = arith.xori %iota3A_27, %xor3A_1309 : vector<16xi32>
      %lt3A_1311 = arith.constant 0 : i32
      %lt3A_1312 = vector.broadcast %lt3A_1311 : i32 to vector<16xi32>
      %lt3A_1313 = arith.cmpi slt, %xor3A_1310, %lt3A_1312 : vector<16xi32>
      %add3A_1314 = arith.constant 16 : i32
      %add3A_1315 = vector.broadcast %add3A_1314 : i32 to vector<16xi32>
      %add3A_1316 = arith.addi %xor3A_1310, %add3A_1315 : vector<16xi32>
      %select_n3A_1317 = arith.select %lt3A_1313, %add3A_1316, %xor3A_1310 : vector<16xi1>, vector<16xi32>
      %broadcast_in_dim3A_1318 = vector.shape_cast %select_n3A_1317 : vector<16xi32> to vector<16x1xi32>
      %gather3A_1319 = vector.shape_cast %broadcast_in_dim3A_1318 : vector<16x1xi32> to vector<16xi32>
      %gather3A_1320 = tpu.dynamic_gather %min3A_1307[%gather3A_1319] in [0] : vector<16xf32>, vector<16xi32> -> vector<16xf32>
      %min3A_1321 = arith.minimumf %min3A_1307, %gather3A_1320 : vector<16xf32>
      %select_n3A_1322 = arith.select %eq3A_1265, %min3A_1321, %select_n3A_1156 : vector<16xi1>, vector<16xf32>
      %eq3A_1323 = arith.constant 9 : i32
      %eq3A_1324 = vector.broadcast %eq3A_1323 : i32 to vector<16xi32>
      %eq3A_1325 = arith.cmpi eq, %iota3A_27, %eq3A_1324 : vector<16xi32>
      %xor3A_1326 = arith.constant 8 : i32
      %xor3A_1327 = vector.broadcast %xor3A_1326 : i32 to vector<16xi32>
      %xor3A_1328 = arith.xori %iota3A_27, %xor3A_1327 : vector<16xi32>
      %lt3A_1329 = arith.constant 0 : i32
      %lt3A_1330 = vector.broadcast %lt3A_1329 : i32 to vector<16xi32>
      %lt3A_1331 = arith.cmpi slt, %xor3A_1328, %lt3A_1330 : vector<16xi32>
      %add3A_1332 = arith.constant 16 : i32
      %add3A_1333 = vector.broadcast %add3A_1332 : i32 to vector<16xi32>
      %add3A_1334 = arith.addi %xor3A_1328, %add3A_1333 : vector<16xi32>
      %select_n3A_1335 = arith.select %lt3A_1331, %add3A_1334, %xor3A_1328 : vector<16xi1>, vector<16xi32>
      %broadcast_in_dim3A_1336 = vector.shape_cast %select_n3A_1335 : vector<16xi32> to vector<16x1xi32>
      %gather3A_1337 = vector.shape_cast %broadcast_in_dim3A_1336 : vector<16x1xi32> to vector<16xi32>
      %gather3A_1338 = tpu.dynamic_gather %scan3A_1261#1[%gather3A_1337] in [0] : vector<16xf32>, vector<16xi32> -> vector<16xf32>
      %min3A_1339 = arith.minimumf %scan3A_1261#1, %gather3A_1338 : vector<16xf32>
      %xor3A_1340 = arith.constant 4 : i32
      %xor3A_1341 = vector.broadcast %xor3A_1340 : i32 to vector<16xi32>
      %xor3A_1342 = arith.xori %iota3A_27, %xor3A_1341 : vector<16xi32>
      %lt3A_1343 = arith.constant 0 : i32
      %lt3A_1344 = vector.broadcast %lt3A_1343 : i32 to vector<16xi32>
      %lt3A_1345 = arith.cmpi slt, %xor3A_1342, %lt3A_1344 : vector<16xi32>
      %add3A_1346 = arith.constant 16 : i32
      %add3A_1347 = vector.broadcast %add3A_1346 : i32 to vector<16xi32>
      %add3A_1348 = arith.addi %xor3A_1342, %add3A_1347 : vector<16xi32>
      %select_n3A_1349 = arith.select %lt3A_1345, %add3A_1348, %xor3A_1342 : vector<16xi1>, vector<16xi32>
      %broadcast_in_dim3A_1350 = vector.shape_cast %select_n3A_1349 : vector<16xi32> to vector<16x1xi32>
      %gather3A_1351 = vector.shape_cast %broadcast_in_dim3A_1350 : vector<16x1xi32> to vector<16xi32>
      %gather3A_1352 = tpu.dynamic_gather %min3A_1339[%gather3A_1351] in [0] : vector<16xf32>, vector<16xi32> -> vector<16xf32>
      %min3A_1353 = arith.minimumf %min3A_1339, %gather3A_1352 : vector<16xf32>
      %xor3A_1354 = arith.constant 2 : i32
      %xor3A_1355 = vector.broadcast %xor3A_1354 : i32 to vector<16xi32>
      %xor3A_1356 = arith.xori %iota3A_27, %xor3A_1355 : vector<16xi32>
      %lt3A_1357 = arith.constant 0 : i32
      %lt3A_1358 = vector.broadcast %lt3A_1357 : i32 to vector<16xi32>
      %lt3A_1359 = arith.cmpi slt, %xor3A_1356, %lt3A_1358 : vector<16xi32>
      %add3A_1360 = arith.constant 16 : i32
      %add3A_1361 = vector.broadcast %add3A_1360 : i32 to vector<16xi32>
      %add3A_1362 = arith.addi %xor3A_1356, %add3A_1361 : vector<16xi32>
      %select_n3A_1363 = arith.select %lt3A_1359, %add3A_1362, %xor3A_1356 : vector<16xi1>, vector<16xi32>
      %broadcast_in_dim3A_1364 = vector.shape_cast %select_n3A_1363 : vector<16xi32> to vector<16x1xi32>
      %gather3A_1365 = vector.shape_cast %broadcast_in_dim3A_1364 : vector<16x1xi32> to vector<16xi32>
      %gather3A_1366 = tpu.dynamic_gather %min3A_1353[%gather3A_1365] in [0] : vector<16xf32>, vector<16xi32> -> vector<16xf32>
      %min3A_1367 = arith.minimumf %min3A_1353, %gather3A_1366 : vector<16xf32>
      %xor3A_1368 = arith.constant 1 : i32
      %xor3A_1369 = vector.broadcast %xor3A_1368 : i32 to vector<16xi32>
      %xor3A_1370 = arith.xori %iota3A_27, %xor3A_1369 : vector<16xi32>
      %lt3A_1371 = arith.constant 0 : i32
      %lt3A_1372 = vector.broadcast %lt3A_1371 : i32 to vector<16xi32>
      %lt3A_1373 = arith.cmpi slt, %xor3A_1370, %lt3A_1372 : vector<16xi32>
      %add3A_1374 = arith.constant 16 : i32
      %add3A_1375 = vector.broadcast %add3A_1374 : i32 to vector<16xi32>
      %add3A_1376 = arith.addi %xor3A_1370, %add3A_1375 : vector<16xi32>
      %select_n3A_1377 = arith.select %lt3A_1373, %add3A_1376, %xor3A_1370 : vector<16xi1>, vector<16xi32>
      %broadcast_in_dim3A_1378 = vector.shape_cast %select_n3A_1377 : vector<16xi32> to vector<16x1xi32>
      %gather3A_1379 = vector.shape_cast %broadcast_in_dim3A_1378 : vector<16x1xi32> to vector<16xi32>
      %gather3A_1380 = tpu.dynamic_gather %min3A_1367[%gather3A_1379] in [0] : vector<16xf32>, vector<16xi32> -> vector<16xf32>
      %min3A_1381 = arith.minimumf %min3A_1367, %gather3A_1380 : vector<16xf32>
      %select_n3A_1382 = arith.select %eq3A_1325, %min3A_1381, %select_n3A_1322 : vector<16xi1>, vector<16xf32>
      %broadcast_in_dim3A_1383 = arith.constant 10 : i32
      %broadcast_in_dim3A_1384 = vector.broadcast %broadcast_in_dim3A_1383 : i32 to vector<16xi32>
      %lt3A_1385 = arith.constant 0 : i32
      %lt3A_1386 = vector.broadcast %lt3A_1385 : i32 to vector<16xi32>
      %lt3A_1387 = arith.cmpi slt, %broadcast_in_dim3A_1384, %lt3A_1386 : vector<16xi32>
      %add3A_1388 = arith.constant 16 : i32
      %add3A_1389 = vector.broadcast %add3A_1388 : i32 to vector<16xi32>
      %add3A_1390 = arith.addi %broadcast_in_dim3A_1384, %add3A_1389 : vector<16xi32>
      %select_n3A_1391 = arith.select %lt3A_1387, %add3A_1390, %broadcast_in_dim3A_1384 : vector<16xi1>, vector<16xi32>
      %broadcast_in_dim3A_1392 = vector.shape_cast %select_n3A_1391 : vector<16xi32> to vector<16x1xi32>
      %gather3A_1393 = vector.shape_cast %broadcast_in_dim3A_1392 : vector<16x1xi32> to vector<16xi32>
      %gather3A_1394 = tpu.dynamic_gather %bitcast_convert_type3A_222[%gather3A_1393] in [0] : vector<16xf32>, vector<16xi32> -> vector<16xf32>
      %broadcast_in_dim3A_1395 = arith.constant 10 : i32
      %broadcast_in_dim3A_1396 = vector.broadcast %broadcast_in_dim3A_1395 : i32 to vector<16xi32>
      %lt3A_1397 = arith.constant 0 : i32
      %lt3A_1398 = vector.broadcast %lt3A_1397 : i32 to vector<16xi32>
      %lt3A_1399 = arith.cmpi slt, %broadcast_in_dim3A_1396, %lt3A_1398 : vector<16xi32>
      %add3A_1400 = arith.constant 16 : i32
      %add3A_1401 = vector.broadcast %add3A_1400 : i32 to vector<16xi32>
      %add3A_1402 = arith.addi %broadcast_in_dim3A_1396, %add3A_1401 : vector<16xi32>
      %select_n3A_1403 = arith.select %lt3A_1399, %add3A_1402, %broadcast_in_dim3A_1396 : vector<16xi1>, vector<16xi32>
      %broadcast_in_dim3A_1404 = vector.shape_cast %select_n3A_1403 : vector<16xi32> to vector<16x1xi32>
      %gather3A_1405 = vector.shape_cast %broadcast_in_dim3A_1404 : vector<16x1xi32> to vector<16xi32>
      %gather3A_1406 = tpu.dynamic_gather %bitcast_convert_type3A_237[%gather3A_1405] in [0] : vector<16xf32>, vector<16xi32> -> vector<16xf32>
      %broadcast_in_dim3A_1407 = arith.constant 10 : i32
      %broadcast_in_dim3A_1408 = vector.broadcast %broadcast_in_dim3A_1407 : i32 to vector<16xi32>
      %lt3A_1409 = arith.constant 0 : i32
      %lt3A_1410 = vector.broadcast %lt3A_1409 : i32 to vector<16xi32>
      %lt3A_1411 = arith.cmpi slt, %broadcast_in_dim3A_1408, %lt3A_1410 : vector<16xi32>
      %add3A_1412 = arith.constant 16 : i32
      %add3A_1413 = vector.broadcast %add3A_1412 : i32 to vector<16xi32>
      %add3A_1414 = arith.addi %broadcast_in_dim3A_1408, %add3A_1413 : vector<16xi32>
      %select_n3A_1415 = arith.select %lt3A_1411, %add3A_1414, %broadcast_in_dim3A_1408 : vector<16xi1>, vector<16xi32>
      %broadcast_in_dim3A_1416 = vector.shape_cast %select_n3A_1415 : vector<16xi32> to vector<16x1xi32>
      %gather3A_1417 = vector.shape_cast %broadcast_in_dim3A_1416 : vector<16x1xi32> to vector<16xi32>
      %gather3A_1418 = tpu.dynamic_gather %bitcast_convert_type3A_252[%gather3A_1417] in [0] : vector<16xf32>, vector<16xi32> -> vector<16xf32>
      %broadcast_in_dim3A_1419 = arith.constant 10 : i32
      %broadcast_in_dim3A_1420 = vector.broadcast %broadcast_in_dim3A_1419 : i32 to vector<16xi32>
      %lt3A_1421 = arith.constant 0 : i32
      %lt3A_1422 = vector.broadcast %lt3A_1421 : i32 to vector<16xi32>
      %lt3A_1423 = arith.cmpi slt, %broadcast_in_dim3A_1420, %lt3A_1422 : vector<16xi32>
      %add3A_1424 = arith.constant 16 : i32
      %add3A_1425 = vector.broadcast %add3A_1424 : i32 to vector<16xi32>
      %add3A_1426 = arith.addi %broadcast_in_dim3A_1420, %add3A_1425 : vector<16xi32>
      %select_n3A_1427 = arith.select %lt3A_1423, %add3A_1426, %broadcast_in_dim3A_1420 : vector<16xi1>, vector<16xi32>
      %broadcast_in_dim3A_1428 = vector.shape_cast %select_n3A_1427 : vector<16xi32> to vector<16x1xi32>
      %gather3A_1429 = vector.shape_cast %broadcast_in_dim3A_1428 : vector<16x1xi32> to vector<16xi32>
      %gather3A_1430 = tpu.dynamic_gather %add3A_208[%gather3A_1429] in [0] : vector<16xf32>, vector<16xi32> -> vector<16xf32>
      %broadcast_in_dim3A_1431 = arith.constant 11 : i32
      %broadcast_in_dim3A_1432 = vector.broadcast %broadcast_in_dim3A_1431 : i32 to vector<16xi32>
      %lt3A_1433 = arith.constant 0 : i32
      %lt3A_1434 = vector.broadcast %lt3A_1433 : i32 to vector<16xi32>
      %lt3A_1435 = arith.cmpi slt, %broadcast_in_dim3A_1432, %lt3A_1434 : vector<16xi32>
      %add3A_1436 = arith.constant 16 : i32
      %add3A_1437 = vector.broadcast %add3A_1436 : i32 to vector<16xi32>
      %add3A_1438 = arith.addi %broadcast_in_dim3A_1432, %add3A_1437 : vector<16xi32>
      %select_n3A_1439 = arith.select %lt3A_1435, %add3A_1438, %broadcast_in_dim3A_1432 : vector<16xi1>, vector<16xi32>
      %broadcast_in_dim3A_1440 = vector.shape_cast %select_n3A_1439 : vector<16xi32> to vector<16x1xi32>
      %gather3A_1441 = vector.shape_cast %broadcast_in_dim3A_1440 : vector<16x1xi32> to vector<16xi32>
      %gather3A_1442 = tpu.dynamic_gather %bitcast_convert_type3A_222[%gather3A_1441] in [0] : vector<16xf32>, vector<16xi32> -> vector<16xf32>
      %broadcast_in_dim3A_1443 = arith.constant 11 : i32
      %broadcast_in_dim3A_1444 = vector.broadcast %broadcast_in_dim3A_1443 : i32 to vector<16xi32>
      %lt3A_1445 = arith.constant 0 : i32
      %lt3A_1446 = vector.broadcast %lt3A_1445 : i32 to vector<16xi32>
      %lt3A_1447 = arith.cmpi slt, %broadcast_in_dim3A_1444, %lt3A_1446 : vector<16xi32>
      %add3A_1448 = arith.constant 16 : i32
      %add3A_1449 = vector.broadcast %add3A_1448 : i32 to vector<16xi32>
      %add3A_1450 = arith.addi %broadcast_in_dim3A_1444, %add3A_1449 : vector<16xi32>
      %select_n3A_1451 = arith.select %lt3A_1447, %add3A_1450, %broadcast_in_dim3A_1444 : vector<16xi1>, vector<16xi32>
      %broadcast_in_dim3A_1452 = vector.shape_cast %select_n3A_1451 : vector<16xi32> to vector<16x1xi32>
      %gather3A_1453 = vector.shape_cast %broadcast_in_dim3A_1452 : vector<16x1xi32> to vector<16xi32>
      %gather3A_1454 = tpu.dynamic_gather %bitcast_convert_type3A_237[%gather3A_1453] in [0] : vector<16xf32>, vector<16xi32> -> vector<16xf32>
      %broadcast_in_dim3A_1455 = arith.constant 11 : i32
      %broadcast_in_dim3A_1456 = vector.broadcast %broadcast_in_dim3A_1455 : i32 to vector<16xi32>
      %lt3A_1457 = arith.constant 0 : i32
      %lt3A_1458 = vector.broadcast %lt3A_1457 : i32 to vector<16xi32>
      %lt3A_1459 = arith.cmpi slt, %broadcast_in_dim3A_1456, %lt3A_1458 : vector<16xi32>
      %add3A_1460 = arith.constant 16 : i32
      %add3A_1461 = vector.broadcast %add3A_1460 : i32 to vector<16xi32>
      %add3A_1462 = arith.addi %broadcast_in_dim3A_1456, %add3A_1461 : vector<16xi32>
      %select_n3A_1463 = arith.select %lt3A_1459, %add3A_1462, %broadcast_in_dim3A_1456 : vector<16xi1>, vector<16xi32>
      %broadcast_in_dim3A_1464 = vector.shape_cast %select_n3A_1463 : vector<16xi32> to vector<16x1xi32>
      %gather3A_1465 = vector.shape_cast %broadcast_in_dim3A_1464 : vector<16x1xi32> to vector<16xi32>
      %gather3A_1466 = tpu.dynamic_gather %bitcast_convert_type3A_252[%gather3A_1465] in [0] : vector<16xf32>, vector<16xi32> -> vector<16xf32>
      %broadcast_in_dim3A_1467 = arith.constant 11 : i32
      %broadcast_in_dim3A_1468 = vector.broadcast %broadcast_in_dim3A_1467 : i32 to vector<16xi32>
      %lt3A_1469 = arith.constant 0 : i32
      %lt3A_1470 = vector.broadcast %lt3A_1469 : i32 to vector<16xi32>
      %lt3A_1471 = arith.cmpi slt, %broadcast_in_dim3A_1468, %lt3A_1470 : vector<16xi32>
      %add3A_1472 = arith.constant 16 : i32
      %add3A_1473 = vector.broadcast %add3A_1472 : i32 to vector<16xi32>
      %add3A_1474 = arith.addi %broadcast_in_dim3A_1468, %add3A_1473 : vector<16xi32>
      %select_n3A_1475 = arith.select %lt3A_1471, %add3A_1474, %broadcast_in_dim3A_1468 : vector<16xi1>, vector<16xi32>
      %broadcast_in_dim3A_1476 = vector.shape_cast %select_n3A_1475 : vector<16xi32> to vector<16x1xi32>
      %gather3A_1477 = vector.shape_cast %broadcast_in_dim3A_1476 : vector<16x1xi32> to vector<16xi32>
      %gather3A_1478 = tpu.dynamic_gather %add3A_208[%gather3A_1477] in [0] : vector<16xf32>, vector<16xi32> -> vector<16xf32>
      %broadcast_in_dim3A_1479 = arith.constant 1.000000e+30 : f32
      %broadcast_in_dim3A_1480 = vector.broadcast %broadcast_in_dim3A_1479 : f32 to vector<16xf32>
      %broadcast_in_dim3A_1481 = arith.constant 1.000000e+30 : f32
      %broadcast_in_dim3A_1482 = vector.broadcast %broadcast_in_dim3A_1481 : f32 to vector<16xf32>
      %scan3A_1483 = arith.constant 0 : i32
      %scan3A_1484 = arith.constant 128 : i32
      %scan3A_1485 = arith.addi %scan3A_1483, %scan3A_1484 : i32
      %scan3A_1486 = arith.constant 1 : i32
      %scan3A_1487:2 = scf.for %scan3A_2093 = %scan3A_1483 to %scan3A_1485 step %scan3A_1486 iter_args(%scan3A_2094 = %broadcast_in_dim3A_1480, %scan3A_2095 = %broadcast_in_dim3A_1482) -> (vector<16xf32>, vector<16xf32>)  : i32 {
        %mul3A_2096 = arith.constant 16 : i32
        %mul3A_2097 = arith.muli %scan3A_2093, %mul3A_2096 : i32
        %get3A_2098 = arith.constant 0 : i32
        %get3A_2099 = arith.index_cast %get3A_2098 : i32 to index
        %get3A_2100 = arith.index_cast %mul3A_2097 : i32 to index
        %get3A_2101 = tpu.vector_load %arg7[%get3A_2099, %get3A_2100] {strides = array<i32>} : memref<4x2048xf32, #tpu.memory_space<vmem>>, vector<1x16xf32>,
        %get3A_2102 = vector.shape_cast %get3A_2101 : vector<1x16xf32> to vector<16xf32>
        %get3A_2103 = arith.constant 1 : i32
        %get3A_2104 = arith.index_cast %get3A_2103 : i32 to index
        %get3A_2105 = arith.index_cast %mul3A_2097 : i32 to index
        %get3A_2106 = tpu.vector_load %arg7[%get3A_2104, %get3A_2105] {strides = array<i32>} : memref<4x2048xf32, #tpu.memory_space<vmem>>, vector<1x16xf32>,
        %get3A_2107 = vector.shape_cast %get3A_2106 : vector<1x16xf32> to vector<16xf32>
        %get3A_2108 = arith.constant 2 : i32
        %get3A_2109 = arith.index_cast %get3A_2108 : i32 to index
        %get3A_2110 = arith.index_cast %mul3A_2097 : i32 to index
        %get3A_2111 = tpu.vector_load %arg7[%get3A_2109, %get3A_2110] {strides = array<i32>} : memref<4x2048xf32, #tpu.memory_space<vmem>>, vector<1x16xf32>,
        %get3A_2112 = vector.shape_cast %get3A_2111 : vector<1x16xf32> to vector<16xf32>
        %get3A_2113 = arith.constant 3 : i32
        %get3A_2114 = arith.index_cast %get3A_2113 : i32 to index
        %get3A_2115 = arith.index_cast %mul3A_2097 : i32 to index
        %get3A_2116 = tpu.vector_load %arg7[%get3A_2114, %get3A_2115] {strides = array<i32>} : memref<4x2048xf32, #tpu.memory_space<vmem>>, vector<1x16xf32>,
        %get3A_2117 = vector.shape_cast %get3A_2116 : vector<1x16xf32> to vector<16xf32>
        %mul3A_2118 = arith.mulf %get3A_2102, %gather3A_1394 : vector<16xf32>
        %mul3A_2119 = arith.mulf %get3A_2107, %gather3A_1406 : vector<16xf32>
        %add3A_2120 = arith.addf %mul3A_2118, %mul3A_2119 : vector<16xf32>
        %mul3A_2121 = arith.mulf %get3A_2112, %gather3A_1418 : vector<16xf32>
        %add3A_2122 = arith.addf %add3A_2120, %mul3A_2121 : vector<16xf32>
        %add3A_2123 = arith.addf %gather3A_1430, %get3A_2117 : vector<16xf32>
        %add3A_2124 = arith.addf %add3A_2123, %add3A_2122 : vector<16xf32>
        %min3A_2125 = arith.minimumf %scan3A_2094, %add3A_2124 : vector<16xf32>
        %mul3A_2126 = arith.mulf %get3A_2102, %gather3A_1442 : vector<16xf32>
        %mul3A_2127 = arith.mulf %get3A_2107, %gather3A_1454 : vector<16xf32>
        %add3A_2128 = arith.addf %mul3A_2126, %mul3A_2127 : vector<16xf32>
        %mul3A_2129 = arith.mulf %get3A_2112, %gather3A_1466 : vector<16xf32>
        %add3A_2130 = arith.addf %add3A_2128, %mul3A_2129 : vector<16xf32>
        %add3A_2131 = arith.addf %gather3A_1478, %get3A_2117 : vector<16xf32>
        %add3A_2132 = arith.addf %add3A_2131, %add3A_2130 : vector<16xf32>
        %min3A_2133 = arith.minimumf %scan3A_2095, %add3A_2132 : vector<16xf32>
        scf.yield %min3A_2125, %min3A_2133 : vector<16xf32>, vector<16xf32>
      }
      %scan3A_1488 = arith.constant 128 : i32
      %eq3A_1489 = arith.constant 10 : i32
      %eq3A_1490 = vector.broadcast %eq3A_1489 : i32 to vector<16xi32>
      %eq3A_1491 = arith.cmpi eq, %iota3A_27, %eq3A_1490 : vector<16xi32>
      %xor3A_1492 = arith.constant 8 : i32
      %xor3A_1493 = vector.broadcast %xor3A_1492 : i32 to vector<16xi32>
      %xor3A_1494 = arith.xori %iota3A_27, %xor3A_1493 : vector<16xi32>
      %lt3A_1495 = arith.constant 0 : i32
      %lt3A_1496 = vector.broadcast %lt3A_1495 : i32 to vector<16xi32>
      %lt3A_1497 = arith.cmpi slt, %xor3A_1494, %lt3A_1496 : vector<16xi32>
      %add3A_1498 = arith.constant 16 : i32
      %add3A_1499 = vector.broadcast %add3A_1498 : i32 to vector<16xi32>
      %add3A_1500 = arith.addi %xor3A_1494, %add3A_1499 : vector<16xi32>
      %select_n3A_1501 = arith.select %lt3A_1497, %add3A_1500, %xor3A_1494 : vector<16xi1>, vector<16xi32>
      %broadcast_in_dim3A_1502 = vector.shape_cast %select_n3A_1501 : vector<16xi32> to vector<16x1xi32>
      %gather3A_1503 = vector.shape_cast %broadcast_in_dim3A_1502 : vector<16x1xi32> to vector<16xi32>
      %gather3A_1504 = tpu.dynamic_gather %scan3A_1487#0[%gather3A_1503] in [0] : vector<16xf32>, vector<16xi32> -> vector<16xf32>
      %min3A_1505 = arith.minimumf %scan3A_1487#0, %gather3A_1504 : vector<16xf32>
      %xor3A_1506 = arith.constant 4 : i32
      %xor3A_1507 = vector.broadcast %xor3A_1506 : i32 to vector<16xi32>
      %xor3A_1508 = arith.xori %iota3A_27, %xor3A_1507 : vector<16xi32>
      %lt3A_1509 = arith.constant 0 : i32
      %lt3A_1510 = vector.broadcast %lt3A_1509 : i32 to vector<16xi32>
      %lt3A_1511 = arith.cmpi slt, %xor3A_1508, %lt3A_1510 : vector<16xi32>
      %add3A_1512 = arith.constant 16 : i32
      %add3A_1513 = vector.broadcast %add3A_1512 : i32 to vector<16xi32>
      %add3A_1514 = arith.addi %xor3A_1508, %add3A_1513 : vector<16xi32>
      %select_n3A_1515 = arith.select %lt3A_1511, %add3A_1514, %xor3A_1508 : vector<16xi1>, vector<16xi32>
      %broadcast_in_dim3A_1516 = vector.shape_cast %select_n3A_1515 : vector<16xi32> to vector<16x1xi32>
      %gather3A_1517 = vector.shape_cast %broadcast_in_dim3A_1516 : vector<16x1xi32> to vector<16xi32>
      %gather3A_1518 = tpu.dynamic_gather %min3A_1505[%gather3A_1517] in [0] : vector<16xf32>, vector<16xi32> -> vector<16xf32>
      %min3A_1519 = arith.minimumf %min3A_1505, %gather3A_1518 : vector<16xf32>
      %xor3A_1520 = arith.constant 2 : i32
      %xor3A_1521 = vector.broadcast %xor3A_1520 : i32 to vector<16xi32>
      %xor3A_1522 = arith.xori %iota3A_27, %xor3A_1521 : vector<16xi32>
      %lt3A_1523 = arith.constant 0 : i32
      %lt3A_1524 = vector.broadcast %lt3A_1523 : i32 to vector<16xi32>
      %lt3A_1525 = arith.cmpi slt, %xor3A_1522, %lt3A_1524 : vector<16xi32>
      %add3A_1526 = arith.constant 16 : i32
      %add3A_1527 = vector.broadcast %add3A_1526 : i32 to vector<16xi32>
      %add3A_1528 = arith.addi %xor3A_1522, %add3A_1527 : vector<16xi32>
      %select_n3A_1529 = arith.select %lt3A_1525, %add3A_1528, %xor3A_1522 : vector<16xi1>, vector<16xi32>
      %broadcast_in_dim3A_1530 = vector.shape_cast %select_n3A_1529 : vector<16xi32> to vector<16x1xi32>
      %gather3A_1531 = vector.shape_cast %broadcast_in_dim3A_1530 : vector<16x1xi32> to vector<16xi32>
      %gather3A_1532 = tpu.dynamic_gather %min3A_1519[%gather3A_1531] in [0] : vector<16xf32>, vector<16xi32> -> vector<16xf32>
      %min3A_1533 = arith.minimumf %min3A_1519, %gather3A_1532 : vector<16xf32>
      %xor3A_1534 = arith.constant 1 : i32
      %xor3A_1535 = vector.broadcast %xor3A_1534 : i32 to vector<16xi32>
      %xor3A_1536 = arith.xori %iota3A_27, %xor3A_1535 : vector<16xi32>
      %lt3A_1537 = arith.constant 0 : i32
      %lt3A_1538 = vector.broadcast %lt3A_1537 : i32 to vector<16xi32>
      %lt3A_1539 = arith.cmpi slt, %xor3A_1536, %lt3A_1538 : vector<16xi32>
      %add3A_1540 = arith.constant 16 : i32
      %add3A_1541 = vector.broadcast %add3A_1540 : i32 to vector<16xi32>
      %add3A_1542 = arith.addi %xor3A_1536, %add3A_1541 : vector<16xi32>
      %select_n3A_1543 = arith.select %lt3A_1539, %add3A_1542, %xor3A_1536 : vector<16xi1>, vector<16xi32>
      %broadcast_in_dim3A_1544 = vector.shape_cast %select_n3A_1543 : vector<16xi32> to vector<16x1xi32>
      %gather3A_1545 = vector.shape_cast %broadcast_in_dim3A_1544 : vector<16x1xi32> to vector<16xi32>
      %gather3A_1546 = tpu.dynamic_gather %min3A_1533[%gather3A_1545] in [0] : vector<16xf32>, vector<16xi32> -> vector<16xf32>
      %min3A_1547 = arith.minimumf %min3A_1533, %gather3A_1546 : vector<16xf32>
      %select_n3A_1548 = arith.select %eq3A_1491, %min3A_1547, %select_n3A_1382 : vector<16xi1>, vector<16xf32>
      %eq3A_1549 = arith.constant 11 : i32
      %eq3A_1550 = vector.broadcast %eq3A_1549 : i32 to vector<16xi32>
      %eq3A_1551 = arith.cmpi eq, %iota3A_27, %eq3A_1550 : vector<16xi32>
      %xor3A_1552 = arith.constant 8 : i32
      %xor3A_1553 = vector.broadcast %xor3A_1552 : i32 to vector<16xi32>
      %xor3A_1554 = arith.xori %iota3A_27, %xor3A_1553 : vector<16xi32>
      %lt3A_1555 = arith.constant 0 : i32
      %lt3A_1556 = vector.broadcast %lt3A_1555 : i32 to vector<16xi32>
      %lt3A_1557 = arith.cmpi slt, %xor3A_1554, %lt3A_1556 : vector<16xi32>
      %add3A_1558 = arith.constant 16 : i32
      %add3A_1559 = vector.broadcast %add3A_1558 : i32 to vector<16xi32>
      %add3A_1560 = arith.addi %xor3A_1554, %add3A_1559 : vector<16xi32>
      %select_n3A_1561 = arith.select %lt3A_1557, %add3A_1560, %xor3A_1554 : vector<16xi1>, vector<16xi32>
      %broadcast_in_dim3A_1562 = vector.shape_cast %select_n3A_1561 : vector<16xi32> to vector<16x1xi32>
      %gather3A_1563 = vector.shape_cast %broadcast_in_dim3A_1562 : vector<16x1xi32> to vector<16xi32>
      %gather3A_1564 = tpu.dynamic_gather %scan3A_1487#1[%gather3A_1563] in [0] : vector<16xf32>, vector<16xi32> -> vector<16xf32>
      %min3A_1565 = arith.minimumf %scan3A_1487#1, %gather3A_1564 : vector<16xf32>
      %xor3A_1566 = arith.constant 4 : i32
      %xor3A_1567 = vector.broadcast %xor3A_1566 : i32 to vector<16xi32>
      %xor3A_1568 = arith.xori %iota3A_27, %xor3A_1567 : vector<16xi32>
      %lt3A_1569 = arith.constant 0 : i32
      %lt3A_1570 = vector.broadcast %lt3A_1569 : i32 to vector<16xi32>
      %lt3A_1571 = arith.cmpi slt, %xor3A_1568, %lt3A_1570 : vector<16xi32>
      %add3A_1572 = arith.constant 16 : i32
      %add3A_1573 = vector.broadcast %add3A_1572 : i32 to vector<16xi32>
      %add3A_1574 = arith.addi %xor3A_1568, %add3A_1573 : vector<16xi32>
      %select_n3A_1575 = arith.select %lt3A_1571, %add3A_1574, %xor3A_1568 : vector<16xi1>, vector<16xi32>
      %broadcast_in_dim3A_1576 = vector.shape_cast %select_n3A_1575 : vector<16xi32> to vector<16x1xi32>
      %gather3A_1577 = vector.shape_cast %broadcast_in_dim3A_1576 : vector<16x1xi32> to vector<16xi32>
      %gather3A_1578 = tpu.dynamic_gather %min3A_1565[%gather3A_1577] in [0] : vector<16xf32>, vector<16xi32> -> vector<16xf32>
      %min3A_1579 = arith.minimumf %min3A_1565, %gather3A_1578 : vector<16xf32>
      %xor3A_1580 = arith.constant 2 : i32
      %xor3A_1581 = vector.broadcast %xor3A_1580 : i32 to vector<16xi32>
      %xor3A_1582 = arith.xori %iota3A_27, %xor3A_1581 : vector<16xi32>
      %lt3A_1583 = arith.constant 0 : i32
      %lt3A_1584 = vector.broadcast %lt3A_1583 : i32 to vector<16xi32>
      %lt3A_1585 = arith.cmpi slt, %xor3A_1582, %lt3A_1584 : vector<16xi32>
      %add3A_1586 = arith.constant 16 : i32
      %add3A_1587 = vector.broadcast %add3A_1586 : i32 to vector<16xi32>
      %add3A_1588 = arith.addi %xor3A_1582, %add3A_1587 : vector<16xi32>
      %select_n3A_1589 = arith.select %lt3A_1585, %add3A_1588, %xor3A_1582 : vector<16xi1>, vector<16xi32>
      %broadcast_in_dim3A_1590 = vector.shape_cast %select_n3A_1589 : vector<16xi32> to vector<16x1xi32>
      %gather3A_1591 = vector.shape_cast %broadcast_in_dim3A_1590 : vector<16x1xi32> to vector<16xi32>
      %gather3A_1592 = tpu.dynamic_gather %min3A_1579[%gather3A_1591] in [0] : vector<16xf32>, vector<16xi32> -> vector<16xf32>
      %min3A_1593 = arith.minimumf %min3A_1579, %gather3A_1592 : vector<16xf32>
      %xor3A_1594 = arith.constant 1 : i32
      %xor3A_1595 = vector.broadcast %xor3A_1594 : i32 to vector<16xi32>
      %xor3A_1596 = arith.xori %iota3A_27, %xor3A_1595 : vector<16xi32>
      %lt3A_1597 = arith.constant 0 : i32
      %lt3A_1598 = vector.broadcast %lt3A_1597 : i32 to vector<16xi32>
      %lt3A_1599 = arith.cmpi slt, %xor3A_1596, %lt3A_1598 : vector<16xi32>
      %add3A_1600 = arith.constant 16 : i32
      %add3A_1601 = vector.broadcast %add3A_1600 : i32 to vector<16xi32>
      %add3A_1602 = arith.addi %xor3A_1596, %add3A_1601 : vector<16xi32>
      %select_n3A_1603 = arith.select %lt3A_1599, %add3A_1602, %xor3A_1596 : vector<16xi1>, vector<16xi32>
      %broadcast_in_dim3A_1604 = vector.shape_cast %select_n3A_1603 : vector<16xi32> to vector<16x1xi32>
      %gather3A_1605 = vector.shape_cast %broadcast_in_dim3A_1604 : vector<16x1xi32> to vector<16xi32>
      %gather3A_1606 = tpu.dynamic_gather %min3A_1593[%gather3A_1605] in [0] : vector<16xf32>, vector<16xi32> -> vector<16xf32>
      %min3A_1607 = arith.minimumf %min3A_1593, %gather3A_1606 : vector<16xf32>
      %select_n3A_1608 = arith.select %eq3A_1551, %min3A_1607, %select_n3A_1548 : vector<16xi1>, vector<16xf32>
      %broadcast_in_dim3A_1609 = arith.constant 12 : i32
      %broadcast_in_dim3A_1610 = vector.broadcast %broadcast_in_dim3A_1609 : i32 to vector<16xi32>
      %lt3A_1611 = arith.constant 0 : i32
      %lt3A_1612 = vector.broadcast %lt3A_1611 : i32 to vector<16xi32>
      %lt3A_1613 = arith.cmpi slt, %broadcast_in_dim3A_1610, %lt3A_1612 : vector<16xi32>
      %add3A_1614 = arith.constant 16 : i32
      %add3A_1615 = vector.broadcast %add3A_1614 : i32 to vector<16xi32>
      %add3A_1616 = arith.addi %broadcast_in_dim3A_1610, %add3A_1615 : vector<16xi32>
      %select_n3A_1617 = arith.select %lt3A_1613, %add3A_1616, %broadcast_in_dim3A_1610 : vector<16xi1>, vector<16xi32>
      %broadcast_in_dim3A_1618 = vector.shape_cast %select_n3A_1617 : vector<16xi32> to vector<16x1xi32>
      %gather3A_1619 = vector.shape_cast %broadcast_in_dim3A_1618 : vector<16x1xi32> to vector<16xi32>
      %gather3A_1620 = tpu.dynamic_gather %bitcast_convert_type3A_222[%gather3A_1619] in [0] : vector<16xf32>, vector<16xi32> -> vector<16xf32>
      %broadcast_in_dim3A_1621 = arith.constant 12 : i32
      %broadcast_in_dim3A_1622 = vector.broadcast %broadcast_in_dim3A_1621 : i32 to vector<16xi32>
      %lt3A_1623 = arith.constant 0 : i32
      %lt3A_1624 = vector.broadcast %lt3A_1623 : i32 to vector<16xi32>
      %lt3A_1625 = arith.cmpi slt, %broadcast_in_dim3A_1622, %lt3A_1624 : vector<16xi32>
      %add3A_1626 = arith.constant 16 : i32
      %add3A_1627 = vector.broadcast %add3A_1626 : i32 to vector<16xi32>
      %add3A_1628 = arith.addi %broadcast_in_dim3A_1622, %add3A_1627 : vector<16xi32>
      %select_n3A_1629 = arith.select %lt3A_1625, %add3A_1628, %broadcast_in_dim3A_1622 : vector<16xi1>, vector<16xi32>
      %broadcast_in_dim3A_1630 = vector.shape_cast %select_n3A_1629 : vector<16xi32> to vector<16x1xi32>
      %gather3A_1631 = vector.shape_cast %broadcast_in_dim3A_1630 : vector<16x1xi32> to vector<16xi32>
      %gather3A_1632 = tpu.dynamic_gather %bitcast_convert_type3A_237[%gather3A_1631] in [0] : vector<16xf32>, vector<16xi32> -> vector<16xf32>
      %broadcast_in_dim3A_1633 = arith.constant 12 : i32
      %broadcast_in_dim3A_1634 = vector.broadcast %broadcast_in_dim3A_1633 : i32 to vector<16xi32>
      %lt3A_1635 = arith.constant 0 : i32
      %lt3A_1636 = vector.broadcast %lt3A_1635 : i32 to vector<16xi32>
      %lt3A_1637 = arith.cmpi slt, %broadcast_in_dim3A_1634, %lt3A_1636 : vector<16xi32>
      %add3A_1638 = arith.constant 16 : i32
      %add3A_1639 = vector.broadcast %add3A_1638 : i32 to vector<16xi32>
      %add3A_1640 = arith.addi %broadcast_in_dim3A_1634, %add3A_1639 : vector<16xi32>
      %select_n3A_1641 = arith.select %lt3A_1637, %add3A_1640, %broadcast_in_dim3A_1634 : vector<16xi1>, vector<16xi32>
      %broadcast_in_dim3A_1642 = vector.shape_cast %select_n3A_1641 : vector<16xi32> to vector<16x1xi32>
      %gather3A_1643 = vector.shape_cast %broadcast_in_dim3A_1642 : vector<16x1xi32> to vector<16xi32>
      %gather3A_1644 = tpu.dynamic_gather %bitcast_convert_type3A_252[%gather3A_1643] in [0] : vector<16xf32>, vector<16xi32> -> vector<16xf32>
      %broadcast_in_dim3A_1645 = arith.constant 12 : i32
      %broadcast_in_dim3A_1646 = vector.broadcast %broadcast_in_dim3A_1645 : i32 to vector<16xi32>
      %lt3A_1647 = arith.constant 0 : i32
      %lt3A_1648 = vector.broadcast %lt3A_1647 : i32 to vector<16xi32>
      %lt3A_1649 = arith.cmpi slt, %broadcast_in_dim3A_1646, %lt3A_1648 : vector<16xi32>
      %add3A_1650 = arith.constant 16 : i32
      %add3A_1651 = vector.broadcast %add3A_1650 : i32 to vector<16xi32>
      %add3A_1652 = arith.addi %broadcast_in_dim3A_1646, %add3A_1651 : vector<16xi32>
      %select_n3A_1653 = arith.select %lt3A_1649, %add3A_1652, %broadcast_in_dim3A_1646 : vector<16xi1>, vector<16xi32>
      %broadcast_in_dim3A_1654 = vector.shape_cast %select_n3A_1653 : vector<16xi32> to vector<16x1xi32>
      %gather3A_1655 = vector.shape_cast %broadcast_in_dim3A_1654 : vector<16x1xi32> to vector<16xi32>
      %gather3A_1656 = tpu.dynamic_gather %add3A_208[%gather3A_1655] in [0] : vector<16xf32>, vector<16xi32> -> vector<16xf32>
      %broadcast_in_dim3A_1657 = arith.constant 13 : i32
      %broadcast_in_dim3A_1658 = vector.broadcast %broadcast_in_dim3A_1657 : i32 to vector<16xi32>
      %lt3A_1659 = arith.constant 0 : i32
      %lt3A_1660 = vector.broadcast %lt3A_1659 : i32 to vector<16xi32>
      %lt3A_1661 = arith.cmpi slt, %broadcast_in_dim3A_1658, %lt3A_1660 : vector<16xi32>
      %add3A_1662 = arith.constant 16 : i32
      %add3A_1663 = vector.broadcast %add3A_1662 : i32 to vector<16xi32>
      %add3A_1664 = arith.addi %broadcast_in_dim3A_1658, %add3A_1663 : vector<16xi32>
      %select_n3A_1665 = arith.select %lt3A_1661, %add3A_1664, %broadcast_in_dim3A_1658 : vector<16xi1>, vector<16xi32>
      %broadcast_in_dim3A_1666 = vector.shape_cast %select_n3A_1665 : vector<16xi32> to vector<16x1xi32>
      %gather3A_1667 = vector.shape_cast %broadcast_in_dim3A_1666 : vector<16x1xi32> to vector<16xi32>
      %gather3A_1668 = tpu.dynamic_gather %bitcast_convert_type3A_222[%gather3A_1667] in [0] : vector<16xf32>, vector<16xi32> -> vector<16xf32>
      %broadcast_in_dim3A_1669 = arith.constant 13 : i32
      %broadcast_in_dim3A_1670 = vector.broadcast %broadcast_in_dim3A_1669 : i32 to vector<16xi32>
      %lt3A_1671 = arith.constant 0 : i32
      %lt3A_1672 = vector.broadcast %lt3A_1671 : i32 to vector<16xi32>
      %lt3A_1673 = arith.cmpi slt, %broadcast_in_dim3A_1670, %lt3A_1672 : vector<16xi32>
      %add3A_1674 = arith.constant 16 : i32
      %add3A_1675 = vector.broadcast %add3A_1674 : i32 to vector<16xi32>
      %add3A_1676 = arith.addi %broadcast_in_dim3A_1670, %add3A_1675 : vector<16xi32>
      %select_n3A_1677 = arith.select %lt3A_1673, %add3A_1676, %broadcast_in_dim3A_1670 : vector<16xi1>, vector<16xi32>
      %broadcast_in_dim3A_1678 = vector.shape_cast %select_n3A_1677 : vector<16xi32> to vector<16x1xi32>
      %gather3A_1679 = vector.shape_cast %broadcast_in_dim3A_1678 : vector<16x1xi32> to vector<16xi32>
      %gather3A_1680 = tpu.dynamic_gather %bitcast_convert_type3A_237[%gather3A_1679] in [0] : vector<16xf32>, vector<16xi32> -> vector<16xf32>
      %broadcast_in_dim3A_1681 = arith.constant 13 : i32
      %broadcast_in_dim3A_1682 = vector.broadcast %broadcast_in_dim3A_1681 : i32 to vector<16xi32>
      %lt3A_1683 = arith.constant 0 : i32
      %lt3A_1684 = vector.broadcast %lt3A_1683 : i32 to vector<16xi32>
      %lt3A_1685 = arith.cmpi slt, %broadcast_in_dim3A_1682, %lt3A_1684 : vector<16xi32>
      %add3A_1686 = arith.constant 16 : i32
      %add3A_1687 = vector.broadcast %add3A_1686 : i32 to vector<16xi32>
      %add3A_1688 = arith.addi %broadcast_in_dim3A_1682, %add3A_1687 : vector<16xi32>
      %select_n3A_1689 = arith.select %lt3A_1685, %add3A_1688, %broadcast_in_dim3A_1682 : vector<16xi1>, vector<16xi32>
      %broadcast_in_dim3A_1690 = vector.shape_cast %select_n3A_1689 : vector<16xi32> to vector<16x1xi32>
      %gather3A_1691 = vector.shape_cast %broadcast_in_dim3A_1690 : vector<16x1xi32> to vector<16xi32>
      %gather3A_1692 = tpu.dynamic_gather %bitcast_convert_type3A_252[%gather3A_1691] in [0] : vector<16xf32>, vector<16xi32> -> vector<16xf32>
      %broadcast_in_dim3A_1693 = arith.constant 13 : i32
      %broadcast_in_dim3A_1694 = vector.broadcast %broadcast_in_dim3A_1693 : i32 to vector<16xi32>
      %lt3A_1695 = arith.constant 0 : i32
      %lt3A_1696 = vector.broadcast %lt3A_1695 : i32 to vector<16xi32>
      %lt3A_1697 = arith.cmpi slt, %broadcast_in_dim3A_1694, %lt3A_1696 : vector<16xi32>
      %add3A_1698 = arith.constant 16 : i32
      %add3A_1699 = vector.broadcast %add3A_1698 : i32 to vector<16xi32>
      %add3A_1700 = arith.addi %broadcast_in_dim3A_1694, %add3A_1699 : vector<16xi32>
      %select_n3A_1701 = arith.select %lt3A_1697, %add3A_1700, %broadcast_in_dim3A_1694 : vector<16xi1>, vector<16xi32>
      %broadcast_in_dim3A_1702 = vector.shape_cast %select_n3A_1701 : vector<16xi32> to vector<16x1xi32>
      %gather3A_1703 = vector.shape_cast %broadcast_in_dim3A_1702 : vector<16x1xi32> to vector<16xi32>
      %gather3A_1704 = tpu.dynamic_gather %add3A_208[%gather3A_1703] in [0] : vector<16xf32>, vector<16xi32> -> vector<16xf32>
      %broadcast_in_dim3A_1705 = arith.constant 1.000000e+30 : f32
      %broadcast_in_dim3A_1706 = vector.broadcast %broadcast_in_dim3A_1705 : f32 to vector<16xf32>
      %broadcast_in_dim3A_1707 = arith.constant 1.000000e+30 : f32
      %broadcast_in_dim3A_1708 = vector.broadcast %broadcast_in_dim3A_1707 : f32 to vector<16xf32>
      %scan3A_1709 = arith.constant 0 : i32
      %scan3A_1710 = arith.constant 128 : i32
      %scan3A_1711 = arith.addi %scan3A_1709, %scan3A_1710 : i32
      %scan3A_1712 = arith.constant 1 : i32
      %scan3A_1713:2 = scf.for %scan3A_2093 = %scan3A_1709 to %scan3A_1711 step %scan3A_1712 iter_args(%scan3A_2094 = %broadcast_in_dim3A_1706, %scan3A_2095 = %broadcast_in_dim3A_1708) -> (vector<16xf32>, vector<16xf32>)  : i32 {
        %mul3A_2096 = arith.constant 16 : i32
        %mul3A_2097 = arith.muli %scan3A_2093, %mul3A_2096 : i32
        %get3A_2098 = arith.constant 0 : i32
        %get3A_2099 = arith.index_cast %get3A_2098 : i32 to index
        %get3A_2100 = arith.index_cast %mul3A_2097 : i32 to index
        %get3A_2101 = tpu.vector_load %arg7[%get3A_2099, %get3A_2100] {strides = array<i32>} : memref<4x2048xf32, #tpu.memory_space<vmem>>, vector<1x16xf32>,
        %get3A_2102 = vector.shape_cast %get3A_2101 : vector<1x16xf32> to vector<16xf32>
        %get3A_2103 = arith.constant 1 : i32
        %get3A_2104 = arith.index_cast %get3A_2103 : i32 to index
        %get3A_2105 = arith.index_cast %mul3A_2097 : i32 to index
        %get3A_2106 = tpu.vector_load %arg7[%get3A_2104, %get3A_2105] {strides = array<i32>} : memref<4x2048xf32, #tpu.memory_space<vmem>>, vector<1x16xf32>,
        %get3A_2107 = vector.shape_cast %get3A_2106 : vector<1x16xf32> to vector<16xf32>
        %get3A_2108 = arith.constant 2 : i32
        %get3A_2109 = arith.index_cast %get3A_2108 : i32 to index
        %get3A_2110 = arith.index_cast %mul3A_2097 : i32 to index
        %get3A_2111 = tpu.vector_load %arg7[%get3A_2109, %get3A_2110] {strides = array<i32>} : memref<4x2048xf32, #tpu.memory_space<vmem>>, vector<1x16xf32>,
        %get3A_2112 = vector.shape_cast %get3A_2111 : vector<1x16xf32> to vector<16xf32>
        %get3A_2113 = arith.constant 3 : i32
        %get3A_2114 = arith.index_cast %get3A_2113 : i32 to index
        %get3A_2115 = arith.index_cast %mul3A_2097 : i32 to index
        %get3A_2116 = tpu.vector_load %arg7[%get3A_2114, %get3A_2115] {strides = array<i32>} : memref<4x2048xf32, #tpu.memory_space<vmem>>, vector<1x16xf32>,
        %get3A_2117 = vector.shape_cast %get3A_2116 : vector<1x16xf32> to vector<16xf32>
        %mul3A_2118 = arith.mulf %get3A_2102, %gather3A_1620 : vector<16xf32>
        %mul3A_2119 = arith.mulf %get3A_2107, %gather3A_1632 : vector<16xf32>
        %add3A_2120 = arith.addf %mul3A_2118, %mul3A_2119 : vector<16xf32>
        %mul3A_2121 = arith.mulf %get3A_2112, %gather3A_1644 : vector<16xf32>
        %add3A_2122 = arith.addf %add3A_2120, %mul3A_2121 : vector<16xf32>
        %add3A_2123 = arith.addf %gather3A_1656, %get3A_2117 : vector<16xf32>
        %add3A_2124 = arith.addf %add3A_2123, %add3A_2122 : vector<16xf32>
        %min3A_2125 = arith.minimumf %scan3A_2094, %add3A_2124 : vector<16xf32>
        %mul3A_2126 = arith.mulf %get3A_2102, %gather3A_1668 : vector<16xf32>
        %mul3A_2127 = arith.mulf %get3A_2107, %gather3A_1680 : vector<16xf32>
        %add3A_2128 = arith.addf %mul3A_2126, %mul3A_2127 : vector<16xf32>
        %mul3A_2129 = arith.mulf %get3A_2112, %gather3A_1692 : vector<16xf32>
        %add3A_2130 = arith.addf %add3A_2128, %mul3A_2129 : vector<16xf32>
        %add3A_2131 = arith.addf %gather3A_1704, %get3A_2117 : vector<16xf32>
        %add3A_2132 = arith.addf %add3A_2131, %add3A_2130 : vector<16xf32>
        %min3A_2133 = arith.minimumf %scan3A_2095, %add3A_2132 : vector<16xf32>
        scf.yield %min3A_2125, %min3A_2133 : vector<16xf32>, vector<16xf32>
      }
      %scan3A_1714 = arith.constant 128 : i32
      %eq3A_1715 = arith.constant 12 : i32
      %eq3A_1716 = vector.broadcast %eq3A_1715 : i32 to vector<16xi32>
      %eq3A_1717 = arith.cmpi eq, %iota3A_27, %eq3A_1716 : vector<16xi32>
      %xor3A_1718 = arith.constant 8 : i32
      %xor3A_1719 = vector.broadcast %xor3A_1718 : i32 to vector<16xi32>
      %xor3A_1720 = arith.xori %iota3A_27, %xor3A_1719 : vector<16xi32>
      %lt3A_1721 = arith.constant 0 : i32
      %lt3A_1722 = vector.broadcast %lt3A_1721 : i32 to vector<16xi32>
      %lt3A_1723 = arith.cmpi slt, %xor3A_1720, %lt3A_1722 : vector<16xi32>
      %add3A_1724 = arith.constant 16 : i32
      %add3A_1725 = vector.broadcast %add3A_1724 : i32 to vector<16xi32>
      %add3A_1726 = arith.addi %xor3A_1720, %add3A_1725 : vector<16xi32>
      %select_n3A_1727 = arith.select %lt3A_1723, %add3A_1726, %xor3A_1720 : vector<16xi1>, vector<16xi32>
      %broadcast_in_dim3A_1728 = vector.shape_cast %select_n3A_1727 : vector<16xi32> to vector<16x1xi32>
      %gather3A_1729 = vector.shape_cast %broadcast_in_dim3A_1728 : vector<16x1xi32> to vector<16xi32>
      %gather3A_1730 = tpu.dynamic_gather %scan3A_1713#0[%gather3A_1729] in [0] : vector<16xf32>, vector<16xi32> -> vector<16xf32>
      %min3A_1731 = arith.minimumf %scan3A_1713#0, %gather3A_1730 : vector<16xf32>
      %xor3A_1732 = arith.constant 4 : i32
      %xor3A_1733 = vector.broadcast %xor3A_1732 : i32 to vector<16xi32>
      %xor3A_1734 = arith.xori %iota3A_27, %xor3A_1733 : vector<16xi32>
      %lt3A_1735 = arith.constant 0 : i32
      %lt3A_1736 = vector.broadcast %lt3A_1735 : i32 to vector<16xi32>
      %lt3A_1737 = arith.cmpi slt, %xor3A_1734, %lt3A_1736 : vector<16xi32>
      %add3A_1738 = arith.constant 16 : i32
      %add3A_1739 = vector.broadcast %add3A_1738 : i32 to vector<16xi32>
      %add3A_1740 = arith.addi %xor3A_1734, %add3A_1739 : vector<16xi32>
      %select_n3A_1741 = arith.select %lt3A_1737, %add3A_1740, %xor3A_1734 : vector<16xi1>, vector<16xi32>
      %broadcast_in_dim3A_1742 = vector.shape_cast %select_n3A_1741 : vector<16xi32> to vector<16x1xi32>
      %gather3A_1743 = vector.shape_cast %broadcast_in_dim3A_1742 : vector<16x1xi32> to vector<16xi32>
      %gather3A_1744 = tpu.dynamic_gather %min3A_1731[%gather3A_1743] in [0] : vector<16xf32>, vector<16xi32> -> vector<16xf32>
      %min3A_1745 = arith.minimumf %min3A_1731, %gather3A_1744 : vector<16xf32>
      %xor3A_1746 = arith.constant 2 : i32
      %xor3A_1747 = vector.broadcast %xor3A_1746 : i32 to vector<16xi32>
      %xor3A_1748 = arith.xori %iota3A_27, %xor3A_1747 : vector<16xi32>
      %lt3A_1749 = arith.constant 0 : i32
      %lt3A_1750 = vector.broadcast %lt3A_1749 : i32 to vector<16xi32>
      %lt3A_1751 = arith.cmpi slt, %xor3A_1748, %lt3A_1750 : vector<16xi32>
      %add3A_1752 = arith.constant 16 : i32
      %add3A_1753 = vector.broadcast %add3A_1752 : i32 to vector<16xi32>
      %add3A_1754 = arith.addi %xor3A_1748, %add3A_1753 : vector<16xi32>
      %select_n3A_1755 = arith.select %lt3A_1751, %add3A_1754, %xor3A_1748 : vector<16xi1>, vector<16xi32>
      %broadcast_in_dim3A_1756 = vector.shape_cast %select_n3A_1755 : vector<16xi32> to vector<16x1xi32>
      %gather3A_1757 = vector.shape_cast %broadcast_in_dim3A_1756 : vector<16x1xi32> to vector<16xi32>
      %gather3A_1758 = tpu.dynamic_gather %min3A_1745[%gather3A_1757] in [0] : vector<16xf32>, vector<16xi32> -> vector<16xf32>
      %min3A_1759 = arith.minimumf %min3A_1745, %gather3A_1758 : vector<16xf32>
      %xor3A_1760 = arith.constant 1 : i32
      %xor3A_1761 = vector.broadcast %xor3A_1760 : i32 to vector<16xi32>
      %xor3A_1762 = arith.xori %iota3A_27, %xor3A_1761 : vector<16xi32>
      %lt3A_1763 = arith.constant 0 : i32
      %lt3A_1764 = vector.broadcast %lt3A_1763 : i32 to vector<16xi32>
      %lt3A_1765 = arith.cmpi slt, %xor3A_1762, %lt3A_1764 : vector<16xi32>
      %add3A_1766 = arith.constant 16 : i32
      %add3A_1767 = vector.broadcast %add3A_1766 : i32 to vector<16xi32>
      %add3A_1768 = arith.addi %xor3A_1762, %add3A_1767 : vector<16xi32>
      %select_n3A_1769 = arith.select %lt3A_1765, %add3A_1768, %xor3A_1762 : vector<16xi1>, vector<16xi32>
      %broadcast_in_dim3A_1770 = vector.shape_cast %select_n3A_1769 : vector<16xi32> to vector<16x1xi32>
      %gather3A_1771 = vector.shape_cast %broadcast_in_dim3A_1770 : vector<16x1xi32> to vector<16xi32>
      %gather3A_1772 = tpu.dynamic_gather %min3A_1759[%gather3A_1771] in [0] : vector<16xf32>, vector<16xi32> -> vector<16xf32>
      %min3A_1773 = arith.minimumf %min3A_1759, %gather3A_1772 : vector<16xf32>
      %select_n3A_1774 = arith.select %eq3A_1717, %min3A_1773, %select_n3A_1608 : vector<16xi1>, vector<16xf32>
      %eq3A_1775 = arith.constant 13 : i32
      %eq3A_1776 = vector.broadcast %eq3A_1775 : i32 to vector<16xi32>
      %eq3A_1777 = arith.cmpi eq, %iota3A_27, %eq3A_1776 : vector<16xi32>
      %xor3A_1778 = arith.constant 8 : i32
      %xor3A_1779 = vector.broadcast %xor3A_1778 : i32 to vector<16xi32>
      %xor3A_1780 = arith.xori %iota3A_27, %xor3A_1779 : vector<16xi32>
      %lt3A_1781 = arith.constant 0 : i32
      %lt3A_1782 = vector.broadcast %lt3A_1781 : i32 to vector<16xi32>
      %lt3A_1783 = arith.cmpi slt, %xor3A_1780, %lt3A_1782 : vector<16xi32>
      %add3A_1784 = arith.constant 16 : i32
      %add3A_1785 = vector.broadcast %add3A_1784 : i32 to vector<16xi32>
      %add3A_1786 = arith.addi %xor3A_1780, %add3A_1785 : vector<16xi32>
      %select_n3A_1787 = arith.select %lt3A_1783, %add3A_1786, %xor3A_1780 : vector<16xi1>, vector<16xi32>
      %broadcast_in_dim3A_1788 = vector.shape_cast %select_n3A_1787 : vector<16xi32> to vector<16x1xi32>
      %gather3A_1789 = vector.shape_cast %broadcast_in_dim3A_1788 : vector<16x1xi32> to vector<16xi32>
      %gather3A_1790 = tpu.dynamic_gather %scan3A_1713#1[%gather3A_1789] in [0] : vector<16xf32>, vector<16xi32> -> vector<16xf32>
      %min3A_1791 = arith.minimumf %scan3A_1713#1, %gather3A_1790 : vector<16xf32>
      %xor3A_1792 = arith.constant 4 : i32
      %xor3A_1793 = vector.broadcast %xor3A_1792 : i32 to vector<16xi32>
      %xor3A_1794 = arith.xori %iota3A_27, %xor3A_1793 : vector<16xi32>
      %lt3A_1795 = arith.constant 0 : i32
      %lt3A_1796 = vector.broadcast %lt3A_1795 : i32 to vector<16xi32>
      %lt3A_1797 = arith.cmpi slt, %xor3A_1794, %lt3A_1796 : vector<16xi32>
      %add3A_1798 = arith.constant 16 : i32
      %add3A_1799 = vector.broadcast %add3A_1798 : i32 to vector<16xi32>
      %add3A_1800 = arith.addi %xor3A_1794, %add3A_1799 : vector<16xi32>
      %select_n3A_1801 = arith.select %lt3A_1797, %add3A_1800, %xor3A_1794 : vector<16xi1>, vector<16xi32>
      %broadcast_in_dim3A_1802 = vector.shape_cast %select_n3A_1801 : vector<16xi32> to vector<16x1xi32>
      %gather3A_1803 = vector.shape_cast %broadcast_in_dim3A_1802 : vector<16x1xi32> to vector<16xi32>
      %gather3A_1804 = tpu.dynamic_gather %min3A_1791[%gather3A_1803] in [0] : vector<16xf32>, vector<16xi32> -> vector<16xf32>
      %min3A_1805 = arith.minimumf %min3A_1791, %gather3A_1804 : vector<16xf32>
      %xor3A_1806 = arith.constant 2 : i32
      %xor3A_1807 = vector.broadcast %xor3A_1806 : i32 to vector<16xi32>
      %xor3A_1808 = arith.xori %iota3A_27, %xor3A_1807 : vector<16xi32>
      %lt3A_1809 = arith.constant 0 : i32
      %lt3A_1810 = vector.broadcast %lt3A_1809 : i32 to vector<16xi32>
      %lt3A_1811 = arith.cmpi slt, %xor3A_1808, %lt3A_1810 : vector<16xi32>
      %add3A_1812 = arith.constant 16 : i32
      %add3A_1813 = vector.broadcast %add3A_1812 : i32 to vector<16xi32>
      %add3A_1814 = arith.addi %xor3A_1808, %add3A_1813 : vector<16xi32>
      %select_n3A_1815 = arith.select %lt3A_1811, %add3A_1814, %xor3A_1808 : vector<16xi1>, vector<16xi32>
      %broadcast_in_dim3A_1816 = vector.shape_cast %select_n3A_1815 : vector<16xi32> to vector<16x1xi32>
      %gather3A_1817 = vector.shape_cast %broadcast_in_dim3A_1816 : vector<16x1xi32> to vector<16xi32>
      %gather3A_1818 = tpu.dynamic_gather %min3A_1805[%gather3A_1817] in [0] : vector<16xf32>, vector<16xi32> -> vector<16xf32>
      %min3A_1819 = arith.minimumf %min3A_1805, %gather3A_1818 : vector<16xf32>
      %xor3A_1820 = arith.constant 1 : i32
      %xor3A_1821 = vector.broadcast %xor3A_1820 : i32 to vector<16xi32>
      %xor3A_1822 = arith.xori %iota3A_27, %xor3A_1821 : vector<16xi32>
      %lt3A_1823 = arith.constant 0 : i32
      %lt3A_1824 = vector.broadcast %lt3A_1823 : i32 to vector<16xi32>
      %lt3A_1825 = arith.cmpi slt, %xor3A_1822, %lt3A_1824 : vector<16xi32>
      %add3A_1826 = arith.constant 16 : i32
      %add3A_1827 = vector.broadcast %add3A_1826 : i32 to vector<16xi32>
      %add3A_1828 = arith.addi %xor3A_1822, %add3A_1827 : vector<16xi32>
      %select_n3A_1829 = arith.select %lt3A_1825, %add3A_1828, %xor3A_1822 : vector<16xi1>, vector<16xi32>
      %broadcast_in_dim3A_1830 = vector.shape_cast %select_n3A_1829 : vector<16xi32> to vector<16x1xi32>
      %gather3A_1831 = vector.shape_cast %broadcast_in_dim3A_1830 : vector<16x1xi32> to vector<16xi32>
      %gather3A_1832 = tpu.dynamic_gather %min3A_1819[%gather3A_1831] in [0] : vector<16xf32>, vector<16xi32> -> vector<16xf32>
      %min3A_1833 = arith.minimumf %min3A_1819, %gather3A_1832 : vector<16xf32>
      %select_n3A_1834 = arith.select %eq3A_1777, %min3A_1833, %select_n3A_1774 : vector<16xi1>, vector<16xf32>
      %broadcast_in_dim3A_1835 = arith.constant 14 : i32
      %broadcast_in_dim3A_1836 = vector.broadcast %broadcast_in_dim3A_1835 : i32 to vector<16xi32>
      %lt3A_1837 = arith.constant 0 : i32
      %lt3A_1838 = vector.broadcast %lt3A_1837 : i32 to vector<16xi32>
      %lt3A_1839 = arith.cmpi slt, %broadcast_in_dim3A_1836, %lt3A_1838 : vector<16xi32>
      %add3A_1840 = arith.constant 16 : i32
      %add3A_1841 = vector.broadcast %add3A_1840 : i32 to vector<16xi32>
      %add3A_1842 = arith.addi %broadcast_in_dim3A_1836, %add3A_1841 : vector<16xi32>
      %select_n3A_1843 = arith.select %lt3A_1839, %add3A_1842, %broadcast_in_dim3A_1836 : vector<16xi1>, vector<16xi32>
      %broadcast_in_dim3A_1844 = vector.shape_cast %select_n3A_1843 : vector<16xi32> to vector<16x1xi32>
      %gather3A_1845 = vector.shape_cast %broadcast_in_dim3A_1844 : vector<16x1xi32> to vector<16xi32>
      %gather3A_1846 = tpu.dynamic_gather %bitcast_convert_type3A_222[%gather3A_1845] in [0] : vector<16xf32>, vector<16xi32> -> vector<16xf32>
      %broadcast_in_dim3A_1847 = arith.constant 14 : i32
      %broadcast_in_dim3A_1848 = vector.broadcast %broadcast_in_dim3A_1847 : i32 to vector<16xi32>
      %lt3A_1849 = arith.constant 0 : i32
      %lt3A_1850 = vector.broadcast %lt3A_1849 : i32 to vector<16xi32>
      %lt3A_1851 = arith.cmpi slt, %broadcast_in_dim3A_1848, %lt3A_1850 : vector<16xi32>
      %add3A_1852 = arith.constant 16 : i32
      %add3A_1853 = vector.broadcast %add3A_1852 : i32 to vector<16xi32>
      %add3A_1854 = arith.addi %broadcast_in_dim3A_1848, %add3A_1853 : vector<16xi32>
      %select_n3A_1855 = arith.select %lt3A_1851, %add3A_1854, %broadcast_in_dim3A_1848 : vector<16xi1>, vector<16xi32>
      %broadcast_in_dim3A_1856 = vector.shape_cast %select_n3A_1855 : vector<16xi32> to vector<16x1xi32>
      %gather3A_1857 = vector.shape_cast %broadcast_in_dim3A_1856 : vector<16x1xi32> to vector<16xi32>
      %gather3A_1858 = tpu.dynamic_gather %bitcast_convert_type3A_237[%gather3A_1857] in [0] : vector<16xf32>, vector<16xi32> -> vector<16xf32>
      %broadcast_in_dim3A_1859 = arith.constant 14 : i32
      %broadcast_in_dim3A_1860 = vector.broadcast %broadcast_in_dim3A_1859 : i32 to vector<16xi32>
      %lt3A_1861 = arith.constant 0 : i32
      %lt3A_1862 = vector.broadcast %lt3A_1861 : i32 to vector<16xi32>
      %lt3A_1863 = arith.cmpi slt, %broadcast_in_dim3A_1860, %lt3A_1862 : vector<16xi32>
      %add3A_1864 = arith.constant 16 : i32
      %add3A_1865 = vector.broadcast %add3A_1864 : i32 to vector<16xi32>
      %add3A_1866 = arith.addi %broadcast_in_dim3A_1860, %add3A_1865 : vector<16xi32>
      %select_n3A_1867 = arith.select %lt3A_1863, %add3A_1866, %broadcast_in_dim3A_1860 : vector<16xi1>, vector<16xi32>
      %broadcast_in_dim3A_1868 = vector.shape_cast %select_n3A_1867 : vector<16xi32> to vector<16x1xi32>
      %gather3A_1869 = vector.shape_cast %broadcast_in_dim3A_1868 : vector<16x1xi32> to vector<16xi32>
      %gather3A_1870 = tpu.dynamic_gather %bitcast_convert_type3A_252[%gather3A_1869] in [0] : vector<16xf32>, vector<16xi32> -> vector<16xf32>
      %broadcast_in_dim3A_1871 = arith.constant 14 : i32
      %broadcast_in_dim3A_1872 = vector.broadcast %broadcast_in_dim3A_1871 : i32 to vector<16xi32>
      %lt3A_1873 = arith.constant 0 : i32
      %lt3A_1874 = vector.broadcast %lt3A_1873 : i32 to vector<16xi32>
      %lt3A_1875 = arith.cmpi slt, %broadcast_in_dim3A_1872, %lt3A_1874 : vector<16xi32>
      %add3A_1876 = arith.constant 16 : i32
      %add3A_1877 = vector.broadcast %add3A_1876 : i32 to vector<16xi32>
      %add3A_1878 = arith.addi %broadcast_in_dim3A_1872, %add3A_1877 : vector<16xi32>
      %select_n3A_1879 = arith.select %lt3A_1875, %add3A_1878, %broadcast_in_dim3A_1872 : vector<16xi1>, vector<16xi32>
      %broadcast_in_dim3A_1880 = vector.shape_cast %select_n3A_1879 : vector<16xi32> to vector<16x1xi32>
      %gather3A_1881 = vector.shape_cast %broadcast_in_dim3A_1880 : vector<16x1xi32> to vector<16xi32>
      %gather3A_1882 = tpu.dynamic_gather %add3A_208[%gather3A_1881] in [0] : vector<16xf32>, vector<16xi32> -> vector<16xf32>
      %broadcast_in_dim3A_1883 = arith.constant 15 : i32
      %broadcast_in_dim3A_1884 = vector.broadcast %broadcast_in_dim3A_1883 : i32 to vector<16xi32>
      %lt3A_1885 = arith.constant 0 : i32
      %lt3A_1886 = vector.broadcast %lt3A_1885 : i32 to vector<16xi32>
      %lt3A_1887 = arith.cmpi slt, %broadcast_in_dim3A_1884, %lt3A_1886 : vector<16xi32>
      %add3A_1888 = arith.constant 16 : i32
      %add3A_1889 = vector.broadcast %add3A_1888 : i32 to vector<16xi32>
      %add3A_1890 = arith.addi %broadcast_in_dim3A_1884, %add3A_1889 : vector<16xi32>
      %select_n3A_1891 = arith.select %lt3A_1887, %add3A_1890, %broadcast_in_dim3A_1884 : vector<16xi1>, vector<16xi32>
      %broadcast_in_dim3A_1892 = vector.shape_cast %select_n3A_1891 : vector<16xi32> to vector<16x1xi32>
      %gather3A_1893 = vector.shape_cast %broadcast_in_dim3A_1892 : vector<16x1xi32> to vector<16xi32>
      %gather3A_1894 = tpu.dynamic_gather %bitcast_convert_type3A_222[%gather3A_1893] in [0] : vector<16xf32>, vector<16xi32> -> vector<16xf32>
      %broadcast_in_dim3A_1895 = arith.constant 15 : i32
      %broadcast_in_dim3A_1896 = vector.broadcast %broadcast_in_dim3A_1895 : i32 to vector<16xi32>
      %lt3A_1897 = arith.constant 0 : i32
      %lt3A_1898 = vector.broadcast %lt3A_1897 : i32 to vector<16xi32>
      %lt3A_1899 = arith.cmpi slt, %broadcast_in_dim3A_1896, %lt3A_1898 : vector<16xi32>
      %add3A_1900 = arith.constant 16 : i32
      %add3A_1901 = vector.broadcast %add3A_1900 : i32 to vector<16xi32>
      %add3A_1902 = arith.addi %broadcast_in_dim3A_1896, %add3A_1901 : vector<16xi32>
      %select_n3A_1903 = arith.select %lt3A_1899, %add3A_1902, %broadcast_in_dim3A_1896 : vector<16xi1>, vector<16xi32>
      %broadcast_in_dim3A_1904 = vector.shape_cast %select_n3A_1903 : vector<16xi32> to vector<16x1xi32>
      %gather3A_1905 = vector.shape_cast %broadcast_in_dim3A_1904 : vector<16x1xi32> to vector<16xi32>
      %gather3A_1906 = tpu.dynamic_gather %bitcast_convert_type3A_237[%gather3A_1905] in [0] : vector<16xf32>, vector<16xi32> -> vector<16xf32>
      %broadcast_in_dim3A_1907 = arith.constant 15 : i32
      %broadcast_in_dim3A_1908 = vector.broadcast %broadcast_in_dim3A_1907 : i32 to vector<16xi32>
      %lt3A_1909 = arith.constant 0 : i32
      %lt3A_1910 = vector.broadcast %lt3A_1909 : i32 to vector<16xi32>
      %lt3A_1911 = arith.cmpi slt, %broadcast_in_dim3A_1908, %lt3A_1910 : vector<16xi32>
      %add3A_1912 = arith.constant 16 : i32
      %add3A_1913 = vector.broadcast %add3A_1912 : i32 to vector<16xi32>
      %add3A_1914 = arith.addi %broadcast_in_dim3A_1908, %add3A_1913 : vector<16xi32>
      %select_n3A_1915 = arith.select %lt3A_1911, %add3A_1914, %broadcast_in_dim3A_1908 : vector<16xi1>, vector<16xi32>
      %broadcast_in_dim3A_1916 = vector.shape_cast %select_n3A_1915 : vector<16xi32> to vector<16x1xi32>
      %gather3A_1917 = vector.shape_cast %broadcast_in_dim3A_1916 : vector<16x1xi32> to vector<16xi32>
      %gather3A_1918 = tpu.dynamic_gather %bitcast_convert_type3A_252[%gather3A_1917] in [0] : vector<16xf32>, vector<16xi32> -> vector<16xf32>
      %broadcast_in_dim3A_1919 = arith.constant 15 : i32
      %broadcast_in_dim3A_1920 = vector.broadcast %broadcast_in_dim3A_1919 : i32 to vector<16xi32>
      %lt3A_1921 = arith.constant 0 : i32
      %lt3A_1922 = vector.broadcast %lt3A_1921 : i32 to vector<16xi32>
      %lt3A_1923 = arith.cmpi slt, %broadcast_in_dim3A_1920, %lt3A_1922 : vector<16xi32>
      %add3A_1924 = arith.constant 16 : i32
      %add3A_1925 = vector.broadcast %add3A_1924 : i32 to vector<16xi32>
      %add3A_1926 = arith.addi %broadcast_in_dim3A_1920, %add3A_1925 : vector<16xi32>
      %select_n3A_1927 = arith.select %lt3A_1923, %add3A_1926, %broadcast_in_dim3A_1920 : vector<16xi1>, vector<16xi32>
      %broadcast_in_dim3A_1928 = vector.shape_cast %select_n3A_1927 : vector<16xi32> to vector<16x1xi32>
      %gather3A_1929 = vector.shape_cast %broadcast_in_dim3A_1928 : vector<16x1xi32> to vector<16xi32>
      %gather3A_1930 = tpu.dynamic_gather %add3A_208[%gather3A_1929] in [0] : vector<16xf32>, vector<16xi32> -> vector<16xf32>
      %broadcast_in_dim3A_1931 = arith.constant 1.000000e+30 : f32
      %broadcast_in_dim3A_1932 = vector.broadcast %broadcast_in_dim3A_1931 : f32 to vector<16xf32>
      %broadcast_in_dim3A_1933 = arith.constant 1.000000e+30 : f32
      %broadcast_in_dim3A_1934 = vector.broadcast %broadcast_in_dim3A_1933 : f32 to vector<16xf32>
      %scan3A_1935 = arith.constant 0 : i32
      %scan3A_1936 = arith.constant 128 : i32
      %scan3A_1937 = arith.addi %scan3A_1935, %scan3A_1936 : i32
      %scan3A_1938 = arith.constant 1 : i32
      %scan3A_1939:2 = scf.for %scan3A_2093 = %scan3A_1935 to %scan3A_1937 step %scan3A_1938 iter_args(%scan3A_2094 = %broadcast_in_dim3A_1932, %scan3A_2095 = %broadcast_in_dim3A_1934) -> (vector<16xf32>, vector<16xf32>)  : i32 {
        %mul3A_2096 = arith.constant 16 : i32
        %mul3A_2097 = arith.muli %scan3A_2093, %mul3A_2096 : i32
        %get3A_2098 = arith.constant 0 : i32
        %get3A_2099 = arith.index_cast %get3A_2098 : i32 to index
        %get3A_2100 = arith.index_cast %mul3A_2097 : i32 to index
        %get3A_2101 = tpu.vector_load %arg7[%get3A_2099, %get3A_2100] {strides = array<i32>} : memref<4x2048xf32, #tpu.memory_space<vmem>>, vector<1x16xf32>,
        %get3A_2102 = vector.shape_cast %get3A_2101 : vector<1x16xf32> to vector<16xf32>
        %get3A_2103 = arith.constant 1 : i32
        %get3A_2104 = arith.index_cast %get3A_2103 : i32 to index
        %get3A_2105 = arith.index_cast %mul3A_2097 : i32 to index
        %get3A_2106 = tpu.vector_load %arg7[%get3A_2104, %get3A_2105] {strides = array<i32>} : memref<4x2048xf32, #tpu.memory_space<vmem>>, vector<1x16xf32>,
        %get3A_2107 = vector.shape_cast %get3A_2106 : vector<1x16xf32> to vector<16xf32>
        %get3A_2108 = arith.constant 2 : i32
        %get3A_2109 = arith.index_cast %get3A_2108 : i32 to index
        %get3A_2110 = arith.index_cast %mul3A_2097 : i32 to index
        %get3A_2111 = tpu.vector_load %arg7[%get3A_2109, %get3A_2110] {strides = array<i32>} : memref<4x2048xf32, #tpu.memory_space<vmem>>, vector<1x16xf32>,
        %get3A_2112 = vector.shape_cast %get3A_2111 : vector<1x16xf32> to vector<16xf32>
        %get3A_2113 = arith.constant 3 : i32
        %get3A_2114 = arith.index_cast %get3A_2113 : i32 to index
        %get3A_2115 = arith.index_cast %mul3A_2097 : i32 to index
        %get3A_2116 = tpu.vector_load %arg7[%get3A_2114, %get3A_2115] {strides = array<i32>} : memref<4x2048xf32, #tpu.memory_space<vmem>>, vector<1x16xf32>,
        %get3A_2117 = vector.shape_cast %get3A_2116 : vector<1x16xf32> to vector<16xf32>
        %mul3A_2118 = arith.mulf %get3A_2102, %gather3A_1846 : vector<16xf32>
        %mul3A_2119 = arith.mulf %get3A_2107, %gather3A_1858 : vector<16xf32>
        %add3A_2120 = arith.addf %mul3A_2118, %mul3A_2119 : vector<16xf32>
        %mul3A_2121 = arith.mulf %get3A_2112, %gather3A_1870 : vector<16xf32>
        %add3A_2122 = arith.addf %add3A_2120, %mul3A_2121 : vector<16xf32>
        %add3A_2123 = arith.addf %gather3A_1882, %get3A_2117 : vector<16xf32>
        %add3A_2124 = arith.addf %add3A_2123, %add3A_2122 : vector<16xf32>
        %min3A_2125 = arith.minimumf %scan3A_2094, %add3A_2124 : vector<16xf32>
        %mul3A_2126 = arith.mulf %get3A_2102, %gather3A_1894 : vector<16xf32>
        %mul3A_2127 = arith.mulf %get3A_2107, %gather3A_1906 : vector<16xf32>
        %add3A_2128 = arith.addf %mul3A_2126, %mul3A_2127 : vector<16xf32>
        %mul3A_2129 = arith.mulf %get3A_2112, %gather3A_1918 : vector<16xf32>
        %add3A_2130 = arith.addf %add3A_2128, %mul3A_2129 : vector<16xf32>
        %add3A_2131 = arith.addf %gather3A_1930, %get3A_2117 : vector<16xf32>
        %add3A_2132 = arith.addf %add3A_2131, %add3A_2130 : vector<16xf32>
        %min3A_2133 = arith.minimumf %scan3A_2095, %add3A_2132 : vector<16xf32>
        scf.yield %min3A_2125, %min3A_2133 : vector<16xf32>, vector<16xf32>
      }
      %scan3A_1940 = arith.constant 128 : i32
      %eq3A_1941 = arith.constant 14 : i32
      %eq3A_1942 = vector.broadcast %eq3A_1941 : i32 to vector<16xi32>
      %eq3A_1943 = arith.cmpi eq, %iota3A_27, %eq3A_1942 : vector<16xi32>
      %xor3A_1944 = arith.constant 8 : i32
      %xor3A_1945 = vector.broadcast %xor3A_1944 : i32 to vector<16xi32>
      %xor3A_1946 = arith.xori %iota3A_27, %xor3A_1945 : vector<16xi32>
      %lt3A_1947 = arith.constant 0 : i32
      %lt3A_1948 = vector.broadcast %lt3A_1947 : i32 to vector<16xi32>
      %lt3A_1949 = arith.cmpi slt, %xor3A_1946, %lt3A_1948 : vector<16xi32>
      %add3A_1950 = arith.constant 16 : i32
      %add3A_1951 = vector.broadcast %add3A_1950 : i32 to vector<16xi32>
      %add3A_1952 = arith.addi %xor3A_1946, %add3A_1951 : vector<16xi32>
      %select_n3A_1953 = arith.select %lt3A_1949, %add3A_1952, %xor3A_1946 : vector<16xi1>, vector<16xi32>
      %broadcast_in_dim3A_1954 = vector.shape_cast %select_n3A_1953 : vector<16xi32> to vector<16x1xi32>
      %gather3A_1955 = vector.shape_cast %broadcast_in_dim3A_1954 : vector<16x1xi32> to vector<16xi32>
      %gather3A_1956 = tpu.dynamic_gather %scan3A_1939#0[%gather3A_1955] in [0] : vector<16xf32>, vector<16xi32> -> vector<16xf32>
      %min3A_1957 = arith.minimumf %scan3A_1939#0, %gather3A_1956 : vector<16xf32>
      %xor3A_1958 = arith.constant 4 : i32
      %xor3A_1959 = vector.broadcast %xor3A_1958 : i32 to vector<16xi32>
      %xor3A_1960 = arith.xori %iota3A_27, %xor3A_1959 : vector<16xi32>
      %lt3A_1961 = arith.constant 0 : i32
      %lt3A_1962 = vector.broadcast %lt3A_1961 : i32 to vector<16xi32>
      %lt3A_1963 = arith.cmpi slt, %xor3A_1960, %lt3A_1962 : vector<16xi32>
      %add3A_1964 = arith.constant 16 : i32
      %add3A_1965 = vector.broadcast %add3A_1964 : i32 to vector<16xi32>
      %add3A_1966 = arith.addi %xor3A_1960, %add3A_1965 : vector<16xi32>
      %select_n3A_1967 = arith.select %lt3A_1963, %add3A_1966, %xor3A_1960 : vector<16xi1>, vector<16xi32>
      %broadcast_in_dim3A_1968 = vector.shape_cast %select_n3A_1967 : vector<16xi32> to vector<16x1xi32>
      %gather3A_1969 = vector.shape_cast %broadcast_in_dim3A_1968 : vector<16x1xi32> to vector<16xi32>
      %gather3A_1970 = tpu.dynamic_gather %min3A_1957[%gather3A_1969] in [0] : vector<16xf32>, vector<16xi32> -> vector<16xf32>
      %min3A_1971 = arith.minimumf %min3A_1957, %gather3A_1970 : vector<16xf32>
      %xor3A_1972 = arith.constant 2 : i32
      %xor3A_1973 = vector.broadcast %xor3A_1972 : i32 to vector<16xi32>
      %xor3A_1974 = arith.xori %iota3A_27, %xor3A_1973 : vector<16xi32>
      %lt3A_1975 = arith.constant 0 : i32
      %lt3A_1976 = vector.broadcast %lt3A_1975 : i32 to vector<16xi32>
      %lt3A_1977 = arith.cmpi slt, %xor3A_1974, %lt3A_1976 : vector<16xi32>
      %add3A_1978 = arith.constant 16 : i32
      %add3A_1979 = vector.broadcast %add3A_1978 : i32 to vector<16xi32>
      %add3A_1980 = arith.addi %xor3A_1974, %add3A_1979 : vector<16xi32>
      %select_n3A_1981 = arith.select %lt3A_1977, %add3A_1980, %xor3A_1974 : vector<16xi1>, vector<16xi32>
      %broadcast_in_dim3A_1982 = vector.shape_cast %select_n3A_1981 : vector<16xi32> to vector<16x1xi32>
      %gather3A_1983 = vector.shape_cast %broadcast_in_dim3A_1982 : vector<16x1xi32> to vector<16xi32>
      %gather3A_1984 = tpu.dynamic_gather %min3A_1971[%gather3A_1983] in [0] : vector<16xf32>, vector<16xi32> -> vector<16xf32>
      %min3A_1985 = arith.minimumf %min3A_1971, %gather3A_1984 : vector<16xf32>
      %xor3A_1986 = arith.constant 1 : i32
      %xor3A_1987 = vector.broadcast %xor3A_1986 : i32 to vector<16xi32>
      %xor3A_1988 = arith.xori %iota3A_27, %xor3A_1987 : vector<16xi32>
      %lt3A_1989 = arith.constant 0 : i32
      %lt3A_1990 = vector.broadcast %lt3A_1989 : i32 to vector<16xi32>
      %lt3A_1991 = arith.cmpi slt, %xor3A_1988, %lt3A_1990 : vector<16xi32>
      %add3A_1992 = arith.constant 16 : i32
      %add3A_1993 = vector.broadcast %add3A_1992 : i32 to vector<16xi32>
      %add3A_1994 = arith.addi %xor3A_1988, %add3A_1993 : vector<16xi32>
      %select_n3A_1995 = arith.select %lt3A_1991, %add3A_1994, %xor3A_1988 : vector<16xi1>, vector<16xi32>
      %broadcast_in_dim3A_1996 = vector.shape_cast %select_n3A_1995 : vector<16xi32> to vector<16x1xi32>
      %gather3A_1997 = vector.shape_cast %broadcast_in_dim3A_1996 : vector<16x1xi32> to vector<16xi32>
      %gather3A_1998 = tpu.dynamic_gather %min3A_1985[%gather3A_1997] in [0] : vector<16xf32>, vector<16xi32> -> vector<16xf32>
      %min3A_1999 = arith.minimumf %min3A_1985, %gather3A_1998 : vector<16xf32>
      %select_n3A_2000 = arith.select %eq3A_1943, %min3A_1999, %select_n3A_1834 : vector<16xi1>, vector<16xf32>
      %eq3A_2001 = arith.constant 15 : i32
      %eq3A_2002 = vector.broadcast %eq3A_2001 : i32 to vector<16xi32>
      %eq3A_2003 = arith.cmpi eq, %iota3A_27, %eq3A_2002 : vector<16xi32>
      %xor3A_2004 = arith.constant 8 : i32
      %xor3A_2005 = vector.broadcast %xor3A_2004 : i32 to vector<16xi32>
      %xor3A_2006 = arith.xori %iota3A_27, %xor3A_2005 : vector<16xi32>
      %lt3A_2007 = arith.constant 0 : i32
      %lt3A_2008 = vector.broadcast %lt3A_2007 : i32 to vector<16xi32>
      %lt3A_2009 = arith.cmpi slt, %xor3A_2006, %lt3A_2008 : vector<16xi32>
      %add3A_2010 = arith.constant 16 : i32
      %add3A_2011 = vector.broadcast %add3A_2010 : i32 to vector<16xi32>
      %add3A_2012 = arith.addi %xor3A_2006, %add3A_2011 : vector<16xi32>
      %select_n3A_2013 = arith.select %lt3A_2009, %add3A_2012, %xor3A_2006 : vector<16xi1>, vector<16xi32>
      %broadcast_in_dim3A_2014 = vector.shape_cast %select_n3A_2013 : vector<16xi32> to vector<16x1xi32>
      %gather3A_2015 = vector.shape_cast %broadcast_in_dim3A_2014 : vector<16x1xi32> to vector<16xi32>
      %gather3A_2016 = tpu.dynamic_gather %scan3A_1939#1[%gather3A_2015] in [0] : vector<16xf32>, vector<16xi32> -> vector<16xf32>
      %min3A_2017 = arith.minimumf %scan3A_1939#1, %gather3A_2016 : vector<16xf32>
      %xor3A_2018 = arith.constant 4 : i32
      %xor3A_2019 = vector.broadcast %xor3A_2018 : i32 to vector<16xi32>
      %xor3A_2020 = arith.xori %iota3A_27, %xor3A_2019 : vector<16xi32>
      %lt3A_2021 = arith.constant 0 : i32
      %lt3A_2022 = vector.broadcast %lt3A_2021 : i32 to vector<16xi32>
      %lt3A_2023 = arith.cmpi slt, %xor3A_2020, %lt3A_2022 : vector<16xi32>
      %add3A_2024 = arith.constant 16 : i32
      %add3A_2025 = vector.broadcast %add3A_2024 : i32 to vector<16xi32>
      %add3A_2026 = arith.addi %xor3A_2020, %add3A_2025 : vector<16xi32>
      %select_n3A_2027 = arith.select %lt3A_2023, %add3A_2026, %xor3A_2020 : vector<16xi1>, vector<16xi32>
      %broadcast_in_dim3A_2028 = vector.shape_cast %select_n3A_2027 : vector<16xi32> to vector<16x1xi32>
      %gather3A_2029 = vector.shape_cast %broadcast_in_dim3A_2028 : vector<16x1xi32> to vector<16xi32>
      %gather3A_2030 = tpu.dynamic_gather %min3A_2017[%gather3A_2029] in [0] : vector<16xf32>, vector<16xi32> -> vector<16xf32>
      %min3A_2031 = arith.minimumf %min3A_2017, %gather3A_2030 : vector<16xf32>
      %xor3A_2032 = arith.constant 2 : i32
      %xor3A_2033 = vector.broadcast %xor3A_2032 : i32 to vector<16xi32>
      %xor3A_2034 = arith.xori %iota3A_27, %xor3A_2033 : vector<16xi32>
      %lt3A_2035 = arith.constant 0 : i32
      %lt3A_2036 = vector.broadcast %lt3A_2035 : i32 to vector<16xi32>
      %lt3A_2037 = arith.cmpi slt, %xor3A_2034, %lt3A_2036 : vector<16xi32>
      %add3A_2038 = arith.constant 16 : i32
      %add3A_2039 = vector.broadcast %add3A_2038 : i32 to vector<16xi32>
      %add3A_2040 = arith.addi %xor3A_2034, %add3A_2039 : vector<16xi32>
      %select_n3A_2041 = arith.select %lt3A_2037, %add3A_2040, %xor3A_2034 : vector<16xi1>, vector<16xi32>
      %broadcast_in_dim3A_2042 = vector.shape_cast %select_n3A_2041 : vector<16xi32> to vector<16x1xi32>
      %gather3A_2043 = vector.shape_cast %broadcast_in_dim3A_2042 : vector<16x1xi32> to vector<16xi32>
      %gather3A_2044 = tpu.dynamic_gather %min3A_2031[%gather3A_2043] in [0] : vector<16xf32>, vector<16xi32> -> vector<16xf32>
      %min3A_2045 = arith.minimumf %min3A_2031, %gather3A_2044 : vector<16xf32>
      %xor3A_2046 = arith.constant 1 : i32
      %xor3A_2047 = vector.broadcast %xor3A_2046 : i32 to vector<16xi32>
      %xor3A_2048 = arith.xori %iota3A_27, %xor3A_2047 : vector<16xi32>
      %lt3A_2049 = arith.constant 0 : i32
      %lt3A_2050 = vector.broadcast %lt3A_2049 : i32 to vector<16xi32>
      %lt3A_2051 = arith.cmpi slt, %xor3A_2048, %lt3A_2050 : vector<16xi32>
      %add3A_2052 = arith.constant 16 : i32
      %add3A_2053 = vector.broadcast %add3A_2052 : i32 to vector<16xi32>
      %add3A_2054 = arith.addi %xor3A_2048, %add3A_2053 : vector<16xi32>
      %select_n3A_2055 = arith.select %lt3A_2051, %add3A_2054, %xor3A_2048 : vector<16xi1>, vector<16xi32>
      %broadcast_in_dim3A_2056 = vector.shape_cast %select_n3A_2055 : vector<16xi32> to vector<16x1xi32>
      %gather3A_2057 = vector.shape_cast %broadcast_in_dim3A_2056 : vector<16x1xi32> to vector<16xi32>
      %gather3A_2058 = tpu.dynamic_gather %min3A_2045[%gather3A_2057] in [0] : vector<16xf32>, vector<16xi32> -> vector<16xf32>
      %min3A_2059 = arith.minimumf %min3A_2045, %gather3A_2058 : vector<16xf32>
      %select_n3A_2060 = arith.select %eq3A_2003, %min3A_2059, %select_n3A_2000 : vector<16xi1>, vector<16xf32>
      %max3A = arith.constant 9.99999996E-13 : f32
      %max3A_2061 = vector.broadcast %max3A : f32 to vector<16xf32>
      %max3A_2062 = arith.maximumf %select_n3A_2060, %max3A_2061 : vector<16xf32>
      %mul3A_2063 = arith.constant 5.000000e-01 : f32
      %mul3A_2064 = vector.broadcast %mul3A_2063 : f32 to vector<16xf32>
      %mul3A_2065 = arith.mulf %max3A_2062, %mul3A_2064 : vector<16xf32>
      %bitcast_convert_type3A_2066 = tpu.bitcast %max3A_2062 : vector<16xf32> -> vector<16xi32>
      %shift_right_logical3A_2067 = arith.constant 1 : i32
      %shift_right_logical3A_2068 = vector.broadcast %shift_right_logical3A_2067 : i32 to vector<16xi32>
      %shift_right_logical3A_2069 = arith.shrui %bitcast_convert_type3A_2066, %shift_right_logical3A_2068 : vector<16xi32>
      %sub3A = arith.constant 1597463007 : i32
      %sub3A_2070 = vector.broadcast %sub3A : i32 to vector<16xi32>
      %sub3A_2071 = arith.subi %sub3A_2070, %shift_right_logical3A_2069 : vector<16xi32>
      %bitcast_convert_type3A_2072 = tpu.bitcast %sub3A_2071 : vector<16xi32> -> vector<16xf32>
      %mul3A_2073 = arith.mulf %mul3A_2065, %bitcast_convert_type3A_2072 : vector<16xf32>
      %mul3A_2074 = arith.mulf %mul3A_2073, %bitcast_convert_type3A_2072 : vector<16xf32>
      %sub3A_2075 = arith.constant 1.500000e+00 : f32
      %sub3A_2076 = vector.broadcast %sub3A_2075 : f32 to vector<16xf32>
      %sub3A_2077 = arith.subf %sub3A_2076, %mul3A_2074 : vector<16xf32>
      %mul3A_2078 = arith.mulf %bitcast_convert_type3A_2072, %sub3A_2077 : vector<16xf32>
      %mul3A_2079 = arith.mulf %mul3A_2065, %mul3A_2078 : vector<16xf32>
      %mul3A_2080 = arith.mulf %mul3A_2079, %mul3A_2078 : vector<16xf32>
      %sub3A_2081 = arith.constant 1.500000e+00 : f32
      %sub3A_2082 = vector.broadcast %sub3A_2081 : f32 to vector<16xf32>
      %sub3A_2083 = arith.subf %sub3A_2082, %mul3A_2080 : vector<16xf32>
      %mul3A_2084 = arith.mulf %mul3A_2078, %sub3A_2083 : vector<16xf32>
      %mul3A_2085 = arith.mulf %mul3A_2065, %mul3A_2084 : vector<16xf32>
      %mul3A_2086 = arith.mulf %mul3A_2085, %mul3A_2084 : vector<16xf32>
      %sub3A_2087 = arith.constant 1.500000e+00 : f32
      %sub3A_2088 = vector.broadcast %sub3A_2087 : f32 to vector<16xf32>
      %sub3A_2089 = arith.subf %sub3A_2088, %mul3A_2086 : vector<16xf32>
      %mul3A_2090 = arith.mulf %mul3A_2084, %sub3A_2089 : vector<16xf32>
      %mul3A_2091 = arith.mulf %max3A_2062, %mul3A_2090 : vector<16xf32>
      %add3A_2092 = arith.addf %scan3A_42, %mul3A_2091 : vector<16xf32>
      scf.yield %add3A_2092 : vector<16xf32>
    }
    %scan3A_33 = arith.constant 4 : i32
    %scan3A_34 = arith.constant 1 : i32
    %mul3A_35 = arith.constant 4.8828125E-4 : f32
    %mul3A_36 = vector.broadcast %mul3A_35 : f32 to vector<16xf32>
    %mul3A_37 = arith.mulf %scan3A_32, %mul3A_36 : vector<16xf32>
    %swap3A = arith.constant 0 : index
    %swap3A_38 = tpu.vector_load %arg8[%swap3A] {strides = array<i32>} : memref<16xf32, #tpu.memory_space<vmem>>, vector<16xf32>,
    %swap3A_39 = vector.shape_cast %swap3A_38 : vector<16xf32> to vector<16xf32>
    %swap3A_40 = vector.shape_cast %mul3A_37 : vector<16xf32> to vector<16xf32>
    tpu.vector_store %arg8[%swap3A], %swap3A_40 {strides = array<i32>} : memref<16xf32, #tpu.memory_space<vmem>>, vector<16xf32>,
    "tpu.region"() ({
      %run_scoped3A = tpu.sem_alloc : memref<!tpu.dma_semaphore, #tpu.memory_space<semaphore_mem>>
      %dma_start3A = arith.constant 0 : i32
      %dma_start3A_41 = tpu.memref_slice %arg3[%add3A, %dma_start3A] : memref<32x16xf32, #tpu.memory_space<hbm>> -> memref<1x16xf32, #tpu.memory_space<hbm>>
      %dma_start3A_42 = tpu.memref_squeeze %dma_start3A_41 : memref<1x16xf32, #tpu.memory_space<hbm>> -> memref<16xf32, #tpu.memory_space<hbm>>
      %dma_start3A_43 = arith.constant 0 : i32
      %dma_start3A_44 = tpu.memref_slice %arg3[%add3A, %dma_start3A_43] : memref<32x16xf32, #tpu.memory_space<hbm>> -> memref<1x16xf32, #tpu.memory_space<hbm>>
      %dma_start3A_45 = tpu.memref_squeeze %dma_start3A_44 : memref<1x16xf32, #tpu.memory_space<hbm>> -> memref<16xf32, #tpu.memory_space<hbm>>
      tpu.enqueue_dma source(%arg8 : memref<16xf32, #tpu.memory_space<vmem>>) target(%dma_start3A_45 : memref<16xf32, #tpu.memory_space<hbm>>) target_semaphore(%run_scoped3A : memref<!tpu.dma_semaphore, #tpu.memory_space<semaphore_mem>>)
      %dma_wait3A = arith.constant 0 : i32
      %dma_wait3A_46 = tpu.memref_slice %arg3[%add3A, %dma_wait3A] : memref<32x16xf32, #tpu.memory_space<hbm>> -> memref<1x16xf32, #tpu.memory_space<hbm>>
      %dma_wait3A_47 = tpu.memref_squeeze %dma_wait3A_46 : memref<1x16xf32, #tpu.memory_space<hbm>> -> memref<16xf32, #tpu.memory_space<hbm>>
      %dma_wait3A_48 = arith.constant 0 : i32
      %dma_wait3A_49 = tpu.memref_slice %arg3[%add3A, %dma_wait3A_48] : memref<32x16xf32, #tpu.memory_space<hbm>> -> memref<1x16xf32, #tpu.memory_space<hbm>>
      %dma_wait3A_50 = tpu.memref_squeeze %dma_wait3A_49 : memref<1x16xf32, #tpu.memory_space<hbm>> -> memref<16xf32, #tpu.memory_space<hbm>>
      tpu.wait_dma2 semaphore(%run_scoped3A : memref<!tpu.dma_semaphore, #tpu.memory_space<semaphore_mem>>) src(%arg8 : memref<16xf32, #tpu.memory_space<vmem>>) dst(%dma_wait3A_50 : memref<16xf32, #tpu.memory_space<hbm>>)
      tpu.yield
    }) : () -> ()
    return
  }
}

module attributes {stable_mosaic.version = 14 : i64} {
  func.func @_tc_body(%arg0: i32, %arg1: memref<2x1x2048x3xf32, #tpu.memory_space<vmem>>, %arg2: memref<1x128xf32, #tpu.memory_space<vmem>>) attributes {dimension_semantics = [#tpu.dimension_semantics<arbitrary>], iteration_bounds = array<i64: 15>, scalar_prefetch = 0 : i64, scratch_operands = 0 : i64, tpu.core_type = #tpu.core_type<tc>, window_params = [{transform_indices = @transform_0, window_bounds = array<i64: 2, 1, 2048, 3>}, {pipeline_mode = #tpu.pipeline_mode<synchronous>, transform_indices = @transform_1, window_bounds = array<i64: 1, 128>}]} {
    %get3A = arith.constant 0 : index
    %get3A_0 = arith.constant 0 : index
    %get3A_1 = arith.constant 0 : index
    %get3A_2 = arith.constant 0 : index
    %get3A_3 = vector.load %arg1[%get3A, %get3A_0, %get3A_1, %get3A_2] : memref<2x1x2048x3xf32, #tpu.memory_space<vmem>>, vector<1x1x2048x3xf32>
    %get3A_4 = vector.shape_cast %get3A_3 : vector<1x1x2048x3xf32> to vector<2048x3xf32>
    %get3A_5 = arith.constant 1 : index
    %get3A_6 = arith.constant 0 : index
    %get3A_7 = arith.constant 0 : index
    %get3A_8 = arith.constant 0 : index
    %get3A_9 = vector.load %arg1[%get3A_5, %get3A_6, %get3A_7, %get3A_8] : memref<2x1x2048x3xf32, #tpu.memory_space<vmem>>, vector<1x1x2048x3xf32>
    %get3A_10 = vector.shape_cast %get3A_9 : vector<1x1x2048x3xf32> to vector<2048x3xf32>
    %mul3A = arith.constant -2.000000e+00 : f32
    %mul3A_11 = vector.broadcast %mul3A : f32 to vector<2048x3xf32>
    %mul3A_12 = arith.mulf %get3A_4, %mul3A_11 : vector<2048x3xf32>
    %dot_general3A = arith.constant dense<0.000000e+00> : vector<2048x2048xf32>
    %dot_general3A_13 = tpu.matmul %mul3A_12, %get3A_10, %dot_general3A {dimension_numbers = #tpu.dot_dimension_numbers<[1], [1], [0], [0], [0, 0, 1, 0], [], []>, transpose_lhs_hint = false} : vector<2048x3xf32>, vector<2048x3xf32>, vector<2048x2048xf32> -> vector<2048x2048xf32>
    %mul3A_14 = arith.mulf %get3A_4, %get3A_4 : vector<2048x3xf32>
    %reduce_sum3A = arith.constant dense<0.000000e+00> : vector<2048xf32>
    %reduce_sum3A_15 = vector.multi_reduction <add>, %mul3A_14, %reduce_sum3A [1] : vector<2048x3xf32> to vector<2048xf32>
    %mul3A_16 = arith.mulf %get3A_10, %get3A_10 : vector<2048x3xf32>
    %reduce_sum3A_17 = arith.constant dense<0.000000e+00> : vector<2048xf32>
    %reduce_sum3A_18 = vector.multi_reduction <add>, %mul3A_16, %reduce_sum3A_17 [1] : vector<2048x3xf32> to vector<2048xf32>
    %broadcast_in_dim3A = vector.shape_cast %reduce_sum3A_15 : vector<2048xf32> to vector<2048x1xf32>
    %add3A = vector.broadcast %broadcast_in_dim3A : vector<2048x1xf32> to vector<2048x2048xf32>
    %add3A_19 = arith.addf %add3A, %dot_general3A_13 : vector<2048x2048xf32>
    %broadcast_in_dim3A_20 = vector.shape_cast %reduce_sum3A_18 : vector<2048xf32> to vector<1x2048xf32>
    %add3A_21 = vector.broadcast %broadcast_in_dim3A_20 : vector<1x2048xf32> to vector<2048x2048xf32>
    %add3A_22 = arith.addf %add3A_19, %add3A_21 : vector<2048x2048xf32>
    %reduce_min3A = arith.constant dense<0x7F800000> : vector<2048xf32>
    %reduce_min3A_23 = vector.multi_reduction <minimumf>, %add3A_22, %reduce_min3A [0] : vector<2048x2048xf32> to vector<2048xf32>
    %reduce_min3A_24 = arith.constant dense<0x7F800000> : vector<2048xf32>
    %reduce_min3A_25 = vector.multi_reduction <minimumf>, %add3A_22, %reduce_min3A_24 [1] : vector<2048x2048xf32> to vector<2048xf32>
    %max3A = arith.constant 9.99999996E-13 : f32
    %max3A_26 = vector.broadcast %max3A : f32 to vector<2048xf32>
    %max3A_27 = arith.maximumf %reduce_min3A_23, %max3A_26 : vector<2048xf32>
    %sqrt3A = math.sqrt %max3A_27 : vector<2048xf32>
    %reduce_sum3A_28 = vector.shape_cast %sqrt3A : vector<2048xf32> to vector<1x2048xf32>
    %reduce_sum3A_29 = arith.constant dense<0.000000e+00> : vector<1xf32>
    %reduce_sum3A_30 = vector.multi_reduction <add>, %reduce_sum3A_28, %reduce_sum3A_29 [1] : vector<1x2048xf32> to vector<1xf32>
    %reduce_sum3A_31 = vector.shape_cast %reduce_sum3A_30 : vector<1xf32> to vector<1x1xf32>
    %reduce_sum3A_32 = vector.extract %reduce_sum3A_31[0, 0] : f32 from vector<1x1xf32>
    %div3A = arith.constant 2.048000e+03 : f32
    %div3A_33 = arith.divf %reduce_sum3A_32, %div3A : f32
    %max3A_34 = arith.constant 9.99999996E-13 : f32
    %max3A_35 = vector.broadcast %max3A_34 : f32 to vector<2048xf32>
    %max3A_36 = arith.maximumf %reduce_min3A_25, %max3A_35 : vector<2048xf32>
    %sqrt3A_37 = math.sqrt %max3A_36 : vector<2048xf32>
    %reduce_sum3A_38 = vector.shape_cast %sqrt3A_37 : vector<2048xf32> to vector<1x2048xf32>
    %reduce_sum3A_39 = arith.constant dense<0.000000e+00> : vector<1xf32>
    %reduce_sum3A_40 = vector.multi_reduction <add>, %reduce_sum3A_38, %reduce_sum3A_39 [1] : vector<1x2048xf32> to vector<1xf32>
    %reduce_sum3A_41 = vector.shape_cast %reduce_sum3A_40 : vector<1xf32> to vector<1x1xf32>
    %reduce_sum3A_42 = vector.extract %reduce_sum3A_41[0, 0] : f32 from vector<1x1xf32>
    %div3A_43 = arith.constant 2.048000e+03 : f32
    %div3A_44 = arith.divf %reduce_sum3A_42, %div3A_43 : f32
    %add3A_45 = arith.addf %div3A_33, %div3A_44 : f32
    %broadcast_in_dim3A_46 = vector.broadcast %add3A_45 : f32 to vector<1x128xf32>
    %eq3A = arith.constant 0 : i32
    %eq3A_47 = arith.cmpi eq, %arg0, %eq3A : i32
    %convert_element_type3A = arith.extui %eq3A_47 : i1 to i32
    %cond3A = arith.constant 0 : i32
    %cond3A_48 = arith.cmpi ne, %convert_element_type3A, %cond3A : i32
    scf.if %cond3A_48 {
      %swap3A = arith.constant 0 : index
      %swap3A_53 = arith.constant 0 : index
      %swap3A_54 = vector.load %arg2[%swap3A, %swap3A_53] : memref<1x128xf32, #tpu.memory_space<vmem>>, vector<1x128xf32>
      tpu.vector_store %arg2[%swap3A, %swap3A_53], %broadcast_in_dim3A_46 {strides = array<i32>} : memref<1x128xf32, #tpu.memory_space<vmem>>, vector<1x128xf32>,
    } else {
    }
    %ne3A = arith.constant 0 : i32
    %ne3A_49 = arith.cmpi ne, %arg0, %ne3A : i32
    %convert_element_type3A_50 = arith.extui %ne3A_49 : i1 to i32
    %cond3A_51 = arith.constant 0 : i32
    %cond3A_52 = arith.cmpi ne, %convert_element_type3A_50, %cond3A_51 : i32
    scf.if %cond3A_52 {
      %get3A_53 = arith.constant 0 : index
      %get3A_54 = arith.constant 0 : index
      %get3A_55 = vector.load %arg2[%get3A_53, %get3A_54] : memref<1x128xf32, #tpu.memory_space<vmem>>, vector<1x128xf32>
      %add3A_56 = arith.addf %get3A_55, %broadcast_in_dim3A_46 : vector<1x128xf32>
      %swap3A = arith.constant 0 : index
      %swap3A_57 = arith.constant 0 : index
      %swap3A_58 = vector.load %arg2[%swap3A, %swap3A_57] : memref<1x128xf32, #tpu.memory_space<vmem>>, vector<1x128xf32>
      tpu.vector_store %arg2[%swap3A, %swap3A_57], %add3A_56 {strides = array<i32>} : memref<1x128xf32, #tpu.memory_space<vmem>>, vector<1x128xf32>,
    } else {
    }
    return
  }
  func.func @transform_0(%arg0: i32) -> (i32, i32, i32, i32) {
    %add3A = arith.constant 1 : i32
    %add3A_0 = arith.addi %arg0, %add3A : i32
    %c0_i32 = arith.constant 0 : i32
    %c0_i32_1 = arith.constant 0 : i32
    %c0_i32_2 = arith.constant 0 : i32
    %c0_i32_3 = arith.constant 0 : i32
    return %c0_i32, %add3A_0, %c0_i32_1, %c0_i32_2 : i32, i32, i32, i32
  }
  func.func @transform_1(%arg0: i32) -> (i32, i32) {
    %c0_i32 = arith.constant 0 : i32
    %c0_i32_0 = arith.constant 0 : i32
    %c0_i32_1 = arith.constant 0 : i32
    return %c0_i32, %c0_i32_0 : i32, i32
  }
}

</mosaic_0001>

<sc_bundles>
// kernel: kernel.4.cloned.1.call-start
scs
__scs_entry_jumppad:
0x0: {  	(pc) =	sbr.rel $0x88, $3  }
0x1: {  	(tag) =	ssettag $0x0;
	lr =	simm.s32 $0x1  }
0x2: {  	[smem:$0x3F9F] =	sst lr;
	_ =	strace $0xD0000000  }
0x3: {  	_ = 	snop  }
0x4: {  	_ = 	snop  }
0x5: {  	_ = 	snop  }
0x6: {  	_ = 	snop  }
0x7: {  	_ = 	snop  }
__scs_overlays_trampoline_lowered:
0x8: {  	[smem:$0x3FAE] =	sst s0  }
0x9: {  	[smem:$0x3FAF] =	sst s1  }
0xa: {  	[smem:$0x3FB0] =	sst s2  }
0xb: {  	[smem:$0x3FB1] =	sst s3  }
0xc: {  	[smem:$0x3FB2] =	sst s4  }
0xd: {  	[smem:$0x3FB3] =	sst s5  }
0xe: {  	[smem:$0x3FB4] =	sst s6  }
0xf: {  	[smem:$0x3FB5] =	sst s7  }
0x10: {  	[smem:$0x3FB6] =	sst s8  }
0x11: {  	[smem:$0x3FB7] =	sst s9;
	s0 =	simm.s32 @!p0 $0x0  }
0x12: {  	s1 =	sld [smem:$0x3F9D];
	s0 =	simm.s32 @p0 $0x1  }
0x13: {  	[smem:$0x3FB8] =	sst s0;
	s0 =	simm.s32 @!p1 $0x0  }
0x14: {  	s2 =	sld [smem:$0x3F9C];
	s0 =	simm.s32 @p1 $0x1  }
0x15: {  	[smem:$0x3FB9] =	sst s0;
	s0 =	simm.s32 @!p2 $0x0  }
0x16: {  	s3 =	sld [smem:$0x3FDB];
	s0 =	simm.s32 @p2 $0x1  }
0x17: {  	s4 =	simm.s32 $0x1BF5;
	[smem:$0x3FBB] =	sst s0  }
0x18: {  	s0 =	sld [smem:$0x3F9E];
	_ =	swait.ge [sflag:s4], $0x0  }
0x19: {  	s7 =	sld [smem:$0x3F9F]  }
0x1a: {  	s8 =	sadd.s32 $0xFFFFE003, lr  }
0x1b: {  	s9 =	sadd.s32 $0xFFFFFEF7, lr;
	s5 =	simm.s32 $0xFFFFFFFF;
	p2 =	slt.u32 s8, $0xFFFFF086  }
0x1c: {  	p1 =	slt.u32 s9, $0xF7A;
	s5 =	simm.s32 @!p2 $0x0  }
0x1d: {  	s5 =	simm.s32 @p1 $0x1;
	p0 =	seq.s32 s7, s2  }
0x1e: {  	s7 =	smul.u32 @!p0 $0xF7A, s2;
	p2 =	seq.s32 @!p0 s5, $0x0  }
0x1f: {  	s9 =	smul.u32 $0xF7A, s1;
	s8 =	simm.s32 @!p0 $0x1BF5;
	p2 =	por !p2, p0  }
0x20: {  	[sflag:s8] =	ssyncset.s32 @!p0 $0xFFFFF086;
	s6 =	sadd.s32 @!p0 s3, s7;
	s7 =	simm.s32 @!p0 $0x108  }
0x21: {  	s3 =	sadd.s32 s3, s9;
	s6 =	sadd.s32 @!p0 $0x88, s6;
	s7 =	simm.s32 @p2 $0x1082  }
0x22: {  	[simem:s7], [sflag:s8] =	dma.local @!p0 [hbm:s6], $0xF7A  }
0x23: {  	s9 =	sor.u32 $0xD0000000, s2;
	s6 =	simm.s32 $0x108;
	_ =	swait.ge @!p0 [sflag:s8], $0x0  }
0x24: {  	s3 =	sadd.s32 $0x88, s3;
	s6 =	simm.s32 @!p1 $0x1082;
	[sflag:s4] =	ssyncset.s32 $0xFFFFF086  }
0x25: {  	[simem:s6], [sflag:s4] =	dma.local [hbm:s3], $0xF7A  }
0x26: {  	[smem:$0x3F9F] =	sst s1;
	(tag) =	ssettag s2;
	_ =	strace s9  }
0x27: {  	s1 =	sld [smem:$0x3FAF]  }
0x28: {  	s2 =	sld [smem:$0x3FB0]  }
0x29: {  	s4 =	sld [smem:$0x3FB2]  }
0x2a: {  	p0 =	seq.s32 s5, $0x0;
	s5 =	sld [smem:$0x3FB3]  }
0x2b: {  	s6 =	sld [smem:$0x3FB4]  }
0x2c: {  	s7 =	sld [smem:$0x3FB5]  }
0x2d: {  	s3 =	simm.s32 $0x108;
	s8 =	sld [smem:$0x3FB6]  }
0x2e: {  	s3 =	simm.s32 @!p0 $0x1082;
	s9 =	sld [smem:$0x3FB7]  }
0x2f: {  	lr =	sadd.s32 s0, s3;
	s0 =	sld [smem:$0x3FAE]  }
0x30: {  	s3 =	sld [smem:$0x3FB1]  }
0x31: {  	[smem:$0x3FBA] =	sst s10  }
0x32: {  	s10 =	sld [smem:$0x3FB8];
	_ =	sdelay $0x3  }
0x33: {  	p0 =	seq.s32 s10, $0x1;
	s10 =	sld [smem:$0x3FBA];
	_ =	sdelay $0x3  }
0x34: {  	[smem:$0x3FBA] =	sst s10  }
0x35: {  	s10 =	sld [smem:$0x3FB9];
	_ =	sdelay $0x3  }
0x36: {  	p1 =	seq.s32 s10, $0x1;
	s10 =	sld [smem:$0x3FBA];
	_ =	sdelay $0x3  }
0x37: {  	[smem:$0x3FBA] =	sst s10  }
0x38: {  	s10 =	sld [smem:$0x3FBB]  }
0x39: {  	_ = 	snop;
	(pc) =	sbr.ind lr, $3  }
0x3a: {  	_ = 	snop  }
0x3b: {  	_ = 	snop  }
0x3c: {  	p2 =	seq.s32 s10, $0x1;
	s10 =	sld [smem:$0x3FBA]  }
0x3d: {  	_ =	shalt  }
0x3e: {  	_ =	shalt  }
0x3f: {  	_ =	shalt  }
0x40: {  	_ =	shalt  }
0x41: {  	_ =	shalt  }
0x42: {  	_ =	shalt  }
0x43: {  	_ =	shalt  }
0x44: {  	_ =	shalt  }
0x45: {  	_ =	shalt  }
0x46: {  	_ =	shalt  }
0x47: {  	_ =	shalt  }
0x48: {  	_ =	shalt  }
0x49: {  	_ =	shalt  }
0x4a: {  	_ =	shalt  }
0x4b: {  	_ =	shalt  }
0x4c: {  	_ =	shalt  }
0x4d: {  	_ =	shalt  }
0x4e: {  	_ =	shalt  }
0x4f: {  	_ =	shalt  }
0x50: {  	_ =	shalt  }
0x51: {  	_ =	shalt  }
0x52: {  	_ =	shalt  }
0x53: {  	_ =	shalt  }
0x54: {  	_ =	shalt  }
0x55: {  	_ =	shalt  }
0x56: {  	_ =	shalt  }
0x57: {  	_ =	shalt  }
0x58: {  	_ =	shalt  }
0x59: {  	_ =	shalt  }
0x5a: {  	_ =	shalt  }
0x5b: {  	_ =	shalt  }
0x5c: {  	_ =	shalt  }
0x5d: {  	_ =	shalt  }
0x5e: {  	_ =	shalt  }
0x5f: {  	_ =	shalt  }
0x60: {  	_ =	shalt  }
0x61: {  	_ =	shalt  }
0x62: {  	_ =	shalt  }
0x63: {  	_ =	shalt  }
0x64: {  	_ =	shalt  }
0x65: {  	_ =	shalt  }
0x66: {  	_ =	shalt  }
0x67: {  	_ =	shalt  }
0x68: {  	_ =	shalt  }
0x69: {  	_ =	shalt  }
0x6a: {  	_ =	shalt  }
0x6b: {  	_ =	shalt  }
0x6c: {  	_ =	shalt  }
0x6d: {  	_ =	shalt  }
0x6e: {  	_ =	shalt  }
0x6f: {  	_ =	shalt  }
0x70: {  	_ =	shalt  }
0x71: {  	_ =	shalt  }
0x72: {  	_ =	shalt  }
0x73: {  	_ =	shalt  }
0x74: {  	_ =	shalt  }
0x75: {  	_ =	shalt  }
0x76: {  	_ =	shalt  }
0x77: {  	_ =	shalt  }
0x78: {  	_ =	shalt  }
0x79: {  	_ =	shalt  }
0x7a: {  	_ =	shalt  }
0x7b: {  	_ =	shalt  }
0x7c: {  	_ =	shalt  }
0x7d: {  	_ =	shalt  }
0x7e: {  	_ =	shalt  }
0x7f: {  	_ =	shalt  }
0x80: {  	_ =	shalt  }
0x81: {  	_ =	shalt  }
0x82: {  	_ =	shalt  }
0x83: {  	_ =	shalt  }
0x84: {  	_ =	shalt  }
0x85: {  	_ =	shalt  }
0x86: {  	_ =	shalt  }
0x87: {  	_ =	shalt  }
.Lfunc_end0:
.L_simem_size_0:
called_computation_lowered:
.L_overlay_start_0:
0x88: {  	s2 =	sld [smem:$0x3FD9]  }
0x89: {  	s3 =	sld [smem:$0x3FFE];
	_ =	sdelay $0x1  }
0x8a: {  	s1 =	srdreg.scid  }
0x8b: {  	s0 =	sand.u32 $0x1, s1  }
0x8c: {  	s16 =	sshll.u32 s0, $0xA;
	s2 =	sadd.s32 s3, s2  }
0x8d: {  	s2 =	sadd.s32 s2, s16  }
0x8e: {  	[smem:$0x3FC6] =	sst s2  }
0x8f: {  	_ = 	snop  }
0x90: {  	(tm) =	ssettm $0x1  }
0x91: {  	s17 =	sld [smem:$0x3FFB];
	_ =	sdelay $0x3  }
0x92: {  	_ =	strace s17  }
0x93: {  	s2 =	sld [smem:$0x3FFC];
	_ =	sdelay $0x3  }
0x94: {  	_ =	strace s2  }
0x95: {  	s2 =	sld [smem:$0x3FFD];
	_ =	sdelay $0x3  }
0x96: {  	_ =	strace s2  }
0x97: {  	_ =	strace $0x8FFFFFFF  }
0x98: {  	s18 =	sld [smem:$0x3FDB];
	_ =	sdelay $0x1  }
0x99: {  	s19 =	simm.s32 $_scs_section_size  }
0x9a: {  	s4 =	simm.s32 $_size__tile_overlayer_lowered;
	s5 =	simm.s32 $_tile_overlayer_lowered  }
0x9b: {  	s22 =	simm.s32 $0x1BFF;
	s21 =	sshll.u32 s5, $0x1;
	s2 =	sadd.s32 s19, s18  }
0x9c: {  	s6 =	simm.s32 $0x0;
	s20 =	sshll.u32 s4, $0x1;
	s4 =	sadd.s32 s21, s2  }
0x9d: {  	[timem:s6], [sflag:s22] =	dma.local [hbm:s4], s20  }
0x9e: {  	_ =	swait.ge [sflag:s22], s20  }
0x9f: {  	s3 =	ssub.s32 $0x0, s20;
	[sflag:s22] =	ssyncset.done $0x0  }
0xa0: {  	[sflag:s22] =	ssyncadd.s32 s3;
	_ =	sdelay $0x1  }
0xa1: {  	s23 =	simm.s32 $0x1B8B  }
0xa2: {  	_ =	swait.ge [sflag:s23], $0x1  }
0xa3: {  	[sflag:s23] =	ssyncset.done $0x0  }
0xa4: {  	s25 =	simm.s32 $0x1B8E;
	s24 =	sld [smem:$0x3FFE];
	[sflag:s23] =	ssyncadd.s32 $0xFFFFFFFF  }
0xa5: {  	s26 =	simm.s32 $execute0_lowered;
	[smem:$0x3FD2] =	sst s25  }
0xa6: {  	s4 =	sshll.u32 s26, $0x1;
	_ =	strace $0x80000046;
	[dreg:$0x1] =	wrdreg $0xFFFFFFFF  }
0xa7: {  	s28 =	simm.s32 $_size_execute0_lowered;
	s2 =	sadd.s32 s2, s4;
	[dreg:$0x0] =	wrdreg $0x0  }
0xa8: {  	s4 =	sshll.u32 s28, $0x1;
	[dreg:$0x2] =	wrdreg s2  }
0xa9: {  	[dreg:$0x3] =	wrdreg s4  }
0xaa: {  	[dreg:$0x4] =	wrdreg $0xC0  }
0xab: {  	_ =	task [dreg:s6], $0x5FFFF  }
0xac: {  	[dreg:$0x1] =	wrdreg $0xFFFFFFFF  }
0xad: {  	[dreg:$0x0] =	wrdreg $0x60  }
0xae: {  	[dreg:$0x2] =	wrdreg s24  }
0xaf: {  	[dreg:$0x3] =	wrdreg $0x9  }
0xb0: {  	_ =	task.clear_ibuf [dreg:s6], $0x4FFFF;
	_ =	strace $0x90000046  }
0xb1: {  	s29 =	simm.s32 $0x9;
	_ =	strace $0x80000048  }
0xb2: {  	_ =	swait.ge [sflag:s29], $0x1  }
0xb3: {  	[sflag:s29] =	ssyncadd.s32 $0xFFFFFFFF  }
0xb4: {  	_ =	strace $0x90000048  }
0xb5: {  	_ =	sfence  }
0xb6: {  	s30 =	sld [smem:$0x0];
	_ =	sdelay $0x2  }
0xb7: {  	s31 =	sshll.u32 s1, $0xD;
	s1 =	sshrl.u32 s1, $0x2  }
0xb8: {  	s3 =	sand.u32 $0x4000, s31;
	s1 =	sadd.s32 s1, s30  }
0xb9: {  	s0 =	sor.u32 s3, s0;
	s1 =	sshll.u32 s1, $0x11  }
0xba: {  	s0 =	sor.u32 s1, s0  }
0xbb: {  	s0 =	sadd.s32 $0x8F2B, s0  }
0xbc: {  	[sflag:s0] =	ssyncadd.remote.s32 $0x1  }
0xbd: {  	_ =	sfence.sel $0xFFFF  }
0xbe: {  	[dreg:$0x0] =	wrdreg $0xFFFFFFFF;
	(pc) =	sbr.abs _section_cstart, $3  }
0xbf: {  	[dreg:$0x1] =	wrdreg $0xFFFFFFFF  }
0xc0: {  	_ =	task.clear_ibuf [dreg:s6], $0x2FFFF;
	_ =	strace $0x9FFFFFFF  }
0xc1: {  	(tm) =	ssettm $0x7FFFFFFF  }
tec
execute0_lowered:
.L_overlay_start_1:
0x0: {  	(tag) =	ssettag $0x1  }
0x1: {  	v0 =	vimm.s32 $0xDA741EB8;
	v1 =	vimm.s32 $0x52FC9630;
	v2 =	vimm.s32 $0xEB852FC9  }
0x2: {  	v3 =	vimm.s32 $0x630DA741;
	v4 =	vimm.s32 $0xFC9630DA;
	v5 =	vimm.s32 $0x741EB852  }
0x3: {  	vm0 =	vcmask $0x3F2C;
	vm1 =	vmmov $0x3f;
	vm2 =	vmmov $0x1f  }
0x4: {  	vm3 =	vcmask $0x3F28;
	v6 =	vimm.s32 $0x32107654;
	v7 =	vimm.s32 $0xDCFE98BA  }
0x5: {  	v8 =	vimm.s32 $0x54761032;
	v9 =	vimm.s32 $0xEFCDAB89;
	v10 =	vimm.s32 $0x67452301  }
0x6: {  	v19 =	vimm.s32 $0xC;
	v20 =	vimm.s32 $0xD;
	v21 =	vimm.s32 $0xE  }
0x7: {  	v22 =	vimm.s32 $0xF;
	vm9 =	vmmov $0xff;
	vm10 =	vmmov $0x1ff  }
0x8: {  	vm11 =	vmmov $0x3ff;
	vm12 =	vmmov $0x7ff;
	vm13 =	vmmov $0xfff  }
0x9: {  	vm14 =	vmmov $0x1fff;
	vm15 =	vmmov $0x3fff;
	v0 =	vunpack.c.l.s4.s8 v0  }
0xa: {  	v1 =	vunpack.c.l.s4.s8 v1;
	v2 =	vunpack.c.l.s4.s8 v2;
	v3 =	vunpack.c.l.s4.s8 v3  }
0xb: {  	v4 =	vunpack.c.l.s4.s8 v4;
	v5 =	vunpack.c.l.s4.s8 v5;
	v6 =	vunpack.c.l.s4.s8 v6  }
0xc: {  	v7 =	vunpack.c.l.s4.s8 v7;
	v8 =	vunpack.c.l.s4.s8 v8;
	v9 =	vunpack.c.l.s4.s8 v9  }
0xd: {  	v10 =	vunpack.c.l.s4.s8 v10;
	v0 =	vunpack.c.0.s8.s32 v0;
	v1 =	vunpack.c.0.s8.s32 v1  }
0xe: {  	v2 =	vunpack.c.0.s8.s32 v2;
	v3 =	vunpack.c.0.s8.s32 v3;
	v6 =	vunpack.c.0.s8.s32 v6  }
0xf: {  	s1 =	rddreg [dreg:$0x0];
	v0 =	vcombine.low v1, v0;
	v1 =	vunpack.c.0.s8.s32 v4;
	v4 =	vunpack.c.0.s8.s32 v5  }
0x10: {  	s0 =	rddreg [dreg:$0x1];
	v7 =	vunpack.c.0.s8.s32 v7;
	v8 =	vunpack.c.0.s8.s32 v8;
	v2 =	vcombine.low v3, v2  }
0x11: {  	s4 =	srdreg.scid;
	s2 =	stileid.u32;
	v9 =	vunpack.c.0.s8.s32 v9;
	v5 =	vimm.s32 $0xBA98FEDC;
	v3 =	vcombine.low v4, v1  }
0x12: {  	s3 =	simm.s32 $0x0;
	s8 =	simm.s32 $0x80;
	s9 =	simm.s32 $0x100;
	v5 =	vunpack.c.l.s4.s8 v5;
	v1 =	vand.u32 $0xF, v2;
	v4 =	vimm.s32 $0xFEDCBA98  }
0x13: {  	s10 =	simm.s32 $0x1;
	s11 =	simm.s32 $0x1800;
	s12 =	simm.s32 $0x7000;
	v4 =	vunpack.c.l.s4.s8 v4;
	v2 =	vand.u32 $0xF, v3;
	v3 =	vimm.s32 $0x76543210  }
0x14: {  	s13 =	simm.s32 $0x0;
	s4 =	sand.u32 $0x1, s4;
	s5 =	sshll.u32 s2, $0x1;
	v10 =	vunpack.c.0.s8.s32 v10;
	v5 =	vunpack.c.0.s8.s32 v5;
	v3 =	vunpack.c.l.s4.s8 v3  }
0x15: {  	vm4 =	vmmov $0x7fff;
	[smem:$0x7FF] =	sst s3;
	s5 =	sor.u32 s4, s5;
	s4 =	ssub.s32 $0x2, s4;
	v7 =	vcombine.low v8, v7;
	v4 =	vunpack.c.0.s8.s32 v4  }
0x16: {  	_ =	strace $0x80000047;
	s6 =	sshll.u32 s5, $0x4;
	s7 =	sshrl.u32 s4, $0x1;
	v8 =	vcombine.low v10, v9;
	v6 =	vcombine.low v6, v5;
	v3 =	vunpack.c.0.s8.s32 v3  }
0x17: {  	s6 =	sadd.s32 s6, s1;
	s7 =	ssub.s32 s4, s7;
	s4 =	sshll.u32 s5, $0x6;
	v0 =	vand.u32 $0xF, v0;
	v7 =	vand.u32 $0xF, v7;
	v4 =	vand.u32 $0xF, v4  }
0x18: {  	s5 =	sadd.s32 $0x10, s1;
	s6 =	sadd.s32 $0x600, s6;
	s7 =	smax.u32 s7, $0x1;
	v8 =	vand.u32 $0xF, v8;
	v6 =	vand.u32 $0xF, v6;
	v5 =	vcombine.low v4, v3  }
.LBB2_1:
0x19: {  	[tilespmem:s3], [sflag:$0x1] =	stream.strided.gather [hbm4b:s1+s8], $0x1800, s9, s8, $0x38;
	[tilespmem:$0x7080] =	vst v63  }
0x1a: {  	_ =	swait.ge [sflag:s10], $0x1800  }
0x1b: {  	[sflag:s10] =	ssyncset.done $0x0  }
0x1c: {  	[sflag:s10] =	ssyncadd.s32 $0xFFFFE800  }
0x1d: {  	[tilespmem:s11], [sflag:$0x1] =	stream.strided.gather [hbm4b:s5+s8], $0x1800, s9, s8, $0x38;
	[tilespmem:$0x7080] =	vst v63  }
0x1e: {  	_ =	swait.ge [sflag:s10], $0x1800  }
0x1f: {  	[sflag:s10] =	ssyncset.done $0x0  }
0x20: {  	s14 =	simm.s32 $0x20;
	[sflag:s10] =	ssyncadd.s32 $0xFFFFE800  }
0x21: {  	v3 =	vld [tilespmem:s14+$0x0]  }
0x22: {  	v4 =	vld [tilespmem:s14+$0xFFFFFFF0];
	_ =	sdelay $0x1  }
0x23: {  	v9 =	vld [tilespmem:s14+$0xFFFFFFE0];
	_ =	sdelay $0x1  }
0x24: {  	v10 =	vperm.xlane v3, v0  }
0x25: {  	v11 =	vperm.xlane v3, v1;
	v12 =	vperm.xlane v4, v0  }
0x26: {  	v3 =	vperm.xlane v3, v2;
	v23 =	vperm.xlane v4, v1  }
0x27: {  	v4 =	vperm.xlane v4, v2;
	v24 =	vperm.xlane v9, v1  }
0x28: {  	v11 =	vsel vm0, v11, v23;
	v23 =	vperm.xlane v9, v0;
	v9 =	vperm.xlane v9, v2  }
0x29: {  	v10 =	vsel vm0, v10, v12;
	v3 =	vsel vm3, v3, v4;
	v4 =	vsel vm2, v24, v11  }
0x2a: {  	v10 =	vsel vm1, v23, v10;
	v11 =	vsel vm2, v9, v3;
	v3 =	vshrl.u32 v4, $0x10  }
0x2b: {  	v62 =	vmul.f32 v4, v4;
	v9 =	vmul.f32 v10, v10;
	v3 =	vand.u32 $0x1, v3  }
0x2c: {  	v23 =	vmul.f32 v11, v11;
	v63 =	vshrl.u32 v10, $0x10;
	v3 =	vadd.s32 v3, v4  }
0x2d: {  	v4 =	vshrl.u32 v11, $0x10;
	v3 =	vadd.s32 $0x7FFF, v3;
	v12 =	vadd.f32 v62, v9  }
0x2e: {  	s15 =	simm.s32 $0x10;
	v9 =	vand.u32 $0x1, v63;
	v4 =	vand.u32 $0x1, v4;
	v3 =	vand.u32 $0xFFFF0000, v3  }
0x2f: {  	s17 =	sand.u32 $0x70, s3;
	s18 =	sand.u32 $0x1E00, s3;
	s16 =	simm.s32 $0x0;
	v9 =	vadd.s32 v9, v10;
	v10 =	vadd.s32 v4, v11;
	v4 =	vadd.f32 v23, v12  }
.LBB2_2:
0x30: {  	v9 =	vadd.s32 $0x7FFF, v9;
	s17 =	sor.u32 s17, s18;
	v3 =	vmul.f32 $-2.000000000e+00, v3;
	v10 =	vadd.s32 $0x7FFF, v10;
	s16 =	sadd.s32 $0x40, s16;
	s14 =	sadd.s32 $0x30, s14  }
0x31: {  	p0 =	sne.s32 s15, $0x7F0;
	s18 =	smov.u32 s15;
	s15 =	sadd.s32 $0x10, s15;
	v9 =	vand.u32 $0xFFFF0000, v9;
	v10 =	vand.u32 $0xFFFF0000, v10;
	[tilespmem:s17+$0x3180] =	vst v4  }
0x32: {  	v4 =	vmul.f32 $-2.000000000e+00, v9;
	[tilespmem:s17+$0x3080] =	vst v3;
	v3 =	vmul.f32 $-2.000000000e+00, v10;
	_ =	sdelay $0x1  }
0x33: {  	[tilespmem:s17+$0x3100] =	vst v3  }
0x34: {  	[tilespmem:s17+$0x3000] =	vst v4  }
0x35: {  	v3 =	vld [tilespmem:s14+$0x0]  }
0x36: {  	v4 =	vld [tilespmem:s14+$0xFFFFFFF0]  }
0x37: {  	v9 =	vld [tilespmem:s14+$0xFFFFFFE0];
	_ =	sdelay $0x2  }
0x38: {  	v10 =	vperm.xlane v3, v0;
	v11 =	vperm.xlane v3, v1  }
0x39: {  	v3 =	vperm.xlane v3, v2;
	v12 =	vperm.xlane v4, v0  }
0x3a: {  	v23 =	vperm.xlane v4, v1;
	v4 =	vperm.xlane v4, v2  }
0x3b: {  	v24 =	vperm.xlane v9, v0;
	v10 =	vsel vm0, v10, v12;
	v12 =	vperm.xlane v9, v1  }
0x3c: {  	v11 =	vsel vm0, v11, v23;
	v9 =	vperm.xlane v9, v2;
	v3 =	vsel vm3, v3, v4  }
0x3d: {  	v4 =	vsel vm1, v24, v10;
	v10 =	vsel vm2, v12, v11  }
0x3e: {  	v11 =	vsel vm2, v9, v3;
	v9 =	vmul.f32 v4, v4;
	v3 =	vshrl.u32 v10, $0x10  }
.Ltmp0:
0x3f: {  	v12 =	vmul.f32 v10, v10;
	v23 =	vmul.f32 v11, v11;
	v3 =	vand.u32 $0x1, v3;
	(pc) =	sbr.rel @p0 .LBB2_2-.Ltmp0, $4  }
0x40: {  	v24 =	vshrl.u32 v4, $0x10;
	v3 =	vadd.s32 v3, v10  }
0x41: {  	v10 =	vshrl.u32 v11, $0x10;
	v12 =	vadd.f32 v12, v9;
	v3 =	vadd.s32 $0x7FFF, v3  }
0x42: {  	v9 =	vand.u32 $0x1, v24;
	v10 =	vand.u32 $0x1, v10;
	v3 =	vand.u32 $0xFFFF0000, v3  }
0x43: {  	s17 =	sand.u32 $0x70, s18;
	s18 =	sand.u32 $0x1E00, s16;
	v9 =	vadd.s32 v9, v4;
	v10 =	vadd.s32 v10, v11;
	v4 =	vadd.f32 v23, v12  }
0x44: {  	v10 =	vadd.s32 $0x7FFF, v10  }
0x45: {  	v9 =	vadd.s32 $0x7FFF, v9;
	s14 =	sor.u32 s17, s18;
	v3 =	vmul.f32 $-2.000000000e+00, v3;
	v10 =	vand.u32 $0xFFFF0000, v10  }
0x46: {  	v9 =	vand.u32 $0xFFFF0000, v9;
	[tilespmem:s14+$0x3180] =	vst v4;
	v4 =	vmul.f32 $-2.000000000e+00, v10  }
0x47: {  	v9 =	vmul.f32 $-2.000000000e+00, v9;
	[tilespmem:s14+$0x3080] =	vst v3  }
0x48: {  	[tilespmem:s14+$0x3100] =	vst v4  }
0x49: {  	s15 =	simm.s32 $0x1820;
	[tilespmem:s14+$0x3000] =	vst v9  }
0x4a: {  	v3 =	vld [tilespmem:s15+$0x0]  }
0x4b: {  	v4 =	vld [tilespmem:s15+$0xFFFFFFF0];
	_ =	sdelay $0x1  }
0x4c: {  	v9 =	vld [tilespmem:s15+$0xFFFFFFE0];
	_ =	sdelay $0x1  }
0x4d: {  	v10 =	vperm.xlane v3, v0  }
0x4e: {  	v11 =	vperm.xlane v3, v1;
	v12 =	vperm.xlane v4, v0  }
0x4f: {  	v3 =	vperm.xlane v3, v2;
	v23 =	vperm.xlane v4, v1  }
0x50: {  	v4 =	vperm.xlane v4, v2;
	v24 =	vperm.xlane v9, v1  }
0x51: {  	v11 =	vsel vm0, v11, v23;
	v23 =	vperm.xlane v9, v0;
	v9 =	vperm.xlane v9, v2  }
0x52: {  	v10 =	vsel vm0, v10, v12;
	v3 =	vsel vm3, v3, v4;
	v4 =	vsel vm2, v24, v11  }
0x53: {  	v10 =	vsel vm1, v23, v10;
	v11 =	vsel vm2, v9, v3;
	v3 =	vshrl.u32 v4, $0x10  }
0x54: {  	v62 =	vmul.f32 v4, v4;
	v9 =	vmul.f32 v10, v10;
	v3 =	vand.u32 $0x1, v3  }
0x55: {  	v23 =	vmul.f32 v11, v11;
	v63 =	vshrl.u32 v10, $0x10;
	v3 =	vadd.s32 v3, v4  }
0x56: {  	v4 =	vshrl.u32 v11, $0x10;
	v3 =	vadd.s32 $0x7FFF, v3;
	v12 =	vadd.f32 v62, v9  }
0x57: {  	s16 =	simm.s32 $0x10;
	s14 =	simm.s32 $0x0;
	v9 =	vand.u32 $0x1, v63;
	v4 =	vand.u32 $0x1, v4;
	v3 =	vand.u32 $0xFFFF0000, v3  }
0x58: {  	s17 =	simm.s32 $0x0;
	s18 =	sand.u32 $0x70, s14;
	s19 =	sand.u32 $0x1E00, s14;
	v9 =	vadd.s32 v9, v10;
	v10 =	vadd.s32 v4, v11;
	v4 =	vadd.f32 v23, v12  }
.LBB2_4:
0x59: {  	v9 =	vadd.s32 $0x7FFF, v9;
	s18 =	sor.u32 s18, s19;
	v3 =	vmul.f32 $-2.000000000e+00, v3;
	v10 =	vadd.s32 $0x7FFF, v10;
	s17 =	sadd.s32 $0x40, s17;
	s15 =	sadd.s32 $0x30, s15  }
0x5a: {  	p0 =	sne.s32 s16, $0x7F0;
	s19 =	smov.u32 s16;
	s16 =	sadd.s32 $0x10, s16;
	v9 =	vand.u32 $0xFFFF0000, v9;
	v10 =	vand.u32 $0xFFFF0000, v10;
	[tilespmem:s18+$0x5180] =	vst v4  }
0x5b: {  	v4 =	vmul.f32 $-2.000000000e+00, v9;
	[tilespmem:s18+$0x5080] =	vst v3;
	v3 =	vmul.f32 $-2.000000000e+00, v10;
	_ =	sdelay $0x1  }
0x5c: {  	[tilespmem:s18+$0x5100] =	vst v3  }
0x5d: {  	[tilespmem:s18+$0x5000] =	vst v4  }
0x5e: {  	v3 =	vld [tilespmem:s15+$0x0]  }
0x5f: {  	v4 =	vld [tilespmem:s15+$0xFFFFFFF0]  }
0x60: {  	v9 =	vld [tilespmem:s15+$0xFFFFFFE0];
	_ =	sdelay $0x2  }
0x61: {  	v10 =	vperm.xlane v3, v0;
	v11 =	vperm.xlane v3, v1  }
0x62: {  	v3 =	vperm.xlane v3, v2;
	v12 =	vperm.xlane v4, v0  }
0x63: {  	v23 =	vperm.xlane v4, v1;
	v4 =	vperm.xlane v4, v2  }
0x64: {  	v24 =	vperm.xlane v9, v0;
	v10 =	vsel vm0, v10, v12;
	v12 =	vperm.xlane v9, v1  }
0x65: {  	v11 =	vsel vm0, v11, v23;
	v9 =	vperm.xlane v9, v2;
	v3 =	vsel vm3, v3, v4  }
0x66: {  	v4 =	vsel vm1, v24, v10;
	v10 =	vsel vm2, v12, v11  }
0x67: {  	v11 =	vsel vm2, v9, v3;
	v9 =	vmul.f32 v4, v4;
	v3 =	vshrl.u32 v10, $0x10  }
.Ltmp1:
0x68: {  	v12 =	vmul.f32 v10, v10;
	v23 =	vmul.f32 v11, v11;
	v3 =	vand.u32 $0x1, v3;
	(pc) =	sbr.rel @p0 .LBB2_4-.Ltmp1, $4  }
0x69: {  	v24 =	vshrl.u32 v4, $0x10;
	v3 =	vadd.s32 v3, v10  }
0x6a: {  	v10 =	vshrl.u32 v11, $0x10;
	v12 =	vadd.f32 v12, v9;
	v3 =	vadd.s32 $0x7FFF, v3  }
0x6b: {  	v9 =	vand.u32 $0x1, v24;
	v10 =	vand.u32 $0x1, v10;
	v3 =	vand.u32 $0xFFFF0000, v3  }
0x6c: {  	s18 =	sand.u32 $0x70, s19;
	s19 =	sand.u32 $0x1E00, s17;
	v9 =	vadd.s32 v9, v4;
	v10 =	vadd.s32 v10, v11;
	v4 =	vadd.f32 v23, v12  }
0x6d: {  	v10 =	vadd.s32 $0x7FFF, v10  }
0x6e: {  	v9 =	vadd.s32 $0x7FFF, v9;
	s15 =	sor.u32 s18, s19;
	v3 =	vmul.f32 $-2.000000000e+00, v3;
	v10 =	vand.u32 $0xFFFF0000, v10  }
0x6f: {  	v9 =	vand.u32 $0xFFFF0000, v9;
	[tilespmem:s15+$0x5180] =	vst v4;
	v4 =	vmul.f32 $-2.000000000e+00, v10  }
0x70: {  	v9 =	vmul.f32 $-2.000000000e+00, v9;
	[tilespmem:s15+$0x5080] =	vst v3  }
0x71: {  	[tilespmem:s15+$0x5100] =	vst v4  }
0x72: {  	v23 =	vimm.f32 $0.0e+00;
	[tilespmem:s15+$0x5000] =	vst v9  }
.LBB2_6:
0x73: {  	s15 =	sshll.u32 s14, $0x4  }
0x74: {  	s15 =	sadd.s32 s4, s15  }
0x75: {  	s15 =	smul.u32 $0xC, s15;
	_ =	sdelay $0x1  }
0x76: {  	s15 =	sshra.s32 s15, $0x2  }
0x77: {  	v3 =	vld [tilespmem:s15+$0x1810]  }
0x78: {  	v4 =	vld [tilespmem:s15+$0x1820];
	_ =	sdelay $0x1  }
0x79: {  	v9 =	vld [tilespmem:s15+$0x1800];
	_ =	sdelay $0x2  }
0x7a: {  	v10 =	vperm.xlane v3, v0;
	v11 =	vperm.xlane v4, v0  }
0x7b: {  	vm3 =	vcmask $0x3F28;
	v12 =	vperm.xlane v3, v1;
	v24 =	vperm.xlane v4, v1  }
0x7c: {  	v25 =	vperm.xlane v9, v0;
	v10 =	vsel vm0, v11, v10;
	v11 =	vperm.xlane v9, v1  }
0x7d: {  	v3 =	vperm.xlane v3, v2;
	v4 =	vperm.xlane v4, v2;
	v12 =	vsel vm0, v24, v12  }
0x7e: {  	v9 =	vperm.xlane v9, v2;
	v10 =	vsel vm1, v25, v10;
	v11 =	vsel vm2, v11, v12  }
0x7f: {  	v3 =	vsel vm3, v4, v3;
	v4 =	vmul.f32 v10, v10;
	v12 =	vmul.f32 v11, v11  }
0x80: {  	v3 =	vsel vm2, v9, v3  }
0x81: {  	v9 =	vmul.f32 v3, v3;
	v4 =	vadd.f32 v12, v4;
	_ =	sdelay $0x1  }
0x82: {  	v24 =	vadd.f32 v9, v4;
	v4 =	vshrl.u32 v10, $0x10  }
0x83: {  	s30 =	simm.s32 $0x0;
	v62 =	vshrl.u32 v3, $0x10;
	v9 =	vshrl.u32 v11, $0x10;
	v4 =	vand.u32 $0x1, v4  }
0x84: {  	s16 =	sand.u32 $0x70, s30;
	s15 =	sand.u32 $0x1E00, s30;
	v9 =	vand.u32 $0x1, v9;
	v4 =	vadd.s32 v4, v10;
	v10 =	vand.u32 $0x1, v62  }
0x85: {  	s16 =	sor.u32 s16, s15;
	v9 =	vadd.s32 v9, v11;
	v4 =	vadd.s32 $0x7FFF, v4;
	v3 =	vadd.s32 v10, v3  }
0x86: {  	v9 =	vadd.s32 $0x7FFF, v9;
	v10 =	vld [tilespmem:s16+$0x3000];
	v25 =	vand.u32 $0xFFFF0000, v4;
	v3 =	vadd.s32 $0x7FFF, v3  }
0x87: {  	v26 =	vand.u32 $0xFFFF0000, v9;
	v4 =	vld [tilespmem:s16+$0x3080];
	v27 =	vand.u32 $0xFFFF0000, v3;
	v3 =	vimm.s32 $0x0  }
0x88: {  	v30 =	vperm.xlane v25, v3;
	v31 =	vperm.xlane v26, v3  }
0x89: {  	s31 =	simm.s32 $0x10;
	s17 =	simm.s32 $0x40;
	v11 =	vld [tilespmem:s16+$0x3100];
	v29 =	vperm.xlane v27, v3;
	v28 =	vperm.xlane v24, v3;
	v3 =	vimm.s32 $0x1  }
0x8a: {  	s17 =	sand.u32 $0x1E00, s17;
	s15 =	sand.u32 $0x70, s31;
	v35 =	vperm.xlane v25, v3;
	v36 =	vperm.xlane v26, v3  }
0x8b: {  	s15 =	sor.u32 s15, s17;
	v37 =	vld [tilespmem:s16+$0x3180];
	v34 =	vperm.xlane v27, v3;
	v32 =	vperm.xlane v24, v3  }
0x8c: {  	v39 =	vld [tilespmem:s15+$0x3000];
	v9 =	vmul.f32 v10, v35;
	v63 =	vmul.f32 v4, v36  }
0x8d: {  	v3 =	vld [tilespmem:s15+$0x3080];
	v38 =	vmul.f32 v10, v30;
	v4 =	vmul.f32 v4, v31  }
0x8e: {  	v33 =	vimm.f32 $1.000000020e+30;
	v10 =	vmul.f32 v11, v34;
	v9 =	vadd.f32 v63, v9  }
0x8f: {  	s17 =	simm.s32 $0x80;
	v40 =	vld [tilespmem:s15+$0x3100];
	s16 =	simm.s32 $0x20;
	v41 =	vmul.f32 v11, v29;
	v4 =	vadd.f32 v4, v38;
	v38 =	vimm.f32 $1.000000020e+30  }
.LBB2_7:
0x90: {  	s18 =	sand.u32 $0x70, s16;
	s19 =	sand.u32 $0x1E00, s17;
	v9 =	vadd.f32 v10, v9;
	v10 =	vadd.f32 v37, v32;
	p0 =	sne.s32 s16, $0x7F0  }
.Ltmp2:
0x91: {  	s16 =	sadd.s32 $0x10, s16;
	v12 =	vadd.f32 v37, v28;
	v11 =	vmul.f32 v39, v30;
	v4 =	vadd.f32 v41, v4;
	v37 =	vld [tilespmem:s15+$0x3180];
	s15 =	sor.u32 s18, s19;
	(pc) =	sbr.rel @p0 .LBB2_7-.Ltmp2, $4  }
0x92: {  	v41 =	vmul.f32 v39, v35;
	v39 =	vld [tilespmem:s15+$0x3000];
	v42 =	vmul.f32 v3, v36;
	v43 =	vadd.f32 v9, v10  }
0x93: {  	v44 =	vmul.f32 v3, v31;
	v3 =	vld [tilespmem:s15+$0x3080];
	v12 =	vadd.f32 v4, v12  }
0x94: {  	v9 =	vadd.f32 v42, v41;
	v10 =	vmul.f32 v40, v34;
	v33 =	vmin.f32 v33, v43  }
0x95: {  	s17 =	sadd.s32 $0x40, s17;
	v4 =	vadd.f32 v44, v11;
	v41 =	vmul.f32 v40, v29;
	v40 =	vld [tilespmem:s15+$0x3100];
	v38 =	vmin.f32 v38, v12  }
0x96: {  	v11 =	vld [tilespmem:s15+$0x3180]  }
0x97: {  	v30 =	vmul.f32 v39, v30  }
0x98: {  	v9 =	vadd.f32 v10, v9;
	v12 =	vmul.f32 v3, v36;
	v3 =	vmul.f32 v3, v31  }
0x99: {  	v60 =	vadd.f32 v37, v32;
	v10 =	vmul.f32 v39, v35;
	v4 =	vadd.f32 v41, v4  }
0x9a: {  	v31 =	vadd.f32 v37, v28;
	v3 =	vadd.f32 v3, v30;
	v29 =	vmul.f32 v40, v29  }
0x9b: {  	v10 =	vadd.f32 v12, v10;
	v61 =	vmul.f32 v40, v34;
	v62 =	vadd.f32 v11, v32  }
0x9c: {  	v11 =	vadd.f32 v11, v28;
	v3 =	vadd.f32 v29, v3  }
0x9d: {  	v4 =	vadd.f32 v4, v31;
	v10 =	vadd.f32 v61, v10  }
0x9e: {  	v9 =	vadd.f32 v9, v60;
	v3 =	vadd.f32 v3, v11  }
0x9f: {  	v4 =	vmin.f32 v38, v4;
	v10 =	vadd.f32 v10, v62  }
0xa0: {  	v9 =	vmin.f32 v33, v9;
	v3 =	vmin.f32 v4, v3  }
0xa1: {  	v9 =	vmin.f32 v9, v10;
	v4 =	vperm.xlane v3, v5  }
0xa2: {  	v10 =	vperm.xlane v9, v5  }
0xa3: {  	v3 =	vmin.f32 v3, v4  }
0xa4: {  	v4 =	vmin.f32 v9, v10;
	v9 =	vperm.xlane v3, v6  }
0xa5: {  	v10 =	vperm.xlane v4, v6  }
0xa6: {  	s30 =	simm.s32 $0x0;
	v3 =	vmin.f32 v3, v9  }
0xa7: {  	s16 =	sand.u32 $0x70, s30;
	s15 =	sand.u32 $0x1E00, s30;
	v4 =	vmin.f32 v4, v10;
	v9 =	vperm.xlane v3, v7  }
0xa8: {  	s16 =	sor.u32 s16, s15;
	v10 =	vperm.xlane v4, v7  }
0xa9: {  	v28 =	vmin.f32 v3, v9;
	v3 =	vld [tilespmem:s16+$0x3000]  }
0xaa: {  	v29 =	vmin.f32 v4, v10;
	v4 =	vld [tilespmem:s16+$0x3080];
	v9 =	vimm.s32 $0x2  }
0xab: {  	v34 =	vperm.xlane v25, v9;
	v35 =	vperm.xlane v26, v9  }
0xac: {  	s31 =	simm.s32 $0x10;
	s17 =	simm.s32 $0x40;
	v11 =	vld [tilespmem:s16+$0x3100];
	v33 =	vperm.xlane v27, v9;
	v32 =	vperm.xlane v24, v9;
	v9 =	vimm.s32 $0x3  }
0xad: {  	s17 =	sand.u32 $0x1E00, s17;
	s15 =	sand.u32 $0x70, s31;
	v39 =	vperm.xlane v25, v9;
	v40 =	vperm.xlane v26, v9  }
0xae: {  	s15 =	sor.u32 s15, s17;
	v41 =	vld [tilespmem:s16+$0x3180];
	v38 =	vperm.xlane v27, v9;
	v36 =	vperm.xlane v24, v9  }
0xaf: {  	v42 =	vimm.f32 $1.000000020e+30;
	v43 =	vld [tilespmem:s15+$0x3000];
	v9 =	vmul.f32 v3, v39;
	v10 =	vmul.f32 v4, v40  }
0xb0: {  	v37 =	vimm.f32 $1.000000020e+30;
	v63 =	vmul.f32 v3, v34;
	v4 =	vmul.f32 v4, v35;
	v3 =	vld [tilespmem:s15+$0x3080]  }
0xb1: {  	v30 =	vperm.xlane v28, v8;
	v9 =	vadd.f32 v10, v9;
	v10 =	vmul.f32 v11, v38  }
0xb2: {  	s17 =	simm.s32 $0x80;
	v44 =	vld [tilespmem:s15+$0x3100];
	s16 =	simm.s32 $0x20;
	v31 =	vperm.xlane v29, v8;
	v45 =	vmul.f32 v11, v33;
	v4 =	vadd.f32 v4, v63  }
.LBB2_9:
0xb3: {  	s18 =	sand.u32 $0x70, s16;
	s19 =	sand.u32 $0x1E00, s17;
	v9 =	vadd.f32 v10, v9;
	v10 =	vadd.f32 v41, v36;
	p0 =	sne.s32 s16, $0x7F0  }
.Ltmp3:
0xb4: {  	s16 =	sadd.s32 $0x10, s16;
	v12 =	vadd.f32 v41, v32;
	v11 =	vmul.f32 v43, v34;
	v4 =	vadd.f32 v45, v4;
	v41 =	vld [tilespmem:s15+$0x3180];
	s15 =	sor.u32 s18, s19;
	(pc) =	sbr.rel @p0 .LBB2_9-.Ltmp3, $4  }
0xb5: {  	v45 =	vmul.f32 v43, v39;
	v43 =	vld [tilespmem:s15+$0x3000];
	v46 =	vmul.f32 v3, v40;
	v47 =	vadd.f32 v9, v10  }
0xb6: {  	v48 =	vmul.f32 v3, v35;
	v3 =	vld [tilespmem:s15+$0x3080];
	v12 =	vadd.f32 v4, v12  }
0xb7: {  	v9 =	vadd.f32 v46, v45;
	v10 =	vmul.f32 v44, v38;
	v37 =	vmin.f32 v37, v47  }
0xb8: {  	s17 =	sadd.s32 $0x40, s17;
	v4 =	vadd.f32 v48, v11;
	v45 =	vmul.f32 v44, v33;
	v44 =	vld [tilespmem:s15+$0x3100];
	v42 =	vmin.f32 v42, v12  }
0xb9: {  	v11 =	vld [tilespmem:s15+$0x3180]  }
0xba: {  	v34 =	vmul.f32 v43, v34  }
0xbb: {  	v9 =	vadd.f32 v10, v9;
	v12 =	vmul.f32 v3, v40;
	v3 =	vmul.f32 v3, v35  }
0xbc: {  	v59 =	vadd.f32 v41, v36;
	v61 =	vadd.f32 v41, v32;
	v10 =	vmul.f32 v43, v39  }
0xbd: {  	v4 =	vadd.f32 v45, v4;
	v3 =	vadd.f32 v3, v34;
	v33 =	vmul.f32 v44, v33  }
0xbe: {  	v10 =	vadd.f32 v12, v10;
	v60 =	vmul.f32 v44, v38;
	v62 =	vadd.f32 v11, v36  }
0xbf: {  	v11 =	vadd.f32 v11, v32;
	v3 =	vadd.f32 v33, v3  }
0xc0: {  	v4 =	vadd.f32 v4, v61;
	v10 =	vadd.f32 v60, v10  }
0xc1: {  	v9 =	vadd.f32 v9, v59;
	v3 =	vadd.f32 v3, v11  }
0xc2: {  	v4 =	vmin.f32 v42, v4;
	v10 =	vadd.f32 v10, v62  }
0xc3: {  	v9 =	vmin.f32 v37, v9;
	v3 =	vmin.f32 v4, v3  }
0xc4: {  	v9 =	vmin.f32 v9, v10;
	v4 =	vperm.xlane v3, v5  }
0xc5: {  	v10 =	vperm.xlane v9, v5  }
0xc6: {  	v3 =	vmin.f32 v3, v4  }
0xc7: {  	v4 =	vmin.f32 v9, v10;
	v9 =	vperm.xlane v3, v6  }
0xc8: {  	v10 =	vperm.xlane v4, v6  }
0xc9: {  	s30 =	simm.s32 $0x0;
	v3 =	vmin.f32 v3, v9  }
0xca: {  	s16 =	sand.u32 $0x70, s30;
	s15 =	sand.u32 $0x1E00, s30;
	v4 =	vmin.f32 v4, v10;
	v9 =	vperm.xlane v3, v7  }
0xcb: {  	s16 =	sor.u32 s16, s15;
	v10 =	vperm.xlane v4, v7  }
0xcc: {  	v33 =	vmin.f32 v3, v9;
	v3 =	vld [tilespmem:s16+$0x3000]  }
0xcd: {  	v32 =	vmin.f32 v4, v10;
	v4 =	vld [tilespmem:s16+$0x3080];
	v9 =	vimm.s32 $0x4  }
0xce: {  	v38 =	vperm.xlane v25, v9;
	v39 =	vperm.xlane v26, v9  }
0xcf: {  	s31 =	simm.s32 $0x10;
	s17 =	simm.s32 $0x40;
	v11 =	vld [tilespmem:s16+$0x3100];
	v37 =	vperm.xlane v27, v9;
	v36 =	vperm.xlane v24, v9;
	v9 =	vimm.s32 $0x5  }
0xd0: {  	s17 =	sand.u32 $0x1E00, s17;
	s15 =	sand.u32 $0x70, s31;
	v43 =	vperm.xlane v25, v9;
	v44 =	vperm.xlane v26, v9  }
0xd1: {  	s15 =	sor.u32 s15, s17;
	v45 =	vld [tilespmem:s16+$0x3180];
	v42 =	vperm.xlane v27, v9;
	v40 =	vperm.xlane v24, v9  }
0xd2: {  	v41 =	vimm.f32 $1.000000020e+30;
	v47 =	vld [tilespmem:s15+$0x3000];
	v9 =	vmul.f32 v3, v43;
	v10 =	vmul.f32 v4, v44  }
0xd3: {  	v46 =	vimm.f32 $1.000000020e+30;
	v63 =	vmul.f32 v3, v38;
	v4 =	vmul.f32 v4, v39;
	v3 =	vld [tilespmem:s15+$0x3080]  }
0xd4: {  	v35 =	vperm.xlane v33, v8;
	v9 =	vadd.f32 v10, v9;
	v10 =	vmul.f32 v11, v42  }
0xd5: {  	s17 =	simm.s32 $0x80;
	v48 =	vld [tilespmem:s15+$0x3100];
	s16 =	simm.s32 $0x20;
	v34 =	vperm.xlane v32, v8;
	v49 =	vmul.f32 v11, v37;
	v4 =	vadd.f32 v4, v63  }
.LBB2_11:
0xd6: {  	s18 =	sand.u32 $0x70, s16;
	s19 =	sand.u32 $0x1E00, s17;
	v9 =	vadd.f32 v10, v9;
	v10 =	vadd.f32 v45, v40;
	p0 =	sne.s32 s16, $0x7F0  }
.Ltmp4:
0xd7: {  	s16 =	sadd.s32 $0x10, s16;
	v12 =	vadd.f32 v45, v36;
	v11 =	vmul.f32 v47, v38;
	v4 =	vadd.f32 v49, v4;
	v45 =	vld [tilespmem:s15+$0x3180];
	s15 =	sor.u32 s18, s19;
	(pc) =	sbr.rel @p0 .LBB2_11-.Ltmp4, $4  }
0xd8: {  	v49 =	vmul.f32 v47, v43;
	v47 =	vld [tilespmem:s15+$0x3000];
	v50 =	vmul.f32 v3, v44;
	v51 =	vadd.f32 v9, v10  }
0xd9: {  	v52 =	vmul.f32 v3, v39;
	v3 =	vld [tilespmem:s15+$0x3080];
	v12 =	vadd.f32 v4, v12  }
0xda: {  	v9 =	vadd.f32 v50, v49;
	v10 =	vmul.f32 v48, v42;
	v41 =	vmin.f32 v41, v51  }
0xdb: {  	s17 =	sadd.s32 $0x40, s17;
	v4 =	vadd.f32 v52, v11;
	v49 =	vmul.f32 v48, v37;
	v48 =	vld [tilespmem:s15+$0x3100];
	v46 =	vmin.f32 v46, v12  }
0xdc: {  	v11 =	vld [tilespmem:s15+$0x3180]  }
0xdd: {  	v38 =	vmul.f32 v47, v38  }
0xde: {  	v9 =	vadd.f32 v10, v9;
	v12 =	vmul.f32 v3, v44;
	v3 =	vmul.f32 v3, v39  }
0xdf: {  	v59 =	vadd.f32 v45, v40;
	v61 =	vadd.f32 v45, v36;
	v10 =	vmul.f32 v47, v43  }
0xe0: {  	v4 =	vadd.f32 v49, v4;
	v3 =	vadd.f32 v3, v38;
	v37 =	vmul.f32 v48, v37  }
0xe1: {  	v10 =	vadd.f32 v12, v10;
	v60 =	vmul.f32 v48, v42;
	v62 =	vadd.f32 v11, v40  }
0xe2: {  	v11 =	vadd.f32 v11, v36;
	v3 =	vadd.f32 v37, v3  }
0xe3: {  	v4 =	vadd.f32 v4, v61;
	v10 =	vadd.f32 v60, v10  }
0xe4: {  	v9 =	vadd.f32 v9, v59;
	v3 =	vadd.f32 v3, v11  }
0xe5: {  	v4 =	vmin.f32 v46, v4;
	v10 =	vadd.f32 v10, v62  }
0xe6: {  	v9 =	vmin.f32 v41, v9;
	v3 =	vmin.f32 v4, v3  }
0xe7: {  	v9 =	vmin.f32 v9, v10;
	v4 =	vperm.xlane v3, v5  }
0xe8: {  	v10 =	vperm.xlane v9, v5  }
0xe9: {  	v3 =	vmin.f32 v3, v4  }
0xea: {  	v4 =	vmin.f32 v9, v10;
	v9 =	vperm.xlane v3, v6  }
0xeb: {  	v10 =	vperm.xlane v4, v6  }
0xec: {  	s30 =	simm.s32 $0x0;
	v3 =	vmin.f32 v3, v9  }
0xed: {  	s16 =	sand.u32 $0x70, s30;
	s15 =	sand.u32 $0x1E00, s30;
	v4 =	vmin.f32 v4, v10;
	v9 =	vperm.xlane v3, v7  }
0xee: {  	s16 =	sor.u32 s16, s15;
	v10 =	vperm.xlane v4, v7  }
0xef: {  	v37 =	vmin.f32 v3, v9;
	v3 =	vld [tilespmem:s16+$0x3000]  }
0xf0: {  	v36 =	vmin.f32 v4, v10;
	v4 =	vld [tilespmem:s16+$0x3080];
	v9 =	vimm.s32 $0x6  }
0xf1: {  	v42 =	vperm.xlane v25, v9;
	v43 =	vperm.xlane v26, v9  }
0xf2: {  	s31 =	simm.s32 $0x10;
	s17 =	simm.s32 $0x40;
	v11 =	vld [tilespmem:s16+$0x3100];
	v41 =	vperm.xlane v27, v9;
	v40 =	vperm.xlane v24, v9;
	v9 =	vimm.s32 $0x7  }
0xf3: {  	s17 =	sand.u32 $0x1E00, s17;
	s15 =	sand.u32 $0x70, s31;
	v47 =	vperm.xlane v25, v9;
	v48 =	vperm.xlane v26, v9  }
0xf4: {  	s15 =	sor.u32 s15, s17;
	v49 =	vld [tilespmem:s16+$0x3180];
	v46 =	vperm.xlane v27, v9;
	v44 =	vperm.xlane v24, v9  }
0xf5: {  	v45 =	vimm.f32 $1.000000020e+30;
	v51 =	vld [tilespmem:s15+$0x3000];
	v9 =	vmul.f32 v3, v47;
	v10 =	vmul.f32 v4, v48  }
0xf6: {  	v50 =	vimm.f32 $1.000000020e+30;
	v63 =	vmul.f32 v3, v42;
	v4 =	vmul.f32 v4, v43;
	v3 =	vld [tilespmem:s15+$0x3080]  }
0xf7: {  	v39 =	vperm.xlane v37, v8;
	v9 =	vadd.f32 v10, v9;
	v10 =	vmul.f32 v11, v46  }
0xf8: {  	s17 =	simm.s32 $0x80;
	v52 =	vld [tilespmem:s15+$0x3100];
	s16 =	simm.s32 $0x20;
	v38 =	vperm.xlane v36, v8;
	v53 =	vmul.f32 v11, v41;
	v4 =	vadd.f32 v4, v63  }
.LBB2_13:
0xf9: {  	s18 =	sand.u32 $0x70, s16;
	s19 =	sand.u32 $0x1E00, s17;
	v9 =	vadd.f32 v10, v9;
	v10 =	vadd.f32 v49, v44;
	p0 =	sne.s32 s16, $0x7F0  }
.Ltmp5:
0xfa: {  	s16 =	sadd.s32 $0x10, s16;
	v12 =	vadd.f32 v49, v40;
	v11 =	vmul.f32 v51, v42;
	v4 =	vadd.f32 v53, v4;
	v49 =	vld [tilespmem:s15+$0x3180];
	s15 =	sor.u32 s18, s19;
	(pc) =	sbr.rel @p0 .LBB2_13-.Ltmp5, $4  }
0xfb: {  	v53 =	vmul.f32 v51, v47;
	v51 =	vld [tilespmem:s15+$0x3000];
	v54 =	vmul.f32 v3, v48;
	v55 =	vadd.f32 v9, v10  }
0xfc: {  	v56 =	vmul.f32 v3, v43;
	v3 =	vld [tilespmem:s15+$0x3080];
	v12 =	vadd.f32 v4, v12  }
0xfd: {  	v9 =	vadd.f32 v54, v53;
	v10 =	vmul.f32 v52, v46;
	v45 =	vmin.f32 v45, v55  }
0xfe: {  	s17 =	sadd.s32 $0x40, s17;
	v4 =	vadd.f32 v56, v11;
	v53 =	vmul.f32 v52, v41;
	v52 =	vld [tilespmem:s15+$0x3100];
	v50 =	vmin.f32 v50, v12  }
0xff: {  	v11 =	vld [tilespmem:s15+$0x3180]  }
0x100: {  	v42 =	vmul.f32 v51, v42  }
0x101: {  	v9 =	vadd.f32 v10, v9;
	v12 =	vmul.f32 v3, v48;
	v3 =	vmul.f32 v3, v43  }
0x102: {  	v59 =	vadd.f32 v49, v44;
	v61 =	vadd.f32 v49, v40;
	v10 =	vmul.f32 v51, v47  }
0x103: {  	v4 =	vadd.f32 v53, v4;
	v3 =	vadd.f32 v3, v42;
	v41 =	vmul.f32 v52, v41  }
0x104: {  	v10 =	vadd.f32 v12, v10;
	v60 =	vmul.f32 v52, v46;
	v62 =	vadd.f32 v11, v44  }
0x105: {  	v11 =	vadd.f32 v11, v40;
	v3 =	vadd.f32 v41, v3  }
0x106: {  	v4 =	vadd.f32 v4, v61;
	v10 =	vadd.f32 v60, v10  }
0x107: {  	v9 =	vadd.f32 v9, v59;
	v3 =	vadd.f32 v3, v11  }
0x108: {  	v4 =	vmin.f32 v50, v4;
	v10 =	vadd.f32 v10, v62  }
0x109: {  	v9 =	vmin.f32 v45, v9;
	v3 =	vmin.f32 v4, v3  }
0x10a: {  	v9 =	vmin.f32 v9, v10;
	v4 =	vperm.xlane v3, v5  }
0x10b: {  	v10 =	vperm.xlane v9, v5  }
0x10c: {  	v3 =	vmin.f32 v3, v4  }
0x10d: {  	v4 =	vmin.f32 v9, v10;
	v9 =	vperm.xlane v3, v6  }
0x10e: {  	v10 =	vperm.xlane v4, v6  }
0x10f: {  	s30 =	simm.s32 $0x0;
	v3 =	vmin.f32 v3, v9  }
0x110: {  	s16 =	sand.u32 $0x70, s30;
	s15 =	sand.u32 $0x1E00, s30;
	v4 =	vmin.f32 v4, v10;
	v9 =	vperm.xlane v3, v7  }
0x111: {  	s16 =	sor.u32 s16, s15;
	v10 =	vperm.xlane v4, v7  }
0x112: {  	v41 =	vmin.f32 v3, v9;
	v3 =	vld [tilespmem:s16+$0x3000]  }
0x113: {  	v40 =	vmin.f32 v4, v10;
	v4 =	vld [tilespmem:s16+$0x3080];
	v9 =	vimm.s32 $0x8  }
0x114: {  	v46 =	vperm.xlane v25, v9;
	v47 =	vperm.xlane v26, v9  }
0x115: {  	s31 =	simm.s32 $0x10;
	s17 =	simm.s32 $0x40;
	v11 =	vld [tilespmem:s16+$0x3100];
	v45 =	vperm.xlane v27, v9;
	v44 =	vperm.xlane v24, v9;
	v9 =	vimm.s32 $0x9  }
0x116: {  	s17 =	sand.u32 $0x1E00, s17;
	s15 =	sand.u32 $0x70, s31;
	v51 =	vperm.xlane v25, v9;
	v52 =	vperm.xlane v26, v9  }
0x117: {  	s15 =	sor.u32 s15, s17;
	v53 =	vld [tilespmem:s16+$0x3180];
	v50 =	vperm.xlane v27, v9;
	v48 =	vperm.xlane v24, v9  }
0x118: {  	v49 =	vimm.f32 $1.000000020e+30;
	v55 =	vld [tilespmem:s15+$0x3000];
	v9 =	vmul.f32 v3, v51;
	v10 =	vmul.f32 v4, v52  }
0x119: {  	v54 =	vimm.f32 $1.000000020e+30;
	v63 =	vmul.f32 v3, v46;
	v4 =	vmul.f32 v4, v47;
	v3 =	vld [tilespmem:s15+$0x3080]  }
0x11a: {  	v43 =	vperm.xlane v41, v8;
	v9 =	vadd.f32 v10, v9;
	v10 =	vmul.f32 v11, v50  }
0x11b: {  	s17 =	simm.s32 $0x80;
	v56 =	vld [tilespmem:s15+$0x3100];
	s16 =	simm.s32 $0x20;
	v42 =	vperm.xlane v40, v8;
	v57 =	vmul.f32 v11, v45;
	v4 =	vadd.f32 v4, v63  }
.LBB2_15:
0x11c: {  	s18 =	sand.u32 $0x70, s16;
	s19 =	sand.u32 $0x1E00, s17;
	v9 =	vadd.f32 v10, v9;
	v10 =	vadd.f32 v53, v48;
	p0 =	sne.s32 s16, $0x7F0  }
.Ltmp6:
0x11d: {  	s16 =	sadd.s32 $0x10, s16;
	v12 =	vadd.f32 v53, v44;
	v11 =	vmul.f32 v55, v46;
	v4 =	vadd.f32 v57, v4;
	v53 =	vld [tilespmem:s15+$0x3180];
	s15 =	sor.u32 s18, s19;
	(pc) =	sbr.rel @p0 .LBB2_15-.Ltmp6, $4  }
0x11e: {  	v57 =	vmul.f32 v55, v51;
	v55 =	vld [tilespmem:s15+$0x3000];
	v58 =	vmul.f32 v3, v52;
	v59 =	vadd.f32 v9, v10  }
0x11f: {  	v60 =	vmul.f32 v3, v47;
	v3 =	vld [tilespmem:s15+$0x3080];
	v12 =	vadd.f32 v4, v12  }
0x120: {  	v9 =	vadd.f32 v58, v57;
	v10 =	vmul.f32 v56, v50;
	v49 =	vmin.f32 v49, v59  }
0x121: {  	s17 =	sadd.s32 $0x40, s17;
	v4 =	vadd.f32 v60, v11;
	v57 =	vmul.f32 v56, v45;
	v56 =	vld [tilespmem:s15+$0x3100];
	v54 =	vmin.f32 v54, v12  }
0x122: {  	v11 =	vld [tilespmem:s15+$0x3180]  }
0x123: {  	v46 =	vmul.f32 v55, v46  }
0x124: {  	v9 =	vadd.f32 v10, v9;
	v12 =	vmul.f32 v3, v52;
	v3 =	vmul.f32 v3, v47  }
0x125: {  	v60 =	vadd.f32 v53, v48;
	v62 =	vadd.f32 v53, v44;
	v10 =	vmul.f32 v55, v51  }
0x126: {  	v4 =	vadd.f32 v57, v4;
	v3 =	vadd.f32 v3, v46;
	v45 =	vmul.f32 v56, v45  }
0x127: {  	v10 =	vadd.f32 v12, v10;
	v61 =	vmul.f32 v56, v50;
	v63 =	vadd.f32 v11, v48  }
0x128: {  	v11 =	vadd.f32 v11, v44;
	v3 =	vadd.f32 v45, v3  }
0x129: {  	v4 =	vadd.f32 v4, v62;
	v10 =	vadd.f32 v61, v10  }
0x12a: {  	v9 =	vadd.f32 v9, v60;
	v3 =	vadd.f32 v3, v11  }
0x12b: {  	v4 =	vmin.f32 v54, v4;
	v10 =	vadd.f32 v10, v63  }
0x12c: {  	v9 =	vmin.f32 v49, v9;
	v3 =	vmin.f32 v4, v3  }
0x12d: {  	v9 =	vmin.f32 v9, v10;
	v4 =	vperm.xlane v3, v5  }
0x12e: {  	v10 =	vperm.xlane v9, v5  }
0x12f: {  	v3 =	vmin.f32 v3, v4  }
0x130: {  	v4 =	vmin.f32 v9, v10;
	v9 =	vperm.xlane v3, v6  }
0x131: {  	v10 =	vperm.xlane v4, v6  }
0x132: {  	s30 =	simm.s32 $0x0;
	v3 =	vmin.f32 v3, v9  }
0x133: {  	s16 =	sand.u32 $0x70, s30;
	s15 =	sand.u32 $0x1E00, s30;
	v4 =	vmin.f32 v4, v10;
	v9 =	vperm.xlane v3, v7  }
0x134: {  	s16 =	sor.u32 s16, s15;
	v10 =	vperm.xlane v4, v7  }
0x135: {  	v46 =	vmin.f32 v3, v9;
	v3 =	vld [tilespmem:s16+$0x3000]  }
0x136: {  	v44 =	vmin.f32 v4, v10;
	v4 =	vld [tilespmem:s16+$0x3080];
	v9 =	vimm.s32 $0xA  }
0x137: {  	v50 =	vperm.xlane v25, v9;
	v51 =	vperm.xlane v26, v9  }
0x138: {  	s31 =	simm.s32 $0x10;
	s17 =	simm.s32 $0x40;
	v11 =	vld [tilespmem:s16+$0x3100];
	v49 =	vperm.xlane v27, v9;
	v48 =	vperm.xlane v24, v9;
	v9 =	vimm.s32 $0xB  }
0x139: {  	s17 =	sand.u32 $0x1E00, s17;
	s15 =	sand.u32 $0x70, s31;
	v55 =	vperm.xlane v25, v9;
	v56 =	vperm.xlane v26, v9  }
0x13a: {  	s15 =	sor.u32 s15, s17;
	v57 =	vld [tilespmem:s16+$0x3180];
	v54 =	vperm.xlane v27, v9;
	v52 =	vperm.xlane v24, v9  }
0x13b: {  	v53 =	vimm.f32 $1.000000020e+30;
	v59 =	vld [tilespmem:s15+$0x3000];
	v9 =	vmul.f32 v3, v55;
	v10 =	vmul.f32 v4, v56  }
0x13c: {  	v58 =	vimm.f32 $1.000000020e+30;
	v12 =	vmul.f32 v3, v50;
	v4 =	vmul.f32 v4, v51;
	v3 =	vld [tilespmem:s15+$0x3080]  }
0x13d: {  	v47 =	vperm.xlane v46, v8;
	v9 =	vadd.f32 v10, v9;
	v10 =	vmul.f32 v11, v54  }
0x13e: {  	s17 =	simm.s32 $0x80;
	v60 =	vld [tilespmem:s15+$0x3100];
	s16 =	simm.s32 $0x20;
	v45 =	vperm.xlane v44, v8;
	v61 =	vmul.f32 v11, v49;
	v4 =	vadd.f32 v4, v12  }
.LBB2_17:
0x13f: {  	s18 =	sand.u32 $0x70, s16;
	s19 =	sand.u32 $0x1E00, s17;
	v9 =	vadd.f32 v10, v9;
	v10 =	vadd.f32 v57, v52;
	p0 =	sne.s32 s16, $0x7F0  }
.Ltmp7:
0x140: {  	s16 =	sadd.s32 $0x10, s16;
	v12 =	vadd.f32 v57, v48;
	v11 =	vmul.f32 v59, v50;
	v4 =	vadd.f32 v61, v4;
	v57 =	vld [tilespmem:s15+$0x3180];
	s15 =	sor.u32 s18, s19;
	(pc) =	sbr.rel @p0 .LBB2_17-.Ltmp7, $4  }
0x141: {  	v61 =	vmul.f32 v59, v55;
	v59 =	vld [tilespmem:s15+$0x3000];
	v62 =	vmul.f32 v3, v56;
	v63 =	vadd.f32 v9, v10  }
0x142: {  	v13 =	vmul.f32 v3, v51;
	v3 =	vld [tilespmem:s15+$0x3080];
	v12 =	vadd.f32 v4, v12  }
0x143: {  	v9 =	vadd.f32 v62, v61;
	v10 =	vmul.f32 v60, v54;
	v53 =	vmin.f32 v53, v63  }
0x144: {  	s17 =	sadd.s32 $0x40, s17;
	v4 =	vadd.f32 v13, v11;
	v61 =	vmul.f32 v60, v49;
	v60 =	vld [tilespmem:s15+$0x3100];
	v58 =	vmin.f32 v58, v12  }
0x145: {  	_ = 	snop  }
0x146: {  	v11 =	vld [tilespmem:s15+$0x3180]  }
0x147: {  	v9 =	vadd.f32 v10, v9;
	v10 =	vmul.f32 v59, v55;
	v12 =	vmul.f32 v3, v56  }
0x148: {  	v13 =	vadd.f32 v57, v52;
	v50 =	vmul.f32 v59, v50;
	v3 =	vmul.f32 v3, v51  }
0x149: {  	v63 =	vadd.f32 v57, v48;
	v10 =	vadd.f32 v12, v10;
	v12 =	vmul.f32 v60, v54  }
0x14a: {  	v4 =	vadd.f32 v61, v4;
	v3 =	vadd.f32 v3, v50;
	v49 =	vmul.f32 v60, v49  }
0x14b: {  	v10 =	vadd.f32 v12, v10;
	v12 =	vadd.f32 v11, v52  }
0x14c: {  	v3 =	vadd.f32 v49, v3;
	v11 =	vadd.f32 v11, v48  }
0x14d: {  	v4 =	vadd.f32 v4, v63  }
0x14e: {  	v9 =	vadd.f32 v9, v13;
	v3 =	vadd.f32 v3, v11  }
0x14f: {  	v4 =	vmin.f32 v58, v4;
	v10 =	vadd.f32 v10, v12  }
0x150: {  	v9 =	vmin.f32 v53, v9;
	v3 =	vmin.f32 v4, v3  }
0x151: {  	v9 =	vmin.f32 v9, v10;
	v4 =	vperm.xlane v3, v5  }
0x152: {  	v10 =	vperm.xlane v9, v5  }
0x153: {  	v3 =	vmin.f32 v3, v4  }
0x154: {  	v4 =	vmin.f32 v9, v10;
	v9 =	vperm.xlane v3, v6  }
0x155: {  	s30 =	simm.s32 $0x0;
	v10 =	vperm.xlane v4, v6  }
0x156: {  	s16 =	sand.u32 $0x70, s30;
	s15 =	sand.u32 $0x1E00, s30;
	v3 =	vmin.f32 v3, v9  }
0x157: {  	s16 =	sor.u32 s16, s15;
	v4 =	vmin.f32 v4, v10;
	v9 =	vperm.xlane v3, v7  }
0x158: {  	v11 =	vld [tilespmem:s16+$0x3100];
	v10 =	vperm.xlane v4, v7  }
0x159: {  	v49 =	vmin.f32 v3, v9;
	v3 =	vld [tilespmem:s16+$0x3000]  }
0x15a: {  	v55 =	vperm.xlane v26, v19;
	v48 =	vmin.f32 v4, v10;
	v4 =	vld [tilespmem:s16+$0x3080]  }
0x15b: {  	v59 =	vperm.xlane v25, v20;
	v56 =	vperm.xlane v24, v20  }
0x15c: {  	s31 =	simm.s32 $0x10;
	s17 =	simm.s32 $0x40;
	v54 =	vperm.xlane v25, v19;
	v58 =	vperm.xlane v27, v20  }
0x15d: {  	s17 =	sand.u32 $0x1E00, s17;
	s15 =	sand.u32 $0x70, s31;
	v53 =	vperm.xlane v27, v19;
	v60 =	vperm.xlane v26, v20  }
0x15e: {  	s15 =	sor.u32 s15, s17;
	v61 =	vld [tilespmem:s16+$0x3180];
	v52 =	vperm.xlane v24, v19;
	v12 =	vmul.f32 v11, v58  }
0x15f: {  	v63 =	vld [tilespmem:s15+$0x3000];
	v9 =	vmul.f32 v3, v59;
	v10 =	vmul.f32 v4, v60  }
0x160: {  	v57 =	vimm.f32 $1.000000020e+30;
	v13 =	vmul.f32 v3, v54;
	v62 =	vmul.f32 v4, v55;
	v4 =	vld [tilespmem:s15+$0x3080]  }
0x161: {  	v11 =	vmul.f32 v11, v53;
	v51 =	vperm.xlane v49, v8;
	v10 =	vadd.f32 v10, v9  }
0x162: {  	s17 =	simm.s32 $0x80;
	s16 =	simm.s32 $0x20;
	v50 =	vperm.xlane v48, v8;
	v3 =	vld [tilespmem:s15+$0x3100];
	v9 =	vadd.f32 v62, v13;
	v62 =	vimm.f32 $1.000000020e+30  }
.LBB2_19:
0x163: {  	s18 =	sand.u32 $0x70, s16;
	s19 =	sand.u32 $0x1E00, s17;
	v10 =	vadd.f32 v12, v10;
	v12 =	vadd.f32 v61, v56;
	p0 =	sne.s32 s16, $0x7F0  }
.Ltmp8:
0x164: {  	s16 =	sadd.s32 $0x10, s16;
	v13 =	vmul.f32 v63, v54;
	v9 =	vadd.f32 v11, v9;
	v11 =	vadd.f32 v61, v52;
	v61 =	vld [tilespmem:s15+$0x3180];
	s15 =	sor.u32 s18, s19;
	(pc) =	sbr.rel @p0 .LBB2_19-.Ltmp8, $4  }
0x165: {  	v14 =	vmul.f32 v63, v59;
	v63 =	vld [tilespmem:s15+$0x3000];
	v15 =	vmul.f32 v4, v60;
	v16 =	vadd.f32 v10, v12  }
0x166: {  	v17 =	vmul.f32 v4, v55;
	v4 =	vld [tilespmem:s15+$0x3080];
	v18 =	vadd.f32 v9, v11  }
0x167: {  	v10 =	vadd.f32 v15, v14;
	v12 =	vmul.f32 v3, v58;
	v57 =	vmin.f32 v57, v16  }
0x168: {  	s17 =	sadd.s32 $0x40, s17;
	v9 =	vadd.f32 v17, v13;
	v11 =	vmul.f32 v3, v53;
	v3 =	vld [tilespmem:s15+$0x3100];
	v62 =	vmin.f32 v62, v18  }
0x169: {  	_ =	sdelay $0x1  }
0x16a: {  	v13 =	vld [tilespmem:s15+$0x3180];
	v10 =	vadd.f32 v12, v10;
	v12 =	vmul.f32 v63, v59;
	v14 =	vmul.f32 v4, v60  }
0x16b: {  	v16 =	vmul.f32 v63, v54;
	v4 =	vmul.f32 v4, v55  }
0x16c: {  	v9 =	vadd.f32 v11, v9;
	v11 =	vadd.f32 v14, v12  }
0x16d: {  	v12 =	vmul.f32 v3, v58;
	v4 =	vadd.f32 v4, v16;
	v3 =	vmul.f32 v3, v53  }
0x16e: {  	v14 =	vadd.f32 v61, v52  }
0x16f: {  	v3 =	vadd.f32 v3, v4;
	v4 =	vadd.f32 v13, v52  }
0x170: {  	v9 =	vadd.f32 v9, v14  }
0x171: {  	v3 =	vadd.f32 v3, v4  }
0x172: {  	v9 =	vmin.f32 v62, v9  }
0x173: {  	v3 =	vmin.f32 v9, v3  }
0x174: {  	v15 =	vadd.f32 v61, v56;
	v9 =	vperm.xlane v3, v5  }
0x175: {  	v11 =	vadd.f32 v12, v11;
	v12 =	vadd.f32 v13, v56  }
0x176: {  	v10 =	vadd.f32 v10, v15;
	v3 =	vmin.f32 v3, v9  }
0x177: {  	v11 =	vadd.f32 v11, v12;
	v9 =	vperm.xlane v3, v6  }
0x178: {  	v4 =	vmin.f32 v57, v10  }
0x179: {  	s30 =	simm.s32 $0x0;
	v4 =	vmin.f32 v4, v11;
	v3 =	vmin.f32 v3, v9  }
0x17a: {  	s16 =	sand.u32 $0x70, s30;
	s15 =	sand.u32 $0x1E00, s30;
	v10 =	vperm.xlane v4, v5;
	v9 =	vperm.xlane v3, v7  }
0x17b: {  	s16 =	sor.u32 s16, s15  }
0x17c: {  	v4 =	vmin.f32 v4, v10;
	v54 =	vmin.f32 v3, v9;
	v3 =	vld [tilespmem:s16+$0x3000]  }
0x17d: {  	v59 =	vperm.xlane v25, v21;
	v10 =	vperm.xlane v4, v6;
	v9 =	vld [tilespmem:s16+$0x3080]  }
0x17e: {  	v60 =	vperm.xlane v25, v22;
	v25 =	vperm.xlane v27, v22  }
0x17f: {  	s31 =	simm.s32 $0x10;
	s17 =	simm.s32 $0x40;
	v58 =	vperm.xlane v26, v21;
	v26 =	vperm.xlane v26, v22;
	v11 =	vld [tilespmem:s16+$0x3100];
	v4 =	vmin.f32 v4, v10  }
0x180: {  	s17 =	sand.u32 $0x1E00, s17;
	s15 =	sand.u32 $0x70, s31;
	v56 =	vperm.xlane v24, v21;
	v10 =	vperm.xlane v4, v7  }
0x181: {  	s15 =	sor.u32 s15, s17;
	v61 =	vld [tilespmem:s16+$0x3180];
	v24 =	vperm.xlane v24, v22;
	v57 =	vperm.xlane v27, v21;
	v27 =	vimm.f32 $1.000000020e+30  }
0x182: {  	v52 =	vmin.f32 v4, v10;
	v4 =	vld [tilespmem:s15+$0x3000];
	v10 =	vmul.f32 v3, v60;
	v12 =	vmul.f32 v9, v26  }
0x183: {  	v62 =	vimm.f32 $1.000000020e+30;
	v13 =	vmul.f32 v3, v59;
	v9 =	vmul.f32 v9, v58;
	v3 =	vld [tilespmem:s15+$0x3080]  }
0x184: {  	v55 =	vperm.xlane v54, v8;
	v10 =	vadd.f32 v12, v10;
	v12 =	vmul.f32 v11, v25  }
0x185: {  	s17 =	simm.s32 $0x80;
	v63 =	vld [tilespmem:s15+$0x3100];
	s16 =	simm.s32 $0x20;
	v53 =	vperm.xlane v52, v8;
	v9 =	vadd.f32 v9, v13;
	v11 =	vmul.f32 v11, v57  }
.LBB2_21:
0x186: {  	s18 =	sand.u32 $0x70, s16;
	s19 =	sand.u32 $0x1E00, s17;
	v10 =	vadd.f32 v12, v10;
	v12 =	vadd.f32 v61, v24;
	p0 =	sne.s32 s16, $0x7F0  }
.Ltmp9:
0x187: {  	s16 =	sadd.s32 $0x10, s16;
	v13 =	vmul.f32 v4, v59;
	v9 =	vadd.f32 v11, v9;
	v11 =	vadd.f32 v61, v56;
	v61 =	vld [tilespmem:s15+$0x3180];
	s15 =	sor.u32 s18, s19;
	(pc) =	sbr.rel @p0 .LBB2_21-.Ltmp9, $4  }
0x188: {  	v14 =	vmul.f32 v4, v60;
	v4 =	vld [tilespmem:s15+$0x3000];
	v15 =	vmul.f32 v3, v26;
	v16 =	vadd.f32 v10, v12  }
0x189: {  	v17 =	vmul.f32 v3, v58;
	v3 =	vld [tilespmem:s15+$0x3080];
	v18 =	vadd.f32 v9, v11  }
0x18a: {  	v10 =	vadd.f32 v15, v14;
	v12 =	vmul.f32 v63, v25;
	v27 =	vmin.f32 v27, v16  }
0x18b: {  	s17 =	sadd.s32 $0x40, s17;
	v9 =	vadd.f32 v17, v13;
	v11 =	vmul.f32 v63, v57;
	v63 =	vld [tilespmem:s15+$0x3100];
	v62 =	vmin.f32 v62, v18  }
0x18c: {  	v10 =	vadd.f32 v12, v10  }
0x18d: {  	v14 =	vadd.f32 v61, v24;
	v30 =	vmin.f32 v28, v30;
	v31 =	vmin.f32 v29, v31  }
0x18e: {  	vm3 =	vmmov $0x1;
	v33 =	vmin.f32 v33, v35;
	vm5 =	vmmov $0x3  }
0x18f: {  	v12 =	vld [tilespmem:s15+$0x3180];
	v35 =	vmin.f32 v32, v34;
	vm6 =	vmmov $0x7;
	v13 =	vmul.f32 v4, v59  }
0x190: {  	v4 =	vmul.f32 v4, v60;
	v9 =	vadd.f32 v11, v9;
	v11 =	vadd.f32 v61, v56  }
0x191: {  	vm7 =	vmmov $0xf;
	v15 =	vmul.f32 v3, v26;
	v3 =	vmul.f32 v3, v58  }
0x192: {  	vm8 =	vmmov $0x7f;
	v10 =	vadd.f32 v10, v14;
	v9 =	vadd.f32 v9, v11  }
0x193: {  	v4 =	vadd.f32 v15, v4;
	v3 =	vadd.f32 v3, v13;
	v11 =	vmul.f32 v63, v57  }
0x194: {  	v26 =	vmul.f32 v63, v25;
	v10 =	vmin.f32 v27, v10;
	v27 =	vadd.f32 v12, v24  }
0x195: {  	v3 =	vadd.f32 v11, v3;
	v11 =	vadd.f32 v12, v56;
	v12 =	vsel vm3, v30, v31  }
0x196: {  	v59 =	vmin.f32 v40, v42;
	v4 =	vadd.f32 v26, v4;
	v12 =	vsel vm5, v12, v33  }
0x197: {  	v57 =	vmin.f32 v36, v38;
	v56 =	vmin.f32 v37, v39;
	v12 =	vsel vm6, v12, v35  }
0x198: {  	v4 =	vadd.f32 v4, v27;
	v3 =	vadd.f32 v3, v11;
	v12 =	vsel vm7, v12, v56  }
0x199: {  	v58 =	vmin.f32 v41, v43;
	v9 =	vmin.f32 v62, v9;
	v11 =	vsel vm2, v12, v57  }
0x19a: {  	v4 =	vmin.f32 v10, v4;
	v3 =	vmin.f32 v9, v3;
	v11 =	vsel vm1, v11, v58  }
0x19b: {  	v10 =	vmin.f32 v46, v47;
	v9 =	vsel vm8, v11, v59;
	v11 =	vperm.xlane v3, v5  }
0x19c: {  	v9 =	vsel vm9, v9, v10;
	v10 =	vperm.xlane v4, v5  }
0x19d: {  	v3 =	vmin.f32 v3, v11  }
0x19e: {  	v60 =	vmin.f32 v44, v45;
	v11 =	vperm.xlane v3, v6;
	v4 =	vmin.f32 v4, v10  }
0x19f: {  	v9 =	vsel vm10, v9, v60;
	v10 =	vmin.f32 v49, v51;
	v61 =	vperm.xlane v4, v6  }
0x1a0: {  	v9 =	vsel vm11, v9, v10;
	v3 =	vmin.f32 v3, v11  }
0x1a1: {  	v10 =	vmin.f32 v48, v50;
	v11 =	vperm.xlane v3, v7;
	v4 =	vmin.f32 v4, v61  }
0x1a2: {  	v9 =	vsel vm12, v9, v10;
	v10 =	vperm.xlane v4, v7  }
0x1a3: {  	v3 =	vmin.f32 v3, v11  }
0x1a4: {  	v62 =	vmin.f32 v54, v55;
	v11 =	vperm.xlane v3, v8;
	v4 =	vmin.f32 v4, v10  }
0x1a5: {  	v9 =	vsel vm13, v9, v62;
	v10 =	vmin.f32 v52, v53;
	v63 =	vperm.xlane v4, v8  }
0x1a6: {  	v9 =	vsel vm14, v9, v10;
	v3 =	vmin.f32 v3, v11  }
0x1a7: {  	v3 =	vsel vm15, v9, v3;
	v4 =	vmin.f32 v4, v63  }
0x1a8: {  	v3 =	vsel vm4, v3, v4  }
0x1a9: {  	v3 =	vmax.f32 v3, $9.999999960e-13  }
0x1aa: {  	v4 =	vmul.f32 $5.000000000e-01, v3;
	v9 =	vshrl.u32 v3, $0x1  }
0x1ab: {  	v9 =	vsub.s32 $0x5F3759DF, v9  }
0x1ac: {  	v10 =	vmul.f32 v9, v4;
	_ =	sdelay $0x1  }
0x1ad: {  	v10 =	vmul.f32 v9, v10;
	_ =	sdelay $0x1  }
0x1ae: {  	v10 =	vsub.f32 $1.500000000e+00, v10;
	_ =	sdelay $0x1  }
0x1af: {  	v9 =	vmul.f32 v9, v10;
	_ =	sdelay $0x1  }
0x1b0: {  	v10 =	vmul.f32 v9, v4;
	_ =	sdelay $0x1  }
0x1b1: {  	v10 =	vmul.f32 v10, v9;
	_ =	sdelay $0x1  }
0x1b2: {  	v10 =	vsub.f32 $1.500000000e+00, v10;
	_ =	sdelay $0x1  }
0x1b3: {  	v9 =	vmul.f32 v10, v9;
	_ =	sdelay $0x1  }
0x1b4: {  	v4 =	vmul.f32 v9, v4;
	_ =	sdelay $0x1  }
0x1b5: {  	v4 =	vmul.f32 v4, v9;
	_ =	sdelay $0x1  }
0x1b6: {  	s14 =	sadd.s32 $0x1, s14;
	v4 =	vsub.f32 $1.500000000e+00, v4  }
0x1b7: {  	p0 =	sne.s32 s14, $0x4  }
.Ltmp10:
0x1b8: {  	v4 =	vmul.f32 v4, v9;
	(pc) =	sbr.rel @p0 .LBB2_6-.Ltmp10, $3  }
0x1b9: {  	_ = 	snop  }
0x1ba: {  	v3 =	vmul.f32 v4, v3;
	_ =	sdelay $0x1  }
0x1bb: {  	s15 =	simm.s32 $0x0;
	v23 =	vadd.f32 v3, v23  }
0x1bc: {  	v3 =	vimm.s32 $0x0  }
0x1bd: {  	v3 =	vsel vm3, $0xFFFFFFFF, v3  }
0x1be: {  	[tilespmem:$0x1FFE0] =	vst v3;
	v3 =	vimm.s32 $0x0  }
0x1bf: {  	v3 =	vsel vm8, $0xFFFFFFFF, v3  }
0x1c0: {  	s14 =	simm.s32 $0x0;
	vm3 =	vcmask $0x3F28;
	[tilespmem:$0x1FFF0] =	vst v3  }
.LBB2_24:
0x1c1: {  	s16 =	sshll.u32 s14, $0x4  }
0x1c2: {  	s16 =	sadd.s32 s4, s16  }
0x1c3: {  	s16 =	smul.u32 $0xC, s16;
	_ =	sdelay $0x1  }
0x1c4: {  	s16 =	sshra.s32 s16, $0x2  }
0x1c5: {  	v3 =	vld [tilespmem:s16+$0x10]  }
0x1c6: {  	v4 =	vld [tilespmem:s16+$0x20];
	_ =	sdelay $0x1  }
0x1c7: {  	v9 =	vld [tilespmem:s16+$0x0];
	_ =	sdelay $0x2  }
0x1c8: {  	v10 =	vperm.xlane v3, v0;
	v11 =	vperm.xlane v4, v0  }
0x1c9: {  	v12 =	vperm.xlane v3, v1;
	v13 =	vperm.xlane v4, v1  }
0x1ca: {  	v14 =	vperm.xlane v9, v0;
	v10 =	vsel vm0, v11, v10;
	v11 =	vperm.xlane v9, v1  }
0x1cb: {  	v3 =	vperm.xlane v3, v2;
	v4 =	vperm.xlane v4, v2;
	v12 =	vsel vm0, v13, v12  }
0x1cc: {  	v9 =	vperm.xlane v9, v2;
	v10 =	vsel vm1, v14, v10;
	v11 =	vsel vm2, v11, v12  }
0x1cd: {  	v3 =	vsel vm3, v4, v3;
	v4 =	vmul.f32 v10, v10;
	v12 =	vmul.f32 v11, v11  }
0x1ce: {  	v3 =	vsel vm2, v9, v3  }
0x1cf: {  	v9 =	vmul.f32 v3, v3;
	v4 =	vadd.f32 v12, v4;
	_ =	sdelay $0x1  }
0x1d0: {  	v24 =	vadd.f32 v9, v4;
	v4 =	vshrl.u32 v10, $0x10  }
0x1d1: {  	v12 =	vshrl.u32 v3, $0x10;
	v9 =	vshrl.u32 v11, $0x10;
	v4 =	vand.u32 $0x1, v4  }
0x1d2: {  	s30 =	sand.u32 $0x70, s15;
	s17 =	sand.u32 $0x1E00, s15;
	v9 =	vand.u32 $0x1, v9;
	v4 =	vadd.s32 v4, v10;
	v10 =	vand.u32 $0x1, v12  }
0x1d3: {  	s17 =	sor.u32 s30, s17;
	v9 =	vadd.s32 v9, v11;
	v4 =	vadd.s32 $0x7FFF, v4;
	v3 =	vadd.s32 v10, v3  }
0x1d4: {  	v9 =	vadd.s32 $0x7FFF, v9;
	v10 =	vld [tilespmem:s17+$0x5000];
	v25 =	vand.u32 $0xFFFF0000, v4;
	v3 =	vadd.s32 $0x7FFF, v3  }
0x1d5: {  	v26 =	vand.u32 $0xFFFF0000, v9;
	v4 =	vld [tilespmem:s17+$0x5080];
	v27 =	vand.u32 $0xFFFF0000, v3;
	v3 =	vimm.s32 $0x0  }
0x1d6: {  	v30 =	vperm.xlane v25, v3;
	v31 =	vperm.xlane v26, v3  }
0x1d7: {  	s31 =	simm.s32 $0x10;
	s18 =	simm.s32 $0x40;
	v11 =	vld [tilespmem:s17+$0x5100];
	v29 =	vperm.xlane v27, v3;
	v28 =	vperm.xlane v24, v3;
	v3 =	vimm.s32 $0x1  }
0x1d8: {  	s18 =	sand.u32 $0x1E00, s18;
	s16 =	sand.u32 $0x70, s31;
	v35 =	vperm.xlane v25, v3;
	v36 =	vperm.xlane v26, v3  }
0x1d9: {  	v37 =	vld [tilespmem:s17+$0x5180];
	s16 =	sor.u32 s16, s18;
	v34 =	vperm.xlane v27, v3;
	v32 =	vperm.xlane v24, v3  }
0x1da: {  	v3 =	vld [tilespmem:s16+$0x5000];
	v9 =	vmul.f32 v10, v35;
	v12 =	vmul.f32 v4, v36  }
0x1db: {  	v13 =	vmul.f32 v10, v30;
	v14 =	vmul.f32 v4, v31;
	v4 =	vld [tilespmem:s16+$0x5080]  }
0x1dc: {  	v33 =	vimm.f32 $1.000000020e+30;
	v10 =	vadd.f32 v12, v9;
	v12 =	vmul.f32 v11, v34  }
0x1dd: {  	v38 =	vimm.f32 $1.000000020e+30;
	s18 =	simm.s32 $0x80;
	v39 =	vld [tilespmem:s16+$0x5100];
	s17 =	simm.s32 $0x20;
	v9 =	vadd.f32 v14, v13;
	v11 =	vmul.f32 v11, v29  }
.LBB2_25:
0x1de: {  	s19 =	sand.u32 $0x70, s17;
	s20 =	sand.u32 $0x1E00, s18;
	v10 =	vadd.f32 v12, v10;
	v12 =	vadd.f32 v37, v32;
	p0 =	sne.s32 s17, $0x7F0  }
.Ltmp11:
0x1df: {  	s17 =	sadd.s32 $0x10, s17;
	v13 =	vmul.f32 v3, v30;
	v9 =	vadd.f32 v11, v9;
	v11 =	vadd.f32 v37, v28;
	v37 =	vld [tilespmem:s16+$0x5180];
	s16 =	sor.u32 s19, s20;
	(pc) =	sbr.rel @p0 .LBB2_25-.Ltmp11, $4  }
0x1e0: {  	v14 =	vmul.f32 v3, v35;
	v3 =	vld [tilespmem:s16+$0x5000];
	v15 =	vmul.f32 v4, v36;
	v16 =	vadd.f32 v10, v12  }
0x1e1: {  	v17 =	vmul.f32 v4, v31;
	v4 =	vld [tilespmem:s16+$0x5080];
	v18 =	vadd.f32 v9, v11  }
0x1e2: {  	v10 =	vadd.f32 v15, v14;
	v12 =	vmul.f32 v39, v34;
	v33 =	vmin.f32 v33, v16  }
0x1e3: {  	s18 =	sadd.s32 $0x40, s18;
	v9 =	vadd.f32 v17, v13;
	v11 =	vmul.f32 v39, v29;
	v39 =	vld [tilespmem:s16+$0x5100];
	v38 =	vmin.f32 v38, v18  }
0x1e4: {  	_ =	sdelay $0x1  }
0x1e5: {  	v13 =	vld [tilespmem:s16+$0x5180];
	v10 =	vadd.f32 v12, v10;
	v12 =	vmul.f32 v3, v35;
	v14 =	vmul.f32 v4, v36  }
0x1e6: {  	v3 =	vmul.f32 v3, v30;
	v4 =	vmul.f32 v4, v31  }
0x1e7: {  	v9 =	vadd.f32 v11, v9;
	v11 =	vadd.f32 v14, v12;
	v12 =	vmul.f32 v39, v34  }
0x1e8: {  	v15 =	vadd.f32 v37, v32;
	v3 =	vadd.f32 v4, v3;
	v4 =	vmul.f32 v39, v29  }
0x1e9: {  	v14 =	vadd.f32 v37, v28;
	v11 =	vadd.f32 v12, v11  }
0x1ea: {  	v3 =	vadd.f32 v4, v3;
	v4 =	vadd.f32 v13, v28  }
0x1eb: {  	v12 =	vadd.f32 v13, v32;
	v9 =	vadd.f32 v9, v14  }
0x1ec: {  	v10 =	vadd.f32 v10, v15;
	v3 =	vadd.f32 v3, v4  }
0x1ed: {  	v11 =	vadd.f32 v11, v12;
	v9 =	vmin.f32 v38, v9  }
0x1ee: {  	v4 =	vmin.f32 v33, v10;
	v3 =	vmin.f32 v9, v3  }
0x1ef: {  	v4 =	vmin.f32 v4, v11;
	v9 =	vperm.xlane v3, v5  }
0x1f0: {  	v10 =	vperm.xlane v4, v5  }
0x1f1: {  	v3 =	vmin.f32 v3, v9  }
0x1f2: {  	v4 =	vmin.f32 v4, v10;
	v9 =	vperm.xlane v3, v6  }
0x1f3: {  	v10 =	vperm.xlane v4, v6  }
0x1f4: {  	s30 =	simm.s32 $0x0;
	v3 =	vmin.f32 v3, v9  }
0x1f5: {  	s17 =	sand.u32 $0x70, s30;
	s16 =	sand.u32 $0x1E00, s30;
	v4 =	vmin.f32 v4, v10;
	v9 =	vperm.xlane v3, v7  }
0x1f6: {  	s17 =	sor.u32 s17, s16;
	v10 =	vperm.xlane v4, v7  }
0x1f7: {  	v28 =	vmin.f32 v3, v9;
	v3 =	vld [tilespmem:s17+$0x5000];
	v9 =	vimm.s32 $0x2  }
0x1f8: {  	v29 =	vmin.f32 v4, v10;
	v4 =	vld [tilespmem:s17+$0x5080];
	v34 =	vperm.xlane v25, v9;
	v35 =	vperm.xlane v26, v9  }
0x1f9: {  	v33 =	vperm.xlane v27, v9;
	v32 =	vperm.xlane v24, v9;
	v9 =	vimm.s32 $0x3  }
0x1fa: {  	s31 =	simm.s32 $0x10;
	s18 =	simm.s32 $0x40;
	v11 =	vld [tilespmem:s17+$0x5100];
	v39 =	vperm.xlane v25, v9  }
0x1fb: {  	s18 =	sand.u32 $0x1E00, s18;
	s16 =	sand.u32 $0x70, s31;
	v40 =	vperm.xlane v26, v9;
	v38 =	vperm.xlane v27, v9  }
0x1fc: {  	s16 =	sor.u32 s16, s18;
	v41 =	vld [tilespmem:s17+$0x5180];
	v36 =	vperm.xlane v24, v9;
	v9 =	vmul.f32 v3, v39  }
0x1fd: {  	v10 =	vmul.f32 v4, v40;
	v13 =	vmul.f32 v3, v34;
	v3 =	vld [tilespmem:s16+$0x5000]  }
0x1fe: {  	v42 =	vimm.f32 $1.000000020e+30;
	v37 =	vimm.f32 $1.000000020e+30;
	v14 =	vmul.f32 v4, v35;
	v4 =	vld [tilespmem:s16+$0x5080]  }
0x1ff: {  	v30 =	vperm.xlane v28, v8;
	v12 =	vmul.f32 v11, v38;
	v10 =	vadd.f32 v10, v9  }
0x200: {  	s18 =	simm.s32 $0x80;
	v43 =	vld [tilespmem:s16+$0x5100];
	s17 =	simm.s32 $0x20;
	v31 =	vperm.xlane v29, v8;
	v11 =	vmul.f32 v11, v33;
	v9 =	vadd.f32 v14, v13  }
.LBB2_27:
0x201: {  	s19 =	sand.u32 $0x70, s17;
	s20 =	sand.u32 $0x1E00, s18;
	v10 =	vadd.f32 v12, v10;
	v12 =	vadd.f32 v41, v36;
	p0 =	sne.s32 s17, $0x7F0  }
.Ltmp12:
0x202: {  	s17 =	sadd.s32 $0x10, s17;
	v13 =	vmul.f32 v3, v34;
	v9 =	vadd.f32 v11, v9;
	v11 =	vadd.f32 v41, v32;
	v41 =	vld [tilespmem:s16+$0x5180];
	s16 =	sor.u32 s19, s20;
	(pc) =	sbr.rel @p0 .LBB2_27-.Ltmp12, $4  }
0x203: {  	v14 =	vmul.f32 v3, v39;
	v3 =	vld [tilespmem:s16+$0x5000];
	v15 =	vmul.f32 v4, v40;
	v16 =	vadd.f32 v10, v12  }
0x204: {  	v17 =	vmul.f32 v4, v35;
	v4 =	vld [tilespmem:s16+$0x5080];
	v18 =	vadd.f32 v9, v11  }
0x205: {  	v10 =	vadd.f32 v15, v14;
	v12 =	vmul.f32 v43, v38;
	v37 =	vmin.f32 v37, v16  }
0x206: {  	s18 =	sadd.s32 $0x40, s18;
	v9 =	vadd.f32 v17, v13;
	v11 =	vmul.f32 v43, v33;
	v43 =	vld [tilespmem:s16+$0x5100];
	v42 =	vmin.f32 v42, v18  }
0x207: {  	_ =	sdelay $0x1  }
0x208: {  	v13 =	vld [tilespmem:s16+$0x5180];
	v10 =	vadd.f32 v12, v10;
	v12 =	vmul.f32 v3, v39;
	v14 =	vmul.f32 v4, v40  }
0x209: {  	v3 =	vmul.f32 v3, v34;
	v4 =	vmul.f32 v4, v35  }
0x20a: {  	v9 =	vadd.f32 v11, v9;
	v11 =	vadd.f32 v14, v12;
	v12 =	vmul.f32 v43, v38  }
0x20b: {  	v15 =	vadd.f32 v41, v36;
	v3 =	vadd.f32 v4, v3;
	v4 =	vmul.f32 v43, v33  }
0x20c: {  	v14 =	vadd.f32 v41, v32;
	v11 =	vadd.f32 v12, v11  }
0x20d: {  	v3 =	vadd.f32 v4, v3;
	v4 =	vadd.f32 v13, v32  }
0x20e: {  	v12 =	vadd.f32 v13, v36;
	v9 =	vadd.f32 v9, v14  }
0x20f: {  	v10 =	vadd.f32 v10, v15;
	v3 =	vadd.f32 v3, v4  }
0x210: {  	v11 =	vadd.f32 v11, v12;
	v9 =	vmin.f32 v42, v9  }
0x211: {  	v4 =	vmin.f32 v37, v10;
	v3 =	vmin.f32 v9, v3  }
0x212: {  	v4 =	vmin.f32 v4, v11;
	v9 =	vperm.xlane v3, v5  }
0x213: {  	v10 =	vperm.xlane v4, v5  }
0x214: {  	v3 =	vmin.f32 v3, v9  }
0x215: {  	v4 =	vmin.f32 v4, v10;
	v9 =	vperm.xlane v3, v6  }
0x216: {  	v10 =	vperm.xlane v4, v6  }
0x217: {  	s30 =	simm.s32 $0x0;
	v3 =	vmin.f32 v3, v9  }
0x218: {  	s17 =	sand.u32 $0x70, s30;
	s16 =	sand.u32 $0x1E00, s30;
	v4 =	vmin.f32 v4, v10;
	v9 =	vperm.xlane v3, v7  }
0x219: {  	s17 =	sor.u32 s17, s16;
	v10 =	vperm.xlane v4, v7  }
0x21a: {  	v33 =	vmin.f32 v3, v9;
	v3 =	vld [tilespmem:s17+$0x5000];
	v9 =	vimm.s32 $0x4  }
0x21b: {  	v32 =	vmin.f32 v4, v10;
	v4 =	vld [tilespmem:s17+$0x5080];
	v38 =	vperm.xlane v25, v9;
	v39 =	vperm.xlane v26, v9  }
0x21c: {  	v37 =	vperm.xlane v27, v9;
	v36 =	vperm.xlane v24, v9;
	v9 =	vimm.s32 $0x5  }
0x21d: {  	s31 =	simm.s32 $0x10;
	s18 =	simm.s32 $0x40;
	v11 =	vld [tilespmem:s17+$0x5100];
	v43 =	vperm.xlane v25, v9  }
0x21e: {  	s18 =	sand.u32 $0x1E00, s18;
	s16 =	sand.u32 $0x70, s31;
	v44 =	vperm.xlane v26, v9;
	v42 =	vperm.xlane v27, v9  }
0x21f: {  	s16 =	sor.u32 s16, s18;
	v45 =	vld [tilespmem:s17+$0x5180];
	v40 =	vperm.xlane v24, v9;
	v9 =	vmul.f32 v3, v43  }
0x220: {  	v10 =	vmul.f32 v4, v44;
	v13 =	vmul.f32 v3, v38;
	v3 =	vld [tilespmem:s16+$0x5000]  }
0x221: {  	v46 =	vimm.f32 $1.000000020e+30;
	v41 =	vimm.f32 $1.000000020e+30;
	v14 =	vmul.f32 v4, v39;
	v4 =	vld [tilespmem:s16+$0x5080]  }
0x222: {  	v35 =	vperm.xlane v33, v8;
	v12 =	vmul.f32 v11, v42;
	v10 =	vadd.f32 v10, v9  }
0x223: {  	s18 =	simm.s32 $0x80;
	v47 =	vld [tilespmem:s16+$0x5100];
	s17 =	simm.s32 $0x20;
	v34 =	vperm.xlane v32, v8;
	v11 =	vmul.f32 v11, v37;
	v9 =	vadd.f32 v14, v13  }
.LBB2_29:
0x224: {  	s19 =	sand.u32 $0x70, s17;
	s20 =	sand.u32 $0x1E00, s18;
	v10 =	vadd.f32 v12, v10;
	v12 =	vadd.f32 v45, v40;
	p0 =	sne.s32 s17, $0x7F0  }
.Ltmp13:
0x225: {  	s17 =	sadd.s32 $0x10, s17;
	v13 =	vmul.f32 v3, v38;
	v9 =	vadd.f32 v11, v9;
	v11 =	vadd.f32 v45, v36;
	v45 =	vld [tilespmem:s16+$0x5180];
	s16 =	sor.u32 s19, s20;
	(pc) =	sbr.rel @p0 .LBB2_29-.Ltmp13, $4  }
0x226: {  	v14 =	vmul.f32 v3, v43;
	v3 =	vld [tilespmem:s16+$0x5000];
	v15 =	vmul.f32 v4, v44;
	v16 =	vadd.f32 v10, v12  }
0x227: {  	v17 =	vmul.f32 v4, v39;
	v4 =	vld [tilespmem:s16+$0x5080];
	v18 =	vadd.f32 v9, v11  }
0x228: {  	v10 =	vadd.f32 v15, v14;
	v12 =	vmul.f32 v47, v42;
	v41 =	vmin.f32 v41, v16  }
0x229: {  	s18 =	sadd.s32 $0x40, s18;
	v9 =	vadd.f32 v17, v13;
	v11 =	vmul.f32 v47, v37;
	v47 =	vld [tilespmem:s16+$0x5100];
	v46 =	vmin.f32 v46, v18  }
0x22a: {  	_ =	sdelay $0x1  }
0x22b: {  	v13 =	vld [tilespmem:s16+$0x5180];
	v10 =	vadd.f32 v12, v10;
	v12 =	vmul.f32 v3, v43;
	v14 =	vmul.f32 v4, v44  }
0x22c: {  	v3 =	vmul.f32 v3, v38;
	v4 =	vmul.f32 v4, v39  }
0x22d: {  	v9 =	vadd.f32 v11, v9;
	v11 =	vadd.f32 v14, v12;
	v12 =	vmul.f32 v47, v42  }
0x22e: {  	v15 =	vadd.f32 v45, v40;
	v3 =	vadd.f32 v4, v3;
	v4 =	vmul.f32 v47, v37  }
0x22f: {  	v14 =	vadd.f32 v45, v36;
	v11 =	vadd.f32 v12, v11  }
0x230: {  	v3 =	vadd.f32 v4, v3;
	v4 =	vadd.f32 v13, v36  }
0x231: {  	v12 =	vadd.f32 v13, v40;
	v9 =	vadd.f32 v9, v14  }
0x232: {  	v10 =	vadd.f32 v10, v15;
	v3 =	vadd.f32 v3, v4  }
0x233: {  	v11 =	vadd.f32 v11, v12;
	v9 =	vmin.f32 v46, v9  }
0x234: {  	v4 =	vmin.f32 v41, v10;
	v3 =	vmin.f32 v9, v3  }
0x235: {  	v4 =	vmin.f32 v4, v11;
	v9 =	vperm.xlane v3, v5  }
0x236: {  	v10 =	vperm.xlane v4, v5  }
0x237: {  	v3 =	vmin.f32 v3, v9  }
0x238: {  	v4 =	vmin.f32 v4, v10;
	v9 =	vperm.xlane v3, v6  }
0x239: {  	v10 =	vperm.xlane v4, v6  }
0x23a: {  	s30 =	simm.s32 $0x0;
	v3 =	vmin.f32 v3, v9  }
0x23b: {  	s17 =	sand.u32 $0x70, s30;
	s16 =	sand.u32 $0x1E00, s30;
	v4 =	vmin.f32 v4, v10;
	v9 =	vperm.xlane v3, v7  }
0x23c: {  	s17 =	sor.u32 s17, s16;
	v10 =	vperm.xlane v4, v7  }
0x23d: {  	v37 =	vmin.f32 v3, v9;
	v3 =	vld [tilespmem:s17+$0x5000];
	v9 =	vimm.s32 $0x6  }
0x23e: {  	v36 =	vmin.f32 v4, v10;
	v4 =	vld [tilespmem:s17+$0x5080];
	v42 =	vperm.xlane v25, v9;
	v43 =	vperm.xlane v26, v9  }
0x23f: {  	v41 =	vperm.xlane v27, v9;
	v40 =	vperm.xlane v24, v9;
	v9 =	vimm.s32 $0x7  }
0x240: {  	s31 =	simm.s32 $0x10;
	s18 =	simm.s32 $0x40;
	v11 =	vld [tilespmem:s17+$0x5100];
	v47 =	vperm.xlane v25, v9  }
0x241: {  	s18 =	sand.u32 $0x1E00, s18;
	s16 =	sand.u32 $0x70, s31;
	v48 =	vperm.xlane v26, v9;
	v46 =	vperm.xlane v27, v9  }
0x242: {  	s16 =	sor.u32 s16, s18;
	v49 =	vld [tilespmem:s17+$0x5180];
	v44 =	vperm.xlane v24, v9;
	v9 =	vmul.f32 v3, v47  }
0x243: {  	v10 =	vmul.f32 v4, v48;
	v13 =	vmul.f32 v3, v42;
	v3 =	vld [tilespmem:s16+$0x5000]  }
0x244: {  	v50 =	vimm.f32 $1.000000020e+30;
	v45 =	vimm.f32 $1.000000020e+30;
	v14 =	vmul.f32 v4, v43;
	v4 =	vld [tilespmem:s16+$0x5080]  }
0x245: {  	v39 =	vperm.xlane v37, v8;
	v12 =	vmul.f32 v11, v46;
	v10 =	vadd.f32 v10, v9  }
0x246: {  	s18 =	simm.s32 $0x80;
	v51 =	vld [tilespmem:s16+$0x5100];
	s17 =	simm.s32 $0x20;
	v38 =	vperm.xlane v36, v8;
	v11 =	vmul.f32 v11, v41;
	v9 =	vadd.f32 v14, v13  }
.LBB2_31:
0x247: {  	s19 =	sand.u32 $0x70, s17;
	s20 =	sand.u32 $0x1E00, s18;
	v10 =	vadd.f32 v12, v10;
	v12 =	vadd.f32 v49, v44;
	p0 =	sne.s32 s17, $0x7F0  }
.Ltmp14:
0x248: {  	s17 =	sadd.s32 $0x10, s17;
	v13 =	vmul.f32 v3, v42;
	v9 =	vadd.f32 v11, v9;
	v11 =	vadd.f32 v49, v40;
	v49 =	vld [tilespmem:s16+$0x5180];
	s16 =	sor.u32 s19, s20;
	(pc) =	sbr.rel @p0 .LBB2_31-.Ltmp14, $4  }
0x249: {  	v14 =	vmul.f32 v3, v47;
	v3 =	vld [tilespmem:s16+$0x5000];
	v15 =	vmul.f32 v4, v48;
	v16 =	vadd.f32 v10, v12  }
0x24a: {  	v17 =	vmul.f32 v4, v43;
	v4 =	vld [tilespmem:s16+$0x5080];
	v18 =	vadd.f32 v9, v11  }
0x24b: {  	v10 =	vadd.f32 v15, v14;
	v12 =	vmul.f32 v51, v46;
	v45 =	vmin.f32 v45, v16  }
0x24c: {  	s18 =	sadd.s32 $0x40, s18;
	v9 =	vadd.f32 v17, v13;
	v11 =	vmul.f32 v51, v41;
	v51 =	vld [tilespmem:s16+$0x5100];
	v50 =	vmin.f32 v50, v18  }
0x24d: {  	_ =	sdelay $0x1  }
0x24e: {  	v13 =	vld [tilespmem:s16+$0x5180];
	v10 =	vadd.f32 v12, v10;
	v12 =	vmul.f32 v3, v47;
	v14 =	vmul.f32 v4, v48  }
0x24f: {  	v3 =	vmul.f32 v3, v42;
	v4 =	vmul.f32 v4, v43  }
0x250: {  	v9 =	vadd.f32 v11, v9;
	v11 =	vadd.f32 v14, v12;
	v12 =	vmul.f32 v51, v46  }
0x251: {  	v15 =	vadd.f32 v49, v44;
	v3 =	vadd.f32 v4, v3;
	v4 =	vmul.f32 v51, v41  }
0x252: {  	v14 =	vadd.f32 v49, v40;
	v11 =	vadd.f32 v12, v11  }
0x253: {  	v3 =	vadd.f32 v4, v3;
	v4 =	vadd.f32 v13, v40  }
0x254: {  	v12 =	vadd.f32 v13, v44;
	v9 =	vadd.f32 v9, v14  }
0x255: {  	v10 =	vadd.f32 v10, v15;
	v3 =	vadd.f32 v3, v4  }
0x256: {  	v11 =	vadd.f32 v11, v12;
	v9 =	vmin.f32 v50, v9  }
0x257: {  	v4 =	vmin.f32 v45, v10;
	v3 =	vmin.f32 v9, v3  }
0x258: {  	v4 =	vmin.f32 v4, v11;
	v9 =	vperm.xlane v3, v5  }
0x259: {  	v10 =	vperm.xlane v4, v5  }
0x25a: {  	v3 =	vmin.f32 v3, v9  }
0x25b: {  	v4 =	vmin.f32 v4, v10;
	v9 =	vperm.xlane v3, v6  }
0x25c: {  	v10 =	vperm.xlane v4, v6  }
0x25d: {  	s30 =	simm.s32 $0x0;
	v3 =	vmin.f32 v3, v9  }
0x25e: {  	s17 =	sand.u32 $0x70, s30;
	s16 =	sand.u32 $0x1E00, s30;
	v4 =	vmin.f32 v4, v10;
	v9 =	vperm.xlane v3, v7  }
0x25f: {  	s17 =	sor.u32 s17, s16;
	v10 =	vperm.xlane v4, v7  }
0x260: {  	v41 =	vmin.f32 v3, v9;
	v3 =	vld [tilespmem:s17+$0x5000];
	v9 =	vimm.s32 $0x8  }
0x261: {  	v40 =	vmin.f32 v4, v10;
	v4 =	vld [tilespmem:s17+$0x5080];
	v46 =	vperm.xlane v25, v9;
	v47 =	vperm.xlane v26, v9  }
0x262: {  	v45 =	vperm.xlane v27, v9;
	v44 =	vperm.xlane v24, v9;
	v9 =	vimm.s32 $0x9  }
0x263: {  	s31 =	simm.s32 $0x10;
	s18 =	simm.s32 $0x40;
	v11 =	vld [tilespmem:s17+$0x5100];
	v51 =	vperm.xlane v25, v9  }
0x264: {  	s18 =	sand.u32 $0x1E00, s18;
	s16 =	sand.u32 $0x70, s31;
	v52 =	vperm.xlane v26, v9;
	v50 =	vperm.xlane v27, v9  }
0x265: {  	s16 =	sor.u32 s16, s18;
	v53 =	vld [tilespmem:s17+$0x5180];
	v48 =	vperm.xlane v24, v9;
	v9 =	vmul.f32 v3, v51  }
0x266: {  	v10 =	vmul.f32 v4, v52;
	v13 =	vmul.f32 v3, v46;
	v3 =	vld [tilespmem:s16+$0x5000]  }
0x267: {  	v54 =	vimm.f32 $1.000000020e+30;
	v49 =	vimm.f32 $1.000000020e+30;
	v14 =	vmul.f32 v4, v47;
	v4 =	vld [tilespmem:s16+$0x5080]  }
0x268: {  	v43 =	vperm.xlane v41, v8;
	v12 =	vmul.f32 v11, v50;
	v10 =	vadd.f32 v10, v9  }
0x269: {  	s18 =	simm.s32 $0x80;
	v55 =	vld [tilespmem:s16+$0x5100];
	s17 =	simm.s32 $0x20;
	v42 =	vperm.xlane v40, v8;
	v11 =	vmul.f32 v11, v45;
	v9 =	vadd.f32 v14, v13  }
.LBB2_33:
0x26a: {  	s19 =	sand.u32 $0x70, s17;
	s20 =	sand.u32 $0x1E00, s18;
	v10 =	vadd.f32 v12, v10;
	v12 =	vadd.f32 v53, v48;
	p0 =	sne.s32 s17, $0x7F0  }
.Ltmp15:
0x26b: {  	s17 =	sadd.s32 $0x10, s17;
	v13 =	vmul.f32 v3, v46;
	v9 =	vadd.f32 v11, v9;
	v11 =	vadd.f32 v53, v44;
	v53 =	vld [tilespmem:s16+$0x5180];
	s16 =	sor.u32 s19, s20;
	(pc) =	sbr.rel @p0 .LBB2_33-.Ltmp15, $4  }
0x26c: {  	v14 =	vmul.f32 v3, v51;
	v3 =	vld [tilespmem:s16+$0x5000];
	v15 =	vmul.f32 v4, v52;
	v16 =	vadd.f32 v10, v12  }
0x26d: {  	v17 =	vmul.f32 v4, v47;
	v4 =	vld [tilespmem:s16+$0x5080];
	v18 =	vadd.f32 v9, v11  }
0x26e: {  	v10 =	vadd.f32 v15, v14;
	v12 =	vmul.f32 v55, v50;
	v49 =	vmin.f32 v49, v16  }
0x26f: {  	s18 =	sadd.s32 $0x40, s18;
	v9 =	vadd.f32 v17, v13;
	v11 =	vmul.f32 v55, v45;
	v55 =	vld [tilespmem:s16+$0x5100];
	v54 =	vmin.f32 v54, v18  }
0x270: {  	_ =	sdelay $0x1  }
0x271: {  	v13 =	vld [tilespmem:s16+$0x5180];
	v10 =	vadd.f32 v12, v10;
	v12 =	vmul.f32 v3, v51;
	v14 =	vmul.f32 v4, v52  }
0x272: {  	v3 =	vmul.f32 v3, v46;
	v4 =	vmul.f32 v4, v47  }
0x273: {  	v9 =	vadd.f32 v11, v9;
	v11 =	vadd.f32 v14, v12;
	v12 =	vmul.f32 v55, v50  }
0x274: {  	v15 =	vadd.f32 v53, v48;
	v3 =	vadd.f32 v4, v3;
	v4 =	vmul.f32 v55, v45  }
0x275: {  	v14 =	vadd.f32 v53, v44;
	v11 =	vadd.f32 v12, v11  }
0x276: {  	v3 =	vadd.f32 v4, v3;
	v4 =	vadd.f32 v13, v44  }
0x277: {  	v12 =	vadd.f32 v13, v48;
	v9 =	vadd.f32 v9, v14  }
0x278: {  	v10 =	vadd.f32 v10, v15;
	v3 =	vadd.f32 v3, v4  }
0x279: {  	v11 =	vadd.f32 v11, v12;
	v9 =	vmin.f32 v54, v9  }
0x27a: {  	v4 =	vmin.f32 v49, v10;
	v3 =	vmin.f32 v9, v3  }
0x27b: {  	v4 =	vmin.f32 v4, v11;
	v9 =	vperm.xlane v3, v5  }
0x27c: {  	v10 =	vperm.xlane v4, v5  }
0x27d: {  	v3 =	vmin.f32 v3, v9  }
0x27e: {  	v4 =	vmin.f32 v4, v10;
	v9 =	vperm.xlane v3, v6  }
0x27f: {  	v10 =	vperm.xlane v4, v6  }
0x280: {  	s30 =	simm.s32 $0x0;
	v3 =	vmin.f32 v3, v9  }
0x281: {  	s17 =	sand.u32 $0x70, s30;
	s16 =	sand.u32 $0x1E00, s30;
	v4 =	vmin.f32 v4, v10;
	v9 =	vperm.xlane v3, v7  }
0x282: {  	s17 =	sor.u32 s17, s16;
	v10 =	vperm.xlane v4, v7  }
0x283: {  	v45 =	vmin.f32 v3, v9;
	v3 =	vld [tilespmem:s17+$0x5000];
	v9 =	vimm.s32 $0xA  }
0x284: {  	v44 =	vmin.f32 v4, v10;
	v4 =	vld [tilespmem:s17+$0x5080];
	v50 =	vperm.xlane v25, v9;
	v51 =	vperm.xlane v26, v9  }
0x285: {  	v49 =	vperm.xlane v27, v9;
	v48 =	vperm.xlane v24, v9;
	v9 =	vimm.s32 $0xB  }
0x286: {  	s31 =	simm.s32 $0x10;
	s18 =	simm.s32 $0x40;
	v11 =	vld [tilespmem:s17+$0x5100];
	v55 =	vperm.xlane v25, v9  }
0x287: {  	s18 =	sand.u32 $0x1E00, s18;
	s16 =	sand.u32 $0x70, s31;
	v56 =	vperm.xlane v26, v9;
	v54 =	vperm.xlane v27, v9  }
0x288: {  	s16 =	sor.u32 s16, s18;
	v57 =	vld [tilespmem:s17+$0x5180];
	v52 =	vperm.xlane v24, v9;
	v9 =	vmul.f32 v3, v55  }
0x289: {  	vm8 =	vmmov vm7;
	v10 =	vmul.f32 v4, v56;
	v13 =	vmul.f32 v3, v50;
	v3 =	vld [tilespmem:s16+$0x5000]  }
0x28a: {  	v58 =	vimm.f32 $1.000000020e+30;
	v53 =	vimm.f32 $1.000000020e+30;
	v14 =	vmul.f32 v4, v51;
	v4 =	vld [tilespmem:s16+$0x5080]  }
0x28b: {  	v47 =	vperm.xlane v45, v8;
	v12 =	vmul.f32 v11, v54;
	v10 =	vadd.f32 v10, v9  }
0x28c: {  	s18 =	simm.s32 $0x80;
	v59 =	vld [tilespmem:s16+$0x5100];
	s17 =	simm.s32 $0x20;
	v46 =	vperm.xlane v44, v8;
	v11 =	vmul.f32 v11, v49;
	v9 =	vadd.f32 v14, v13  }
.LBB2_35:
0x28d: {  	s19 =	sand.u32 $0x70, s17;
	s20 =	sand.u32 $0x1E00, s18;
	v10 =	vadd.f32 v12, v10;
	v12 =	vadd.f32 v57, v52;
	p0 =	sne.s32 s17, $0x7F0  }
.Ltmp16:
0x28e: {  	s17 =	sadd.s32 $0x10, s17;
	v13 =	vmul.f32 v3, v50;
	v9 =	vadd.f32 v11, v9;
	v11 =	vadd.f32 v57, v48;
	v57 =	vld [tilespmem:s16+$0x5180];
	s16 =	sor.u32 s19, s20;
	(pc) =	sbr.rel @p0 .LBB2_35-.Ltmp16, $4  }
0x28f: {  	v14 =	vmul.f32 v3, v55;
	v3 =	vld [tilespmem:s16+$0x5000];
	v15 =	vmul.f32 v4, v56;
	v16 =	vadd.f32 v10, v12  }
0x290: {  	v17 =	vmul.f32 v4, v51;
	v4 =	vld [tilespmem:s16+$0x5080];
	v18 =	vadd.f32 v9, v11  }
0x291: {  	v10 =	vadd.f32 v15, v14;
	v12 =	vmul.f32 v59, v54;
	v53 =	vmin.f32 v53, v16  }
0x292: {  	s18 =	sadd.s32 $0x40, s18;
	v9 =	vadd.f32 v17, v13;
	v11 =	vmul.f32 v59, v49;
	v59 =	vld [tilespmem:s16+$0x5100];
	v58 =	vmin.f32 v58, v18  }
0x293: {  	_ =	sdelay $0x1  }
0x294: {  	v13 =	vld [tilespmem:s16+$0x5180];
	v10 =	vadd.f32 v12, v10;
	v12 =	vmul.f32 v3, v55;
	v14 =	vmul.f32 v4, v56  }
0x295: {  	v3 =	vmul.f32 v3, v50;
	v4 =	vmul.f32 v4, v51  }
0x296: {  	v9 =	vadd.f32 v11, v9;
	v11 =	vadd.f32 v14, v12;
	v12 =	vmul.f32 v59, v54  }
0x297: {  	v15 =	vadd.f32 v57, v52;
	v3 =	vadd.f32 v4, v3;
	v4 =	vmul.f32 v59, v49  }
0x298: {  	v14 =	vadd.f32 v57, v48;
	v11 =	vadd.f32 v12, v11  }
0x299: {  	v3 =	vadd.f32 v4, v3;
	v4 =	vadd.f32 v13, v48  }
0x29a: {  	v12 =	vadd.f32 v13, v52;
	v9 =	vadd.f32 v9, v14  }
0x29b: {  	v10 =	vadd.f32 v10, v15;
	v3 =	vadd.f32 v3, v4  }
0x29c: {  	v11 =	vadd.f32 v11, v12;
	v9 =	vmin.f32 v58, v9  }
0x29d: {  	v4 =	vmin.f32 v53, v10;
	v3 =	vmin.f32 v9, v3  }
0x29e: {  	v4 =	vmin.f32 v4, v11;
	v9 =	vperm.xlane v3, v5  }
0x29f: {  	v10 =	vperm.xlane v4, v5  }
0x2a0: {  	v3 =	vmin.f32 v3, v9  }
0x2a1: {  	v4 =	vmin.f32 v4, v10;
	v9 =	vperm.xlane v3, v6  }
0x2a2: {  	v10 =	vperm.xlane v4, v6  }
0x2a3: {  	s30 =	simm.s32 $0x0;
	v3 =	vmin.f32 v3, v9  }
0x2a4: {  	s17 =	sand.u32 $0x70, s30;
	s16 =	sand.u32 $0x1E00, s30;
	v4 =	vmin.f32 v4, v10;
	v9 =	vperm.xlane v3, v7  }
0x2a5: {  	s17 =	sor.u32 s17, s16;
	v10 =	vperm.xlane v4, v7  }
0x2a6: {  	v49 =	vmin.f32 v3, v9;
	v3 =	vld [tilespmem:s17+$0x5000]  }
0x2a7: {  	v48 =	vmin.f32 v4, v10;
	v4 =	vld [tilespmem:s17+$0x5080]  }
0x2a8: {  	v60 =	vperm.xlane v26, v20;
	v55 =	vperm.xlane v26, v19  }
0x2a9: {  	s31 =	simm.s32 $0x10;
	s18 =	simm.s32 $0x40;
	v56 =	vperm.xlane v24, v20;
	v59 =	vperm.xlane v25, v20;
	v11 =	vld [tilespmem:s17+$0x5100]  }
0x2aa: {  	s18 =	sand.u32 $0x1E00, s18;
	s16 =	sand.u32 $0x70, s31;
	v54 =	vperm.xlane v25, v19;
	v53 =	vperm.xlane v27, v19  }
0x2ab: {  	vm7 =	vmmov vm6;
	s16 =	sor.u32 s16, s18;
	v61 =	vld [tilespmem:s17+$0x5180];
	v58 =	vperm.xlane v27, v20;
	v9 =	vmul.f32 v3, v59  }
0x2ac: {  	v62 =	vimm.f32 $1.000000020e+30;
	v10 =	vmul.f32 v4, v60;
	v13 =	vmul.f32 v3, v54;
	v3 =	vld [tilespmem:s16+$0x5000]  }
0x2ad: {  	v57 =	vimm.f32 $1.000000020e+30;
	v52 =	vperm.xlane v24, v19;
	v14 =	vmul.f32 v4, v55;
	v4 =	vld [tilespmem:s16+$0x5080]  }
0x2ae: {  	v12 =	vmul.f32 v11, v58;
	v11 =	vmul.f32 v11, v53;
	v10 =	vadd.f32 v10, v9  }
0x2af: {  	s18 =	simm.s32 $0x80;
	v63 =	vld [tilespmem:s16+$0x5100];
	s17 =	simm.s32 $0x20;
	v51 =	vperm.xlane v49, v8;
	v50 =	vperm.xlane v48, v8;
	v9 =	vadd.f32 v14, v13  }
.LBB2_37:
0x2b0: {  	s19 =	sand.u32 $0x70, s17;
	s20 =	sand.u32 $0x1E00, s18;
	v10 =	vadd.f32 v12, v10;
	v12 =	vadd.f32 v61, v56;
	p0 =	sne.s32 s17, $0x7F0  }
.Ltmp17:
0x2b1: {  	s17 =	sadd.s32 $0x10, s17;
	v13 =	vmul.f32 v3, v54;
	v9 =	vadd.f32 v11, v9;
	v11 =	vadd.f32 v61, v52;
	v61 =	vld [tilespmem:s16+$0x5180];
	s16 =	sor.u32 s19, s20;
	(pc) =	sbr.rel @p0 .LBB2_37-.Ltmp17, $4  }
0x2b2: {  	v14 =	vmul.f32 v3, v59;
	v3 =	vld [tilespmem:s16+$0x5000];
	v15 =	vmul.f32 v4, v60;
	v16 =	vadd.f32 v10, v12  }
0x2b3: {  	v17 =	vmul.f32 v4, v55;
	v4 =	vld [tilespmem:s16+$0x5080];
	v18 =	vadd.f32 v9, v11  }
0x2b4: {  	v10 =	vadd.f32 v15, v14;
	v12 =	vmul.f32 v63, v58;
	v57 =	vmin.f32 v57, v16  }
0x2b5: {  	s18 =	sadd.s32 $0x40, s18;
	v9 =	vadd.f32 v17, v13;
	v11 =	vmul.f32 v63, v53;
	v63 =	vld [tilespmem:s16+$0x5100];
	v62 =	vmin.f32 v62, v18  }
0x2b6: {  	_ = 	snop  }
0x2b7: {  	v13 =	vld [tilespmem:s16+$0x5180];
	v10 =	vadd.f32 v12, v10;
	v12 =	vmul.f32 v3, v59;
	v3 =	vmul.f32 v3, v54  }
0x2b8: {  	v14 =	vmul.f32 v4, v60;
	v4 =	vmul.f32 v4, v55;
	_ =	sdelay $0x1  }
0x2b9: {  	v9 =	vadd.f32 v11, v9;
	v3 =	vadd.f32 v4, v3;
	v4 =	vmul.f32 v63, v53  }
0x2ba: {  	v11 =	vadd.f32 v14, v12;
	v14 =	vadd.f32 v61, v52  }
0x2bb: {  	v3 =	vadd.f32 v4, v3;
	v4 =	vadd.f32 v13, v52  }
0x2bc: {  	v9 =	vadd.f32 v9, v14  }
0x2bd: {  	v3 =	vadd.f32 v3, v4  }
0x2be: {  	v9 =	vmin.f32 v62, v9  }
0x2bf: {  	v12 =	vmul.f32 v63, v58;
	v3 =	vmin.f32 v9, v3  }
0x2c0: {  	v15 =	vadd.f32 v61, v56;
	v9 =	vperm.xlane v3, v5  }
0x2c1: {  	v11 =	vadd.f32 v12, v11;
	v12 =	vadd.f32 v13, v56  }
0x2c2: {  	v10 =	vadd.f32 v10, v15;
	v3 =	vmin.f32 v3, v9  }
0x2c3: {  	v11 =	vadd.f32 v11, v12;
	v9 =	vperm.xlane v3, v6  }
0x2c4: {  	v4 =	vmin.f32 v57, v10  }
0x2c5: {  	s30 =	simm.s32 $0x0;
	v4 =	vmin.f32 v4, v11;
	v3 =	vmin.f32 v3, v9  }
0x2c6: {  	s17 =	sand.u32 $0x70, s30;
	s16 =	sand.u32 $0x1E00, s30;
	v10 =	vperm.xlane v4, v5;
	v9 =	vperm.xlane v3, v7  }
0x2c7: {  	s17 =	sor.u32 s17, s16  }
0x2c8: {  	v4 =	vmin.f32 v4, v10;
	v53 =	vmin.f32 v3, v9;
	v3 =	vld [tilespmem:s17+$0x5000]  }
0x2c9: {  	v59 =	vperm.xlane v25, v21;
	v10 =	vperm.xlane v4, v6;
	v9 =	vld [tilespmem:s17+$0x5080]  }
0x2ca: {  	v60 =	vperm.xlane v25, v22;
	v25 =	vperm.xlane v27, v22  }
0x2cb: {  	s31 =	simm.s32 $0x10;
	s18 =	simm.s32 $0x40;
	v58 =	vperm.xlane v26, v21;
	v26 =	vperm.xlane v26, v22;
	v11 =	vld [tilespmem:s17+$0x5100];
	v4 =	vmin.f32 v4, v10  }
0x2cc: {  	vm6 =	vmmov vm5;
	s18 =	sand.u32 $0x1E00, s18;
	s16 =	sand.u32 $0x70, s31;
	v56 =	vperm.xlane v24, v21;
	v10 =	vperm.xlane v4, v7  }
0x2cd: {  	s16 =	sor.u32 s16, s18;
	v61 =	vld [tilespmem:s17+$0x5180];
	v63 =	vimm.f32 $1.000000020e+30;
	v24 =	vperm.xlane v24, v22;
	v57 =	vperm.xlane v27, v21  }
0x2ce: {  	v52 =	vmin.f32 v4, v10;
	v4 =	vld [tilespmem:s16+$0x5000];
	v10 =	vmul.f32 v3, v60;
	v12 =	vmul.f32 v9, v26  }
0x2cf: {  	v27 =	vimm.f32 $1.000000020e+30;
	v13 =	vmul.f32 v3, v59;
	v9 =	vmul.f32 v9, v58;
	v3 =	vld [tilespmem:s16+$0x5080]  }
0x2d0: {  	v55 =	vperm.xlane v53, v8;
	v10 =	vadd.f32 v12, v10;
	v12 =	vmul.f32 v11, v25  }
0x2d1: {  	s18 =	simm.s32 $0x80;
	v62 =	vld [tilespmem:s16+$0x5100];
	s17 =	simm.s32 $0x20;
	v54 =	vperm.xlane v52, v8;
	v9 =	vadd.f32 v9, v13;
	v11 =	vmul.f32 v11, v57  }
.LBB2_39:
0x2d2: {  	s19 =	sand.u32 $0x70, s17;
	s20 =	sand.u32 $0x1E00, s18;
	v10 =	vadd.f32 v12, v10;
	v12 =	vadd.f32 v61, v24;
	p0 =	sne.s32 s17, $0x7F0  }
.Ltmp18:
0x2d3: {  	s17 =	sadd.s32 $0x10, s17;
	v13 =	vmul.f32 v4, v59;
	v9 =	vadd.f32 v11, v9;
	v11 =	vadd.f32 v61, v56;
	v61 =	vld [tilespmem:s16+$0x5180];
	s16 =	sor.u32 s19, s20;
	(pc) =	sbr.rel @p0 .LBB2_39-.Ltmp18, $4  }
0x2d4: {  	v14 =	vmul.f32 v4, v60;
	v4 =	vld [tilespmem:s16+$0x5000];
	v15 =	vmul.f32 v3, v26;
	v16 =	vadd.f32 v10, v12  }
0x2d5: {  	v17 =	vmul.f32 v3, v58;
	v3 =	vld [tilespmem:s16+$0x5080];
	v18 =	vadd.f32 v9, v11  }
0x2d6: {  	v10 =	vadd.f32 v15, v14;
	v12 =	vmul.f32 v62, v25;
	v27 =	vmin.f32 v27, v16  }
0x2d7: {  	s18 =	sadd.s32 $0x40, s18;
	v9 =	vadd.f32 v17, v13;
	v11 =	vmul.f32 v62, v57;
	v62 =	vld [tilespmem:s16+$0x5100];
	v63 =	vmin.f32 v63, v18  }
0x2d8: {  	v10 =	vadd.f32 v12, v10  }
0x2d9: {  	v13 =	vadd.f32 v61, v24;
	v14 =	vld [tilespmem:s16+$0x5180];
	v59 =	vmul.f32 v4, v59;
	v4 =	vmul.f32 v4, v60  }
0x2da: {  	v9 =	vadd.f32 v11, v9;
	v15 =	vmul.f32 v3, v26;
	v3 =	vmul.f32 v3, v58  }
0x2db: {  	v11 =	vadd.f32 v61, v56;
	v10 =	vadd.f32 v10, v13  }
0x2dc: {  	v4 =	vadd.f32 v15, v4;
	v26 =	vmul.f32 v62, v25;
	v3 =	vadd.f32 v3, v59;
	v59 =	vld [tilespmem:$0x1FFE0]  }
0x2dd: {  	v60 =	vmin.f32 v33, v35;
	v9 =	vadd.f32 v9, v11;
	v11 =	vmul.f32 v62, v57  }
0x2de: {  	v10 =	vmin.f32 v27, v10;
	v27 =	vadd.f32 v14, v24;
	v4 =	vadd.f32 v26, v4  }
0x2df: {  	v61 =	vmin.f32 v32, v34;
	v3 =	vadd.f32 v11, v3;
	v11 =	vadd.f32 v14, v56  }
0x2e0: {  	v58 =	vmin.f32 v29, v31;
	v57 =	vmin.f32 v28, v30;
	v4 =	vadd.f32 v4, v27  }
0x2e1: {  	v9 =	vmin.f32 v63, v9;
	v63 =	vld [tilespmem:$0x1FFF0];
	v3 =	vadd.f32 v3, v11;
	vm5 =	vnez.u8 v59  }
0x2e2: {  	v12 =	vsel vm5, v57, v58;
	vm5 =	vmmov vm6;
	v4 =	vmin.f32 v10, v4  }
0x2e3: {  	v3 =	vmin.f32 v9, v3;
	v11 =	vsel vm6, v12, v60;
	vm6 =	vmmov vm7  }
0x2e4: {  	v62 =	vperm.xlane v4, v5;
	v10 =	vsel vm7, v11, v61;
	v11 =	vmin.f32 v37, v39  }
0x2e5: {  	vm7 =	vmmov vm8;
	v9 =	vsel vm8, v10, v11;
	v10 =	vmin.f32 v36, v38  }
0x2e6: {  	v11 =	vperm.xlane v3, v5;
	vm8 =	vnez.u8 v63;
	v4 =	vmin.f32 v4, v62  }
0x2e7: {  	v9 =	vsel vm2, v9, v10;
	v10 =	vmin.f32 v41, v43;
	v12 =	vperm.xlane v4, v6  }
0x2e8: {  	v9 =	vsel vm1, v9, v10;
	v10 =	vmin.f32 v40, v42;
	v3 =	vmin.f32 v3, v11  }
0x2e9: {  	v9 =	vsel vm8, v9, v10;
	v10 =	vmin.f32 v45, v47;
	v11 =	vperm.xlane v3, v6  }
0x2ea: {  	v4 =	vmin.f32 v4, v12;
	v9 =	vsel vm9, v9, v10  }
0x2eb: {  	v10 =	vmin.f32 v44, v46;
	v12 =	vperm.xlane v4, v7;
	v3 =	vmin.f32 v3, v11  }
0x2ec: {  	v9 =	vsel vm10, v9, v10;
	v10 =	vmin.f32 v49, v51;
	v11 =	vperm.xlane v3, v7  }
0x2ed: {  	v9 =	vsel vm11, v9, v10  }
0x2ee: {  	v10 =	vmin.f32 v48, v50;
	v4 =	vmin.f32 v4, v12;
	v3 =	vmin.f32 v3, v11  }
0x2ef: {  	v9 =	vsel vm12, v9, v10;
	v10 =	vmin.f32 v53, v55;
	v11 =	vperm.xlane v3, v8  }
0x2f0: {  	v12 =	vperm.xlane v4, v8;
	v9 =	vsel vm13, v9, v10;
	v10 =	vmin.f32 v52, v54  }
0x2f1: {  	v9 =	vsel vm14, v9, v10;
	v3 =	vmin.f32 v3, v11  }
0x2f2: {  	v4 =	vmin.f32 v4, v12;
	v3 =	vsel vm15, v9, v3  }
0x2f3: {  	v3 =	vsel vm4, v3, v4  }
0x2f4: {  	v3 =	vmax.f32 v3, $9.999999960e-13  }
0x2f5: {  	v4 =	vmul.f32 $5.000000000e-01, v3;
	v9 =	vshrl.u32 v3, $0x1  }
0x2f6: {  	v9 =	vsub.s32 $0x5F3759DF, v9  }
0x2f7: {  	v10 =	vmul.f32 v9, v4;
	_ =	sdelay $0x1  }
0x2f8: {  	v10 =	vmul.f32 v9, v10;
	_ =	sdelay $0x1  }
0x2f9: {  	v10 =	vsub.f32 $1.500000000e+00, v10;
	_ =	sdelay $0x1  }
0x2fa: {  	v9 =	vmul.f32 v9, v10;
	_ =	sdelay $0x1  }
0x2fb: {  	v10 =	vmul.f32 v9, v4;
	_ =	sdelay $0x1  }
0x2fc: {  	v10 =	vmul.f32 v10, v9;
	_ =	sdelay $0x1  }
0x2fd: {  	v10 =	vsub.f32 $1.500000000e+00, v10;
	_ =	sdelay $0x1  }
0x2fe: {  	v9 =	vmul.f32 v10, v9;
	_ =	sdelay $0x1  }
0x2ff: {  	v4 =	vmul.f32 v9, v4;
	_ =	sdelay $0x1  }
0x300: {  	v4 =	vmul.f32 v4, v9;
	_ =	sdelay $0x1  }
0x301: {  	s14 =	sadd.s32 $0x1, s14;
	v4 =	vsub.f32 $1.500000000e+00, v4  }
0x302: {  	p0 =	sne.s32 s14, $0x4  }
.Ltmp19:
0x303: {  	v4 =	vmul.f32 v4, v9;
	(pc) =	sbr.rel @p0 .LBB2_24-.Ltmp19, $3  }
0x304: {  	_ = 	snop  }
0x305: {  	v3 =	vmul.f32 v4, v3;
	_ =	sdelay $0x1  }
0x306: {  	v23 =	vadd.f32 v3, v23  }
0x307: {  	_ = 	snop  }
0x308: {  	s13 =	sadd.s32 $0x1, s13;
	v3 =	vmul.f32 $4.882812500e-04, v23  }
0x309: {  	p0 =	sne.s32 s13, s7  }
.Ltmp20:
0x30a: {  	[tilespmem:$0x7000] =	vst v3;
	(pc) =	sbr.rel @p0 .LBB2_1-.Ltmp20, $4  }
0x30b: {  	[hbm4b:s6+s3] =	stream.linear.scatter [tilespmem:s12], [sflag:$0x1], $0x80, $0x38;
	[tilespmem:$0x7080] =	vst v63  }
0x30c: {  	_ =	swait.ge [sflag:s10], $0x80  }
0x30d: {  	[sflag:s10] =	ssyncset.done $0x0  }
0x30e: {  	[sflag:s10] =	ssyncadd.s32 $0xFFFFFF80  }
0x30f: {  	_ =	sfence.sel $0x180000  }
0x310: {  	[bflag:$0x0] =	sbarrier.arrive $0xFFFF  }
0x311: {  	p0 =	sne.s32 s2, $0x0;
	_ =	strace $0x90000047  }
0x312: {  	s0 =	sadd.s32 @!p0 $0x100000, s0;
	[bflag:$0x2] =	sbarrier.arrive $0xFFFF  }
0x313: {  	[sflag:s0] =	ssyncadd.tile.s32 @!p0 $0x1;
	_ =	shalt  }
.Lfunc_end2:
_tile_overlayer_lowered:
.L_overlay_start_2:
0x314: {  	(tag) =	ssettag $0x2  }
0x315: {  	s0 =	rddreg [dreg:$0x0];
	s2 =	stileid.u32  }
0x316: {  	s1 =	rddreg [dreg:$0x1];
	p0 =	sne.s32 s2, $0x0  }
0x317: {  	s3 =	rddreg [dreg:$0x2];
	[bflag:$0x3] =	sbarrier.arrive $0xFFFF;
	s2 =	simm.s32 @!p0 $0x1C01  }
0x318: {  	[timem:s3], [sflag:s2] =	dma.local @!p0 [hbm:s0], s1  }
0x319: {  	s0 =	simm.s32 @!p0 $0x1  }
0x31a: {  	_ =	swait.ge @!p0 [sflag:s0], s1  }
0x31b: {  	s1 =	ssub.s32 @!p0 $0x0, s1;
	[sflag:s0] =	ssyncset.done @!p0 $0x0  }
0x31c: {  	[sflag:s0] =	ssyncadd.s32 @!p0 s1  }
0x31d: {  	[bflag:$0x3] =	sbarrier.arrive $0xFFFF  }
0x31e: {  	_ =	shalt  }

</sc_bundles>
